<compile_context>
chip_gen: v7x
topology: tpu7x:2x2x1
jax: 0.10.2.dev20260603
libtpu: 0.0.44.dev20260713+nightly
codegen_flags: <defaults>
</compile_context>

<pallas_src>
import jax
import jax.numpy as jnp
import numpy as np
from jax import lax
from jax.experimental import pallas as pl
from jax.experimental.pallas import tpu as pltpu
from jax.experimental.pallas import tpu_sc as plsc

CALIBRATION_WEIGHT = 1.0

_N = 8388608
_NUM_BINS = 10
_BINS_PAD = 16
_NC, _NS, _L = 2, 16, 16
_NW = _NC * _NS
_PER_W = _N // _NW
_CHUNK = 16384
_VECS = _CHUNK // _L
_NCHUNKS = _PER_W // _CHUNK
_UNROLL = 8
_NBUF = 3

_KA = float(np.float32(10.0 * (1 - 2.0**-23)))
_BAD = float(np.uint32(0x3F666667).view(np.float32))


def _sc_partials_kernel(conf_hbm, acc_hbm, sumc_out, pack_out,
                        cbuf0, cbuf1, cbuf2, abuf0, abuf1, abuf2,
                        sumc_ref, pack_ref, sem0, sem1, sem2):
    cbufs = [cbuf0, cbuf1, cbuf2]
    abufs = [abuf0, abuf1, abuf2]
    wid = lax.axis_index("s") * _NC + lax.axis_index("c")
    base = pl.multiple_of(wid * _PER_W, 8)

    for b in range(_BINS_PAD):
        sumc_ref[b, :] = jnp.zeros((_L,), jnp.float32)
        pack_ref[b, :] = jnp.zeros((_L,), jnp.int32)

    lanes = lax.iota(jnp.int32, _L)
    sems = [sem0, sem1, sem2]

    def start(g):
        off = base + g * _CHUNK
        s = sems[g % _NBUF]
        pltpu.make_async_copy(conf_hbm.at[pl.ds(off, _CHUNK)], cbufs[g % _NBUF], s).start()
        pltpu.make_async_copy(acc_hbm.at[pl.ds(off, _CHUNK)], abufs[g % _NBUF], s).start()

    def wait(g):
        off = base + g * _CHUNK
        s = sems[g % _NBUF]
        pltpu.make_async_copy(conf_hbm.at[pl.ds(off, _CHUNK)], cbufs[g % _NBUF], s).wait()
        pltpu.make_async_copy(acc_hbm.at[pl.ds(off, _CHUNK)], abufs[g % _NBUF], s).wait()

    for g in range(_NBUF - 1):
        start(g)
    for g in range(_NCHUNKS):
        if g + _NBUF - 1 < _NCHUNKS:
            start(g + _NBUF - 1)
        wait(g)
        cb = cbufs[g % _NBUF]
        ab = abufs[g % _NBUF]

        @plsc.parallel_loop(0, _VECS, 1, unroll=_UNROLL)
        def body(i):
            o = i * _L
            c = cb[pl.ds(o, _L)]
            a = ab[pl.ds(o, _L)]
            ti = (c * _KA).astype(jnp.int32)
            idx = ti + jnp.where(c == _BAD, 1, 0)
            valid = c > 0.0
            x = a + 65536
            plsc.addupdate_scatter(sumc_ref, [idx, lanes], c, mask=valid)
            plsc.addupdate_scatter(pack_ref, [idx, lanes], x, mask=valid)

    pltpu.sync_copy(sumc_ref, sumc_out.at[wid])
    pltpu.sync_copy(pack_ref, pack_out.at[wid])


_sc_partials = pl.kernel(
    _sc_partials_kernel,
    out_type=(
        jax.ShapeDtypeStruct((_NW, _BINS_PAD, _L), jnp.float32),
        jax.ShapeDtypeStruct((_NW, _BINS_PAD, _L), jnp.int32),
    ),
    mesh=plsc.VectorSubcoreMesh(core_axis_name="c", subcore_axis_name="s"),
    scratch_types=[
        pltpu.VMEM((_CHUNK,), jnp.float32),
        pltpu.VMEM((_CHUNK,), jnp.float32),
        pltpu.VMEM((_CHUNK,), jnp.float32),
        pltpu.VMEM((_CHUNK,), jnp.int32),
        pltpu.VMEM((_CHUNK,), jnp.int32),
        pltpu.VMEM((_CHUNK,), jnp.int32),
        pltpu.VMEM((_BINS_PAD, _L), jnp.float32),
        pltpu.VMEM((_BINS_PAD, _L), jnp.int32),
        pltpu.SemaphoreType.DMA,
        pltpu.SemaphoreType.DMA,
        pltpu.SemaphoreType.DMA,
    ],
    compiler_params=pltpu.CompilerParams(needs_layout_passes=False),
)


def _finish_body(pf_ref, pi_ref, o_ref):
    pf = pf_ref[...]
    pi = pi_ref[...]
    sumc = jnp.sum(pf, axis=(0, 2))
    cnt = jnp.sum(pi >> 16, axis=(0, 2)).astype(jnp.float32)
    suma = jnp.sum(pi & 65535, axis=(0, 2)).astype(jnp.float32)
    safe = jnp.maximum(cnt, 1.0)
    err = jnp.where(cnt > 0.0, (sumc / safe - suma / safe) ** 2, 0.0)
    o_ref[...] = jnp.reshape(jnp.sum(err), (1, 1))


_finish = pl.pallas_call(
    _finish_body,
    out_shape=jax.ShapeDtypeStruct((1, 1), jnp.float32),
)


def kernel(predicted_confidence, actual_accuracy, num_bins):
    sumc, packed = _sc_partials(predicted_confidence, actual_accuracy)
    total = _finish(sumc, packed)[0, 0]
    return CALIBRATION_WEIGHT * (total / num_bins)

# --- scband reference (transcript-rebuilt; emitter-appended) ---
"""Pipeline reference for scband-confidence-calibration-loss-34565896798495 (READ-ONLY COPY).

The authoritative reference and input builder live on the scoring server;
editing this copy changes nothing except your own understanding.
"""

import jax, jax.numpy as jnp
import numpy as np

CALIBRATION_WEIGHT = 1.0

def setup_inputs(seed: int = 0) -> dict:
    key = jax.random.key(seed)
    k1, k2 = jax.random.split(key)
    N = 8388608
    predicted_confidence = jax.random.uniform(k1, (N,), dtype=jnp.float32)
    actual_accuracy = jax.random.randint(k2, (N,), 0, 2, dtype=jnp.int32)
    return {
        "predicted_confidence": predicted_confidence,
        "actual_accuracy": actual_accuracy,
        "num_bins": 10,
    }

def reference(predicted_confidence, actual_accuracy, num_bins=10):
    static_num_bins = 10
    bin_boundaries = jnp.linspace(0.0, 1.0, static_num_bins + 1)
    acc_f = actual_accuracy.astype(jnp.float32)
    calibration_error = jnp.asarray(0.0, dtype=jnp.float32)
    for i in range(static_num_bins):
        bin_lower = bin_boundaries[i]
        bin_upper = bin_boundaries[i + 1]
        in_bin = (predicted_confidence > bin_lower) & (predicted_confidence <= bin_upper)
        mask = in_bin.astype(jnp.float32)
        count = jnp.sum(mask)
        safe_count = jnp.maximum(count, 1.0)
        bin_confidence = jnp.sum(predicted_confidence * mask) / safe_count
        bin_accuracy = jnp.sum(acc_f * mask) / safe_count
        bin_error = (bin_confidence - bin_accuracy) ** 2
        calibration_error = calibration_error + jnp.where(count > 0, bin_error, 0.0)
    calibration_error = calibration_error / num_bins
    return CALIBRATION_WEIGHT * calibration_error

if __name__ == "__main__":
    import jax
    _d = setup_inputs()
    print(jax.jit(kernel)(*tuple(_d.values())))

</pallas_src>

<mosaic_0001>
#map = affine_map<(d0, d1) -> (0)>
#map1 = affine_map<(d0, d1) -> (0, 0, 0)>
module attributes {stable_mosaic.version = 14 : i64} {
  func.func @_sc_partials_kernel(%arg0: i32, %arg1: i32, %arg2: memref<8388608xf32, #tpu.memory_space<hbm>>, %arg3: memref<8388608xi32, #tpu.memory_space<hbm>>, %arg4: memref<32x16x16xf32, #tpu.memory_space<hbm>>, %arg5: memref<32x16x16xi32, #tpu.memory_space<hbm>>, %arg6: memref<16384xf32, #tpu.memory_space<vmem>>, %arg7: memref<16384xf32, #tpu.memory_space<vmem>>, %arg8: memref<16384xf32, #tpu.memory_space<vmem>>, %arg9: memref<16384xi32, #tpu.memory_space<vmem>>, %arg10: memref<16384xi32, #tpu.memory_space<vmem>>, %arg11: memref<16384xi32, #tpu.memory_space<vmem>>, %arg12: memref<16x16xf32, #tpu.memory_space<vmem>>, %arg13: memref<16x16xi32, #tpu.memory_space<vmem>>, %arg14: memref<!tpu.dma_semaphore, #tpu.memory_space<semaphore_mem>>, %arg15: memref<!tpu.dma_semaphore, #tpu.memory_space<semaphore_mem>>, %arg16: memref<!tpu.dma_semaphore, #tpu.memory_space<semaphore_mem>>) attributes {dimension_semantics = [#tpu.dimension_semantics<core_parallel>, #tpu.dimension_semantics<subcore_parallel>], iteration_bounds = array<i64: 2, 16>, scalar_prefetch = 0 : i64, scratch_operands = 11 : i64, tpu.core_type = #tpu.core_type<sc_vector_subcore>, window_params = [{transform_indices = #map}, {transform_indices = #map}, {transform_indices = #map1}, {transform_indices = #map1}]} {
    %mul3A = arith.constant 2 : i32
    %mul3A_0 = arith.muli %arg1, %mul3A : i32
    %add3A = arith.addi %mul3A_0, %arg0 : i32
    %mul3A_1 = arith.constant 262144 : i32
    %mul3A_2 = arith.muli %add3A, %mul3A_1 : i32
    %multiple_of3A = tpu.assume_multiple %mul3A_2, 8 : i32
    %broadcast_in_dim3A = arith.constant 0.000000e+00 : f32
    %broadcast_in_dim3A_3 = vector.broadcast %broadcast_in_dim3A : f32 to vector<16xf32>
    %swap3A = arith.constant 0 : i32
    %swap3A_4 = arith.index_cast %swap3A : i32 to index
    %swap3A_5 = arith.constant 0 : index
    %swap3A_6 = tpu.vector_load %arg12[%swap3A_4, %swap3A_5] {strides = array<i32>} : memref<16x16xf32, #tpu.memory_space<vmem>>, vector<16xf32>,
    tpu.vector_store %arg12[%swap3A_4, %swap3A_5], %broadcast_in_dim3A_3 {strides = array<i32>} : memref<16x16xf32, #tpu.memory_space<vmem>>, vector<16xf32>,
    %broadcast_in_dim3A_7 = arith.constant 0 : i32
    %broadcast_in_dim3A_8 = vector.broadcast %broadcast_in_dim3A_7 : i32 to vector<16xi32>
    %swap3A_9 = arith.constant 0 : i32
    %swap3A_10 = arith.index_cast %swap3A_9 : i32 to index
    %swap3A_11 = arith.constant 0 : index
    %swap3A_12 = tpu.vector_load %arg13[%swap3A_10, %swap3A_11] {strides = array<i32>} : memref<16x16xi32, #tpu.memory_space<vmem>>, vector<16xi32>,
    tpu.vector_store %arg13[%swap3A_10, %swap3A_11], %broadcast_in_dim3A_8 {strides = array<i32>} : memref<16x16xi32, #tpu.memory_space<vmem>>, vector<16xi32>,
    %broadcast_in_dim3A_13 = arith.constant 0.000000e+00 : f32
    %broadcast_in_dim3A_14 = vector.broadcast %broadcast_in_dim3A_13 : f32 to vector<16xf32>
    %swap3A_15 = arith.constant 1 : i32
    %swap3A_16 = arith.index_cast %swap3A_15 : i32 to index
    %swap3A_17 = arith.constant 0 : index
    %swap3A_18 = tpu.vector_load %arg12[%swap3A_16, %swap3A_17] {strides = array<i32>} : memref<16x16xf32, #tpu.memory_space<vmem>>, vector<16xf32>,
    tpu.vector_store %arg12[%swap3A_16, %swap3A_17], %broadcast_in_dim3A_14 {strides = array<i32>} : memref<16x16xf32, #tpu.memory_space<vmem>>, vector<16xf32>,
    %broadcast_in_dim3A_19 = arith.constant 0 : i32
    %broadcast_in_dim3A_20 = vector.broadcast %broadcast_in_dim3A_19 : i32 to vector<16xi32>
    %swap3A_21 = arith.constant 1 : i32
    %swap3A_22 = arith.index_cast %swap3A_21 : i32 to index
    %swap3A_23 = arith.constant 0 : index
    %swap3A_24 = tpu.vector_load %arg13[%swap3A_22, %swap3A_23] {strides = array<i32>} : memref<16x16xi32, #tpu.memory_space<vmem>>, vector<16xi32>,
    tpu.vector_store %arg13[%swap3A_22, %swap3A_23], %broadcast_in_dim3A_20 {strides = array<i32>} : memref<16x16xi32, #tpu.memory_space<vmem>>, vector<16xi32>,
    %broadcast_in_dim3A_25 = arith.constant 0.000000e+00 : f32
    %broadcast_in_dim3A_26 = vector.broadcast %broadcast_in_dim3A_25 : f32 to vector<16xf32>
    %swap3A_27 = arith.constant 2 : i32
    %swap3A_28 = arith.index_cast %swap3A_27 : i32 to index
    %swap3A_29 = arith.constant 0 : index
    %swap3A_30 = tpu.vector_load %arg12[%swap3A_28, %swap3A_29] {strides = array<i32>} : memref<16x16xf32, #tpu.memory_space<vmem>>, vector<16xf32>,
    tpu.vector_store %arg12[%swap3A_28, %swap3A_29], %broadcast_in_dim3A_26 {strides = array<i32>} : memref<16x16xf32, #tpu.memory_space<vmem>>, vector<16xf32>,
    %broadcast_in_dim3A_31 = arith.constant 0 : i32
    %broadcast_in_dim3A_32 = vector.broadcast %broadcast_in_dim3A_31 : i32 to vector<16xi32>
    %swap3A_33 = arith.constant 2 : i32
    %swap3A_34 = arith.index_cast %swap3A_33 : i32 to index
    %swap3A_35 = arith.constant 0 : index
    %swap3A_36 = tpu.vector_load %arg13[%swap3A_34, %swap3A_35] {strides = array<i32>} : memref<16x16xi32, #tpu.memory_space<vmem>>, vector<16xi32>,
    tpu.vector_store %arg13[%swap3A_34, %swap3A_35], %broadcast_in_dim3A_32 {strides = array<i32>} : memref<16x16xi32, #tpu.memory_space<vmem>>, vector<16xi32>,
    %broadcast_in_dim3A_37 = arith.constant 0.000000e+00 : f32
    %broadcast_in_dim3A_38 = vector.broadcast %broadcast_in_dim3A_37 : f32 to vector<16xf32>
    %swap3A_39 = arith.constant 3 : i32
    %swap3A_40 = arith.index_cast %swap3A_39 : i32 to index
    %swap3A_41 = arith.constant 0 : index
    %swap3A_42 = tpu.vector_load %arg12[%swap3A_40, %swap3A_41] {strides = array<i32>} : memref<16x16xf32, #tpu.memory_space<vmem>>, vector<16xf32>,
    tpu.vector_store %arg12[%swap3A_40, %swap3A_41], %broadcast_in_dim3A_38 {strides = array<i32>} : memref<16x16xf32, #tpu.memory_space<vmem>>, vector<16xf32>,
    %broadcast_in_dim3A_43 = arith.constant 0 : i32
    %broadcast_in_dim3A_44 = vector.broadcast %broadcast_in_dim3A_43 : i32 to vector<16xi32>
    %swap3A_45 = arith.constant 3 : i32
    %swap3A_46 = arith.index_cast %swap3A_45 : i32 to index
    %swap3A_47 = arith.constant 0 : index
    %swap3A_48 = tpu.vector_load %arg13[%swap3A_46, %swap3A_47] {strides = array<i32>} : memref<16x16xi32, #tpu.memory_space<vmem>>, vector<16xi32>,
    tpu.vector_store %arg13[%swap3A_46, %swap3A_47], %broadcast_in_dim3A_44 {strides = array<i32>} : memref<16x16xi32, #tpu.memory_space<vmem>>, vector<16xi32>,
    %broadcast_in_dim3A_49 = arith.constant 0.000000e+00 : f32
    %broadcast_in_dim3A_50 = vector.broadcast %broadcast_in_dim3A_49 : f32 to vector<16xf32>
    %swap3A_51 = arith.constant 4 : i32
    %swap3A_52 = arith.index_cast %swap3A_51 : i32 to index
    %swap3A_53 = arith.constant 0 : index
    %swap3A_54 = tpu.vector_load %arg12[%swap3A_52, %swap3A_53] {strides = array<i32>} : memref<16x16xf32, #tpu.memory_space<vmem>>, vector<16xf32>,
    tpu.vector_store %arg12[%swap3A_52, %swap3A_53], %broadcast_in_dim3A_50 {strides = array<i32>} : memref<16x16xf32, #tpu.memory_space<vmem>>, vector<16xf32>,
    %broadcast_in_dim3A_55 = arith.constant 0 : i32
    %broadcast_in_dim3A_56 = vector.broadcast %broadcast_in_dim3A_55 : i32 to vector<16xi32>
    %swap3A_57 = arith.constant 4 : i32
    %swap3A_58 = arith.index_cast %swap3A_57 : i32 to index
    %swap3A_59 = arith.constant 0 : index
    %swap3A_60 = tpu.vector_load %arg13[%swap3A_58, %swap3A_59] {strides = array<i32>} : memref<16x16xi32, #tpu.memory_space<vmem>>, vector<16xi32>,
    tpu.vector_store %arg13[%swap3A_58, %swap3A_59], %broadcast_in_dim3A_56 {strides = array<i32>} : memref<16x16xi32, #tpu.memory_space<vmem>>, vector<16xi32>,
    %broadcast_in_dim3A_61 = arith.constant 0.000000e+00 : f32
    %broadcast_in_dim3A_62 = vector.broadcast %broadcast_in_dim3A_61 : f32 to vector<16xf32>
    %swap3A_63 = arith.constant 5 : i32
    %swap3A_64 = arith.index_cast %swap3A_63 : i32 to index
    %swap3A_65 = arith.constant 0 : index
    %swap3A_66 = tpu.vector_load %arg12[%swap3A_64, %swap3A_65] {strides = array<i32>} : memref<16x16xf32, #tpu.memory_space<vmem>>, vector<16xf32>,
    tpu.vector_store %arg12[%swap3A_64, %swap3A_65], %broadcast_in_dim3A_62 {strides = array<i32>} : memref<16x16xf32, #tpu.memory_space<vmem>>, vector<16xf32>,
    %broadcast_in_dim3A_67 = arith.constant 0 : i32
    %broadcast_in_dim3A_68 = vector.broadcast %broadcast_in_dim3A_67 : i32 to vector<16xi32>
    %swap3A_69 = arith.constant 5 : i32
    %swap3A_70 = arith.index_cast %swap3A_69 : i32 to index
    %swap3A_71 = arith.constant 0 : index
    %swap3A_72 = tpu.vector_load %arg13[%swap3A_70, %swap3A_71] {strides = array<i32>} : memref<16x16xi32, #tpu.memory_space<vmem>>, vector<16xi32>,
    tpu.vector_store %arg13[%swap3A_70, %swap3A_71], %broadcast_in_dim3A_68 {strides = array<i32>} : memref<16x16xi32, #tpu.memory_space<vmem>>, vector<16xi32>,
    %broadcast_in_dim3A_73 = arith.constant 0.000000e+00 : f32
    %broadcast_in_dim3A_74 = vector.broadcast %broadcast_in_dim3A_73 : f32 to vector<16xf32>
    %swap3A_75 = arith.constant 6 : i32
    %swap3A_76 = arith.index_cast %swap3A_75 : i32 to index
    %swap3A_77 = arith.constant 0 : index
    %swap3A_78 = tpu.vector_load %arg12[%swap3A_76, %swap3A_77] {strides = array<i32>} : memref<16x16xf32, #tpu.memory_space<vmem>>, vector<16xf32>,
    tpu.vector_store %arg12[%swap3A_76, %swap3A_77], %broadcast_in_dim3A_74 {strides = array<i32>} : memref<16x16xf32, #tpu.memory_space<vmem>>, vector<16xf32>,
    %broadcast_in_dim3A_79 = arith.constant 0 : i32
    %broadcast_in_dim3A_80 = vector.broadcast %broadcast_in_dim3A_79 : i32 to vector<16xi32>
    %swap3A_81 = arith.constant 6 : i32
    %swap3A_82 = arith.index_cast %swap3A_81 : i32 to index
    %swap3A_83 = arith.constant 0 : index
    %swap3A_84 = tpu.vector_load %arg13[%swap3A_82, %swap3A_83] {strides = array<i32>} : memref<16x16xi32, #tpu.memory_space<vmem>>, vector<16xi32>,
    tpu.vector_store %arg13[%swap3A_82, %swap3A_83], %broadcast_in_dim3A_80 {strides = array<i32>} : memref<16x16xi32, #tpu.memory_space<vmem>>, vector<16xi32>,
    %broadcast_in_dim3A_85 = arith.constant 0.000000e+00 : f32
    %broadcast_in_dim3A_86 = vector.broadcast %broadcast_in_dim3A_85 : f32 to vector<16xf32>
    %swap3A_87 = arith.constant 7 : i32
    %swap3A_88 = arith.index_cast %swap3A_87 : i32 to index
    %swap3A_89 = arith.constant 0 : index
    %swap3A_90 = tpu.vector_load %arg12[%swap3A_88, %swap3A_89] {strides = array<i32>} : memref<16x16xf32, #tpu.memory_space<vmem>>, vector<16xf32>,
    tpu.vector_store %arg12[%swap3A_88, %swap3A_89], %broadcast_in_dim3A_86 {strides = array<i32>} : memref<16x16xf32, #tpu.memory_space<vmem>>, vector<16xf32>,
    %broadcast_in_dim3A_91 = arith.constant 0 : i32
    %broadcast_in_dim3A_92 = vector.broadcast %broadcast_in_dim3A_91 : i32 to vector<16xi32>
    %swap3A_93 = arith.constant 7 : i32
    %swap3A_94 = arith.index_cast %swap3A_93 : i32 to index
    %swap3A_95 = arith.constant 0 : index
    %swap3A_96 = tpu.vector_load %arg13[%swap3A_94, %swap3A_95] {strides = array<i32>} : memref<16x16xi32, #tpu.memory_space<vmem>>, vector<16xi32>,
    tpu.vector_store %arg13[%swap3A_94, %swap3A_95], %broadcast_in_dim3A_92 {strides = array<i32>} : memref<16x16xi32, #tpu.memory_space<vmem>>, vector<16xi32>,
    %broadcast_in_dim3A_97 = arith.constant 0.000000e+00 : f32
    %broadcast_in_dim3A_98 = vector.broadcast %broadcast_in_dim3A_97 : f32 to vector<16xf32>
    %swap3A_99 = arith.constant 8 : i32
    %swap3A_100 = arith.index_cast %swap3A_99 : i32 to index
    %swap3A_101 = arith.constant 0 : index
    %swap3A_102 = tpu.vector_load %arg12[%swap3A_100, %swap3A_101] {strides = array<i32>} : memref<16x16xf32, #tpu.memory_space<vmem>>, vector<16xf32>,
    tpu.vector_store %arg12[%swap3A_100, %swap3A_101], %broadcast_in_dim3A_98 {strides = array<i32>} : memref<16x16xf32, #tpu.memory_space<vmem>>, vector<16xf32>,
    %broadcast_in_dim3A_103 = arith.constant 0 : i32
    %broadcast_in_dim3A_104 = vector.broadcast %broadcast_in_dim3A_103 : i32 to vector<16xi32>
    %swap3A_105 = arith.constant 8 : i32
    %swap3A_106 = arith.index_cast %swap3A_105 : i32 to index
    %swap3A_107 = arith.constant 0 : index
    %swap3A_108 = tpu.vector_load %arg13[%swap3A_106, %swap3A_107] {strides = array<i32>} : memref<16x16xi32, #tpu.memory_space<vmem>>, vector<16xi32>,
    tpu.vector_store %arg13[%swap3A_106, %swap3A_107], %broadcast_in_dim3A_104 {strides = array<i32>} : memref<16x16xi32, #tpu.memory_space<vmem>>, vector<16xi32>,
    %broadcast_in_dim3A_109 = arith.constant 0.000000e+00 : f32
    %broadcast_in_dim3A_110 = vector.broadcast %broadcast_in_dim3A_109 : f32 to vector<16xf32>
    %swap3A_111 = arith.constant 9 : i32
    %swap3A_112 = arith.index_cast %swap3A_111 : i32 to index
    %swap3A_113 = arith.constant 0 : index
    %swap3A_114 = tpu.vector_load %arg12[%swap3A_112, %swap3A_113] {strides = array<i32>} : memref<16x16xf32, #tpu.memory_space<vmem>>, vector<16xf32>,
    tpu.vector_store %arg12[%swap3A_112, %swap3A_113], %broadcast_in_dim3A_110 {strides = array<i32>} : memref<16x16xf32, #tpu.memory_space<vmem>>, vector<16xf32>,
    %broadcast_in_dim3A_115 = arith.constant 0 : i32
    %broadcast_in_dim3A_116 = vector.broadcast %broadcast_in_dim3A_115 : i32 to vector<16xi32>
    %swap3A_117 = arith.constant 9 : i32
    %swap3A_118 = arith.index_cast %swap3A_117 : i32 to index
    %swap3A_119 = arith.constant 0 : index
    %swap3A_120 = tpu.vector_load %arg13[%swap3A_118, %swap3A_119] {strides = array<i32>} : memref<16x16xi32, #tpu.memory_space<vmem>>, vector<16xi32>,
    tpu.vector_store %arg13[%swap3A_118, %swap3A_119], %broadcast_in_dim3A_116 {strides = array<i32>} : memref<16x16xi32, #tpu.memory_space<vmem>>, vector<16xi32>,
    %broadcast_in_dim3A_121 = arith.constant 0.000000e+00 : f32
    %broadcast_in_dim3A_122 = vector.broadcast %broadcast_in_dim3A_121 : f32 to vector<16xf32>
    %swap3A_123 = arith.constant 10 : i32
    %swap3A_124 = arith.index_cast %swap3A_123 : i32 to index
    %swap3A_125 = arith.constant 0 : index
    %swap3A_126 = tpu.vector_load %arg12[%swap3A_124, %swap3A_125] {strides = array<i32>} : memref<16x16xf32, #tpu.memory_space<vmem>>, vector<16xf32>,
    tpu.vector_store %arg12[%swap3A_124, %swap3A_125], %broadcast_in_dim3A_122 {strides = array<i32>} : memref<16x16xf32, #tpu.memory_space<vmem>>, vector<16xf32>,
    %broadcast_in_dim3A_127 = arith.constant 0 : i32
    %broadcast_in_dim3A_128 = vector.broadcast %broadcast_in_dim3A_127 : i32 to vector<16xi32>
    %swap3A_129 = arith.constant 10 : i32
    %swap3A_130 = arith.index_cast %swap3A_129 : i32 to index
    %swap3A_131 = arith.constant 0 : index
    %swap3A_132 = tpu.vector_load %arg13[%swap3A_130, %swap3A_131] {strides = array<i32>} : memref<16x16xi32, #tpu.memory_space<vmem>>, vector<16xi32>,
    tpu.vector_store %arg13[%swap3A_130, %swap3A_131], %broadcast_in_dim3A_128 {strides = array<i32>} : memref<16x16xi32, #tpu.memory_space<vmem>>, vector<16xi32>,
    %broadcast_in_dim3A_133 = arith.constant 0.000000e+00 : f32
    %broadcast_in_dim3A_134 = vector.broadcast %broadcast_in_dim3A_133 : f32 to vector<16xf32>
    %swap3A_135 = arith.constant 11 : i32
    %swap3A_136 = arith.index_cast %swap3A_135 : i32 to index
    %swap3A_137 = arith.constant 0 : index
    %swap3A_138 = tpu.vector_load %arg12[%swap3A_136, %swap3A_137] {strides = array<i32>} : memref<16x16xf32, #tpu.memory_space<vmem>>, vector<16xf32>,
    tpu.vector_store %arg12[%swap3A_136, %swap3A_137], %broadcast_in_dim3A_134 {strides = array<i32>} : memref<16x16xf32, #tpu.memory_space<vmem>>, vector<16xf32>,
    %broadcast_in_dim3A_139 = arith.constant 0 : i32
    %broadcast_in_dim3A_140 = vector.broadcast %broadcast_in_dim3A_139 : i32 to vector<16xi32>
    %swap3A_141 = arith.constant 11 : i32
    %swap3A_142 = arith.index_cast %swap3A_141 : i32 to index
    %swap3A_143 = arith.constant 0 : index
    %swap3A_144 = tpu.vector_load %arg13[%swap3A_142, %swap3A_143] {strides = array<i32>} : memref<16x16xi32, #tpu.memory_space<vmem>>, vector<16xi32>,
    tpu.vector_store %arg13[%swap3A_142, %swap3A_143], %broadcast_in_dim3A_140 {strides = array<i32>} : memref<16x16xi32, #tpu.memory_space<vmem>>, vector<16xi32>,
    %broadcast_in_dim3A_145 = arith.constant 0.000000e+00 : f32
    %broadcast_in_dim3A_146 = vector.broadcast %broadcast_in_dim3A_145 : f32 to vector<16xf32>
    %swap3A_147 = arith.constant 12 : i32
    %swap3A_148 = arith.index_cast %swap3A_147 : i32 to index
    %swap3A_149 = arith.constant 0 : index
    %swap3A_150 = tpu.vector_load %arg12[%swap3A_148, %swap3A_149] {strides = array<i32>} : memref<16x16xf32, #tpu.memory_space<vmem>>, vector<16xf32>,
    tpu.vector_store %arg12[%swap3A_148, %swap3A_149], %broadcast_in_dim3A_146 {strides = array<i32>} : memref<16x16xf32, #tpu.memory_space<vmem>>, vector<16xf32>,
    %broadcast_in_dim3A_151 = arith.constant 0 : i32
    %broadcast_in_dim3A_152 = vector.broadcast %broadcast_in_dim3A_151 : i32 to vector<16xi32>
    %swap3A_153 = arith.constant 12 : i32
    %swap3A_154 = arith.index_cast %swap3A_153 : i32 to index
    %swap3A_155 = arith.constant 0 : index
    %swap3A_156 = tpu.vector_load %arg13[%swap3A_154, %swap3A_155] {strides = array<i32>} : memref<16x16xi32, #tpu.memory_space<vmem>>, vector<16xi32>,
    tpu.vector_store %arg13[%swap3A_154, %swap3A_155], %broadcast_in_dim3A_152 {strides = array<i32>} : memref<16x16xi32, #tpu.memory_space<vmem>>, vector<16xi32>,
    %broadcast_in_dim3A_157 = arith.constant 0.000000e+00 : f32
    %broadcast_in_dim3A_158 = vector.broadcast %broadcast_in_dim3A_157 : f32 to vector<16xf32>
    %swap3A_159 = arith.constant 13 : i32
    %swap3A_160 = arith.index_cast %swap3A_159 : i32 to index
    %swap3A_161 = arith.constant 0 : index
    %swap3A_162 = tpu.vector_load %arg12[%swap3A_160, %swap3A_161] {strides = array<i32>} : memref<16x16xf32, #tpu.memory_space<vmem>>, vector<16xf32>,
    tpu.vector_store %arg12[%swap3A_160, %swap3A_161], %broadcast_in_dim3A_158 {strides = array<i32>} : memref<16x16xf32, #tpu.memory_space<vmem>>, vector<16xf32>,
    %broadcast_in_dim3A_163 = arith.constant 0 : i32
    %broadcast_in_dim3A_164 = vector.broadcast %broadcast_in_dim3A_163 : i32 to vector<16xi32>
    %swap3A_165 = arith.constant 13 : i32
    %swap3A_166 = arith.index_cast %swap3A_165 : i32 to index
    %swap3A_167 = arith.constant 0 : index
    %swap3A_168 = tpu.vector_load %arg13[%swap3A_166, %swap3A_167] {strides = array<i32>} : memref<16x16xi32, #tpu.memory_space<vmem>>, vector<16xi32>,
    tpu.vector_store %arg13[%swap3A_166, %swap3A_167], %broadcast_in_dim3A_164 {strides = array<i32>} : memref<16x16xi32, #tpu.memory_space<vmem>>, vector<16xi32>,
    %broadcast_in_dim3A_169 = arith.constant 0.000000e+00 : f32
    %broadcast_in_dim3A_170 = vector.broadcast %broadcast_in_dim3A_169 : f32 to vector<16xf32>
    %swap3A_171 = arith.constant 14 : i32
    %swap3A_172 = arith.index_cast %swap3A_171 : i32 to index
    %swap3A_173 = arith.constant 0 : index
    %swap3A_174 = tpu.vector_load %arg12[%swap3A_172, %swap3A_173] {strides = array<i32>} : memref<16x16xf32, #tpu.memory_space<vmem>>, vector<16xf32>,
    tpu.vector_store %arg12[%swap3A_172, %swap3A_173], %broadcast_in_dim3A_170 {strides = array<i32>} : memref<16x16xf32, #tpu.memory_space<vmem>>, vector<16xf32>,
    %broadcast_in_dim3A_175 = arith.constant 0 : i32
    %broadcast_in_dim3A_176 = vector.broadcast %broadcast_in_dim3A_175 : i32 to vector<16xi32>
    %swap3A_177 = arith.constant 14 : i32
    %swap3A_178 = arith.index_cast %swap3A_177 : i32 to index
    %swap3A_179 = arith.constant 0 : index
    %swap3A_180 = tpu.vector_load %arg13[%swap3A_178, %swap3A_179] {strides = array<i32>} : memref<16x16xi32, #tpu.memory_space<vmem>>, vector<16xi32>,
    tpu.vector_store %arg13[%swap3A_178, %swap3A_179], %broadcast_in_dim3A_176 {strides = array<i32>} : memref<16x16xi32, #tpu.memory_space<vmem>>, vector<16xi32>,
    %broadcast_in_dim3A_181 = arith.constant 0.000000e+00 : f32
    %broadcast_in_dim3A_182 = vector.broadcast %broadcast_in_dim3A_181 : f32 to vector<16xf32>
    %swap3A_183 = arith.constant 15 : i32
    %swap3A_184 = arith.index_cast %swap3A_183 : i32 to index
    %swap3A_185 = arith.constant 0 : index
    %swap3A_186 = tpu.vector_load %arg12[%swap3A_184, %swap3A_185] {strides = array<i32>} : memref<16x16xf32, #tpu.memory_space<vmem>>, vector<16xf32>,
    tpu.vector_store %arg12[%swap3A_184, %swap3A_185], %broadcast_in_dim3A_182 {strides = array<i32>} : memref<16x16xf32, #tpu.memory_space<vmem>>, vector<16xf32>,
    %broadcast_in_dim3A_187 = arith.constant 0 : i32
    %broadcast_in_dim3A_188 = vector.broadcast %broadcast_in_dim3A_187 : i32 to vector<16xi32>
    %swap3A_189 = arith.constant 15 : i32
    %swap3A_190 = arith.index_cast %swap3A_189 : i32 to index
    %swap3A_191 = arith.constant 0 : index
    %swap3A_192 = tpu.vector_load %arg13[%swap3A_190, %swap3A_191] {strides = array<i32>} : memref<16x16xi32, #tpu.memory_space<vmem>>, vector<16xi32>,
    tpu.vector_store %arg13[%swap3A_190, %swap3A_191], %broadcast_in_dim3A_188 {strides = array<i32>} : memref<16x16xi32, #tpu.memory_space<vmem>>, vector<16xi32>,
    %iota3A = tpu.iota {dimensions = array<i32: 0>} : vector<16xi32>
    %add3A_193 = arith.constant 0 : i32
    %add3A_194 = arith.addi %multiple_of3A, %add3A_193 : i32
    %dma_start3A = tpu.memref_slice %arg2[%add3A_194] : memref<8388608xf32, #tpu.memory_space<hbm>> -> memref<16384xf32, #tpu.memory_space<hbm>>
    %dma_start3A_195 = tpu.memref_slice %arg2[%add3A_194] : memref<8388608xf32, #tpu.memory_space<hbm>> -> memref<16384xf32, #tpu.memory_space<hbm>>
    tpu.enqueue_dma source(%dma_start3A_195 : memref<16384xf32, #tpu.memory_space<hbm>>) target(%arg6 : memref<16384xf32, #tpu.memory_space<vmem>>) target_semaphore(%arg14 : memref<!tpu.dma_semaphore, #tpu.memory_space<semaphore_mem>>)
    %dma_start3A_196 = tpu.memref_slice %arg3[%add3A_194] : memref<8388608xi32, #tpu.memory_space<hbm>> -> memref<16384xi32, #tpu.memory_space<hbm>>
    %dma_start3A_197 = tpu.memref_slice %arg3[%add3A_194] : memref<8388608xi32, #tpu.memory_space<hbm>> -> memref<16384xi32, #tpu.memory_space<hbm>>
    tpu.enqueue_dma source(%dma_start3A_197 : memref<16384xi32, #tpu.memory_space<hbm>>) target(%arg9 : memref<16384xi32, #tpu.memory_space<vmem>>) target_semaphore(%arg14 : memref<!tpu.dma_semaphore, #tpu.memory_space<semaphore_mem>>)
    %add3A_198 = arith.constant 16384 : i32
    %add3A_199 = arith.addi %multiple_of3A, %add3A_198 : i32
    %dma_start3A_200 = tpu.memref_slice %arg2[%add3A_199] : memref<8388608xf32, #tpu.memory_space<hbm>> -> memref<16384xf32, #tpu.memory_space<hbm>>
    %dma_start3A_201 = tpu.memref_slice %arg2[%add3A_199] : memref<8388608xf32, #tpu.memory_space<hbm>> -> memref<16384xf32, #tpu.memory_space<hbm>>
    tpu.enqueue_dma source(%dma_start3A_201 : memref<16384xf32, #tpu.memory_space<hbm>>) target(%arg7 : memref<16384xf32, #tpu.memory_space<vmem>>) target_semaphore(%arg15 : memref<!tpu.dma_semaphore, #tpu.memory_space<semaphore_mem>>)
    %dma_start3A_202 = tpu.memref_slice %arg3[%add3A_199] : memref<8388608xi32, #tpu.memory_space<hbm>> -> memref<16384xi32, #tpu.memory_space<hbm>>
    %dma_start3A_203 = tpu.memref_slice %arg3[%add3A_199] : memref<8388608xi32, #tpu.memory_space<hbm>> -> memref<16384xi32, #tpu.memory_space<hbm>>
    tpu.enqueue_dma source(%dma_start3A_203 : memref<16384xi32, #tpu.memory_space<hbm>>) target(%arg10 : memref<16384xi32, #tpu.memory_space<vmem>>) target_semaphore(%arg15 : memref<!tpu.dma_semaphore, #tpu.memory_space<semaphore_mem>>)
    %add3A_204 = arith.constant 32768 : i32
    %add3A_205 = arith.addi %multiple_of3A, %add3A_204 : i32
    %dma_start3A_206 = tpu.memref_slice %arg2[%add3A_205] : memref<8388608xf32, #tpu.memory_space<hbm>> -> memref<16384xf32, #tpu.memory_space<hbm>>
    %dma_start3A_207 = tpu.memref_slice %arg2[%add3A_205] : memref<8388608xf32, #tpu.memory_space<hbm>> -> memref<16384xf32, #tpu.memory_space<hbm>>
    tpu.enqueue_dma source(%dma_start3A_207 : memref<16384xf32, #tpu.memory_space<hbm>>) target(%arg8 : memref<16384xf32, #tpu.memory_space<vmem>>) target_semaphore(%arg16 : memref<!tpu.dma_semaphore, #tpu.memory_space<semaphore_mem>>)
    %dma_start3A_208 = tpu.memref_slice %arg3[%add3A_205] : memref<8388608xi32, #tpu.memory_space<hbm>> -> memref<16384xi32, #tpu.memory_space<hbm>>
    %dma_start3A_209 = tpu.memref_slice %arg3[%add3A_205] : memref<8388608xi32, #tpu.memory_space<hbm>> -> memref<16384xi32, #tpu.memory_space<hbm>>
    tpu.enqueue_dma source(%dma_start3A_209 : memref<16384xi32, #tpu.memory_space<hbm>>) target(%arg11 : memref<16384xi32, #tpu.memory_space<vmem>>) target_semaphore(%arg16 : memref<!tpu.dma_semaphore, #tpu.memory_space<semaphore_mem>>)
    %add3A_210 = arith.constant 0 : i32
    %add3A_211 = arith.addi %multiple_of3A, %add3A_210 : i32
    %dma_wait3A = tpu.memref_slice %arg2[%add3A_211] : memref<8388608xf32, #tpu.memory_space<hbm>> -> memref<16384xf32, #tpu.memory_space<hbm>>
    %dma_wait3A_212 = tpu.memref_slice %arg2[%add3A_211] : memref<8388608xf32, #tpu.memory_space<hbm>> -> memref<16384xf32, #tpu.memory_space<hbm>>
    tpu.wait_dma2 semaphore(%arg14 : memref<!tpu.dma_semaphore, #tpu.memory_space<semaphore_mem>>) src(%dma_wait3A_212 : memref<16384xf32, #tpu.memory_space<hbm>>) dst(%arg6 : memref<16384xf32, #tpu.memory_space<vmem>>)
    %dma_wait3A_213 = tpu.memref_slice %arg3[%add3A_211] : memref<8388608xi32, #tpu.memory_space<hbm>> -> memref<16384xi32, #tpu.memory_space<hbm>>
    %dma_wait3A_214 = tpu.memref_slice %arg3[%add3A_211] : memref<8388608xi32, #tpu.memory_space<hbm>> -> memref<16384xi32, #tpu.memory_space<hbm>>
    tpu.wait_dma2 semaphore(%arg14 : memref<!tpu.dma_semaphore, #tpu.memory_space<semaphore_mem>>) src(%dma_wait3A_214 : memref<16384xi32, #tpu.memory_space<hbm>>) dst(%arg9 : memref<16384xi32, #tpu.memory_space<vmem>>)
    %parallel_loop3A = arith.constant 0 : i32
    %parallel_loop3A_215 = arith.constant 1024 : i32
    %parallel_loop3A_216 = arith.constant 1 : i32
    scf.for %parallel_loop3A_430 = %parallel_loop3A to %parallel_loop3A_215 step %parallel_loop3A_216  : i32 {
      %parallel_loop3A_431 = arith.constant 16 : i32
      %parallel_loop3A_432 = arith.muli %parallel_loop3A_430, %parallel_loop3A_431 : i32
      %parallel_loop3A_433 = arith.index_cast %parallel_loop3A_432 : i32 to index
      %parallel_loop3A_434 = tpu.vector_load %arg6[%parallel_loop3A_433] {strides = array<i32>} : memref<16384xf32, #tpu.memory_space<vmem>>, vector<16xf32>,
      %parallel_loop3A_435 = arith.index_cast %parallel_loop3A_432 : i32 to index
      %parallel_loop3A_436 = tpu.vector_load %arg9[%parallel_loop3A_435] {strides = array<i32>} : memref<16384xi32, #tpu.memory_space<vmem>>, vector<16xi32>,
      %parallel_loop3A_437 = arith.constant 9.99999904 : f32
      %parallel_loop3A_438 = vector.broadcast %parallel_loop3A_437 : f32 to vector<16xf32>
      %parallel_loop3A_439 = arith.mulf %parallel_loop3A_434, %parallel_loop3A_438 : vector<16xf32>
      %parallel_loop3A_440 = arith.fptosi %parallel_loop3A_439 : vector<16xf32> to vector<16xi32>
      %parallel_loop3A_441 = arith.constant 0.900000035 : f32
      %parallel_loop3A_442 = vector.broadcast %parallel_loop3A_441 : f32 to vector<16xf32>
      %parallel_loop3A_443 = arith.cmpf oeq, %parallel_loop3A_434, %parallel_loop3A_442 : vector<16xf32>
      %parallel_loop3A_444 = arith.constant 1 : i32
      %parallel_loop3A_445 = arith.constant 0 : i32
      %parallel_loop3A_446 = vector.broadcast %parallel_loop3A_444 : i32 to vector<16xi32>
      %parallel_loop3A_447 = vector.broadcast %parallel_loop3A_445 : i32 to vector<16xi32>
      %parallel_loop3A_448 = arith.select %parallel_loop3A_443, %parallel_loop3A_446, %parallel_loop3A_447 : vector<16xi1>, vector<16xi32>
      %parallel_loop3A_449 = arith.addi %parallel_loop3A_440, %parallel_loop3A_448 : vector<16xi32>
      %parallel_loop3A_450 = arith.constant 0.000000e+00 : f32
      %parallel_loop3A_451 = vector.broadcast %parallel_loop3A_450 : f32 to vector<16xf32>
      %parallel_loop3A_452 = arith.cmpf ogt, %parallel_loop3A_434, %parallel_loop3A_451 : vector<16xf32>
      %parallel_loop3A_453 = arith.constant 65536 : i32
      %parallel_loop3A_454 = vector.broadcast %parallel_loop3A_453 : i32 to vector<16xi32>
      %parallel_loop3A_455 = arith.addi %parallel_loop3A_436, %parallel_loop3A_454 : vector<16xi32>
      tpu.vector_store_idx %arg12[%parallel_loop3A_449, %iota3A], %parallel_loop3A_434 masked %parallel_loop3A_452 {add = true} : memref<16x16xf32, #tpu.memory_space<vmem>>[vector<16xi32>, vector<16xi32>], vector<16xf32>, vector<16xi1>
      tpu.vector_store_idx %arg13[%parallel_loop3A_449, %iota3A], %parallel_loop3A_455 masked %parallel_loop3A_452 {add = true} : memref<16x16xi32, #tpu.memory_space<vmem>>[vector<16xi32>, vector<16xi32>], vector<16xi32>, vector<16xi1>
    } {sc.loop_unroll_factor = 8 : i64, sc.parallel_access}
    %add3A_217 = arith.constant 49152 : i32
    %add3A_218 = arith.addi %multiple_of3A, %add3A_217 : i32
    %dma_start3A_219 = tpu.memref_slice %arg2[%add3A_218] : memref<8388608xf32, #tpu.memory_space<hbm>> -> memref<16384xf32, #tpu.memory_space<hbm>>
    %dma_start3A_220 = tpu.memref_slice %arg2[%add3A_218] : memref<8388608xf32, #tpu.memory_space<hbm>> -> memref<16384xf32, #tpu.memory_space<hbm>>
    tpu.enqueue_dma source(%dma_start3A_220 : memref<16384xf32, #tpu.memory_space<hbm>>) target(%arg6 : memref<16384xf32, #tpu.memory_space<vmem>>) target_semaphore(%arg14 : memref<!tpu.dma_semaphore, #tpu.memory_space<semaphore_mem>>)
    %dma_start3A_221 = tpu.memref_slice %arg3[%add3A_218] : memref<8388608xi32, #tpu.memory_space<hbm>> -> memref<16384xi32, #tpu.memory_space<hbm>>
    %dma_start3A_222 = tpu.memref_slice %arg3[%add3A_218] : memref<8388608xi32, #tpu.memory_space<hbm>> -> memref<16384xi32, #tpu.memory_space<hbm>>
    tpu.enqueue_dma source(%dma_start3A_222 : memref<16384xi32, #tpu.memory_space<hbm>>) target(%arg9 : memref<16384xi32, #tpu.memory_space<vmem>>) target_semaphore(%arg14 : memref<!tpu.dma_semaphore, #tpu.memory_space<semaphore_mem>>)
    %add3A_223 = arith.constant 16384 : i32
    %add3A_224 = arith.addi %multiple_of3A, %add3A_223 : i32
    %dma_wait3A_225 = tpu.memref_slice %arg2[%add3A_224] : memref<8388608xf32, #tpu.memory_space<hbm>> -> memref<16384xf32, #tpu.memory_space<hbm>>
    %dma_wait3A_226 = tpu.memref_slice %arg2[%add3A_224] : memref<8388608xf32, #tpu.memory_space<hbm>> -> memref<16384xf32, #tpu.memory_space<hbm>>
    tpu.wait_dma2 semaphore(%arg15 : memref<!tpu.dma_semaphore, #tpu.memory_space<semaphore_mem>>) src(%dma_wait3A_226 : memref<16384xf32, #tpu.memory_space<hbm>>) dst(%arg7 : memref<16384xf32, #tpu.memory_space<vmem>>)
    %dma_wait3A_227 = tpu.memref_slice %arg3[%add3A_224] : memref<8388608xi32, #tpu.memory_space<hbm>> -> memref<16384xi32, #tpu.memory_space<hbm>>
    %dma_wait3A_228 = tpu.memref_slice %arg3[%add3A_224] : memref<8388608xi32, #tpu.memory_space<hbm>> -> memref<16384xi32, #tpu.memory_space<hbm>>
    tpu.wait_dma2 semaphore(%arg15 : memref<!tpu.dma_semaphore, #tpu.memory_space<semaphore_mem>>) src(%dma_wait3A_228 : memref<16384xi32, #tpu.memory_space<hbm>>) dst(%arg10 : memref<16384xi32, #tpu.memory_space<vmem>>)
    %parallel_loop3A_229 = arith.constant 0 : i32
    %parallel_loop3A_230 = arith.constant 1024 : i32
    %parallel_loop3A_231 = arith.constant 1 : i32
    scf.for %parallel_loop3A_430 = %parallel_loop3A_229 to %parallel_loop3A_230 step %parallel_loop3A_231  : i32 {
      %parallel_loop3A_431 = arith.constant 16 : i32
      %parallel_loop3A_432 = arith.muli %parallel_loop3A_430, %parallel_loop3A_431 : i32
      %parallel_loop3A_433 = arith.index_cast %parallel_loop3A_432 : i32 to index
      %parallel_loop3A_434 = tpu.vector_load %arg7[%parallel_loop3A_433] {strides = array<i32>} : memref<16384xf32, #tpu.memory_space<vmem>>, vector<16xf32>,
      %parallel_loop3A_435 = arith.index_cast %parallel_loop3A_432 : i32 to index
      %parallel_loop3A_436 = tpu.vector_load %arg10[%parallel_loop3A_435] {strides = array<i32>} : memref<16384xi32, #tpu.memory_space<vmem>>, vector<16xi32>,
      %parallel_loop3A_437 = arith.constant 9.99999904 : f32
      %parallel_loop3A_438 = vector.broadcast %parallel_loop3A_437 : f32 to vector<16xf32>
      %parallel_loop3A_439 = arith.mulf %parallel_loop3A_434, %parallel_loop3A_438 : vector<16xf32>
      %parallel_loop3A_440 = arith.fptosi %parallel_loop3A_439 : vector<16xf32> to vector<16xi32>
      %parallel_loop3A_441 = arith.constant 0.900000035 : f32
      %parallel_loop3A_442 = vector.broadcast %parallel_loop3A_441 : f32 to vector<16xf32>
      %parallel_loop3A_443 = arith.cmpf oeq, %parallel_loop3A_434, %parallel_loop3A_442 : vector<16xf32>
      %parallel_loop3A_444 = arith.constant 1 : i32
      %parallel_loop3A_445 = arith.constant 0 : i32
      %parallel_loop3A_446 = vector.broadcast %parallel_loop3A_444 : i32 to vector<16xi32>
      %parallel_loop3A_447 = vector.broadcast %parallel_loop3A_445 : i32 to vector<16xi32>
      %parallel_loop3A_448 = arith.select %parallel_loop3A_443, %parallel_loop3A_446, %parallel_loop3A_447 : vector<16xi1>, vector<16xi32>
      %parallel_loop3A_449 = arith.addi %parallel_loop3A_440, %parallel_loop3A_448 : vector<16xi32>
      %parallel_loop3A_450 = arith.constant 0.000000e+00 : f32
      %parallel_loop3A_451 = vector.broadcast %parallel_loop3A_450 : f32 to vector<16xf32>
      %parallel_loop3A_452 = arith.cmpf ogt, %parallel_loop3A_434, %parallel_loop3A_451 : vector<16xf32>
      %parallel_loop3A_453 = arith.constant 65536 : i32
      %parallel_loop3A_454 = vector.broadcast %parallel_loop3A_453 : i32 to vector<16xi32>
      %parallel_loop3A_455 = arith.addi %parallel_loop3A_436, %parallel_loop3A_454 : vector<16xi32>
      tpu.vector_store_idx %arg12[%parallel_loop3A_449, %iota3A], %parallel_loop3A_434 masked %parallel_loop3A_452 {add = true} : memref<16x16xf32, #tpu.memory_space<vmem>>[vector<16xi32>, vector<16xi32>], vector<16xf32>, vector<16xi1>
      tpu.vector_store_idx %arg13[%parallel_loop3A_449, %iota3A], %parallel_loop3A_455 masked %parallel_loop3A_452 {add = true} : memref<16x16xi32, #tpu.memory_space<vmem>>[vector<16xi32>, vector<16xi32>], vector<16xi32>, vector<16xi1>
    } {sc.loop_unroll_factor = 8 : i64, sc.parallel_access}
    %add3A_232 = arith.constant 65536 : i32
    %add3A_233 = arith.addi %multiple_of3A, %add3A_232 : i32
    %dma_start3A_234 = tpu.memref_slice %arg2[%add3A_233] : memref<8388608xf32, #tpu.memory_space<hbm>> -> memref<16384xf32, #tpu.memory_space<hbm>>
    %dma_start3A_235 = tpu.memref_slice %arg2[%add3A_233] : memref<8388608xf32, #tpu.memory_space<hbm>> -> memref<16384xf32, #tpu.memory_space<hbm>>
    tpu.enqueue_dma source(%dma_start3A_235 : memref<16384xf32, #tpu.memory_space<hbm>>) target(%arg7 : memref<16384xf32, #tpu.memory_space<vmem>>) target_semaphore(%arg15 : memref<!tpu.dma_semaphore, #tpu.memory_space<semaphore_mem>>)
    %dma_start3A_236 = tpu.memref_slice %arg3[%add3A_233] : memref<8388608xi32, #tpu.memory_space<hbm>> -> memref<16384xi32, #tpu.memory_space<hbm>>
    %dma_start3A_237 = tpu.memref_slice %arg3[%add3A_233] : memref<8388608xi32, #tpu.memory_space<hbm>> -> memref<16384xi32, #tpu.memory_space<hbm>>
    tpu.enqueue_dma source(%dma_start3A_237 : memref<16384xi32, #tpu.memory_space<hbm>>) target(%arg10 : memref<16384xi32, #tpu.memory_space<vmem>>) target_semaphore(%arg15 : memref<!tpu.dma_semaphore, #tpu.memory_space<semaphore_mem>>)
    %add3A_238 = arith.constant 32768 : i32
    %add3A_239 = arith.addi %multiple_of3A, %add3A_238 : i32
    %dma_wait3A_240 = tpu.memref_slice %arg2[%add3A_239] : memref<8388608xf32, #tpu.memory_space<hbm>> -> memref<16384xf32, #tpu.memory_space<hbm>>
    %dma_wait3A_241 = tpu.memref_slice %arg2[%add3A_239] : memref<8388608xf32, #tpu.memory_space<hbm>> -> memref<16384xf32, #tpu.memory_space<hbm>>
    tpu.wait_dma2 semaphore(%arg16 : memref<!tpu.dma_semaphore, #tpu.memory_space<semaphore_mem>>) src(%dma_wait3A_241 : memref<16384xf32, #tpu.memory_space<hbm>>) dst(%arg8 : memref<16384xf32, #tpu.memory_space<vmem>>)
    %dma_wait3A_242 = tpu.memref_slice %arg3[%add3A_239] : memref<8388608xi32, #tpu.memory_space<hbm>> -> memref<16384xi32, #tpu.memory_space<hbm>>
    %dma_wait3A_243 = tpu.memref_slice %arg3[%add3A_239] : memref<8388608xi32, #tpu.memory_space<hbm>> -> memref<16384xi32, #tpu.memory_space<hbm>>
    tpu.wait_dma2 semaphore(%arg16 : memref<!tpu.dma_semaphore, #tpu.memory_space<semaphore_mem>>) src(%dma_wait3A_243 : memref<16384xi32, #tpu.memory_space<hbm>>) dst(%arg11 : memref<16384xi32, #tpu.memory_space<vmem>>)
    %parallel_loop3A_244 = arith.constant 0 : i32
    %parallel_loop3A_245 = arith.constant 1024 : i32
    %parallel_loop3A_246 = arith.constant 1 : i32
    scf.for %parallel_loop3A_430 = %parallel_loop3A_244 to %parallel_loop3A_245 step %parallel_loop3A_246  : i32 {
      %parallel_loop3A_431 = arith.constant 16 : i32
      %parallel_loop3A_432 = arith.muli %parallel_loop3A_430, %parallel_loop3A_431 : i32
      %parallel_loop3A_433 = arith.index_cast %parallel_loop3A_432 : i32 to index
      %parallel_loop3A_434 = tpu.vector_load %arg8[%parallel_loop3A_433] {strides = array<i32>} : memref<16384xf32, #tpu.memory_space<vmem>>, vector<16xf32>,
      %parallel_loop3A_435 = arith.index_cast %parallel_loop3A_432 : i32 to index
      %parallel_loop3A_436 = tpu.vector_load %arg11[%parallel_loop3A_435] {strides = array<i32>} : memref<16384xi32, #tpu.memory_space<vmem>>, vector<16xi32>,
      %parallel_loop3A_437 = arith.constant 9.99999904 : f32
      %parallel_loop3A_438 = vector.broadcast %parallel_loop3A_437 : f32 to vector<16xf32>
      %parallel_loop3A_439 = arith.mulf %parallel_loop3A_434, %parallel_loop3A_438 : vector<16xf32>
      %parallel_loop3A_440 = arith.fptosi %parallel_loop3A_439 : vector<16xf32> to vector<16xi32>
      %parallel_loop3A_441 = arith.constant 0.900000035 : f32
      %parallel_loop3A_442 = vector.broadcast %parallel_loop3A_441 : f32 to vector<16xf32>
      %parallel_loop3A_443 = arith.cmpf oeq, %parallel_loop3A_434, %parallel_loop3A_442 : vector<16xf32>
      %parallel_loop3A_444 = arith.constant 1 : i32
      %parallel_loop3A_445 = arith.constant 0 : i32
      %parallel_loop3A_446 = vector.broadcast %parallel_loop3A_444 : i32 to vector<16xi32>
      %parallel_loop3A_447 = vector.broadcast %parallel_loop3A_445 : i32 to vector<16xi32>
      %parallel_loop3A_448 = arith.select %parallel_loop3A_443, %parallel_loop3A_446, %parallel_loop3A_447 : vector<16xi1>, vector<16xi32>
      %parallel_loop3A_449 = arith.addi %parallel_loop3A_440, %parallel_loop3A_448 : vector<16xi32>
      %parallel_loop3A_450 = arith.constant 0.000000e+00 : f32
      %parallel_loop3A_451 = vector.broadcast %parallel_loop3A_450 : f32 to vector<16xf32>
      %parallel_loop3A_452 = arith.cmpf ogt, %parallel_loop3A_434, %parallel_loop3A_451 : vector<16xf32>
      %parallel_loop3A_453 = arith.constant 65536 : i32
      %parallel_loop3A_454 = vector.broadcast %parallel_loop3A_453 : i32 to vector<16xi32>
      %parallel_loop3A_455 = arith.addi %parallel_loop3A_436, %parallel_loop3A_454 : vector<16xi32>
      tpu.vector_store_idx %arg12[%parallel_loop3A_449, %iota3A], %parallel_loop3A_434 masked %parallel_loop3A_452 {add = true} : memref<16x16xf32, #tpu.memory_space<vmem>>[vector<16xi32>, vector<16xi32>], vector<16xf32>, vector<16xi1>
      tpu.vector_store_idx %arg13[%parallel_loop3A_449, %iota3A], %parallel_loop3A_455 masked %parallel_loop3A_452 {add = true} : memref<16x16xi32, #tpu.memory_space<vmem>>[vector<16xi32>, vector<16xi32>], vector<16xi32>, vector<16xi1>
    } {sc.loop_unroll_factor = 8 : i64, sc.parallel_access}
    %add3A_247 = arith.constant 81920 : i32
    %add3A_248 = arith.addi %multiple_of3A, %add3A_247 : i32
    %dma_start3A_249 = tpu.memref_slice %arg2[%add3A_248] : memref<8388608xf32, #tpu.memory_space<hbm>> -> memref<16384xf32, #tpu.memory_space<hbm>>
    %dma_start3A_250 = tpu.memref_slice %arg2[%add3A_248] : memref<8388608xf32, #tpu.memory_space<hbm>> -> memref<16384xf32, #tpu.memory_space<hbm>>
    tpu.enqueue_dma source(%dma_start3A_250 : memref<16384xf32, #tpu.memory_space<hbm>>) target(%arg8 : memref<16384xf32, #tpu.memory_space<vmem>>) target_semaphore(%arg16 : memref<!tpu.dma_semaphore, #tpu.memory_space<semaphore_mem>>)
    %dma_start3A_251 = tpu.memref_slice %arg3[%add3A_248] : memref<8388608xi32, #tpu.memory_space<hbm>> -> memref<16384xi32, #tpu.memory_space<hbm>>
    %dma_start3A_252 = tpu.memref_slice %arg3[%add3A_248] : memref<8388608xi32, #tpu.memory_space<hbm>> -> memref<16384xi32, #tpu.memory_space<hbm>>
    tpu.enqueue_dma source(%dma_start3A_252 : memref<16384xi32, #tpu.memory_space<hbm>>) target(%arg11 : memref<16384xi32, #tpu.memory_space<vmem>>) target_semaphore(%arg16 : memref<!tpu.dma_semaphore, #tpu.memory_space<semaphore_mem>>)
    %add3A_253 = arith.constant 49152 : i32
    %add3A_254 = arith.addi %multiple_of3A, %add3A_253 : i32
    %dma_wait3A_255 = tpu.memref_slice %arg2[%add3A_254] : memref<8388608xf32, #tpu.memory_space<hbm>> -> memref<16384xf32, #tpu.memory_space<hbm>>
    %dma_wait3A_256 = tpu.memref_slice %arg2[%add3A_254] : memref<8388608xf32, #tpu.memory_space<hbm>> -> memref<16384xf32, #tpu.memory_space<hbm>>
    tpu.wait_dma2 semaphore(%arg14 : memref<!tpu.dma_semaphore, #tpu.memory_space<semaphore_mem>>) src(%dma_wait3A_256 : memref<16384xf32, #tpu.memory_space<hbm>>) dst(%arg6 : memref<16384xf32, #tpu.memory_space<vmem>>)
    %dma_wait3A_257 = tpu.memref_slice %arg3[%add3A_254] : memref<8388608xi32, #tpu.memory_space<hbm>> -> memref<16384xi32, #tpu.memory_space<hbm>>
    %dma_wait3A_258 = tpu.memref_slice %arg3[%add3A_254] : memref<8388608xi32, #tpu.memory_space<hbm>> -> memref<16384xi32, #tpu.memory_space<hbm>>
    tpu.wait_dma2 semaphore(%arg14 : memref<!tpu.dma_semaphore, #tpu.memory_space<semaphore_mem>>) src(%dma_wait3A_258 : memref<16384xi32, #tpu.memory_space<hbm>>) dst(%arg9 : memref<16384xi32, #tpu.memory_space<vmem>>)
    %parallel_loop3A_259 = arith.constant 0 : i32
    %parallel_loop3A_260 = arith.constant 1024 : i32
    %parallel_loop3A_261 = arith.constant 1 : i32
    scf.for %parallel_loop3A_430 = %parallel_loop3A_259 to %parallel_loop3A_260 step %parallel_loop3A_261  : i32 {
      %parallel_loop3A_431 = arith.constant 16 : i32
      %parallel_loop3A_432 = arith.muli %parallel_loop3A_430, %parallel_loop3A_431 : i32
      %parallel_loop3A_433 = arith.index_cast %parallel_loop3A_432 : i32 to index
      %parallel_loop3A_434 = tpu.vector_load %arg6[%parallel_loop3A_433] {strides = array<i32>} : memref<16384xf32, #tpu.memory_space<vmem>>, vector<16xf32>,
      %parallel_loop3A_435 = arith.index_cast %parallel_loop3A_432 : i32 to index
      %parallel_loop3A_436 = tpu.vector_load %arg9[%parallel_loop3A_435] {strides = array<i32>} : memref<16384xi32, #tpu.memory_space<vmem>>, vector<16xi32>,
      %parallel_loop3A_437 = arith.constant 9.99999904 : f32
      %parallel_loop3A_438 = vector.broadcast %parallel_loop3A_437 : f32 to vector<16xf32>
      %parallel_loop3A_439 = arith.mulf %parallel_loop3A_434, %parallel_loop3A_438 : vector<16xf32>
      %parallel_loop3A_440 = arith.fptosi %parallel_loop3A_439 : vector<16xf32> to vector<16xi32>
      %parallel_loop3A_441 = arith.constant 0.900000035 : f32
      %parallel_loop3A_442 = vector.broadcast %parallel_loop3A_441 : f32 to vector<16xf32>
      %parallel_loop3A_443 = arith.cmpf oeq, %parallel_loop3A_434, %parallel_loop3A_442 : vector<16xf32>
      %parallel_loop3A_444 = arith.constant 1 : i32
      %parallel_loop3A_445 = arith.constant 0 : i32
      %parallel_loop3A_446 = vector.broadcast %parallel_loop3A_444 : i32 to vector<16xi32>
      %parallel_loop3A_447 = vector.broadcast %parallel_loop3A_445 : i32 to vector<16xi32>
      %parallel_loop3A_448 = arith.select %parallel_loop3A_443, %parallel_loop3A_446, %parallel_loop3A_447 : vector<16xi1>, vector<16xi32>
      %parallel_loop3A_449 = arith.addi %parallel_loop3A_440, %parallel_loop3A_448 : vector<16xi32>
      %parallel_loop3A_450 = arith.constant 0.000000e+00 : f32
      %parallel_loop3A_451 = vector.broadcast %parallel_loop3A_450 : f32 to vector<16xf32>
      %parallel_loop3A_452 = arith.cmpf ogt, %parallel_loop3A_434, %parallel_loop3A_451 : vector<16xf32>
      %parallel_loop3A_453 = arith.constant 65536 : i32
      %parallel_loop3A_454 = vector.broadcast %parallel_loop3A_453 : i32 to vector<16xi32>
      %parallel_loop3A_455 = arith.addi %parallel_loop3A_436, %parallel_loop3A_454 : vector<16xi32>
      tpu.vector_store_idx %arg12[%parallel_loop3A_449, %iota3A], %parallel_loop3A_434 masked %parallel_loop3A_452 {add = true} : memref<16x16xf32, #tpu.memory_space<vmem>>[vector<16xi32>, vector<16xi32>], vector<16xf32>, vector<16xi1>
      tpu.vector_store_idx %arg13[%parallel_loop3A_449, %iota3A], %parallel_loop3A_455 masked %parallel_loop3A_452 {add = true} : memref<16x16xi32, #tpu.memory_space<vmem>>[vector<16xi32>, vector<16xi32>], vector<16xi32>, vector<16xi1>
    } {sc.loop_unroll_factor = 8 : i64, sc.parallel_access}
    %add3A_262 = arith.constant 98304 : i32
    %add3A_263 = arith.addi %multiple_of3A, %add3A_262 : i32
    %dma_start3A_264 = tpu.memref_slice %arg2[%add3A_263] : memref<8388608xf32, #tpu.memory_space<hbm>> -> memref<16384xf32, #tpu.memory_space<hbm>>
    %dma_start3A_265 = tpu.memref_slice %arg2[%add3A_263] : memref<8388608xf32, #tpu.memory_space<hbm>> -> memref<16384xf32, #tpu.memory_space<hbm>>
    tpu.enqueue_dma source(%dma_start3A_265 : memref<16384xf32, #tpu.memory_space<hbm>>) target(%arg6 : memref<16384xf32, #tpu.memory_space<vmem>>) target_semaphore(%arg14 : memref<!tpu.dma_semaphore, #tpu.memory_space<semaphore_mem>>)
    %dma_start3A_266 = tpu.memref_slice %arg3[%add3A_263] : memref<8388608xi32, #tpu.memory_space<hbm>> -> memref<16384xi32, #tpu.memory_space<hbm>>
    %dma_start3A_267 = tpu.memref_slice %arg3[%add3A_263] : memref<8388608xi32, #tpu.memory_space<hbm>> -> memref<16384xi32, #tpu.memory_space<hbm>>
    tpu.enqueue_dma source(%dma_start3A_267 : memref<16384xi32, #tpu.memory_space<hbm>>) target(%arg9 : memref<16384xi32, #tpu.memory_space<vmem>>) target_semaphore(%arg14 : memref<!tpu.dma_semaphore, #tpu.memory_space<semaphore_mem>>)
    %add3A_268 = arith.constant 65536 : i32
    %add3A_269 = arith.addi %multiple_of3A, %add3A_268 : i32
    %dma_wait3A_270 = tpu.memref_slice %arg2[%add3A_269] : memref<8388608xf32, #tpu.memory_space<hbm>> -> memref<16384xf32, #tpu.memory_space<hbm>>
    %dma_wait3A_271 = tpu.memref_slice %arg2[%add3A_269] : memref<8388608xf32, #tpu.memory_space<hbm>> -> memref<16384xf32, #tpu.memory_space<hbm>>
    tpu.wait_dma2 semaphore(%arg15 : memref<!tpu.dma_semaphore, #tpu.memory_space<semaphore_mem>>) src(%dma_wait3A_271 : memref<16384xf32, #tpu.memory_space<hbm>>) dst(%arg7 : memref<16384xf32, #tpu.memory_space<vmem>>)
    %dma_wait3A_272 = tpu.memref_slice %arg3[%add3A_269] : memref<8388608xi32, #tpu.memory_space<hbm>> -> memref<16384xi32, #tpu.memory_space<hbm>>
    %dma_wait3A_273 = tpu.memref_slice %arg3[%add3A_269] : memref<8388608xi32, #tpu.memory_space<hbm>> -> memref<16384xi32, #tpu.memory_space<hbm>>
    tpu.wait_dma2 semaphore(%arg15 : memref<!tpu.dma_semaphore, #tpu.memory_space<semaphore_mem>>) src(%dma_wait3A_273 : memref<16384xi32, #tpu.memory_space<hbm>>) dst(%arg10 : memref<16384xi32, #tpu.memory_space<vmem>>)
    %parallel_loop3A_274 = arith.constant 0 : i32
    %parallel_loop3A_275 = arith.constant 1024 : i32
    %parallel_loop3A_276 = arith.constant 1 : i32
    scf.for %parallel_loop3A_430 = %parallel_loop3A_274 to %parallel_loop3A_275 step %parallel_loop3A_276  : i32 {
      %parallel_loop3A_431 = arith.constant 16 : i32
      %parallel_loop3A_432 = arith.muli %parallel_loop3A_430, %parallel_loop3A_431 : i32
      %parallel_loop3A_433 = arith.index_cast %parallel_loop3A_432 : i32 to index
      %parallel_loop3A_434 = tpu.vector_load %arg7[%parallel_loop3A_433] {strides = array<i32>} : memref<16384xf32, #tpu.memory_space<vmem>>, vector<16xf32>,
      %parallel_loop3A_435 = arith.index_cast %parallel_loop3A_432 : i32 to index
      %parallel_loop3A_436 = tpu.vector_load %arg10[%parallel_loop3A_435] {strides = array<i32>} : memref<16384xi32, #tpu.memory_space<vmem>>, vector<16xi32>,
      %parallel_loop3A_437 = arith.constant 9.99999904 : f32
      %parallel_loop3A_438 = vector.broadcast %parallel_loop3A_437 : f32 to vector<16xf32>
      %parallel_loop3A_439 = arith.mulf %parallel_loop3A_434, %parallel_loop3A_438 : vector<16xf32>
      %parallel_loop3A_440 = arith.fptosi %parallel_loop3A_439 : vector<16xf32> to vector<16xi32>
      %parallel_loop3A_441 = arith.constant 0.900000035 : f32
      %parallel_loop3A_442 = vector.broadcast %parallel_loop3A_441 : f32 to vector<16xf32>
      %parallel_loop3A_443 = arith.cmpf oeq, %parallel_loop3A_434, %parallel_loop3A_442 : vector<16xf32>
      %parallel_loop3A_444 = arith.constant 1 : i32
      %parallel_loop3A_445 = arith.constant 0 : i32
      %parallel_loop3A_446 = vector.broadcast %parallel_loop3A_444 : i32 to vector<16xi32>
      %parallel_loop3A_447 = vector.broadcast %parallel_loop3A_445 : i32 to vector<16xi32>
      %parallel_loop3A_448 = arith.select %parallel_loop3A_443, %parallel_loop3A_446, %parallel_loop3A_447 : vector<16xi1>, vector<16xi32>
      %parallel_loop3A_449 = arith.addi %parallel_loop3A_440, %parallel_loop3A_448 : vector<16xi32>
      %parallel_loop3A_450 = arith.constant 0.000000e+00 : f32
      %parallel_loop3A_451 = vector.broadcast %parallel_loop3A_450 : f32 to vector<16xf32>
      %parallel_loop3A_452 = arith.cmpf ogt, %parallel_loop3A_434, %parallel_loop3A_451 : vector<16xf32>
      %parallel_loop3A_453 = arith.constant 65536 : i32
      %parallel_loop3A_454 = vector.broadcast %parallel_loop3A_453 : i32 to vector<16xi32>
      %parallel_loop3A_455 = arith.addi %parallel_loop3A_436, %parallel_loop3A_454 : vector<16xi32>
      tpu.vector_store_idx %arg12[%parallel_loop3A_449, %iota3A], %parallel_loop3A_434 masked %parallel_loop3A_452 {add = true} : memref<16x16xf32, #tpu.memory_space<vmem>>[vector<16xi32>, vector<16xi32>], vector<16xf32>, vector<16xi1>
      tpu.vector_store_idx %arg13[%parallel_loop3A_449, %iota3A], %parallel_loop3A_455 masked %parallel_loop3A_452 {add = true} : memref<16x16xi32, #tpu.memory_space<vmem>>[vector<16xi32>, vector<16xi32>], vector<16xi32>, vector<16xi1>
    } {sc.loop_unroll_factor = 8 : i64, sc.parallel_access}
    %add3A_277 = arith.constant 114688 : i32
    %add3A_278 = arith.addi %multiple_of3A, %add3A_277 : i32
    %dma_start3A_279 = tpu.memref_slice %arg2[%add3A_278] : memref<8388608xf32, #tpu.memory_space<hbm>> -> memref<16384xf32, #tpu.memory_space<hbm>>
    %dma_start3A_280 = tpu.memref_slice %arg2[%add3A_278] : memref<8388608xf32, #tpu.memory_space<hbm>> -> memref<16384xf32, #tpu.memory_space<hbm>>
    tpu.enqueue_dma source(%dma_start3A_280 : memref<16384xf32, #tpu.memory_space<hbm>>) target(%arg7 : memref<16384xf32, #tpu.memory_space<vmem>>) target_semaphore(%arg15 : memref<!tpu.dma_semaphore, #tpu.memory_space<semaphore_mem>>)
    %dma_start3A_281 = tpu.memref_slice %arg3[%add3A_278] : memref<8388608xi32, #tpu.memory_space<hbm>> -> memref<16384xi32, #tpu.memory_space<hbm>>
    %dma_start3A_282 = tpu.memref_slice %arg3[%add3A_278] : memref<8388608xi32, #tpu.memory_space<hbm>> -> memref<16384xi32, #tpu.memory_space<hbm>>
    tpu.enqueue_dma source(%dma_start3A_282 : memref<16384xi32, #tpu.memory_space<hbm>>) target(%arg10 : memref<16384xi32, #tpu.memory_space<vmem>>) target_semaphore(%arg15 : memref<!tpu.dma_semaphore, #tpu.memory_space<semaphore_mem>>)
    %add3A_283 = arith.constant 81920 : i32
    %add3A_284 = arith.addi %multiple_of3A, %add3A_283 : i32
    %dma_wait3A_285 = tpu.memref_slice %arg2[%add3A_284] : memref<8388608xf32, #tpu.memory_space<hbm>> -> memref<16384xf32, #tpu.memory_space<hbm>>
    %dma_wait3A_286 = tpu.memref_slice %arg2[%add3A_284] : memref<8388608xf32, #tpu.memory_space<hbm>> -> memref<16384xf32, #tpu.memory_space<hbm>>
    tpu.wait_dma2 semaphore(%arg16 : memref<!tpu.dma_semaphore, #tpu.memory_space<semaphore_mem>>) src(%dma_wait3A_286 : memref<16384xf32, #tpu.memory_space<hbm>>) dst(%arg8 : memref<16384xf32, #tpu.memory_space<vmem>>)
    %dma_wait3A_287 = tpu.memref_slice %arg3[%add3A_284] : memref<8388608xi32, #tpu.memory_space<hbm>> -> memref<16384xi32, #tpu.memory_space<hbm>>
    %dma_wait3A_288 = tpu.memref_slice %arg3[%add3A_284] : memref<8388608xi32, #tpu.memory_space<hbm>> -> memref<16384xi32, #tpu.memory_space<hbm>>
    tpu.wait_dma2 semaphore(%arg16 : memref<!tpu.dma_semaphore, #tpu.memory_space<semaphore_mem>>) src(%dma_wait3A_288 : memref<16384xi32, #tpu.memory_space<hbm>>) dst(%arg11 : memref<16384xi32, #tpu.memory_space<vmem>>)
    %parallel_loop3A_289 = arith.constant 0 : i32
    %parallel_loop3A_290 = arith.constant 1024 : i32
    %parallel_loop3A_291 = arith.constant 1 : i32
    scf.for %parallel_loop3A_430 = %parallel_loop3A_289 to %parallel_loop3A_290 step %parallel_loop3A_291  : i32 {
      %parallel_loop3A_431 = arith.constant 16 : i32
      %parallel_loop3A_432 = arith.muli %parallel_loop3A_430, %parallel_loop3A_431 : i32
      %parallel_loop3A_433 = arith.index_cast %parallel_loop3A_432 : i32 to index
      %parallel_loop3A_434 = tpu.vector_load %arg8[%parallel_loop3A_433] {strides = array<i32>} : memref<16384xf32, #tpu.memory_space<vmem>>, vector<16xf32>,
      %parallel_loop3A_435 = arith.index_cast %parallel_loop3A_432 : i32 to index
      %parallel_loop3A_436 = tpu.vector_load %arg11[%parallel_loop3A_435] {strides = array<i32>} : memref<16384xi32, #tpu.memory_space<vmem>>, vector<16xi32>,
      %parallel_loop3A_437 = arith.constant 9.99999904 : f32
      %parallel_loop3A_438 = vector.broadcast %parallel_loop3A_437 : f32 to vector<16xf32>
      %parallel_loop3A_439 = arith.mulf %parallel_loop3A_434, %parallel_loop3A_438 : vector<16xf32>
      %parallel_loop3A_440 = arith.fptosi %parallel_loop3A_439 : vector<16xf32> to vector<16xi32>
      %parallel_loop3A_441 = arith.constant 0.900000035 : f32
      %parallel_loop3A_442 = vector.broadcast %parallel_loop3A_441 : f32 to vector<16xf32>
      %parallel_loop3A_443 = arith.cmpf oeq, %parallel_loop3A_434, %parallel_loop3A_442 : vector<16xf32>
      %parallel_loop3A_444 = arith.constant 1 : i32
      %parallel_loop3A_445 = arith.constant 0 : i32
      %parallel_loop3A_446 = vector.broadcast %parallel_loop3A_444 : i32 to vector<16xi32>
      %parallel_loop3A_447 = vector.broadcast %parallel_loop3A_445 : i32 to vector<16xi32>
      %parallel_loop3A_448 = arith.select %parallel_loop3A_443, %parallel_loop3A_446, %parallel_loop3A_447 : vector<16xi1>, vector<16xi32>
      %parallel_loop3A_449 = arith.addi %parallel_loop3A_440, %parallel_loop3A_448 : vector<16xi32>
      %parallel_loop3A_450 = arith.constant 0.000000e+00 : f32
      %parallel_loop3A_451 = vector.broadcast %parallel_loop3A_450 : f32 to vector<16xf32>
      %parallel_loop3A_452 = arith.cmpf ogt, %parallel_loop3A_434, %parallel_loop3A_451 : vector<16xf32>
      %parallel_loop3A_453 = arith.constant 65536 : i32
      %parallel_loop3A_454 = vector.broadcast %parallel_loop3A_453 : i32 to vector<16xi32>
      %parallel_loop3A_455 = arith.addi %parallel_loop3A_436, %parallel_loop3A_454 : vector<16xi32>
      tpu.vector_store_idx %arg12[%parallel_loop3A_449, %iota3A], %parallel_loop3A_434 masked %parallel_loop3A_452 {add = true} : memref<16x16xf32, #tpu.memory_space<vmem>>[vector<16xi32>, vector<16xi32>], vector<16xf32>, vector<16xi1>
      tpu.vector_store_idx %arg13[%parallel_loop3A_449, %iota3A], %parallel_loop3A_455 masked %parallel_loop3A_452 {add = true} : memref<16x16xi32, #tpu.memory_space<vmem>>[vector<16xi32>, vector<16xi32>], vector<16xi32>, vector<16xi1>
    } {sc.loop_unroll_factor = 8 : i64, sc.parallel_access}
    %add3A_292 = arith.constant 131072 : i32
    %add3A_293 = arith.addi %multiple_of3A, %add3A_292 : i32
    %dma_start3A_294 = tpu.memref_slice %arg2[%add3A_293] : memref<8388608xf32, #tpu.memory_space<hbm>> -> memref<16384xf32, #tpu.memory_space<hbm>>
    %dma_start3A_295 = tpu.memref_slice %arg2[%add3A_293] : memref<8388608xf32, #tpu.memory_space<hbm>> -> memref<16384xf32, #tpu.memory_space<hbm>>
    tpu.enqueue_dma source(%dma_start3A_295 : memref<16384xf32, #tpu.memory_space<hbm>>) target(%arg8 : memref<16384xf32, #tpu.memory_space<vmem>>) target_semaphore(%arg16 : memref<!tpu.dma_semaphore, #tpu.memory_space<semaphore_mem>>)
    %dma_start3A_296 = tpu.memref_slice %arg3[%add3A_293] : memref<8388608xi32, #tpu.memory_space<hbm>> -> memref<16384xi32, #tpu.memory_space<hbm>>
    %dma_start3A_297 = tpu.memref_slice %arg3[%add3A_293] : memref<8388608xi32, #tpu.memory_space<hbm>> -> memref<16384xi32, #tpu.memory_space<hbm>>
    tpu.enqueue_dma source(%dma_start3A_297 : memref<16384xi32, #tpu.memory_space<hbm>>) target(%arg11 : memref<16384xi32, #tpu.memory_space<vmem>>) target_semaphore(%arg16 : memref<!tpu.dma_semaphore, #tpu.memory_space<semaphore_mem>>)
    %add3A_298 = arith.constant 98304 : i32
    %add3A_299 = arith.addi %multiple_of3A, %add3A_298 : i32
    %dma_wait3A_300 = tpu.memref_slice %arg2[%add3A_299] : memref<8388608xf32, #tpu.memory_space<hbm>> -> memref<16384xf32, #tpu.memory_space<hbm>>
    %dma_wait3A_301 = tpu.memref_slice %arg2[%add3A_299] : memref<8388608xf32, #tpu.memory_space<hbm>> -> memref<16384xf32, #tpu.memory_space<hbm>>
    tpu.wait_dma2 semaphore(%arg14 : memref<!tpu.dma_semaphore, #tpu.memory_space<semaphore_mem>>) src(%dma_wait3A_301 : memref<16384xf32, #tpu.memory_space<hbm>>) dst(%arg6 : memref<16384xf32, #tpu.memory_space<vmem>>)
    %dma_wait3A_302 = tpu.memref_slice %arg3[%add3A_299] : memref<8388608xi32, #tpu.memory_space<hbm>> -> memref<16384xi32, #tpu.memory_space<hbm>>
    %dma_wait3A_303 = tpu.memref_slice %arg3[%add3A_299] : memref<8388608xi32, #tpu.memory_space<hbm>> -> memref<16384xi32, #tpu.memory_space<hbm>>
    tpu.wait_dma2 semaphore(%arg14 : memref<!tpu.dma_semaphore, #tpu.memory_space<semaphore_mem>>) src(%dma_wait3A_303 : memref<16384xi32, #tpu.memory_space<hbm>>) dst(%arg9 : memref<16384xi32, #tpu.memory_space<vmem>>)
    %parallel_loop3A_304 = arith.constant 0 : i32
    %parallel_loop3A_305 = arith.constant 1024 : i32
    %parallel_loop3A_306 = arith.constant 1 : i32
    scf.for %parallel_loop3A_430 = %parallel_loop3A_304 to %parallel_loop3A_305 step %parallel_loop3A_306  : i32 {
      %parallel_loop3A_431 = arith.constant 16 : i32
      %parallel_loop3A_432 = arith.muli %parallel_loop3A_430, %parallel_loop3A_431 : i32
      %parallel_loop3A_433 = arith.index_cast %parallel_loop3A_432 : i32 to index
      %parallel_loop3A_434 = tpu.vector_load %arg6[%parallel_loop3A_433] {strides = array<i32>} : memref<16384xf32, #tpu.memory_space<vmem>>, vector<16xf32>,
      %parallel_loop3A_435 = arith.index_cast %parallel_loop3A_432 : i32 to index
      %parallel_loop3A_436 = tpu.vector_load %arg9[%parallel_loop3A_435] {strides = array<i32>} : memref<16384xi32, #tpu.memory_space<vmem>>, vector<16xi32>,
      %parallel_loop3A_437 = arith.constant 9.99999904 : f32
      %parallel_loop3A_438 = vector.broadcast %parallel_loop3A_437 : f32 to vector<16xf32>
      %parallel_loop3A_439 = arith.mulf %parallel_loop3A_434, %parallel_loop3A_438 : vector<16xf32>
      %parallel_loop3A_440 = arith.fptosi %parallel_loop3A_439 : vector<16xf32> to vector<16xi32>
      %parallel_loop3A_441 = arith.constant 0.900000035 : f32
      %parallel_loop3A_442 = vector.broadcast %parallel_loop3A_441 : f32 to vector<16xf32>
      %parallel_loop3A_443 = arith.cmpf oeq, %parallel_loop3A_434, %parallel_loop3A_442 : vector<16xf32>
      %parallel_loop3A_444 = arith.constant 1 : i32
      %parallel_loop3A_445 = arith.constant 0 : i32
      %parallel_loop3A_446 = vector.broadcast %parallel_loop3A_444 : i32 to vector<16xi32>
      %parallel_loop3A_447 = vector.broadcast %parallel_loop3A_445 : i32 to vector<16xi32>
      %parallel_loop3A_448 = arith.select %parallel_loop3A_443, %parallel_loop3A_446, %parallel_loop3A_447 : vector<16xi1>, vector<16xi32>
      %parallel_loop3A_449 = arith.addi %parallel_loop3A_440, %parallel_loop3A_448 : vector<16xi32>
      %parallel_loop3A_450 = arith.constant 0.000000e+00 : f32
      %parallel_loop3A_451 = vector.broadcast %parallel_loop3A_450 : f32 to vector<16xf32>
      %parallel_loop3A_452 = arith.cmpf ogt, %parallel_loop3A_434, %parallel_loop3A_451 : vector<16xf32>
      %parallel_loop3A_453 = arith.constant 65536 : i32
      %parallel_loop3A_454 = vector.broadcast %parallel_loop3A_453 : i32 to vector<16xi32>
      %parallel_loop3A_455 = arith.addi %parallel_loop3A_436, %parallel_loop3A_454 : vector<16xi32>
      tpu.vector_store_idx %arg12[%parallel_loop3A_449, %iota3A], %parallel_loop3A_434 masked %parallel_loop3A_452 {add = true} : memref<16x16xf32, #tpu.memory_space<vmem>>[vector<16xi32>, vector<16xi32>], vector<16xf32>, vector<16xi1>
      tpu.vector_store_idx %arg13[%parallel_loop3A_449, %iota3A], %parallel_loop3A_455 masked %parallel_loop3A_452 {add = true} : memref<16x16xi32, #tpu.memory_space<vmem>>[vector<16xi32>, vector<16xi32>], vector<16xi32>, vector<16xi1>
    } {sc.loop_unroll_factor = 8 : i64, sc.parallel_access}
    %add3A_307 = arith.constant 147456 : i32
    %add3A_308 = arith.addi %multiple_of3A, %add3A_307 : i32
    %dma_start3A_309 = tpu.memref_slice %arg2[%add3A_308] : memref<8388608xf32, #tpu.memory_space<hbm>> -> memref<16384xf32, #tpu.memory_space<hbm>>
    %dma_start3A_310 = tpu.memref_slice %arg2[%add3A_308] : memref<8388608xf32, #tpu.memory_space<hbm>> -> memref<16384xf32, #tpu.memory_space<hbm>>
    tpu.enqueue_dma source(%dma_start3A_310 : memref<16384xf32, #tpu.memory_space<hbm>>) target(%arg6 : memref<16384xf32, #tpu.memory_space<vmem>>) target_semaphore(%arg14 : memref<!tpu.dma_semaphore, #tpu.memory_space<semaphore_mem>>)
    %dma_start3A_311 = tpu.memref_slice %arg3[%add3A_308] : memref<8388608xi32, #tpu.memory_space<hbm>> -> memref<16384xi32, #tpu.memory_space<hbm>>
    %dma_start3A_312 = tpu.memref_slice %arg3[%add3A_308] : memref<8388608xi32, #tpu.memory_space<hbm>> -> memref<16384xi32, #tpu.memory_space<hbm>>
    tpu.enqueue_dma source(%dma_start3A_312 : memref<16384xi32, #tpu.memory_space<hbm>>) target(%arg9 : memref<16384xi32, #tpu.memory_space<vmem>>) target_semaphore(%arg14 : memref<!tpu.dma_semaphore, #tpu.memory_space<semaphore_mem>>)
    %add3A_313 = arith.constant 114688 : i32
    %add3A_314 = arith.addi %multiple_of3A, %add3A_313 : i32
    %dma_wait3A_315 = tpu.memref_slice %arg2[%add3A_314] : memref<8388608xf32, #tpu.memory_space<hbm>> -> memref<16384xf32, #tpu.memory_space<hbm>>
    %dma_wait3A_316 = tpu.memref_slice %arg2[%add3A_314] : memref<8388608xf32, #tpu.memory_space<hbm>> -> memref<16384xf32, #tpu.memory_space<hbm>>
    tpu.wait_dma2 semaphore(%arg15 : memref<!tpu.dma_semaphore, #tpu.memory_space<semaphore_mem>>) src(%dma_wait3A_316 : memref<16384xf32, #tpu.memory_space<hbm>>) dst(%arg7 : memref<16384xf32, #tpu.memory_space<vmem>>)
    %dma_wait3A_317 = tpu.memref_slice %arg3[%add3A_314] : memref<8388608xi32, #tpu.memory_space<hbm>> -> memref<16384xi32, #tpu.memory_space<hbm>>
    %dma_wait3A_318 = tpu.memref_slice %arg3[%add3A_314] : memref<8388608xi32, #tpu.memory_space<hbm>> -> memref<16384xi32, #tpu.memory_space<hbm>>
    tpu.wait_dma2 semaphore(%arg15 : memref<!tpu.dma_semaphore, #tpu.memory_space<semaphore_mem>>) src(%dma_wait3A_318 : memref<16384xi32, #tpu.memory_space<hbm>>) dst(%arg10 : memref<16384xi32, #tpu.memory_space<vmem>>)
    %parallel_loop3A_319 = arith.constant 0 : i32
    %parallel_loop3A_320 = arith.constant 1024 : i32
    %parallel_loop3A_321 = arith.constant 1 : i32
    scf.for %parallel_loop3A_430 = %parallel_loop3A_319 to %parallel_loop3A_320 step %parallel_loop3A_321  : i32 {
      %parallel_loop3A_431 = arith.constant 16 : i32
      %parallel_loop3A_432 = arith.muli %parallel_loop3A_430, %parallel_loop3A_431 : i32
      %parallel_loop3A_433 = arith.index_cast %parallel_loop3A_432 : i32 to index
      %parallel_loop3A_434 = tpu.vector_load %arg7[%parallel_loop3A_433] {strides = array<i32>} : memref<16384xf32, #tpu.memory_space<vmem>>, vector<16xf32>,
      %parallel_loop3A_435 = arith.index_cast %parallel_loop3A_432 : i32 to index
      %parallel_loop3A_436 = tpu.vector_load %arg10[%parallel_loop3A_435] {strides = array<i32>} : memref<16384xi32, #tpu.memory_space<vmem>>, vector<16xi32>,
      %parallel_loop3A_437 = arith.constant 9.99999904 : f32
      %parallel_loop3A_438 = vector.broadcast %parallel_loop3A_437 : f32 to vector<16xf32>
      %parallel_loop3A_439 = arith.mulf %parallel_loop3A_434, %parallel_loop3A_438 : vector<16xf32>
      %parallel_loop3A_440 = arith.fptosi %parallel_loop3A_439 : vector<16xf32> to vector<16xi32>
      %parallel_loop3A_441 = arith.constant 0.900000035 : f32
      %parallel_loop3A_442 = vector.broadcast %parallel_loop3A_441 : f32 to vector<16xf32>
      %parallel_loop3A_443 = arith.cmpf oeq, %parallel_loop3A_434, %parallel_loop3A_442 : vector<16xf32>
      %parallel_loop3A_444 = arith.constant 1 : i32
      %parallel_loop3A_445 = arith.constant 0 : i32
      %parallel_loop3A_446 = vector.broadcast %parallel_loop3A_444 : i32 to vector<16xi32>
      %parallel_loop3A_447 = vector.broadcast %parallel_loop3A_445 : i32 to vector<16xi32>
      %parallel_loop3A_448 = arith.select %parallel_loop3A_443, %parallel_loop3A_446, %parallel_loop3A_447 : vector<16xi1>, vector<16xi32>
      %parallel_loop3A_449 = arith.addi %parallel_loop3A_440, %parallel_loop3A_448 : vector<16xi32>
      %parallel_loop3A_450 = arith.constant 0.000000e+00 : f32
      %parallel_loop3A_451 = vector.broadcast %parallel_loop3A_450 : f32 to vector<16xf32>
      %parallel_loop3A_452 = arith.cmpf ogt, %parallel_loop3A_434, %parallel_loop3A_451 : vector<16xf32>
      %parallel_loop3A_453 = arith.constant 65536 : i32
      %parallel_loop3A_454 = vector.broadcast %parallel_loop3A_453 : i32 to vector<16xi32>
      %parallel_loop3A_455 = arith.addi %parallel_loop3A_436, %parallel_loop3A_454 : vector<16xi32>
      tpu.vector_store_idx %arg12[%parallel_loop3A_449, %iota3A], %parallel_loop3A_434 masked %parallel_loop3A_452 {add = true} : memref<16x16xf32, #tpu.memory_space<vmem>>[vector<16xi32>, vector<16xi32>], vector<16xf32>, vector<16xi1>
      tpu.vector_store_idx %arg13[%parallel_loop3A_449, %iota3A], %parallel_loop3A_455 masked %parallel_loop3A_452 {add = true} : memref<16x16xi32, #tpu.memory_space<vmem>>[vector<16xi32>, vector<16xi32>], vector<16xi32>, vector<16xi1>
    } {sc.loop_unroll_factor = 8 : i64, sc.parallel_access}
    %add3A_322 = arith.constant 163840 : i32
    %add3A_323 = arith.addi %multiple_of3A, %add3A_322 : i32
    %dma_start3A_324 = tpu.memref_slice %arg2[%add3A_323] : memref<8388608xf32, #tpu.memory_space<hbm>> -> memref<16384xf32, #tpu.memory_space<hbm>>
    %dma_start3A_325 = tpu.memref_slice %arg2[%add3A_323] : memref<8388608xf32, #tpu.memory_space<hbm>> -> memref<16384xf32, #tpu.memory_space<hbm>>
    tpu.enqueue_dma source(%dma_start3A_325 : memref<16384xf32, #tpu.memory_space<hbm>>) target(%arg7 : memref<16384xf32, #tpu.memory_space<vmem>>) target_semaphore(%arg15 : memref<!tpu.dma_semaphore, #tpu.memory_space<semaphore_mem>>)
    %dma_start3A_326 = tpu.memref_slice %arg3[%add3A_323] : memref<8388608xi32, #tpu.memory_space<hbm>> -> memref<16384xi32, #tpu.memory_space<hbm>>
    %dma_start3A_327 = tpu.memref_slice %arg3[%add3A_323] : memref<8388608xi32, #tpu.memory_space<hbm>> -> memref<16384xi32, #tpu.memory_space<hbm>>
    tpu.enqueue_dma source(%dma_start3A_327 : memref<16384xi32, #tpu.memory_space<hbm>>) target(%arg10 : memref<16384xi32, #tpu.memory_space<vmem>>) target_semaphore(%arg15 : memref<!tpu.dma_semaphore, #tpu.memory_space<semaphore_mem>>)
    %add3A_328 = arith.constant 131072 : i32
    %add3A_329 = arith.addi %multiple_of3A, %add3A_328 : i32
    %dma_wait3A_330 = tpu.memref_slice %arg2[%add3A_329] : memref<8388608xf32, #tpu.memory_space<hbm>> -> memref<16384xf32, #tpu.memory_space<hbm>>
    %dma_wait3A_331 = tpu.memref_slice %arg2[%add3A_329] : memref<8388608xf32, #tpu.memory_space<hbm>> -> memref<16384xf32, #tpu.memory_space<hbm>>
    tpu.wait_dma2 semaphore(%arg16 : memref<!tpu.dma_semaphore, #tpu.memory_space<semaphore_mem>>) src(%dma_wait3A_331 : memref<16384xf32, #tpu.memory_space<hbm>>) dst(%arg8 : memref<16384xf32, #tpu.memory_space<vmem>>)
    %dma_wait3A_332 = tpu.memref_slice %arg3[%add3A_329] : memref<8388608xi32, #tpu.memory_space<hbm>> -> memref<16384xi32, #tpu.memory_space<hbm>>
    %dma_wait3A_333 = tpu.memref_slice %arg3[%add3A_329] : memref<8388608xi32, #tpu.memory_space<hbm>> -> memref<16384xi32, #tpu.memory_space<hbm>>
    tpu.wait_dma2 semaphore(%arg16 : memref<!tpu.dma_semaphore, #tpu.memory_space<semaphore_mem>>) src(%dma_wait3A_333 : memref<16384xi32, #tpu.memory_space<hbm>>) dst(%arg11 : memref<16384xi32, #tpu.memory_space<vmem>>)
    %parallel_loop3A_334 = arith.constant 0 : i32
    %parallel_loop3A_335 = arith.constant 1024 : i32
    %parallel_loop3A_336 = arith.constant 1 : i32
    scf.for %parallel_loop3A_430 = %parallel_loop3A_334 to %parallel_loop3A_335 step %parallel_loop3A_336  : i32 {
      %parallel_loop3A_431 = arith.constant 16 : i32
      %parallel_loop3A_432 = arith.muli %parallel_loop3A_430, %parallel_loop3A_431 : i32
      %parallel_loop3A_433 = arith.index_cast %parallel_loop3A_432 : i32 to index
      %parallel_loop3A_434 = tpu.vector_load %arg8[%parallel_loop3A_433] {strides = array<i32>} : memref<16384xf32, #tpu.memory_space<vmem>>, vector<16xf32>,
      %parallel_loop3A_435 = arith.index_cast %parallel_loop3A_432 : i32 to index
      %parallel_loop3A_436 = tpu.vector_load %arg11[%parallel_loop3A_435] {strides = array<i32>} : memref<16384xi32, #tpu.memory_space<vmem>>, vector<16xi32>,
      %parallel_loop3A_437 = arith.constant 9.99999904 : f32
      %parallel_loop3A_438 = vector.broadcast %parallel_loop3A_437 : f32 to vector<16xf32>
      %parallel_loop3A_439 = arith.mulf %parallel_loop3A_434, %parallel_loop3A_438 : vector<16xf32>
      %parallel_loop3A_440 = arith.fptosi %parallel_loop3A_439 : vector<16xf32> to vector<16xi32>
      %parallel_loop3A_441 = arith.constant 0.900000035 : f32
      %parallel_loop3A_442 = vector.broadcast %parallel_loop3A_441 : f32 to vector<16xf32>
      %parallel_loop3A_443 = arith.cmpf oeq, %parallel_loop3A_434, %parallel_loop3A_442 : vector<16xf32>
      %parallel_loop3A_444 = arith.constant 1 : i32
      %parallel_loop3A_445 = arith.constant 0 : i32
      %parallel_loop3A_446 = vector.broadcast %parallel_loop3A_444 : i32 to vector<16xi32>
      %parallel_loop3A_447 = vector.broadcast %parallel_loop3A_445 : i32 to vector<16xi32>
      %parallel_loop3A_448 = arith.select %parallel_loop3A_443, %parallel_loop3A_446, %parallel_loop3A_447 : vector<16xi1>, vector<16xi32>
      %parallel_loop3A_449 = arith.addi %parallel_loop3A_440, %parallel_loop3A_448 : vector<16xi32>
      %parallel_loop3A_450 = arith.constant 0.000000e+00 : f32
      %parallel_loop3A_451 = vector.broadcast %parallel_loop3A_450 : f32 to vector<16xf32>
      %parallel_loop3A_452 = arith.cmpf ogt, %parallel_loop3A_434, %parallel_loop3A_451 : vector<16xf32>
      %parallel_loop3A_453 = arith.constant 65536 : i32
      %parallel_loop3A_454 = vector.broadcast %parallel_loop3A_453 : i32 to vector<16xi32>
      %parallel_loop3A_455 = arith.addi %parallel_loop3A_436, %parallel_loop3A_454 : vector<16xi32>
      tpu.vector_store_idx %arg12[%parallel_loop3A_449, %iota3A], %parallel_loop3A_434 masked %parallel_loop3A_452 {add = true} : memref<16x16xf32, #tpu.memory_space<vmem>>[vector<16xi32>, vector<16xi32>], vector<16xf32>, vector<16xi1>
      tpu.vector_store_idx %arg13[%parallel_loop3A_449, %iota3A], %parallel_loop3A_455 masked %parallel_loop3A_452 {add = true} : memref<16x16xi32, #tpu.memory_space<vmem>>[vector<16xi32>, vector<16xi32>], vector<16xi32>, vector<16xi1>
    } {sc.loop_unroll_factor = 8 : i64, sc.parallel_access}
    %add3A_337 = arith.constant 180224 : i32
    %add3A_338 = arith.addi %multiple_of3A, %add3A_337 : i32
    %dma_start3A_339 = tpu.memref_slice %arg2[%add3A_338] : memref<8388608xf32, #tpu.memory_space<hbm>> -> memref<16384xf32, #tpu.memory_space<hbm>>
    %dma_start3A_340 = tpu.memref_slice %arg2[%add3A_338] : memref<8388608xf32, #tpu.memory_space<hbm>> -> memref<16384xf32, #tpu.memory_space<hbm>>
    tpu.enqueue_dma source(%dma_start3A_340 : memref<16384xf32, #tpu.memory_space<hbm>>) target(%arg8 : memref<16384xf32, #tpu.memory_space<vmem>>) target_semaphore(%arg16 : memref<!tpu.dma_semaphore, #tpu.memory_space<semaphore_mem>>)
    %dma_start3A_341 = tpu.memref_slice %arg3[%add3A_338] : memref<8388608xi32, #tpu.memory_space<hbm>> -> memref<16384xi32, #tpu.memory_space<hbm>>
    %dma_start3A_342 = tpu.memref_slice %arg3[%add3A_338] : memref<8388608xi32, #tpu.memory_space<hbm>> -> memref<16384xi32, #tpu.memory_space<hbm>>
    tpu.enqueue_dma source(%dma_start3A_342 : memref<16384xi32, #tpu.memory_space<hbm>>) target(%arg11 : memref<16384xi32, #tpu.memory_space<vmem>>) target_semaphore(%arg16 : memref<!tpu.dma_semaphore, #tpu.memory_space<semaphore_mem>>)
    %add3A_343 = arith.constant 147456 : i32
    %add3A_344 = arith.addi %multiple_of3A, %add3A_343 : i32
    %dma_wait3A_345 = tpu.memref_slice %arg2[%add3A_344] : memref<8388608xf32, #tpu.memory_space<hbm>> -> memref<16384xf32, #tpu.memory_space<hbm>>
    %dma_wait3A_346 = tpu.memref_slice %arg2[%add3A_344] : memref<8388608xf32, #tpu.memory_space<hbm>> -> memref<16384xf32, #tpu.memory_space<hbm>>
    tpu.wait_dma2 semaphore(%arg14 : memref<!tpu.dma_semaphore, #tpu.memory_space<semaphore_mem>>) src(%dma_wait3A_346 : memref<16384xf32, #tpu.memory_space<hbm>>) dst(%arg6 : memref<16384xf32, #tpu.memory_space<vmem>>)
    %dma_wait3A_347 = tpu.memref_slice %arg3[%add3A_344] : memref<8388608xi32, #tpu.memory_space<hbm>> -> memref<16384xi32, #tpu.memory_space<hbm>>
    %dma_wait3A_348 = tpu.memref_slice %arg3[%add3A_344] : memref<8388608xi32, #tpu.memory_space<hbm>> -> memref<16384xi32, #tpu.memory_space<hbm>>
    tpu.wait_dma2 semaphore(%arg14 : memref<!tpu.dma_semaphore, #tpu.memory_space<semaphore_mem>>) src(%dma_wait3A_348 : memref<16384xi32, #tpu.memory_space<hbm>>) dst(%arg9 : memref<16384xi32, #tpu.memory_space<vmem>>)
    %parallel_loop3A_349 = arith.constant 0 : i32
    %parallel_loop3A_350 = arith.constant 1024 : i32
    %parallel_loop3A_351 = arith.constant 1 : i32
    scf.for %parallel_loop3A_430 = %parallel_loop3A_349 to %parallel_loop3A_350 step %parallel_loop3A_351  : i32 {
      %parallel_loop3A_431 = arith.constant 16 : i32
      %parallel_loop3A_432 = arith.muli %parallel_loop3A_430, %parallel_loop3A_431 : i32
      %parallel_loop3A_433 = arith.index_cast %parallel_loop3A_432 : i32 to index
      %parallel_loop3A_434 = tpu.vector_load %arg6[%parallel_loop3A_433] {strides = array<i32>} : memref<16384xf32, #tpu.memory_space<vmem>>, vector<16xf32>,
      %parallel_loop3A_435 = arith.index_cast %parallel_loop3A_432 : i32 to index
      %parallel_loop3A_436 = tpu.vector_load %arg9[%parallel_loop3A_435] {strides = array<i32>} : memref<16384xi32, #tpu.memory_space<vmem>>, vector<16xi32>,
      %parallel_loop3A_437 = arith.constant 9.99999904 : f32
      %parallel_loop3A_438 = vector.broadcast %parallel_loop3A_437 : f32 to vector<16xf32>
      %parallel_loop3A_439 = arith.mulf %parallel_loop3A_434, %parallel_loop3A_438 : vector<16xf32>
      %parallel_loop3A_440 = arith.fptosi %parallel_loop3A_439 : vector<16xf32> to vector<16xi32>
      %parallel_loop3A_441 = arith.constant 0.900000035 : f32
      %parallel_loop3A_442 = vector.broadcast %parallel_loop3A_441 : f32 to vector<16xf32>
      %parallel_loop3A_443 = arith.cmpf oeq, %parallel_loop3A_434, %parallel_loop3A_442 : vector<16xf32>
      %parallel_loop3A_444 = arith.constant 1 : i32
      %parallel_loop3A_445 = arith.constant 0 : i32
      %parallel_loop3A_446 = vector.broadcast %parallel_loop3A_444 : i32 to vector<16xi32>
      %parallel_loop3A_447 = vector.broadcast %parallel_loop3A_445 : i32 to vector<16xi32>
      %parallel_loop3A_448 = arith.select %parallel_loop3A_443, %parallel_loop3A_446, %parallel_loop3A_447 : vector<16xi1>, vector<16xi32>
      %parallel_loop3A_449 = arith.addi %parallel_loop3A_440, %parallel_loop3A_448 : vector<16xi32>
      %parallel_loop3A_450 = arith.constant 0.000000e+00 : f32
      %parallel_loop3A_451 = vector.broadcast %parallel_loop3A_450 : f32 to vector<16xf32>
      %parallel_loop3A_452 = arith.cmpf ogt, %parallel_loop3A_434, %parallel_loop3A_451 : vector<16xf32>
      %parallel_loop3A_453 = arith.constant 65536 : i32
      %parallel_loop3A_454 = vector.broadcast %parallel_loop3A_453 : i32 to vector<16xi32>
      %parallel_loop3A_455 = arith.addi %parallel_loop3A_436, %parallel_loop3A_454 : vector<16xi32>
      tpu.vector_store_idx %arg12[%parallel_loop3A_449, %iota3A], %parallel_loop3A_434 masked %parallel_loop3A_452 {add = true} : memref<16x16xf32, #tpu.memory_space<vmem>>[vector<16xi32>, vector<16xi32>], vector<16xf32>, vector<16xi1>
      tpu.vector_store_idx %arg13[%parallel_loop3A_449, %iota3A], %parallel_loop3A_455 masked %parallel_loop3A_452 {add = true} : memref<16x16xi32, #tpu.memory_space<vmem>>[vector<16xi32>, vector<16xi32>], vector<16xi32>, vector<16xi1>
    } {sc.loop_unroll_factor = 8 : i64, sc.parallel_access}
    %add3A_352 = arith.constant 196608 : i32
    %add3A_353 = arith.addi %multiple_of3A, %add3A_352 : i32
    %dma_start3A_354 = tpu.memref_slice %arg2[%add3A_353] : memref<8388608xf32, #tpu.memory_space<hbm>> -> memref<16384xf32, #tpu.memory_space<hbm>>
    %dma_start3A_355 = tpu.memref_slice %arg2[%add3A_353] : memref<8388608xf32, #tpu.memory_space<hbm>> -> memref<16384xf32, #tpu.memory_space<hbm>>
    tpu.enqueue_dma source(%dma_start3A_355 : memref<16384xf32, #tpu.memory_space<hbm>>) target(%arg6 : memref<16384xf32, #tpu.memory_space<vmem>>) target_semaphore(%arg14 : memref<!tpu.dma_semaphore, #tpu.memory_space<semaphore_mem>>)
    %dma_start3A_356 = tpu.memref_slice %arg3[%add3A_353] : memref<8388608xi32, #tpu.memory_space<hbm>> -> memref<16384xi32, #tpu.memory_space<hbm>>
    %dma_start3A_357 = tpu.memref_slice %arg3[%add3A_353] : memref<8388608xi32, #tpu.memory_space<hbm>> -> memref<16384xi32, #tpu.memory_space<hbm>>
    tpu.enqueue_dma source(%dma_start3A_357 : memref<16384xi32, #tpu.memory_space<hbm>>) target(%arg9 : memref<16384xi32, #tpu.memory_space<vmem>>) target_semaphore(%arg14 : memref<!tpu.dma_semaphore, #tpu.memory_space<semaphore_mem>>)
    %add3A_358 = arith.constant 163840 : i32
    %add3A_359 = arith.addi %multiple_of3A, %add3A_358 : i32
    %dma_wait3A_360 = tpu.memref_slice %arg2[%add3A_359] : memref<8388608xf32, #tpu.memory_space<hbm>> -> memref<16384xf32, #tpu.memory_space<hbm>>
    %dma_wait3A_361 = tpu.memref_slice %arg2[%add3A_359] : memref<8388608xf32, #tpu.memory_space<hbm>> -> memref<16384xf32, #tpu.memory_space<hbm>>
    tpu.wait_dma2 semaphore(%arg15 : memref<!tpu.dma_semaphore, #tpu.memory_space<semaphore_mem>>) src(%dma_wait3A_361 : memref<16384xf32, #tpu.memory_space<hbm>>) dst(%arg7 : memref<16384xf32, #tpu.memory_space<vmem>>)
    %dma_wait3A_362 = tpu.memref_slice %arg3[%add3A_359] : memref<8388608xi32, #tpu.memory_space<hbm>> -> memref<16384xi32, #tpu.memory_space<hbm>>
    %dma_wait3A_363 = tpu.memref_slice %arg3[%add3A_359] : memref<8388608xi32, #tpu.memory_space<hbm>> -> memref<16384xi32, #tpu.memory_space<hbm>>
    tpu.wait_dma2 semaphore(%arg15 : memref<!tpu.dma_semaphore, #tpu.memory_space<semaphore_mem>>) src(%dma_wait3A_363 : memref<16384xi32, #tpu.memory_space<hbm>>) dst(%arg10 : memref<16384xi32, #tpu.memory_space<vmem>>)
    %parallel_loop3A_364 = arith.constant 0 : i32
    %parallel_loop3A_365 = arith.constant 1024 : i32
    %parallel_loop3A_366 = arith.constant 1 : i32
    scf.for %parallel_loop3A_430 = %parallel_loop3A_364 to %parallel_loop3A_365 step %parallel_loop3A_366  : i32 {
      %parallel_loop3A_431 = arith.constant 16 : i32
      %parallel_loop3A_432 = arith.muli %parallel_loop3A_430, %parallel_loop3A_431 : i32
      %parallel_loop3A_433 = arith.index_cast %parallel_loop3A_432 : i32 to index
      %parallel_loop3A_434 = tpu.vector_load %arg7[%parallel_loop3A_433] {strides = array<i32>} : memref<16384xf32, #tpu.memory_space<vmem>>, vector<16xf32>,
      %parallel_loop3A_435 = arith.index_cast %parallel_loop3A_432 : i32 to index
      %parallel_loop3A_436 = tpu.vector_load %arg10[%parallel_loop3A_435] {strides = array<i32>} : memref<16384xi32, #tpu.memory_space<vmem>>, vector<16xi32>,
      %parallel_loop3A_437 = arith.constant 9.99999904 : f32
      %parallel_loop3A_438 = vector.broadcast %parallel_loop3A_437 : f32 to vector<16xf32>
      %parallel_loop3A_439 = arith.mulf %parallel_loop3A_434, %parallel_loop3A_438 : vector<16xf32>
      %parallel_loop3A_440 = arith.fptosi %parallel_loop3A_439 : vector<16xf32> to vector<16xi32>
      %parallel_loop3A_441 = arith.constant 0.900000035 : f32
      %parallel_loop3A_442 = vector.broadcast %parallel_loop3A_441 : f32 to vector<16xf32>
      %parallel_loop3A_443 = arith.cmpf oeq, %parallel_loop3A_434, %parallel_loop3A_442 : vector<16xf32>
      %parallel_loop3A_444 = arith.constant 1 : i32
      %parallel_loop3A_445 = arith.constant 0 : i32
      %parallel_loop3A_446 = vector.broadcast %parallel_loop3A_444 : i32 to vector<16xi32>
      %parallel_loop3A_447 = vector.broadcast %parallel_loop3A_445 : i32 to vector<16xi32>
      %parallel_loop3A_448 = arith.select %parallel_loop3A_443, %parallel_loop3A_446, %parallel_loop3A_447 : vector<16xi1>, vector<16xi32>
      %parallel_loop3A_449 = arith.addi %parallel_loop3A_440, %parallel_loop3A_448 : vector<16xi32>
      %parallel_loop3A_450 = arith.constant 0.000000e+00 : f32
      %parallel_loop3A_451 = vector.broadcast %parallel_loop3A_450 : f32 to vector<16xf32>
      %parallel_loop3A_452 = arith.cmpf ogt, %parallel_loop3A_434, %parallel_loop3A_451 : vector<16xf32>
      %parallel_loop3A_453 = arith.constant 65536 : i32
      %parallel_loop3A_454 = vector.broadcast %parallel_loop3A_453 : i32 to vector<16xi32>
      %parallel_loop3A_455 = arith.addi %parallel_loop3A_436, %parallel_loop3A_454 : vector<16xi32>
      tpu.vector_store_idx %arg12[%parallel_loop3A_449, %iota3A], %parallel_loop3A_434 masked %parallel_loop3A_452 {add = true} : memref<16x16xf32, #tpu.memory_space<vmem>>[vector<16xi32>, vector<16xi32>], vector<16xf32>, vector<16xi1>
      tpu.vector_store_idx %arg13[%parallel_loop3A_449, %iota3A], %parallel_loop3A_455 masked %parallel_loop3A_452 {add = true} : memref<16x16xi32, #tpu.memory_space<vmem>>[vector<16xi32>, vector<16xi32>], vector<16xi32>, vector<16xi1>
    } {sc.loop_unroll_factor = 8 : i64, sc.parallel_access}
    %add3A_367 = arith.constant 212992 : i32
    %add3A_368 = arith.addi %multiple_of3A, %add3A_367 : i32
    %dma_start3A_369 = tpu.memref_slice %arg2[%add3A_368] : memref<8388608xf32, #tpu.memory_space<hbm>> -> memref<16384xf32, #tpu.memory_space<hbm>>
    %dma_start3A_370 = tpu.memref_slice %arg2[%add3A_368] : memref<8388608xf32, #tpu.memory_space<hbm>> -> memref<16384xf32, #tpu.memory_space<hbm>>
    tpu.enqueue_dma source(%dma_start3A_370 : memref<16384xf32, #tpu.memory_space<hbm>>) target(%arg7 : memref<16384xf32, #tpu.memory_space<vmem>>) target_semaphore(%arg15 : memref<!tpu.dma_semaphore, #tpu.memory_space<semaphore_mem>>)
    %dma_start3A_371 = tpu.memref_slice %arg3[%add3A_368] : memref<8388608xi32, #tpu.memory_space<hbm>> -> memref<16384xi32, #tpu.memory_space<hbm>>
    %dma_start3A_372 = tpu.memref_slice %arg3[%add3A_368] : memref<8388608xi32, #tpu.memory_space<hbm>> -> memref<16384xi32, #tpu.memory_space<hbm>>
    tpu.enqueue_dma source(%dma_start3A_372 : memref<16384xi32, #tpu.memory_space<hbm>>) target(%arg10 : memref<16384xi32, #tpu.memory_space<vmem>>) target_semaphore(%arg15 : memref<!tpu.dma_semaphore, #tpu.memory_space<semaphore_mem>>)
    %add3A_373 = arith.constant 180224 : i32
    %add3A_374 = arith.addi %multiple_of3A, %add3A_373 : i32
    %dma_wait3A_375 = tpu.memref_slice %arg2[%add3A_374] : memref<8388608xf32, #tpu.memory_space<hbm>> -> memref<16384xf32, #tpu.memory_space<hbm>>
    %dma_wait3A_376 = tpu.memref_slice %arg2[%add3A_374] : memref<8388608xf32, #tpu.memory_space<hbm>> -> memref<16384xf32, #tpu.memory_space<hbm>>
    tpu.wait_dma2 semaphore(%arg16 : memref<!tpu.dma_semaphore, #tpu.memory_space<semaphore_mem>>) src(%dma_wait3A_376 : memref<16384xf32, #tpu.memory_space<hbm>>) dst(%arg8 : memref<16384xf32, #tpu.memory_space<vmem>>)
    %dma_wait3A_377 = tpu.memref_slice %arg3[%add3A_374] : memref<8388608xi32, #tpu.memory_space<hbm>> -> memref<16384xi32, #tpu.memory_space<hbm>>
    %dma_wait3A_378 = tpu.memref_slice %arg3[%add3A_374] : memref<8388608xi32, #tpu.memory_space<hbm>> -> memref<16384xi32, #tpu.memory_space<hbm>>
    tpu.wait_dma2 semaphore(%arg16 : memref<!tpu.dma_semaphore, #tpu.memory_space<semaphore_mem>>) src(%dma_wait3A_378 : memref<16384xi32, #tpu.memory_space<hbm>>) dst(%arg11 : memref<16384xi32, #tpu.memory_space<vmem>>)
    %parallel_loop3A_379 = arith.constant 0 : i32
    %parallel_loop3A_380 = arith.constant 1024 : i32
    %parallel_loop3A_381 = arith.constant 1 : i32
    scf.for %parallel_loop3A_430 = %parallel_loop3A_379 to %parallel_loop3A_380 step %parallel_loop3A_381  : i32 {
      %parallel_loop3A_431 = arith.constant 16 : i32
      %parallel_loop3A_432 = arith.muli %parallel_loop3A_430, %parallel_loop3A_431 : i32
      %parallel_loop3A_433 = arith.index_cast %parallel_loop3A_432 : i32 to index
      %parallel_loop3A_434 = tpu.vector_load %arg8[%parallel_loop3A_433] {strides = array<i32>} : memref<16384xf32, #tpu.memory_space<vmem>>, vector<16xf32>,
      %parallel_loop3A_435 = arith.index_cast %parallel_loop3A_432 : i32 to index
      %parallel_loop3A_436 = tpu.vector_load %arg11[%parallel_loop3A_435] {strides = array<i32>} : memref<16384xi32, #tpu.memory_space<vmem>>, vector<16xi32>,
      %parallel_loop3A_437 = arith.constant 9.99999904 : f32
      %parallel_loop3A_438 = vector.broadcast %parallel_loop3A_437 : f32 to vector<16xf32>
      %parallel_loop3A_439 = arith.mulf %parallel_loop3A_434, %parallel_loop3A_438 : vector<16xf32>
      %parallel_loop3A_440 = arith.fptosi %parallel_loop3A_439 : vector<16xf32> to vector<16xi32>
      %parallel_loop3A_441 = arith.constant 0.900000035 : f32
      %parallel_loop3A_442 = vector.broadcast %parallel_loop3A_441 : f32 to vector<16xf32>
      %parallel_loop3A_443 = arith.cmpf oeq, %parallel_loop3A_434, %parallel_loop3A_442 : vector<16xf32>
      %parallel_loop3A_444 = arith.constant 1 : i32
      %parallel_loop3A_445 = arith.constant 0 : i32
      %parallel_loop3A_446 = vector.broadcast %parallel_loop3A_444 : i32 to vector<16xi32>
      %parallel_loop3A_447 = vector.broadcast %parallel_loop3A_445 : i32 to vector<16xi32>
      %parallel_loop3A_448 = arith.select %parallel_loop3A_443, %parallel_loop3A_446, %parallel_loop3A_447 : vector<16xi1>, vector<16xi32>
      %parallel_loop3A_449 = arith.addi %parallel_loop3A_440, %parallel_loop3A_448 : vector<16xi32>
      %parallel_loop3A_450 = arith.constant 0.000000e+00 : f32
      %parallel_loop3A_451 = vector.broadcast %parallel_loop3A_450 : f32 to vector<16xf32>
      %parallel_loop3A_452 = arith.cmpf ogt, %parallel_loop3A_434, %parallel_loop3A_451 : vector<16xf32>
      %parallel_loop3A_453 = arith.constant 65536 : i32
      %parallel_loop3A_454 = vector.broadcast %parallel_loop3A_453 : i32 to vector<16xi32>
      %parallel_loop3A_455 = arith.addi %parallel_loop3A_436, %parallel_loop3A_454 : vector<16xi32>
      tpu.vector_store_idx %arg12[%parallel_loop3A_449, %iota3A], %parallel_loop3A_434 masked %parallel_loop3A_452 {add = true} : memref<16x16xf32, #tpu.memory_space<vmem>>[vector<16xi32>, vector<16xi32>], vector<16xf32>, vector<16xi1>
      tpu.vector_store_idx %arg13[%parallel_loop3A_449, %iota3A], %parallel_loop3A_455 masked %parallel_loop3A_452 {add = true} : memref<16x16xi32, #tpu.memory_space<vmem>>[vector<16xi32>, vector<16xi32>], vector<16xi32>, vector<16xi1>
    } {sc.loop_unroll_factor = 8 : i64, sc.parallel_access}
    %add3A_382 = arith.constant 229376 : i32
    %add3A_383 = arith.addi %multiple_of3A, %add3A_382 : i32
    %dma_start3A_384 = tpu.memref_slice %arg2[%add3A_383] : memref<8388608xf32, #tpu.memory_space<hbm>> -> memref<16384xf32, #tpu.memory_space<hbm>>
    %dma_start3A_385 = tpu.memref_slice %arg2[%add3A_383] : memref<8388608xf32, #tpu.memory_space<hbm>> -> memref<16384xf32, #tpu.memory_space<hbm>>
    tpu.enqueue_dma source(%dma_start3A_385 : memref<16384xf32, #tpu.memory_space<hbm>>) target(%arg8 : memref<16384xf32, #tpu.memory_space<vmem>>) target_semaphore(%arg16 : memref<!tpu.dma_semaphore, #tpu.memory_space<semaphore_mem>>)
    %dma_start3A_386 = tpu.memref_slice %arg3[%add3A_383] : memref<8388608xi32, #tpu.memory_space<hbm>> -> memref<16384xi32, #tpu.memory_space<hbm>>
    %dma_start3A_387 = tpu.memref_slice %arg3[%add3A_383] : memref<8388608xi32, #tpu.memory_space<hbm>> -> memref<16384xi32, #tpu.memory_space<hbm>>
    tpu.enqueue_dma source(%dma_start3A_387 : memref<16384xi32, #tpu.memory_space<hbm>>) target(%arg11 : memref<16384xi32, #tpu.memory_space<vmem>>) target_semaphore(%arg16 : memref<!tpu.dma_semaphore, #tpu.memory_space<semaphore_mem>>)
    %add3A_388 = arith.constant 196608 : i32
    %add3A_389 = arith.addi %multiple_of3A, %add3A_388 : i32
    %dma_wait3A_390 = tpu.memref_slice %arg2[%add3A_389] : memref<8388608xf32, #tpu.memory_space<hbm>> -> memref<16384xf32, #tpu.memory_space<hbm>>
    %dma_wait3A_391 = tpu.memref_slice %arg2[%add3A_389] : memref<8388608xf32, #tpu.memory_space<hbm>> -> memref<16384xf32, #tpu.memory_space<hbm>>
    tpu.wait_dma2 semaphore(%arg14 : memref<!tpu.dma_semaphore, #tpu.memory_space<semaphore_mem>>) src(%dma_wait3A_391 : memref<16384xf32, #tpu.memory_space<hbm>>) dst(%arg6 : memref<16384xf32, #tpu.memory_space<vmem>>)
    %dma_wait3A_392 = tpu.memref_slice %arg3[%add3A_389] : memref<8388608xi32, #tpu.memory_space<hbm>> -> memref<16384xi32, #tpu.memory_space<hbm>>
    %dma_wait3A_393 = tpu.memref_slice %arg3[%add3A_389] : memref<8388608xi32, #tpu.memory_space<hbm>> -> memref<16384xi32, #tpu.memory_space<hbm>>
    tpu.wait_dma2 semaphore(%arg14 : memref<!tpu.dma_semaphore, #tpu.memory_space<semaphore_mem>>) src(%dma_wait3A_393 : memref<16384xi32, #tpu.memory_space<hbm>>) dst(%arg9 : memref<16384xi32, #tpu.memory_space<vmem>>)
    %parallel_loop3A_394 = arith.constant 0 : i32
    %parallel_loop3A_395 = arith.constant 1024 : i32
    %parallel_loop3A_396 = arith.constant 1 : i32
    scf.for %parallel_loop3A_430 = %parallel_loop3A_394 to %parallel_loop3A_395 step %parallel_loop3A_396  : i32 {
      %parallel_loop3A_431 = arith.constant 16 : i32
      %parallel_loop3A_432 = arith.muli %parallel_loop3A_430, %parallel_loop3A_431 : i32
      %parallel_loop3A_433 = arith.index_cast %parallel_loop3A_432 : i32 to index
      %parallel_loop3A_434 = tpu.vector_load %arg6[%parallel_loop3A_433] {strides = array<i32>} : memref<16384xf32, #tpu.memory_space<vmem>>, vector<16xf32>,
      %parallel_loop3A_435 = arith.index_cast %parallel_loop3A_432 : i32 to index
      %parallel_loop3A_436 = tpu.vector_load %arg9[%parallel_loop3A_435] {strides = array<i32>} : memref<16384xi32, #tpu.memory_space<vmem>>, vector<16xi32>,
      %parallel_loop3A_437 = arith.constant 9.99999904 : f32
      %parallel_loop3A_438 = vector.broadcast %parallel_loop3A_437 : f32 to vector<16xf32>
      %parallel_loop3A_439 = arith.mulf %parallel_loop3A_434, %parallel_loop3A_438 : vector<16xf32>
      %parallel_loop3A_440 = arith.fptosi %parallel_loop3A_439 : vector<16xf32> to vector<16xi32>
      %parallel_loop3A_441 = arith.constant 0.900000035 : f32
      %parallel_loop3A_442 = vector.broadcast %parallel_loop3A_441 : f32 to vector<16xf32>
      %parallel_loop3A_443 = arith.cmpf oeq, %parallel_loop3A_434, %parallel_loop3A_442 : vector<16xf32>
      %parallel_loop3A_444 = arith.constant 1 : i32
      %parallel_loop3A_445 = arith.constant 0 : i32
      %parallel_loop3A_446 = vector.broadcast %parallel_loop3A_444 : i32 to vector<16xi32>
      %parallel_loop3A_447 = vector.broadcast %parallel_loop3A_445 : i32 to vector<16xi32>
      %parallel_loop3A_448 = arith.select %parallel_loop3A_443, %parallel_loop3A_446, %parallel_loop3A_447 : vector<16xi1>, vector<16xi32>
      %parallel_loop3A_449 = arith.addi %parallel_loop3A_440, %parallel_loop3A_448 : vector<16xi32>
      %parallel_loop3A_450 = arith.constant 0.000000e+00 : f32
      %parallel_loop3A_451 = vector.broadcast %parallel_loop3A_450 : f32 to vector<16xf32>
      %parallel_loop3A_452 = arith.cmpf ogt, %parallel_loop3A_434, %parallel_loop3A_451 : vector<16xf32>
      %parallel_loop3A_453 = arith.constant 65536 : i32
      %parallel_loop3A_454 = vector.broadcast %parallel_loop3A_453 : i32 to vector<16xi32>
      %parallel_loop3A_455 = arith.addi %parallel_loop3A_436, %parallel_loop3A_454 : vector<16xi32>
      tpu.vector_store_idx %arg12[%parallel_loop3A_449, %iota3A], %parallel_loop3A_434 masked %parallel_loop3A_452 {add = true} : memref<16x16xf32, #tpu.memory_space<vmem>>[vector<16xi32>, vector<16xi32>], vector<16xf32>, vector<16xi1>
      tpu.vector_store_idx %arg13[%parallel_loop3A_449, %iota3A], %parallel_loop3A_455 masked %parallel_loop3A_452 {add = true} : memref<16x16xi32, #tpu.memory_space<vmem>>[vector<16xi32>, vector<16xi32>], vector<16xi32>, vector<16xi1>
    } {sc.loop_unroll_factor = 8 : i64, sc.parallel_access}
    %add3A_397 = arith.constant 245760 : i32
    %add3A_398 = arith.addi %multiple_of3A, %add3A_397 : i32
    %dma_start3A_399 = tpu.memref_slice %arg2[%add3A_398] : memref<8388608xf32, #tpu.memory_space<hbm>> -> memref<16384xf32, #tpu.memory_space<hbm>>
    %dma_start3A_400 = tpu.memref_slice %arg2[%add3A_398] : memref<8388608xf32, #tpu.memory_space<hbm>> -> memref<16384xf32, #tpu.memory_space<hbm>>
    tpu.enqueue_dma source(%dma_start3A_400 : memref<16384xf32, #tpu.memory_space<hbm>>) target(%arg6 : memref<16384xf32, #tpu.memory_space<vmem>>) target_semaphore(%arg14 : memref<!tpu.dma_semaphore, #tpu.memory_space<semaphore_mem>>)
    %dma_start3A_401 = tpu.memref_slice %arg3[%add3A_398] : memref<8388608xi32, #tpu.memory_space<hbm>> -> memref<16384xi32, #tpu.memory_space<hbm>>
    %dma_start3A_402 = tpu.memref_slice %arg3[%add3A_398] : memref<8388608xi32, #tpu.memory_space<hbm>> -> memref<16384xi32, #tpu.memory_space<hbm>>
    tpu.enqueue_dma source(%dma_start3A_402 : memref<16384xi32, #tpu.memory_space<hbm>>) target(%arg9 : memref<16384xi32, #tpu.memory_space<vmem>>) target_semaphore(%arg14 : memref<!tpu.dma_semaphore, #tpu.memory_space<semaphore_mem>>)
    %add3A_403 = arith.constant 212992 : i32
    %add3A_404 = arith.addi %multiple_of3A, %add3A_403 : i32
    %dma_wait3A_405 = tpu.memref_slice %arg2[%add3A_404] : memref<8388608xf32, #tpu.memory_space<hbm>> -> memref<16384xf32, #tpu.memory_space<hbm>>
    %dma_wait3A_406 = tpu.memref_slice %arg2[%add3A_404] : memref<8388608xf32, #tpu.memory_space<hbm>> -> memref<16384xf32, #tpu.memory_space<hbm>>
    tpu.wait_dma2 semaphore(%arg15 : memref<!tpu.dma_semaphore, #tpu.memory_space<semaphore_mem>>) src(%dma_wait3A_406 : memref<16384xf32, #tpu.memory_space<hbm>>) dst(%arg7 : memref<16384xf32, #tpu.memory_space<vmem>>)
    %dma_wait3A_407 = tpu.memref_slice %arg3[%add3A_404] : memref<8388608xi32, #tpu.memory_space<hbm>> -> memref<16384xi32, #tpu.memory_space<hbm>>
    %dma_wait3A_408 = tpu.memref_slice %arg3[%add3A_404] : memref<8388608xi32, #tpu.memory_space<hbm>> -> memref<16384xi32, #tpu.memory_space<hbm>>
    tpu.wait_dma2 semaphore(%arg15 : memref<!tpu.dma_semaphore, #tpu.memory_space<semaphore_mem>>) src(%dma_wait3A_408 : memref<16384xi32, #tpu.memory_space<hbm>>) dst(%arg10 : memref<16384xi32, #tpu.memory_space<vmem>>)
    %parallel_loop3A_409 = arith.constant 0 : i32
    %parallel_loop3A_410 = arith.constant 1024 : i32
    %parallel_loop3A_411 = arith.constant 1 : i32
    scf.for %parallel_loop3A_430 = %parallel_loop3A_409 to %parallel_loop3A_410 step %parallel_loop3A_411  : i32 {
      %parallel_loop3A_431 = arith.constant 16 : i32
      %parallel_loop3A_432 = arith.muli %parallel_loop3A_430, %parallel_loop3A_431 : i32
      %parallel_loop3A_433 = arith.index_cast %parallel_loop3A_432 : i32 to index
      %parallel_loop3A_434 = tpu.vector_load %arg7[%parallel_loop3A_433] {strides = array<i32>} : memref<16384xf32, #tpu.memory_space<vmem>>, vector<16xf32>,
      %parallel_loop3A_435 = arith.index_cast %parallel_loop3A_432 : i32 to index
      %parallel_loop3A_436 = tpu.vector_load %arg10[%parallel_loop3A_435] {strides = array<i32>} : memref<16384xi32, #tpu.memory_space<vmem>>, vector<16xi32>,
      %parallel_loop3A_437 = arith.constant 9.99999904 : f32
      %parallel_loop3A_438 = vector.broadcast %parallel_loop3A_437 : f32 to vector<16xf32>
      %parallel_loop3A_439 = arith.mulf %parallel_loop3A_434, %parallel_loop3A_438 : vector<16xf32>
      %parallel_loop3A_440 = arith.fptosi %parallel_loop3A_439 : vector<16xf32> to vector<16xi32>
      %parallel_loop3A_441 = arith.constant 0.900000035 : f32
      %parallel_loop3A_442 = vector.broadcast %parallel_loop3A_441 : f32 to vector<16xf32>
      %parallel_loop3A_443 = arith.cmpf oeq, %parallel_loop3A_434, %parallel_loop3A_442 : vector<16xf32>
      %parallel_loop3A_444 = arith.constant 1 : i32
      %parallel_loop3A_445 = arith.constant 0 : i32
      %parallel_loop3A_446 = vector.broadcast %parallel_loop3A_444 : i32 to vector<16xi32>
      %parallel_loop3A_447 = vector.broadcast %parallel_loop3A_445 : i32 to vector<16xi32>
      %parallel_loop3A_448 = arith.select %parallel_loop3A_443, %parallel_loop3A_446, %parallel_loop3A_447 : vector<16xi1>, vector<16xi32>
      %parallel_loop3A_449 = arith.addi %parallel_loop3A_440, %parallel_loop3A_448 : vector<16xi32>
      %parallel_loop3A_450 = arith.constant 0.000000e+00 : f32
      %parallel_loop3A_451 = vector.broadcast %parallel_loop3A_450 : f32 to vector<16xf32>
      %parallel_loop3A_452 = arith.cmpf ogt, %parallel_loop3A_434, %parallel_loop3A_451 : vector<16xf32>
      %parallel_loop3A_453 = arith.constant 65536 : i32
      %parallel_loop3A_454 = vector.broadcast %parallel_loop3A_453 : i32 to vector<16xi32>
      %parallel_loop3A_455 = arith.addi %parallel_loop3A_436, %parallel_loop3A_454 : vector<16xi32>
      tpu.vector_store_idx %arg12[%parallel_loop3A_449, %iota3A], %parallel_loop3A_434 masked %parallel_loop3A_452 {add = true} : memref<16x16xf32, #tpu.memory_space<vmem>>[vector<16xi32>, vector<16xi32>], vector<16xf32>, vector<16xi1>
      tpu.vector_store_idx %arg13[%parallel_loop3A_449, %iota3A], %parallel_loop3A_455 masked %parallel_loop3A_452 {add = true} : memref<16x16xi32, #tpu.memory_space<vmem>>[vector<16xi32>, vector<16xi32>], vector<16xi32>, vector<16xi1>
    } {sc.loop_unroll_factor = 8 : i64, sc.parallel_access}
    %add3A_412 = arith.constant 229376 : i32
    %add3A_413 = arith.addi %multiple_of3A, %add3A_412 : i32
    %dma_wait3A_414 = tpu.memref_slice %arg2[%add3A_413] : memref<8388608xf32, #tpu.memory_space<hbm>> -> memref<16384xf32, #tpu.memory_space<hbm>>
    %dma_wait3A_415 = tpu.memref_slice %arg2[%add3A_413] : memref<8388608xf32, #tpu.memory_space<hbm>> -> memref<16384xf32, #tpu.memory_space<hbm>>
    tpu.wait_dma2 semaphore(%arg16 : memref<!tpu.dma_semaphore, #tpu.memory_space<semaphore_mem>>) src(%dma_wait3A_415 : memref<16384xf32, #tpu.memory_space<hbm>>) dst(%arg8 : memref<16384xf32, #tpu.memory_space<vmem>>)
    %dma_wait3A_416 = tpu.memref_slice %arg3[%add3A_413] : memref<8388608xi32, #tpu.memory_space<hbm>> -> memref<16384xi32, #tpu.memory_space<hbm>>
    %dma_wait3A_417 = tpu.memref_slice %arg3[%add3A_413] : memref<8388608xi32, #tpu.memory_space<hbm>> -> memref<16384xi32, #tpu.memory_space<hbm>>
    tpu.wait_dma2 semaphore(%arg16 : memref<!tpu.dma_semaphore, #tpu.memory_space<semaphore_mem>>) src(%dma_wait3A_417 : memref<16384xi32, #tpu.memory_space<hbm>>) dst(%arg11 : memref<16384xi32, #tpu.memory_space<vmem>>)
    %parallel_loop3A_418 = arith.constant 0 : i32
    %parallel_loop3A_419 = arith.constant 1024 : i32
    %parallel_loop3A_420 = arith.constant 1 : i32
    scf.for %parallel_loop3A_430 = %parallel_loop3A_418 to %parallel_loop3A_419 step %parallel_loop3A_420  : i32 {
      %parallel_loop3A_431 = arith.constant 16 : i32
      %parallel_loop3A_432 = arith.muli %parallel_loop3A_430, %parallel_loop3A_431 : i32
      %parallel_loop3A_433 = arith.index_cast %parallel_loop3A_432 : i32 to index
      %parallel_loop3A_434 = tpu.vector_load %arg8[%parallel_loop3A_433] {strides = array<i32>} : memref<16384xf32, #tpu.memory_space<vmem>>, vector<16xf32>,
      %parallel_loop3A_435 = arith.index_cast %parallel_loop3A_432 : i32 to index
      %parallel_loop3A_436 = tpu.vector_load %arg11[%parallel_loop3A_435] {strides = array<i32>} : memref<16384xi32, #tpu.memory_space<vmem>>, vector<16xi32>,
      %parallel_loop3A_437 = arith.constant 9.99999904 : f32
      %parallel_loop3A_438 = vector.broadcast %parallel_loop3A_437 : f32 to vector<16xf32>
      %parallel_loop3A_439 = arith.mulf %parallel_loop3A_434, %parallel_loop3A_438 : vector<16xf32>
      %parallel_loop3A_440 = arith.fptosi %parallel_loop3A_439 : vector<16xf32> to vector<16xi32>
      %parallel_loop3A_441 = arith.constant 0.900000035 : f32
      %parallel_loop3A_442 = vector.broadcast %parallel_loop3A_441 : f32 to vector<16xf32>
      %parallel_loop3A_443 = arith.cmpf oeq, %parallel_loop3A_434, %parallel_loop3A_442 : vector<16xf32>
      %parallel_loop3A_444 = arith.constant 1 : i32
      %parallel_loop3A_445 = arith.constant 0 : i32
      %parallel_loop3A_446 = vector.broadcast %parallel_loop3A_444 : i32 to vector<16xi32>
      %parallel_loop3A_447 = vector.broadcast %parallel_loop3A_445 : i32 to vector<16xi32>
      %parallel_loop3A_448 = arith.select %parallel_loop3A_443, %parallel_loop3A_446, %parallel_loop3A_447 : vector<16xi1>, vector<16xi32>
      %parallel_loop3A_449 = arith.addi %parallel_loop3A_440, %parallel_loop3A_448 : vector<16xi32>
      %parallel_loop3A_450 = arith.constant 0.000000e+00 : f32
      %parallel_loop3A_451 = vector.broadcast %parallel_loop3A_450 : f32 to vector<16xf32>
      %parallel_loop3A_452 = arith.cmpf ogt, %parallel_loop3A_434, %parallel_loop3A_451 : vector<16xf32>
      %parallel_loop3A_453 = arith.constant 65536 : i32
      %parallel_loop3A_454 = vector.broadcast %parallel_loop3A_453 : i32 to vector<16xi32>
      %parallel_loop3A_455 = arith.addi %parallel_loop3A_436, %parallel_loop3A_454 : vector<16xi32>
      tpu.vector_store_idx %arg12[%parallel_loop3A_449, %iota3A], %parallel_loop3A_434 masked %parallel_loop3A_452 {add = true} : memref<16x16xf32, #tpu.memory_space<vmem>>[vector<16xi32>, vector<16xi32>], vector<16xf32>, vector<16xi1>
      tpu.vector_store_idx %arg13[%parallel_loop3A_449, %iota3A], %parallel_loop3A_455 masked %parallel_loop3A_452 {add = true} : memref<16x16xi32, #tpu.memory_space<vmem>>[vector<16xi32>, vector<16xi32>], vector<16xi32>, vector<16xi1>
    } {sc.loop_unroll_factor = 8 : i64, sc.parallel_access}
    %add3A_421 = arith.constant 245760 : i32
    %add3A_422 = arith.addi %multiple_of3A, %add3A_421 : i32
    %dma_wait3A_423 = tpu.memref_slice %arg2[%add3A_422] : memref<8388608xf32, #tpu.memory_space<hbm>> -> memref<16384xf32, #tpu.memory_space<hbm>>
    %dma_wait3A_424 = tpu.memref_slice %arg2[%add3A_422] : memref<8388608xf32, #tpu.memory_space<hbm>> -> memref<16384xf32, #tpu.memory_space<hbm>>
    tpu.wait_dma2 semaphore(%arg14 : memref<!tpu.dma_semaphore, #tpu.memory_space<semaphore_mem>>) src(%dma_wait3A_424 : memref<16384xf32, #tpu.memory_space<hbm>>) dst(%arg6 : memref<16384xf32, #tpu.memory_space<vmem>>)
    %dma_wait3A_425 = tpu.memref_slice %arg3[%add3A_422] : memref<8388608xi32, #tpu.memory_space<hbm>> -> memref<16384xi32, #tpu.memory_space<hbm>>
    %dma_wait3A_426 = tpu.memref_slice %arg3[%add3A_422] : memref<8388608xi32, #tpu.memory_space<hbm>> -> memref<16384xi32, #tpu.memory_space<hbm>>
    tpu.wait_dma2 semaphore(%arg14 : memref<!tpu.dma_semaphore, #tpu.memory_space<semaphore_mem>>) src(%dma_wait3A_426 : memref<16384xi32, #tpu.memory_space<hbm>>) dst(%arg9 : memref<16384xi32, #tpu.memory_space<vmem>>)
    %parallel_loop3A_427 = arith.constant 0 : i32
    %parallel_loop3A_428 = arith.constant 1024 : i32
    %parallel_loop3A_429 = arith.constant 1 : i32
    scf.for %parallel_loop3A_430 = %parallel_loop3A_427 to %parallel_loop3A_428 step %parallel_loop3A_429  : i32 {
      %parallel_loop3A_431 = arith.constant 16 : i32
      %parallel_loop3A_432 = arith.muli %parallel_loop3A_430, %parallel_loop3A_431 : i32
      %parallel_loop3A_433 = arith.index_cast %parallel_loop3A_432 : i32 to index
      %parallel_loop3A_434 = tpu.vector_load %arg6[%parallel_loop3A_433] {strides = array<i32>} : memref<16384xf32, #tpu.memory_space<vmem>>, vector<16xf32>,
      %parallel_loop3A_435 = arith.index_cast %parallel_loop3A_432 : i32 to index
      %parallel_loop3A_436 = tpu.vector_load %arg9[%parallel_loop3A_435] {strides = array<i32>} : memref<16384xi32, #tpu.memory_space<vmem>>, vector<16xi32>,
      %parallel_loop3A_437 = arith.constant 9.99999904 : f32
      %parallel_loop3A_438 = vector.broadcast %parallel_loop3A_437 : f32 to vector<16xf32>
      %parallel_loop3A_439 = arith.mulf %parallel_loop3A_434, %parallel_loop3A_438 : vector<16xf32>
      %parallel_loop3A_440 = arith.fptosi %parallel_loop3A_439 : vector<16xf32> to vector<16xi32>
      %parallel_loop3A_441 = arith.constant 0.900000035 : f32
      %parallel_loop3A_442 = vector.broadcast %parallel_loop3A_441 : f32 to vector<16xf32>
      %parallel_loop3A_443 = arith.cmpf oeq, %parallel_loop3A_434, %parallel_loop3A_442 : vector<16xf32>
      %parallel_loop3A_444 = arith.constant 1 : i32
      %parallel_loop3A_445 = arith.constant 0 : i32
      %parallel_loop3A_446 = vector.broadcast %parallel_loop3A_444 : i32 to vector<16xi32>
      %parallel_loop3A_447 = vector.broadcast %parallel_loop3A_445 : i32 to vector<16xi32>
      %parallel_loop3A_448 = arith.select %parallel_loop3A_443, %parallel_loop3A_446, %parallel_loop3A_447 : vector<16xi1>, vector<16xi32>
      %parallel_loop3A_449 = arith.addi %parallel_loop3A_440, %parallel_loop3A_448 : vector<16xi32>
      %parallel_loop3A_450 = arith.constant 0.000000e+00 : f32
      %parallel_loop3A_451 = vector.broadcast %parallel_loop3A_450 : f32 to vector<16xf32>
      %parallel_loop3A_452 = arith.cmpf ogt, %parallel_loop3A_434, %parallel_loop3A_451 : vector<16xf32>
      %parallel_loop3A_453 = arith.constant 65536 : i32
      %parallel_loop3A_454 = vector.broadcast %parallel_loop3A_453 : i32 to vector<16xi32>
      %parallel_loop3A_455 = arith.addi %parallel_loop3A_436, %parallel_loop3A_454 : vector<16xi32>
      tpu.vector_store_idx %arg12[%parallel_loop3A_449, %iota3A], %parallel_loop3A_434 masked %parallel_loop3A_452 {add = true} : memref<16x16xf32, #tpu.memory_space<vmem>>[vector<16xi32>, vector<16xi32>], vector<16xf32>, vector<16xi1>
      tpu.vector_store_idx %arg13[%parallel_loop3A_449, %iota3A], %parallel_loop3A_455 masked %parallel_loop3A_452 {add = true} : memref<16x16xi32, #tpu.memory_space<vmem>>[vector<16xi32>, vector<16xi32>], vector<16xi32>, vector<16xi1>
    } {sc.loop_unroll_factor = 8 : i64, sc.parallel_access}
    "tpu.region"() ({
      %run_scoped3A = tpu.sem_alloc : memref<!tpu.dma_semaphore, #tpu.memory_space<semaphore_mem>>
      %dma_start3A_430 = arith.constant 0 : i32
      %dma_start3A_431 = arith.constant 0 : i32
      %dma_start3A_432 = tpu.memref_slice %arg4[%add3A, %dma_start3A_430, %dma_start3A_431] : memref<32x16x16xf32, #tpu.memory_space<hbm>> -> memref<1x16x16xf32, #tpu.memory_space<hbm>>
      %dma_start3A_433 = tpu.memref_squeeze %dma_start3A_432 : memref<1x16x16xf32, #tpu.memory_space<hbm>> -> memref<16x16xf32, #tpu.memory_space<hbm>>
      %dma_start3A_434 = arith.constant 0 : i32
      %dma_start3A_435 = arith.constant 0 : i32
      %dma_start3A_436 = tpu.memref_slice %arg4[%add3A, %dma_start3A_434, %dma_start3A_435] : memref<32x16x16xf32, #tpu.memory_space<hbm>> -> memref<1x16x16xf32, #tpu.memory_space<hbm>>
      %dma_start3A_437 = tpu.memref_squeeze %dma_start3A_436 : memref<1x16x16xf32, #tpu.memory_space<hbm>> -> memref<16x16xf32, #tpu.memory_space<hbm>>
      tpu.enqueue_dma source(%arg12 : memref<16x16xf32, #tpu.memory_space<vmem>>) target(%dma_start3A_437 : memref<16x16xf32, #tpu.memory_space<hbm>>) target_semaphore(%run_scoped3A : memref<!tpu.dma_semaphore, #tpu.memory_space<semaphore_mem>>)
      %dma_wait3A_438 = arith.constant 0 : i32
      %dma_wait3A_439 = arith.constant 0 : i32
      %dma_wait3A_440 = tpu.memref_slice %arg4[%add3A, %dma_wait3A_438, %dma_wait3A_439] : memref<32x16x16xf32, #tpu.memory_space<hbm>> -> memref<1x16x16xf32, #tpu.memory_space<hbm>>
      %dma_wait3A_441 = tpu.memref_squeeze %dma_wait3A_440 : memref<1x16x16xf32, #tpu.memory_space<hbm>> -> memref<16x16xf32, #tpu.memory_space<hbm>>
      %dma_wait3A_442 = arith.constant 0 : i32
      %dma_wait3A_443 = arith.constant 0 : i32
      %dma_wait3A_444 = tpu.memref_slice %arg4[%add3A, %dma_wait3A_442, %dma_wait3A_443] : memref<32x16x16xf32, #tpu.memory_space<hbm>> -> memref<1x16x16xf32, #tpu.memory_space<hbm>>
      %dma_wait3A_445 = tpu.memref_squeeze %dma_wait3A_444 : memref<1x16x16xf32, #tpu.memory_space<hbm>> -> memref<16x16xf32, #tpu.memory_space<hbm>>
      tpu.wait_dma2 semaphore(%run_scoped3A : memref<!tpu.dma_semaphore, #tpu.memory_space<semaphore_mem>>) src(%arg12 : memref<16x16xf32, #tpu.memory_space<vmem>>) dst(%dma_wait3A_445 : memref<16x16xf32, #tpu.memory_space<hbm>>)
      tpu.yield
    }) : () -> ()
    "tpu.region"() ({
      %run_scoped3A = tpu.sem_alloc : memref<!tpu.dma_semaphore, #tpu.memory_space<semaphore_mem>>
      %dma_start3A_430 = arith.constant 0 : i32
      %dma_start3A_431 = arith.constant 0 : i32
      %dma_start3A_432 = tpu.memref_slice %arg5[%add3A, %dma_start3A_430, %dma_start3A_431] : memref<32x16x16xi32, #tpu.memory_space<hbm>> -> memref<1x16x16xi32, #tpu.memory_space<hbm>>
      %dma_start3A_433 = tpu.memref_squeeze %dma_start3A_432 : memref<1x16x16xi32, #tpu.memory_space<hbm>> -> memref<16x16xi32, #tpu.memory_space<hbm>>
      %dma_start3A_434 = arith.constant 0 : i32
      %dma_start3A_435 = arith.constant 0 : i32
      %dma_start3A_436 = tpu.memref_slice %arg5[%add3A, %dma_start3A_434, %dma_start3A_435] : memref<32x16x16xi32, #tpu.memory_space<hbm>> -> memref<1x16x16xi32, #tpu.memory_space<hbm>>
      %dma_start3A_437 = tpu.memref_squeeze %dma_start3A_436 : memref<1x16x16xi32, #tpu.memory_space<hbm>> -> memref<16x16xi32, #tpu.memory_space<hbm>>
      tpu.enqueue_dma source(%arg13 : memref<16x16xi32, #tpu.memory_space<vmem>>) target(%dma_start3A_437 : memref<16x16xi32, #tpu.memory_space<hbm>>) target_semaphore(%run_scoped3A : memref<!tpu.dma_semaphore, #tpu.memory_space<semaphore_mem>>)
      %dma_wait3A_438 = arith.constant 0 : i32
      %dma_wait3A_439 = arith.constant 0 : i32
      %dma_wait3A_440 = tpu.memref_slice %arg5[%add3A, %dma_wait3A_438, %dma_wait3A_439] : memref<32x16x16xi32, #tpu.memory_space<hbm>> -> memref<1x16x16xi32, #tpu.memory_space<hbm>>
      %dma_wait3A_441 = tpu.memref_squeeze %dma_wait3A_440 : memref<1x16x16xi32, #tpu.memory_space<hbm>> -> memref<16x16xi32, #tpu.memory_space<hbm>>
      %dma_wait3A_442 = arith.constant 0 : i32
      %dma_wait3A_443 = arith.constant 0 : i32
      %dma_wait3A_444 = tpu.memref_slice %arg5[%add3A, %dma_wait3A_442, %dma_wait3A_443] : memref<32x16x16xi32, #tpu.memory_space<hbm>> -> memref<1x16x16xi32, #tpu.memory_space<hbm>>
      %dma_wait3A_445 = tpu.memref_squeeze %dma_wait3A_444 : memref<1x16x16xi32, #tpu.memory_space<hbm>> -> memref<16x16xi32, #tpu.memory_space<hbm>>
      tpu.wait_dma2 semaphore(%run_scoped3A : memref<!tpu.dma_semaphore, #tpu.memory_space<semaphore_mem>>) src(%arg13 : memref<16x16xi32, #tpu.memory_space<vmem>>) dst(%dma_wait3A_445 : memref<16x16xi32, #tpu.memory_space<hbm>>)
      tpu.yield
    }) : () -> ()
    return
  }
}

module attributes {stable_mosaic.version = 14 : i64} {
  func.func @_finish_body(%arg0: memref<32x16x16xf32, #tpu.memory_space<vmem>>, %arg1: memref<32x16x16xi32, #tpu.memory_space<vmem>>, %arg2: memref<1x1xf32, #tpu.memory_space<vmem>>) attributes {dimension_semantics = [], scalar_prefetch = 0 : i64, scratch_operands = 0 : i64, tpu.core_type = #tpu.core_type<tc>} {
    %get3A = arith.constant 0 : index
    %get3A_0 = arith.constant 0 : index
    %get3A_1 = arith.constant 0 : index
    %get3A_2 = vector.load %arg0[%get3A, %get3A_0, %get3A_1] : memref<32x16x16xf32, #tpu.memory_space<vmem>>, vector<32x16x16xf32>
    %get3A_3 = arith.constant 0 : index
    %get3A_4 = arith.constant 0 : index
    %get3A_5 = arith.constant 0 : index
    %get3A_6 = vector.load %arg1[%get3A_3, %get3A_4, %get3A_5] : memref<32x16x16xi32, #tpu.memory_space<vmem>>, vector<32x16x16xi32>
    %reduce_sum3A = arith.constant dense<0.000000e+00> : vector<16xf32>
    %reduce_sum3A_7 = vector.multi_reduction <add>, %get3A_2, %reduce_sum3A [0, 2] : vector<32x16x16xf32> to vector<16xf32>
    %shift_right_arithmetic3A = arith.constant 16 : i32
    %shift_right_arithmetic3A_8 = vector.broadcast %shift_right_arithmetic3A : i32 to vector<32x16x16xi32>
    %shift_right_arithmetic3A_9 = arith.shrsi %get3A_6, %shift_right_arithmetic3A_8 : vector<32x16x16xi32>
    %reduce_sum3A_10 = arith.constant dense<0> : vector<16xi32>
    %reduce_sum3A_11 = vector.multi_reduction <add>, %shift_right_arithmetic3A_9, %reduce_sum3A_10 [0, 2] : vector<32x16x16xi32> to vector<16xi32>
    %convert_element_type3A = arith.sitofp %reduce_sum3A_11 : vector<16xi32> to vector<16xf32>
    %and3A = arith.constant 65535 : i32
    %and3A_12 = vector.broadcast %and3A : i32 to vector<32x16x16xi32>
    %and3A_13 = arith.andi %get3A_6, %and3A_12 : vector<32x16x16xi32>
    %reduce_sum3A_14 = arith.constant dense<0> : vector<16xi32>
    %reduce_sum3A_15 = vector.multi_reduction <add>, %and3A_13, %reduce_sum3A_14 [0, 2] : vector<32x16x16xi32> to vector<16xi32>
    %convert_element_type3A_16 = arith.sitofp %reduce_sum3A_15 : vector<16xi32> to vector<16xf32>
    %max3A = arith.constant 1.000000e+00 : f32
    %max3A_17 = vector.broadcast %max3A : f32 to vector<16xf32>
    %max3A_18 = arith.maximumf %convert_element_type3A, %max3A_17 : vector<16xf32>
    %gt3A = arith.constant 0.000000e+00 : f32
    %gt3A_19 = vector.broadcast %gt3A : f32 to vector<16xf32>
    %gt3A_20 = arith.cmpf ogt, %convert_element_type3A, %gt3A_19 : vector<16xf32>
    %div3A = arith.divf %reduce_sum3A_7, %max3A_18 : vector<16xf32>
    %div3A_21 = arith.divf %convert_element_type3A_16, %max3A_18 : vector<16xf32>
    %sub3A = arith.subf %div3A, %div3A_21 : vector<16xf32>
    %integer_pow3A = arith.mulf %sub3A, %sub3A : vector<16xf32>
    %jit3A = arith.constant 0.000000e+00 : f32
    %broadcast_in_dim3A = vector.broadcast %jit3A : f32 to vector<16xf32>
    %select_n3A = arith.select %gt3A_20, %integer_pow3A, %broadcast_in_dim3A : vector<16xi1>, vector<16xf32>
    %reduce_sum3A_22 = vector.shape_cast %select_n3A : vector<16xf32> to vector<1x16xf32>
    %reduce_sum3A_23 = arith.constant dense<0.000000e+00> : vector<1xf32>
    %reduce_sum3A_24 = vector.multi_reduction <add>, %reduce_sum3A_22, %reduce_sum3A_23 [1] : vector<1x16xf32> to vector<1xf32>
    %reduce_sum3A_25 = vector.shape_cast %reduce_sum3A_24 : vector<1xf32> to vector<1x1xf32>
    %reduce_sum3A_26 = vector.extract %reduce_sum3A_25[0, 0] : f32 from vector<1x1xf32>
    %reshape3A = vector.broadcast %reduce_sum3A_26 : f32 to vector<1x1xf32>
    %swap3A = arith.constant 0 : index
    %swap3A_27 = arith.constant 0 : index
    %swap3A_28 = vector.load %arg2[%swap3A, %swap3A_27] : memref<1x1xf32, #tpu.memory_space<vmem>>, vector<1x1xf32>
    tpu.vector_store %arg2[%swap3A, %swap3A_27], %reshape3A {strides = array<i32>} : memref<1x1xf32, #tpu.memory_space<vmem>>, vector<1x1xf32>,
    return
  }
}

</mosaic_0001>

<sc_bundles>
// kernel: kernel.4.cloned.1.call-start
scs
__scs_entry_jumppad:
0x0: {  	(pc) =	sbr.rel $0x88, $3  }
0x1: {  	(tag) =	ssettag $0x0;
	lr =	simm.s32 $0x1  }
0x2: {  	[smem:$0x3F9E] =	sst lr;
	_ =	strace $0xD0000000  }
0x3: {  	_ = 	snop  }
0x4: {  	_ = 	snop  }
0x5: {  	_ = 	snop  }
0x6: {  	_ = 	snop  }
0x7: {  	_ = 	snop  }
__scs_overlays_trampoline_lowered:
0x8: {  	[smem:$0x3FAD] =	sst s0  }
0x9: {  	[smem:$0x3FAE] =	sst s1  }
0xa: {  	[smem:$0x3FAF] =	sst s2  }
0xb: {  	[smem:$0x3FB0] =	sst s3  }
0xc: {  	[smem:$0x3FB1] =	sst s4  }
0xd: {  	[smem:$0x3FB2] =	sst s5  }
0xe: {  	[smem:$0x3FB3] =	sst s6  }
0xf: {  	[smem:$0x3FB4] =	sst s7  }
0x10: {  	[smem:$0x3FB5] =	sst s8  }
0x11: {  	[smem:$0x3FB6] =	sst s9;
	s0 =	simm.s32 @!p0 $0x0  }
0x12: {  	s1 =	sld [smem:$0x3F9C];
	s0 =	simm.s32 @p0 $0x1  }
0x13: {  	[smem:$0x3FB7] =	sst s0;
	s0 =	simm.s32 @!p1 $0x0  }
0x14: {  	s2 =	sld [smem:$0x3F9B];
	s0 =	simm.s32 @p1 $0x1  }
0x15: {  	[smem:$0x3FB8] =	sst s0;
	s0 =	simm.s32 @!p2 $0x0  }
0x16: {  	s3 =	sld [smem:$0x3FDB];
	s0 =	simm.s32 @p2 $0x1  }
0x17: {  	s4 =	simm.s32 $0x1BF5;
	[smem:$0x3FBA] =	sst s0  }
0x18: {  	s0 =	sld [smem:$0x3F9D];
	_ =	swait.ge [sflag:s4], $0x0  }
0x19: {  	s7 =	sld [smem:$0x3F9E]  }
0x1a: {  	s8 =	sadd.s32 $0xFFFFE003, lr  }
0x1b: {  	s9 =	sadd.s32 $0xFFFFFEF7, lr;
	s5 =	simm.s32 $0xFFFFFFFF;
	p2 =	slt.u32 s8, $0xFFFFF086  }
0x1c: {  	p1 =	slt.u32 s9, $0xF7A;
	s5 =	simm.s32 @!p2 $0x0  }
0x1d: {  	s5 =	simm.s32 @p1 $0x1;
	p0 =	seq.s32 s7, s2  }
0x1e: {  	s7 =	smul.u32 @!p0 $0xF7A, s2;
	p2 =	seq.s32 @!p0 s5, $0x0  }
0x1f: {  	s9 =	smul.u32 $0xF7A, s1;
	s8 =	simm.s32 @!p0 $0x1BF5;
	p2 =	por !p2, p0  }
0x20: {  	[sflag:s8] =	ssyncset.s32 @!p0 $0xFFFFF086;
	s6 =	sadd.s32 @!p0 s3, s7;
	s7 =	simm.s32 @!p0 $0x108  }
0x21: {  	s3 =	sadd.s32 s3, s9;
	s6 =	sadd.s32 @!p0 $0x88, s6;
	s7 =	simm.s32 @p2 $0x1082  }
0x22: {  	[simem:s7], [sflag:s8] =	dma.local @!p0 [hbm:s6], $0xF7A  }
0x23: {  	s9 =	sor.u32 $0xD0000000, s2;
	s6 =	simm.s32 $0x108;
	_ =	swait.ge @!p0 [sflag:s8], $0x0  }
0x24: {  	s3 =	sadd.s32 $0x88, s3;
	s6 =	simm.s32 @!p1 $0x1082;
	[sflag:s4] =	ssyncset.s32 $0xFFFFF086  }
0x25: {  	[simem:s6], [sflag:s4] =	dma.local [hbm:s3], $0xF7A  }
0x26: {  	[smem:$0x3F9E] =	sst s1;
	(tag) =	ssettag s2;
	_ =	strace s9  }
0x27: {  	s1 =	sld [smem:$0x3FAE]  }
0x28: {  	s2 =	sld [smem:$0x3FAF]  }
0x29: {  	s4 =	sld [smem:$0x3FB1]  }
0x2a: {  	p0 =	seq.s32 s5, $0x0;
	s5 =	sld [smem:$0x3FB2]  }
0x2b: {  	s6 =	sld [smem:$0x3FB3]  }
0x2c: {  	s7 =	sld [smem:$0x3FB4]  }
0x2d: {  	s3 =	simm.s32 $0x108;
	s8 =	sld [smem:$0x3FB5]  }
0x2e: {  	s3 =	simm.s32 @!p0 $0x1082;
	s9 =	sld [smem:$0x3FB6]  }
0x2f: {  	lr =	sadd.s32 s0, s3;
	s0 =	sld [smem:$0x3FAD]  }
0x30: {  	s3 =	sld [smem:$0x3FB0]  }
0x31: {  	[smem:$0x3FB9] =	sst s10  }
0x32: {  	s10 =	sld [smem:$0x3FB7];
	_ =	sdelay $0x3  }
0x33: {  	p0 =	seq.s32 s10, $0x1;
	s10 =	sld [smem:$0x3FB9];
	_ =	sdelay $0x3  }
0x34: {  	[smem:$0x3FB9] =	sst s10  }
0x35: {  	s10 =	sld [smem:$0x3FB8];
	_ =	sdelay $0x3  }
0x36: {  	p1 =	seq.s32 s10, $0x1;
	s10 =	sld [smem:$0x3FB9];
	_ =	sdelay $0x3  }
0x37: {  	[smem:$0x3FB9] =	sst s10  }
0x38: {  	s10 =	sld [smem:$0x3FBA]  }
0x39: {  	_ = 	snop;
	(pc) =	sbr.ind lr, $3  }
0x3a: {  	_ = 	snop  }
0x3b: {  	_ = 	snop  }
0x3c: {  	p2 =	seq.s32 s10, $0x1;
	s10 =	sld [smem:$0x3FB9]  }
0x3d: {  	_ =	shalt  }
0x3e: {  	_ =	shalt  }
0x3f: {  	_ =	shalt  }
0x40: {  	_ =	shalt  }
0x41: {  	_ =	shalt  }
0x42: {  	_ =	shalt  }
0x43: {  	_ =	shalt  }
0x44: {  	_ =	shalt  }
0x45: {  	_ =	shalt  }
0x46: {  	_ =	shalt  }
0x47: {  	_ =	shalt  }
0x48: {  	_ =	shalt  }
0x49: {  	_ =	shalt  }
0x4a: {  	_ =	shalt  }
0x4b: {  	_ =	shalt  }
0x4c: {  	_ =	shalt  }
0x4d: {  	_ =	shalt  }
0x4e: {  	_ =	shalt  }
0x4f: {  	_ =	shalt  }
0x50: {  	_ =	shalt  }
0x51: {  	_ =	shalt  }
0x52: {  	_ =	shalt  }
0x53: {  	_ =	shalt  }
0x54: {  	_ =	shalt  }
0x55: {  	_ =	shalt  }
0x56: {  	_ =	shalt  }
0x57: {  	_ =	shalt  }
0x58: {  	_ =	shalt  }
0x59: {  	_ =	shalt  }
0x5a: {  	_ =	shalt  }
0x5b: {  	_ =	shalt  }
0x5c: {  	_ =	shalt  }
0x5d: {  	_ =	shalt  }
0x5e: {  	_ =	shalt  }
0x5f: {  	_ =	shalt  }
0x60: {  	_ =	shalt  }
0x61: {  	_ =	shalt  }
0x62: {  	_ =	shalt  }
0x63: {  	_ =	shalt  }
0x64: {  	_ =	shalt  }
0x65: {  	_ =	shalt  }
0x66: {  	_ =	shalt  }
0x67: {  	_ =	shalt  }
0x68: {  	_ =	shalt  }
0x69: {  	_ =	shalt  }
0x6a: {  	_ =	shalt  }
0x6b: {  	_ =	shalt  }
0x6c: {  	_ =	shalt  }
0x6d: {  	_ =	shalt  }
0x6e: {  	_ =	shalt  }
0x6f: {  	_ =	shalt  }
0x70: {  	_ =	shalt  }
0x71: {  	_ =	shalt  }
0x72: {  	_ =	shalt  }
0x73: {  	_ =	shalt  }
0x74: {  	_ =	shalt  }
0x75: {  	_ =	shalt  }
0x76: {  	_ =	shalt  }
0x77: {  	_ =	shalt  }
0x78: {  	_ =	shalt  }
0x79: {  	_ =	shalt  }
0x7a: {  	_ =	shalt  }
0x7b: {  	_ =	shalt  }
0x7c: {  	_ =	shalt  }
0x7d: {  	_ =	shalt  }
0x7e: {  	_ =	shalt  }
0x7f: {  	_ =	shalt  }
0x80: {  	_ =	shalt  }
0x81: {  	_ =	shalt  }
0x82: {  	_ =	shalt  }
0x83: {  	_ =	shalt  }
0x84: {  	_ =	shalt  }
0x85: {  	_ =	shalt  }
0x86: {  	_ =	shalt  }
0x87: {  	_ =	shalt  }
.Lfunc_end0:
.L_simem_size_0:
called_computation_lowered:
.L_overlay_start_0:
0x88: {  	s2 =	sld [smem:$0x3FD9]  }
0x89: {  	s3 =	sld [smem:$0x3FFE];
	_ =	sdelay $0x1  }
0x8a: {  	s1 =	srdreg.scid  }
0x8b: {  	s0 =	sand.u32 $0x1, s1  }
0x8c: {  	s17 =	sshll.u32 s0, $0xA;
	s2 =	sadd.s32 s3, s2  }
0x8d: {  	s2 =	sadd.s32 s2, s17  }
0x8e: {  	[smem:$0x3FC5] =	sst s2  }
0x8f: {  	_ = 	snop  }
0x90: {  	s2 =	sld [smem:$0x3FC9]  }
0x91: {  	s18 =	sld [smem:$0x3FC8];
	(tm) =	ssettm $0x1  }
0x92: {  	s4 =	sld [smem:$0x3FFB];
	_ =	sdelay $0x3  }
0x93: {  	_ =	strace s4  }
0x94: {  	s4 =	sld [smem:$0x3FFC];
	_ =	sdelay $0x3  }
0x95: {  	_ =	strace s4  }
0x96: {  	s4 =	sld [smem:$0x3FFD];
	_ =	sdelay $0x3  }
0x97: {  	_ =	strace s4  }
0x98: {  	_ =	strace $0x8FFFFFFF  }
0x99: {  	s19 =	sld [smem:$0x3FDB];
	_ =	sdelay $0x1  }
0x9a: {  	s5 =	simm.s32 $_scs_section_size  }
0x9b: {  	s6 =	simm.s32 $_size__tile_overlayer_lowered;
	s7 =	simm.s32 $_tile_overlayer_lowered  }
0x9c: {  	s22 =	simm.s32 $0x1BFF;
	s21 =	sshll.u32 s7, $0x1;
	s4 =	sadd.s32 s5, s19  }
0x9d: {  	s8 =	simm.s32 $0x0;
	s20 =	sshll.u32 s6, $0x1;
	s6 =	sadd.s32 s21, s4  }
0x9e: {  	[timem:s8], [sflag:s22] =	dma.local [hbm:s6], s20  }
0x9f: {  	_ =	swait.ge [sflag:s22], s20  }
0xa0: {  	s5 =	ssub.s32 $0x0, s20;
	[sflag:s22] =	ssyncset.done $0x0  }
0xa1: {  	[sflag:s22] =	ssyncadd.s32 s5;
	_ =	sdelay $0x1  }
0xa2: {  	s23 =	simm.s32 $0x1B8B  }
0xa3: {  	_ =	swait.ge [sflag:s23], $0x1  }
0xa4: {  	[sflag:s23] =	ssyncset.done $0x0  }
0xa5: {  	s25 =	simm.s32 $0x1B8E;
	s24 =	sld [smem:$0x3FFE];
	[sflag:s23] =	ssyncadd.s32 $0xFFFFFFFF  }
0xa6: {  	s26 =	simm.s32 $execute0_lowered;
	[smem:$0x3FD2] =	sst s25  }
0xa7: {  	s6 =	sshll.u32 s26, $0x1;
	_ =	strace $0x80000046;
	[dreg:$0x1] =	wrdreg $0xFFFFFFFF  }
0xa8: {  	s28 =	simm.s32 $_size_execute0_lowered;
	s4 =	sadd.s32 s4, s6;
	[dreg:$0x0] =	wrdreg $0x0  }
0xa9: {  	s6 =	sshll.u32 s28, $0x1;
	[dreg:$0x2] =	wrdreg s4  }
0xaa: {  	[dreg:$0x3] =	wrdreg s6  }
0xab: {  	[dreg:$0x4] =	wrdreg $0xC0  }
0xac: {  	_ =	task [dreg:s8], $0x5FFFF  }
0xad: {  	[dreg:$0x1] =	wrdreg $0xFFFFFFFF  }
0xae: {  	[dreg:$0x0] =	wrdreg $0x60  }
0xaf: {  	[dreg:$0x2] =	wrdreg s2  }
0xb0: {  	[dreg:$0x3] =	wrdreg s18  }
0xb1: {  	[dreg:$0x4] =	wrdreg s24  }
0xb2: {  	[dreg:$0x5] =	wrdreg $0x9  }
0xb3: {  	_ =	task.clear_ibuf [dreg:s8], $0x6FFFF;
	_ =	strace $0x90000046  }
0xb4: {  	s29 =	simm.s32 $0x9;
	_ =	strace $0x80000048  }
0xb5: {  	_ =	swait.ge [sflag:s29], $0x1  }
0xb6: {  	[sflag:s29] =	ssyncadd.s32 $0xFFFFFFFF  }
0xb7: {  	_ =	strace $0x90000048  }
0xb8: {  	_ =	sfence  }
0xb9: {  	s30 =	sld [smem:$0x0];
	_ =	sdelay $0x2  }
0xba: {  	s31 =	sshll.u32 s1, $0xD;
	s1 =	sshrl.u32 s1, $0x2  }
0xbb: {  	s3 =	sand.u32 $0x4000, s31;
	s1 =	sadd.s32 s1, s30  }
0xbc: {  	s0 =	sor.u32 s3, s0;
	s1 =	sshll.u32 s1, $0x11  }
0xbd: {  	s0 =	sor.u32 s1, s0  }
0xbe: {  	s0 =	sadd.s32 $0x8F2B, s0  }
0xbf: {  	[sflag:s0] =	ssyncadd.remote.s32 $0x1  }
0xc0: {  	_ =	sfence.sel $0xFFFF  }
0xc1: {  	[dreg:$0x0] =	wrdreg $0xFFFFFFFF;
	(pc) =	sbr.abs _section_cstart, $3  }
0xc2: {  	[dreg:$0x1] =	wrdreg $0xFFFFFFFF  }
0xc3: {  	_ =	task.clear_ibuf [dreg:s8], $0x2FFFF;
	_ =	strace $0x9FFFFFFF  }
0xc4: {  	(tm) =	ssettm $0x7FFFFFFF  }
0xc5: {  	_ =	shalt  }
tec
execute0_lowered:
.L_overlay_start_1:
0x0: {  	(tag) =	ssettag $0x1  }
0x1: {  	s2 =	rddreg [dreg:$0x0]  }
0x2: {  	s4 =	srdreg.scid;
	s5 =	stileid.u32  }
0x3: {  	s3 =	rddreg [dreg:$0x1];
	s4 =	sand.u32 $0x1, s4;
	s5 =	sshll.u32 s5, $0x1  }
0x4: {  	s0 =	rddreg [dreg:$0x2];
	s1 =	simm.s32 $0x0;
	s5 =	sor.u32 s4, s5  }
0x5: {  	s4 =	ssub.s32 $0x2, s4;
	s6 =	sshll.u32 s5, $0x8;
	s5 =	sshll.u32 s5, $0xF  }
0x6: {  	[smem:$0x7FF] =	sst s1;
	s7 =	sshrl.u32 s4, $0x1;
	s16 =	sor.u32 $0x800, s5  }
0x7: {  	s6 =	sadd.s32 s6, s0;
	s7 =	ssub.s32 s4, s7;
	s17 =	sadd.s32 s2, s16  }
0x8: {  	s18 =	sor.u32 $0x1000, s5;
	s0 =	sadd.s32 s3, s16;
	[dreg:$0x4] =	wrdreg s17  }
0x9: {  	s20 =	sor.u32 $0x1800, s5;
	s19 =	sadd.s32 s2, s18;
	[dreg:$0x5] =	wrdreg s0  }
0xa: {  	s22 =	sor.u32 $0x2000, s5;
	s21 =	sadd.s32 s2, s20;
	[dreg:$0x6] =	wrdreg s19  }
0xb: {  	s24 =	sor.u32 $0x2800, s5;
	s23 =	sadd.s32 s2, s22;
	[dreg:$0x8] =	wrdreg s21  }
0xc: {  	s26 =	sor.u32 $0x3000, s5;
	s25 =	sadd.s32 s2, s24;
	[dreg:$0xa] =	wrdreg s23  }
0xd: {  	s9 =	sor.u32 $0x3800, s5;
	s8 =	sadd.s32 s2, s26;
	[dreg:$0xc] =	wrdreg s25  }
0xe: {  	s11 =	sor.u32 $0x4000, s5;
	s10 =	sadd.s32 s2, s9;
	[dreg:$0xe] =	wrdreg s8  }
0xf: {  	s13 =	sor.u32 $0x4800, s5;
	s12 =	sadd.s32 s2, s11;
	[dreg:$0x10] =	wrdreg s10  }
0x10: {  	s15 =	sor.u32 $0x5000, s5;
	s14 =	sadd.s32 s2, s13;
	[dreg:$0x12] =	wrdreg s12  }
0x11: {  	s29 =	sadd.s32 s2, s5;
	s16 =	sadd.s32 s2, s15;
	[dreg:$0x14] =	wrdreg s14  }
0x12: {  	s4 =	sadd.s32 $0xC00, s6;
	s0 =	sadd.s32 s3, s18;
	[dreg:$0x16] =	wrdreg s16  }
0x13: {  	s17 =	sor.u32 $0x5800, s5;
	s18 =	sor.u32 $0x6000, s5;
	s19 =	sor.u32 $0x6800, s5  }
0x14: {  	s21 =	sor.u32 $0x7800, s5;
	s8 =	simm.s32 $0x4000;
	s10 =	simm.s32 $0x8000  }
0x15: {  	s12 =	simm.s32 $0x1;
	s14 =	simm.s32 $0x18800;
	s16 =	simm.s32 $0x3  }
0x16: {  	[dreg:$0x7] =	wrdreg s0;
	s0 =	sadd.s32 s3, s20;
	s23 =	sadd.s32 s3, s17  }
0x17: {  	s25 =	sadd.s32 s3, s18;
	s28 =	sadd.s32 s3, s19;
	s20 =	sor.u32 $0x7000, s5  }
0x18: {  	[dreg:$0x9] =	wrdreg s0;
	s0 =	sadd.s32 s3, s22;
	s22 =	sadd.s32 s2, s17  }
0x19: {  	s30 =	sadd.s32 s2, s20;
	s31 =	sadd.s32 s3, s20;
	s17 =	simm.s32 $0x4  }
0x1a: {  	[dreg:$0xb] =	wrdreg s0;
	s0 =	sadd.s32 s3, s24;
	s24 =	sadd.s32 s2, s18  }
0x1b: {  	s18 =	simm.s32 $0x0;
	[dreg:$0xd] =	wrdreg s0;
	s0 =	sadd.s32 s3, s26  }
0x1c: {  	s26 =	sadd.s32 s2, s19;
	[dreg:$0xf] =	wrdreg s0;
	s0 =	sadd.s32 s3, s9  }
0x1d: {  	s2 =	sadd.s32 s2, s21;
	[dreg:$0x11] =	wrdreg s0;
	s0 =	sadd.s32 s3, s11  }
0x1e: {  	s9 =	simm.s32 $0x10000;
	[dreg:$0x13] =	wrdreg s0;
	s0 =	sadd.s32 s3, s13  }
0x1f: {  	s11 =	simm.s32 $0x14000;
	[dreg:$0x15] =	wrdreg s0;
	s0 =	sadd.s32 s3, s15  }
0x20: {  	s13 =	simm.s32 $0x18000;
	s15 =	simm.s32 $0x2;
	[dreg:$0x17] =	wrdreg s0  }
0x21: {  	s0 =	sadd.s32 s3, s5;
	s3 =	sadd.s32 s3, s21;
	s5 =	sadd.s32 $0x2C00, s6  }
0x22: {  	v0 =	vimm.f32 $0.0e+00;
	v1 =	vimm.s32 $0x0;
	v2 =	vlaneseq.u32;
	s6 =	smax.u32 s7, $0x1;
	s7 =	simm.s32 $0xC000;
	_ =	strace $0x80000047  }
.LBB2_1:
0x23: {  	[tilespmem:$0x18000] =	vst v0  }
0x24: {  	[tilespmem:$0x18800] =	vst v1  }
0x25: {  	[tilespmem:$0x18080] =	vst v0  }
0x26: {  	[tilespmem:$0x18880] =	vst v1  }
0x27: {  	[tilespmem:$0x18100] =	vst v0  }
0x28: {  	[tilespmem:$0x18900] =	vst v1  }
0x29: {  	[tilespmem:$0x18180] =	vst v0  }
0x2a: {  	[tilespmem:$0x18980] =	vst v1  }
0x2b: {  	[tilespmem:$0x18200] =	vst v0  }
0x2c: {  	[tilespmem:$0x18A00] =	vst v1  }
0x2d: {  	[tilespmem:$0x18280] =	vst v0  }
0x2e: {  	[tilespmem:$0x18A80] =	vst v1  }
0x2f: {  	[tilespmem:$0x18300] =	vst v0  }
0x30: {  	[tilespmem:$0x18B00] =	vst v1  }
0x31: {  	[tilespmem:$0x18380] =	vst v0  }
0x32: {  	[tilespmem:$0x18B80] =	vst v1  }
0x33: {  	[tilespmem:$0x18400] =	vst v0  }
0x34: {  	[tilespmem:$0x18C00] =	vst v1  }
0x35: {  	[tilespmem:$0x18480] =	vst v0  }
0x36: {  	[tilespmem:$0x18C80] =	vst v1  }
0x37: {  	[tilespmem:$0x18500] =	vst v0  }
0x38: {  	[tilespmem:$0x18D00] =	vst v1  }
0x39: {  	[tilespmem:$0x18580] =	vst v0  }
0x3a: {  	[tilespmem:$0x18D80] =	vst v1  }
0x3b: {  	[tilespmem:$0x18600] =	vst v0  }
0x3c: {  	[tilespmem:$0x18E00] =	vst v1  }
0x3d: {  	[tilespmem:$0x18680] =	vst v0  }
0x3e: {  	[tilespmem:$0x18E80] =	vst v1  }
0x3f: {  	[tilespmem:$0x18700] =	vst v0  }
0x40: {  	[tilespmem:$0x18F00] =	vst v1  }
0x41: {  	[tilespmem:$0x18780] =	vst v0  }
0x42: {  	[tilespmem:$0x18F80] =	vst v1  }
0x43: {  	[tilespmem:s1], [sflag:$0x1] =	stream.linear.gather [hbm4b:s29+s1], $0x4000, $0x38;
	[tilespmem:$0x19000] =	vst v63  }
0x44: {  	_ = 	snop  }
0x45: {  	[tilespmem:s7], [sflag:$0x1] =	stream.linear.gather [hbm4b:s0+s1], $0x4000, $0x38;
	[tilespmem:$0x19000] =	vst v63  }
0x46: {  	s19 =	rddreg [dreg:$0x4]  }
0x47: {  	[tilespmem:s8], [sflag:$0x2] =	stream.linear.gather [hbm4b:s19+s1], $0x4000, $0x38;
	[tilespmem:$0x19000] =	vst v63  }
0x48: {  	s21 =	rddreg [dreg:$0x5]  }
0x49: {  	[tilespmem:s9], [sflag:$0x2] =	stream.linear.gather [hbm4b:s21+s1], $0x4000, $0x38;
	[tilespmem:$0x19000] =	vst v63  }
0x4a: {  	s20 =	rddreg [dreg:$0x6]  }
0x4b: {  	[tilespmem:s10], [sflag:$0x3] =	stream.linear.gather [hbm4b:s20+s1], $0x4000, $0x38;
	[tilespmem:$0x19000] =	vst v63  }
0x4c: {  	s21 =	rddreg [dreg:$0x7]  }
0x4d: {  	[tilespmem:s11], [sflag:$0x3] =	stream.linear.gather [hbm4b:s21+s1], $0x4000, $0x38;
	[tilespmem:$0x19000] =	vst v63  }
0x4e: {  	_ =	swait.ge [sflag:s12], $0x4000  }
0x4f: {  	[sflag:s12] =	ssyncset.done $0x0  }
0x50: {  	[sflag:s12] =	ssyncadd.s32 $0xFFFFC000  }
0x51: {  	_ =	swait.ge [sflag:s12], $0x4000  }
0x52: {  	[sflag:s12] =	ssyncset.done $0x0  }
0x53: {  	s21 =	simm.s32 $0x40;
	[sflag:s12] =	ssyncadd.s32 $0xFFFFC000  }
0x54: {  	s19 =	simm.s32 $0xC040;
	v8 =	vld [tilespmem:s21+$0xFFFFFFE0]  }
0x55: {  	v4 =	vld [tilespmem:s19+$0xFFFFFFC0]  }
0x56: {  	v5 =	vld [tilespmem:s21+$0x0]  }
0x57: {  	v14 =	vld [tilespmem:s21+$0x10]  }
0x58: {  	v3 =	vld [tilespmem:s21+$0x20]  }
0x59: {  	v9 =	vld [tilespmem:s21+$0x30];
	_ =	sdelay $0x1  }
0x5a: {  	v7 =	vld [tilespmem:s21+$0xFFFFFFF0];
	v6 =	vmul.f32 $9.999999040e+00, v8  }
0x5b: {  	v4 =	vadd.s32 $0x10000, v4;
	vm0 =	veq.f32 v8, $9.000000350e-01;
	v11 =	vmul.f32 $9.999999040e+00, v5  }
0x5c: {  	vm3 =	veq.f32 v5, $9.000000350e-01;
	v12 =	vmul.f32 $9.999999040e+00, v14;
	vm2 =	vgt.f32 v14, $0.0e+00  }
0x5d: {  	vm1 =	veq.f32 v3, $9.000000350e-01;
	v16 =	vmul.f32 $9.999999040e+00, v3;
	v18 =	vmul.f32 $9.999999040e+00, v9  }
0x5e: {  	vm4 =	veq.f32 v9, $9.000000350e-01;
	v13 =	vsel vm0, $0x1, v1;
	vm0 =	veq.f32 v14, $9.000000350e-01  }
0x5f: {  	v21 =	vsel vm1, $0x1, v1;
	vm1 =	veq.f32 v7, $9.000000350e-01;
	v10 =	vtrunc.f32 v6;
	v6 =	vld [tilespmem:s21+$0xFFFFFFD0]  }
0x60: {  	v20 =	vsel vm4, $0x1, v1;
	v15 =	vtrunc.f32 v12;
	v10 =	vcvt.f32.s32 v10  }
0x61: {  	v17 =	vsel vm0, $0x1, v1;
	v16 =	vtrunc.f32 v16;
	v24 =	vtrunc.f32 v11  }
0x62: {  	v25 =	vcvt.f32.s32 v16;
	v12 =	vadd.s32 v13, v10;
	v10 =	vmul.f32 $9.999999040e+00, v7  }
0x63: {  	v22 =	vld [tilespmem:s19+$0x20];
	v19 =	vsel vm1, $0x1, v1;
	v13 =	vcvt.f32.s32 v15;
	v15 =	vtrunc.f32 v18  }
0x64: {  	vm1 =	vgt.f32 v3, $0.0e+00;
	v15 =	vcvt.f32.s32 v15;
	v23 =	vmul.f32 $9.999999040e+00, v6  }
0x65: {  	vm0 =	veq.f32 v6, $9.000000350e-01;
	v10 =	vtrunc.f32 v10;
	v13 =	vadd.s32 v17, v13  }
0x66: {  	v26 =	vld [tilespmem:s19+$0x30];
	v13 =	vshll.u32 v13, $0x7;
	v15 =	vadd.s32 v20, v15;
	v16 =	vtrunc.f32 v23  }
0x67: {  	v17 =	vld [tilespmem:s19+$0x10];
	v10 =	vcvt.f32.s32 v10;
	v20 =	vor.u32 v2, v13;
	v16 =	vcvt.f32.s32 v16  }
0x68: {  	v11 =	vadd.s32 $0x10000, v22;
	v22 =	vcvt.f32.s32 v24;
	v18 =	vsel vm0, $0x1, v1;
	v13 =	vld [tilespmem:s19+$0xFFFFFFD0]  }
0x69: {  	v21 =	vadd.s32 v21, v25;
	v24 =	vadd.s32 v19, v10;
	v19 =	vld [tilespmem:s19+$0x0];
	v18 =	vadd.s32 v18, v16  }
0x6a: {  	vm0 =	vgt.f32 v8, $0.0e+00;
	v23 =	vsel vm3, $0x1, v1;
	v16 =	vld [tilespmem:s19+$0xFFFFFFF0];
	v18 =	vshll.u32 v18, $0x7  }
0x6b: {  	vm3 =	vgt.f32 v9, $0.0e+00;
	v27 =	vshll.u32 v15, $0x7;
	v10 =	vor.u32 v2, v18;
	v18 =	vld [tilespmem:s19+$0xFFFFFFE0]  }
0x6c: {  	v22 =	vadd.s32 v23, v22;
	v23 =	vadd.s32 $0x10000, v17;
	v17 =	vor.u32 v2, v27;
	[tilespmem:v20+s13+$0x0] =	vst.idx.add.f32.msk vm2, v14  }
0x6d: {  	s20 =	simm.s32 $0x0;
	v15 =	vadd.s32 $0x10000, v26;
	v24 =	vshll.u32 v24, $0x7;
	v22 =	vshll.u32 v22, $0x7;
	v14 =	vld [tilespmem:s21+$0xFFFFFFC0];
	s21 =	simm.s32 $0xC0  }
.LBB2_2:
0x6e: {  	v25 =	vld [tilespmem:s21+$0xFFFFFFF0];
	s20 =	sadd.s32 $0x8, s20;
	s19 =	sadd.s32 $0x80, s19  }
0x6f: {  	v12 =	vshll.u32 v12, $0x7;
	v26 =	vld [tilespmem:s19+$0x20];
	p0 =	slt.u32 s20, $0x3F8  }
0x70: {  	v24 =	vor.u32 v2, v24;
	v27 =	vor.u32 v2, v12;
	[tilespmem:v20+s14+$0x0] =	vst.idx.add.s32.msk vm2, v23  }
0x71: {  	[tilespmem:v17+s13+$0x0] =	vst.idx.add.f32.msk vm3, v9  }
0x72: {  	v12 =	vld [tilespmem:s19+$0xFFFFFFC0];
	v9 =	vmul.f32 $9.999999040e+00, v14;
	vm6 =	veq.f32 v14, $9.000000350e-01  }
0x73: {  	v20 =	vld [tilespmem:s21+$0xFFFFFFD0]  }
0x74: {  	vm4 =	vgt.f32 v7, $0.0e+00;
	v23 =	vld [tilespmem:s21+$0xFFFFFFE0];
	v9 =	vtrunc.f32 v9  }
0x75: {  	vm5 =	vgt.f32 v6, $0.0e+00;
	vm2 =	vgt.f32 v5, $0.0e+00;
	v9 =	vcvt.f32.s32 v9;
	[tilespmem:v27+s13+$0x0] =	vst.idx.add.f32.msk vm0, v8  }
0x76: {  	v16 =	vadd.s32 $0x10000, v16;
	v22 =	vor.u32 v2, v22;
	v8 =	vsel vm6, $0x1, v1;
	v28 =	vld [tilespmem:s21+$0x0]  }
0x77: {  	v13 =	vadd.s32 $0x10000, v13;
	vm7 =	vgt.f32 v14, $0.0e+00;
	v29 =	vld [tilespmem:s21+$0x10];
	v34 =	vadd.s32 v8, v9  }
0x78: {  	v19 =	vadd.s32 $0x10000, v19;
	v18 =	vadd.s32 $0x10000, v18;
	v30 =	vld [tilespmem:s21+$0x20];
	v33 =	vshll.u32 v34, $0x7  }
0x79: {  	v21 =	vshll.u32 v21, $0x7;
	v31 =	vmul.f32 $9.999999040e+00, v23;
	v9 =	vld [tilespmem:s21+$0x30];
	v32 =	vor.u32 v2, v33;
	v8 =	vmovc v23  }
0x7a: {  	v21 =	vor.u32 v2, v21;
	v23 =	vadd.s32 $0x10000, v12;
	vm8 =	veq.f32 v8, $9.000000350e-01;
	[tilespmem:v24+s13+$0x0] =	vst.idx.add.f32.msk vm4, v7;
	v7 =	vmovc v25  }
0x7b: {  	v12 =	vtrunc.f32 v31;
	v25 =	vmul.f32 $9.999999040e+00, v28;
	vm6 =	veq.f32 v28, $9.000000350e-01;
	[tilespmem:v22+s13+$0x0] =	vst.idx.add.f32.msk vm2, v5;
	v5 =	vmovc v28  }
0x7c: {  	v28 =	vsel vm8, $0x1, v1;
	v31 =	vmul.f32 $9.999999040e+00, v29;
	vm8 =	veq.f32 v29, $9.000000350e-01;
	[tilespmem:v22+s14+$0x0] =	vst.idx.add.s32.msk vm2, v19  }
0x7d: {  	v12 =	vcvt.f32.s32 v12;
	vm2 =	vgt.f32 v29, $0.0e+00;
	vm9 =	veq.f32 v30, $9.000000350e-01;
	[tilespmem:v17+s14+$0x0] =	vst.idx.add.s32.msk vm3, v15  }
0x7e: {  	v17 =	vmul.f32 $9.999999040e+00, v30;
	v15 =	vtrunc.f32 v31;
	v31 =	vsel vm9, $0x1, v1;
	[tilespmem:v32+s13+$0x0] =	vst.idx.add.f32.msk vm7, v14  }
0x7f: {  	vm3 =	veq.f32 v7, $9.000000350e-01;
	v14 =	vsel vm8, $0x1, v1;
	v19 =	vmul.f32 $9.999999040e+00, v9;
	[tilespmem:v21+s13+$0x0] =	vst.idx.add.f32.msk vm1, v3;
	v3 =	vmovc v30  }
0x80: {  	v22 =	vmul.f32 $9.999999040e+00, v7;
	v12 =	vadd.s32 v28, v12;
	v28 =	vsel vm3, $0x1, v1;
	[tilespmem:v21+s14+$0x0] =	vst.idx.add.s32.msk vm1, v11  }
0x81: {  	vm1 =	veq.f32 v20, $9.000000350e-01;
	v11 =	vcvt.f32.s32 v15;
	v15 =	vtrunc.f32 v19;
	[tilespmem:v10+s13+$0x0] =	vst.idx.add.f32.msk vm5, v6;
	v6 =	vmovc v20  }
0x82: {  	vm3 =	veq.f32 v9, $9.000000350e-01;
	v17 =	vtrunc.f32 v17;
	v19 =	vsel vm1, $0x1, v1;
	[tilespmem:v32+s14+$0x0] =	vst.idx.add.s32.msk vm7, v4;
	v4 =	vmovc v23  }
0x83: {  	vm1 =	vgt.f32 v3, $0.0e+00;
	v20 =	vsel vm3, $0x1, v1;
	[tilespmem:v27+s14+$0x0] =	vst.idx.add.s32.msk vm0, v18;
	vm0 =	vgt.f32 v8, $0.0e+00  }
0x84: {  	v15 =	vcvt.f32.s32 v15;
	v18 =	vmul.f32 $9.999999040e+00, v6;
	[tilespmem:v10+s14+$0x0] =	vst.idx.add.s32.msk vm5, v13  }
0x85: {  	v21 =	vcvt.f32.s32 v17;
	v11 =	vadd.s32 v14, v11;
	v10 =	vtrunc.f32 v22;
	[tilespmem:v24+s14+$0x0] =	vst.idx.add.s32.msk vm4, v16  }
0x86: {  	v11 =	vshll.u32 v11, $0x7;
	v15 =	vadd.s32 v20, v15;
	v13 =	vtrunc.f32 v18;
	v14 =	vld [tilespmem:s19+$0x10]  }
0x87: {  	v17 =	vsel vm6, $0x1, v1;
	v20 =	vor.u32 v2, v11;
	v16 =	vcvt.f32.s32 v13;
	v22 =	vld [tilespmem:s19+$0x30]  }
0x88: {  	v11 =	vadd.s32 $0x10000, v26;
	v10 =	vcvt.f32.s32 v10;
	v18 =	vtrunc.f32 v25;
	v13 =	vld [tilespmem:s19+$0xFFFFFFD0]  }
.Ltmp0:
0x89: {  	vm3 =	vgt.f32 v9, $0.0e+00;
	v23 =	vcvt.f32.s32 v18;
	v19 =	vadd.s32 v19, v16;
	v16 =	vld [tilespmem:s19+$0xFFFFFFF0];
	(pc) =	sbr.rel @p0 .LBB2_2-.Ltmp0, $4  }
0x8a: {  	v25 =	vshll.u32 v15, $0x7;
	v24 =	vadd.s32 v28, v10;
	v18 =	vshll.u32 v19, $0x7;
	v19 =	vld [tilespmem:s19+$0x0]  }
0x8b: {  	v26 =	vadd.s32 v17, v23;
	v10 =	vor.u32 v2, v18;
	v18 =	vld [tilespmem:s19+$0xFFFFFFE0];
	v23 =	vadd.s32 $0x10000, v14  }
0x8c: {  	v24 =	vshll.u32 v24, $0x7;
	v17 =	vor.u32 v2, v25;
	[tilespmem:v20+s13+$0x0] =	vst.idx.add.f32.msk vm2, v29;
	v15 =	vadd.s32 $0x10000, v22  }
0x8d: {  	v21 =	vadd.s32 v31, v21;
	v22 =	vshll.u32 v26, $0x7;
	v14 =	vld [tilespmem:s21+$0xFFFFFFC0];
	s21 =	sadd.s32 $0x80, s21  }
0x8e: {  	_ =	sdelay $0x3  }
0x8f: {  	v25 =	vmul.f32 $9.999999040e+00, v14  }
0x90: {  	v12 =	vshll.u32 v12, $0x7;
	v24 =	vor.u32 v2, v24  }
0x91: {  	vm4 =	vgt.f32 v7, $0.0e+00;
	v12 =	vor.u32 v2, v12;
	v25 =	vtrunc.f32 v25  }
0x92: {  	vm6 =	vgt.f32 v5, $0.0e+00;
	vm5 =	veq.f32 v14, $9.000000350e-01;
	v25 =	vcvt.f32.s32 v25  }
0x93: {  	v22 =	vor.u32 v2, v22;
	[tilespmem:v20+s14+$0x0] =	vst.idx.add.s32.msk vm2, v23;
	v26 =	vsel vm5, $0x1, v1;
	vm5 =	vgt.f32 v6, $0.0e+00  }
0x94: {  	[tilespmem:v17+s13+$0x0] =	vst.idx.add.f32.msk vm3, v9;
	v20 =	vadd.s32 v26, v25  }
0x95: {  	[tilespmem:v17+s14+$0x0] =	vst.idx.add.s32.msk vm3, v15;
	vm2 =	vgt.f32 v14, $0.0e+00;
	v9 =	vshll.u32 v20, $0x7  }
0x96: {  	[tilespmem:v12+s13+$0x0] =	vst.idx.add.f32.msk vm0, v8;
	v8 =	vor.u32 v2, v9;
	v9 =	vshll.u32 v21, $0x7  }
0x97: {  	[tilespmem:v24+s13+$0x0] =	vst.idx.add.f32.msk vm4, v7;
	v7 =	vor.u32 v2, v9  }
0x98: {  	[tilespmem:v22+s13+$0x0] =	vst.idx.add.f32.msk vm6, v5  }
0x99: {  	[tilespmem:v10+s13+$0x0] =	vst.idx.add.f32.msk vm5, v6;
	v9 =	vadd.s32 $0x10000, v19  }
0x9a: {  	[tilespmem:v22+s14+$0x0] =	vst.idx.add.s32.msk vm6, v9  }
0x9b: {  	[tilespmem:v8+s13+$0x0] =	vst.idx.add.f32.msk vm2, v14  }
0x9c: {  	[tilespmem:v7+s13+$0x0] =	vst.idx.add.f32.msk vm1, v3  }
0x9d: {  	[tilespmem:v8+s14+$0x0] =	vst.idx.add.s32.msk vm2, v4  }
0x9e: {  	v3 =	vadd.s32 $0x10000, v18;
	[tilespmem:v7+s14+$0x0] =	vst.idx.add.s32.msk vm1, v11  }
0x9f: {  	v4 =	vadd.s32 $0x10000, v13;
	[tilespmem:v12+s14+$0x0] =	vst.idx.add.s32.msk vm0, v3  }
0xa0: {  	v3 =	vadd.s32 $0x10000, v16;
	[tilespmem:v10+s14+$0x0] =	vst.idx.add.s32.msk vm5, v4  }
0xa1: {  	[tilespmem:v24+s14+$0x0] =	vst.idx.add.s32.msk vm4, v3  }
0xa2: {  	s19 =	rddreg [dreg:$0x8]  }
0xa3: {  	[tilespmem:s1], [sflag:$0x1] =	stream.linear.gather [hbm4b:s19+s1], $0x4000, $0x38;
	[tilespmem:$0x19000] =	vst v63  }
0xa4: {  	s21 =	rddreg [dreg:$0x9]  }
0xa5: {  	[tilespmem:s7], [sflag:$0x1] =	stream.linear.gather [hbm4b:s21+s1], $0x4000, $0x38;
	[tilespmem:$0x19000] =	vst v63  }
0xa6: {  	_ =	swait.ge [sflag:s15], $0x4000  }
0xa7: {  	[sflag:s15] =	ssyncset.done $0x0  }
0xa8: {  	[sflag:s15] =	ssyncadd.s32 $0xFFFFC000  }
0xa9: {  	_ =	swait.ge [sflag:s15], $0x4000  }
0xaa: {  	[sflag:s15] =	ssyncset.done $0x0  }
0xab: {  	s21 =	simm.s32 $0x4040;
	[sflag:s15] =	ssyncadd.s32 $0xFFFFC000  }
0xac: {  	s19 =	simm.s32 $0x10040;
	v8 =	vld [tilespmem:s21+$0xFFFFFFE0]  }
0xad: {  	v4 =	vld [tilespmem:s19+$0xFFFFFFC0]  }
0xae: {  	v5 =	vld [tilespmem:s21+$0x0]  }
0xaf: {  	v14 =	vld [tilespmem:s21+$0x10]  }
0xb0: {  	v3 =	vld [tilespmem:s21+$0x20]  }
0xb1: {  	v9 =	vld [tilespmem:s21+$0x30];
	_ =	sdelay $0x1  }
0xb2: {  	v7 =	vld [tilespmem:s21+$0xFFFFFFF0];
	v6 =	vmul.f32 $9.999999040e+00, v8  }
0xb3: {  	v4 =	vadd.s32 $0x10000, v4;
	vm0 =	veq.f32 v8, $9.000000350e-01;
	v11 =	vmul.f32 $9.999999040e+00, v5  }
0xb4: {  	vm3 =	veq.f32 v5, $9.000000350e-01;
	v12 =	vmul.f32 $9.999999040e+00, v14;
	vm2 =	vgt.f32 v14, $0.0e+00  }
0xb5: {  	vm1 =	veq.f32 v3, $9.000000350e-01;
	v16 =	vmul.f32 $9.999999040e+00, v3;
	v18 =	vmul.f32 $9.999999040e+00, v9  }
0xb6: {  	vm4 =	veq.f32 v9, $9.000000350e-01;
	v13 =	vsel vm0, $0x1, v1;
	vm0 =	veq.f32 v14, $9.000000350e-01  }
0xb7: {  	v21 =	vsel vm1, $0x1, v1;
	vm1 =	veq.f32 v7, $9.000000350e-01;
	v10 =	vtrunc.f32 v6;
	v6 =	vld [tilespmem:s21+$0xFFFFFFD0]  }
0xb8: {  	v20 =	vsel vm4, $0x1, v1;
	v15 =	vtrunc.f32 v12;
	v10 =	vcvt.f32.s32 v10  }
0xb9: {  	v17 =	vsel vm0, $0x1, v1;
	v16 =	vtrunc.f32 v16;
	v24 =	vtrunc.f32 v11  }
0xba: {  	v25 =	vcvt.f32.s32 v16;
	v12 =	vadd.s32 v13, v10;
	v10 =	vmul.f32 $9.999999040e+00, v7  }
0xbb: {  	v22 =	vld [tilespmem:s19+$0x20];
	v19 =	vsel vm1, $0x1, v1;
	v13 =	vcvt.f32.s32 v15;
	v15 =	vtrunc.f32 v18  }
0xbc: {  	vm1 =	vgt.f32 v3, $0.0e+00;
	v15 =	vcvt.f32.s32 v15;
	v23 =	vmul.f32 $9.999999040e+00, v6  }
0xbd: {  	vm0 =	veq.f32 v6, $9.000000350e-01;
	v10 =	vtrunc.f32 v10;
	v13 =	vadd.s32 v17, v13  }
0xbe: {  	v26 =	vld [tilespmem:s19+$0x30];
	v13 =	vshll.u32 v13, $0x7;
	v15 =	vadd.s32 v20, v15;
	v16 =	vtrunc.f32 v23  }
0xbf: {  	v17 =	vld [tilespmem:s19+$0x10];
	v10 =	vcvt.f32.s32 v10;
	v20 =	vor.u32 v2, v13;
	v16 =	vcvt.f32.s32 v16  }
0xc0: {  	v11 =	vadd.s32 $0x10000, v22;
	v22 =	vcvt.f32.s32 v24;
	v18 =	vsel vm0, $0x1, v1;
	v13 =	vld [tilespmem:s19+$0xFFFFFFD0]  }
0xc1: {  	v21 =	vadd.s32 v21, v25;
	v24 =	vadd.s32 v19, v10;
	v19 =	vld [tilespmem:s19+$0x0];
	v18 =	vadd.s32 v18, v16  }
0xc2: {  	vm0 =	vgt.f32 v8, $0.0e+00;
	v23 =	vsel vm3, $0x1, v1;
	v16 =	vld [tilespmem:s19+$0xFFFFFFF0];
	v18 =	vshll.u32 v18, $0x7  }
0xc3: {  	vm3 =	vgt.f32 v9, $0.0e+00;
	v27 =	vshll.u32 v15, $0x7;
	v10 =	vor.u32 v2, v18;
	v18 =	vld [tilespmem:s19+$0xFFFFFFE0]  }
0xc4: {  	v22 =	vadd.s32 v23, v22;
	v23 =	vadd.s32 $0x10000, v17;
	v17 =	vor.u32 v2, v27;
	[tilespmem:v20+s13+$0x0] =	vst.idx.add.f32.msk vm2, v14  }
0xc5: {  	s20 =	simm.s32 $0x0;
	v15 =	vadd.s32 $0x10000, v26;
	v24 =	vshll.u32 v24, $0x7;
	v22 =	vshll.u32 v22, $0x7;
	v14 =	vld [tilespmem:s21+$0xFFFFFFC0];
	s21 =	simm.s32 $0x40C0  }
.LBB2_4:
0xc6: {  	v25 =	vld [tilespmem:s21+$0xFFFFFFF0];
	s20 =	sadd.s32 $0x8, s20;
	s19 =	sadd.s32 $0x80, s19  }
0xc7: {  	v12 =	vshll.u32 v12, $0x7;
	v26 =	vld [tilespmem:s19+$0x20];
	p0 =	slt.u32 s20, $0x3F8  }
0xc8: {  	v24 =	vor.u32 v2, v24;
	v27 =	vor.u32 v2, v12;
	[tilespmem:v20+s14+$0x0] =	vst.idx.add.s32.msk vm2, v23  }
0xc9: {  	[tilespmem:v17+s13+$0x0] =	vst.idx.add.f32.msk vm3, v9  }
0xca: {  	v12 =	vld [tilespmem:s19+$0xFFFFFFC0];
	v9 =	vmul.f32 $9.999999040e+00, v14;
	vm6 =	veq.f32 v14, $9.000000350e-01  }
0xcb: {  	v20 =	vld [tilespmem:s21+$0xFFFFFFD0]  }
0xcc: {  	vm4 =	vgt.f32 v7, $0.0e+00;
	v23 =	vld [tilespmem:s21+$0xFFFFFFE0];
	v9 =	vtrunc.f32 v9  }
0xcd: {  	vm5 =	vgt.f32 v6, $0.0e+00;
	vm2 =	vgt.f32 v5, $0.0e+00;
	v9 =	vcvt.f32.s32 v9;
	[tilespmem:v27+s13+$0x0] =	vst.idx.add.f32.msk vm0, v8  }
0xce: {  	v16 =	vadd.s32 $0x10000, v16;
	v22 =	vor.u32 v2, v22;
	v8 =	vsel vm6, $0x1, v1;
	v28 =	vld [tilespmem:s21+$0x0]  }
0xcf: {  	v13 =	vadd.s32 $0x10000, v13;
	vm7 =	vgt.f32 v14, $0.0e+00;
	v29 =	vld [tilespmem:s21+$0x10];
	v34 =	vadd.s32 v8, v9  }
0xd0: {  	v19 =	vadd.s32 $0x10000, v19;
	v18 =	vadd.s32 $0x10000, v18;
	v30 =	vld [tilespmem:s21+$0x20];
	v33 =	vshll.u32 v34, $0x7  }
0xd1: {  	v21 =	vshll.u32 v21, $0x7;
	v31 =	vmul.f32 $9.999999040e+00, v23;
	v9 =	vld [tilespmem:s21+$0x30];
	v32 =	vor.u32 v2, v33;
	v8 =	vmovc v23  }
0xd2: {  	v21 =	vor.u32 v2, v21;
	v23 =	vadd.s32 $0x10000, v12;
	vm8 =	veq.f32 v8, $9.000000350e-01;
	[tilespmem:v24+s13+$0x0] =	vst.idx.add.f32.msk vm4, v7;
	v7 =	vmovc v25  }
0xd3: {  	v12 =	vtrunc.f32 v31;
	v25 =	vmul.f32 $9.999999040e+00, v28;
	vm6 =	veq.f32 v28, $9.000000350e-01;
	[tilespmem:v22+s13+$0x0] =	vst.idx.add.f32.msk vm2, v5;
	v5 =	vmovc v28  }
0xd4: {  	v28 =	vsel vm8, $0x1, v1;
	v31 =	vmul.f32 $9.999999040e+00, v29;
	vm8 =	veq.f32 v29, $9.000000350e-01;
	[tilespmem:v22+s14+$0x0] =	vst.idx.add.s32.msk vm2, v19  }
0xd5: {  	v12 =	vcvt.f32.s32 v12;
	vm2 =	vgt.f32 v29, $0.0e+00;
	vm9 =	veq.f32 v30, $9.000000350e-01;
	[tilespmem:v17+s14+$0x0] =	vst.idx.add.s32.msk vm3, v15  }
0xd6: {  	v17 =	vmul.f32 $9.999999040e+00, v30;
	v15 =	vtrunc.f32 v31;
	v31 =	vsel vm9, $0x1, v1;
	[tilespmem:v32+s13+$0x0] =	vst.idx.add.f32.msk vm7, v14  }
0xd7: {  	vm3 =	veq.f32 v7, $9.000000350e-01;
	v14 =	vsel vm8, $0x1, v1;
	v19 =	vmul.f32 $9.999999040e+00, v9;
	[tilespmem:v21+s13+$0x0] =	vst.idx.add.f32.msk vm1, v3;
	v3 =	vmovc v30  }
0xd8: {  	v22 =	vmul.f32 $9.999999040e+00, v7;
	v12 =	vadd.s32 v28, v12;
	v28 =	vsel vm3, $0x1, v1;
	[tilespmem:v21+s14+$0x0] =	vst.idx.add.s32.msk vm1, v11  }
0xd9: {  	vm1 =	veq.f32 v20, $9.000000350e-01;
	v11 =	vcvt.f32.s32 v15;
	v15 =	vtrunc.f32 v19;
	[tilespmem:v10+s13+$0x0] =	vst.idx.add.f32.msk vm5, v6;
	v6 =	vmovc v20  }
0xda: {  	vm3 =	veq.f32 v9, $9.000000350e-01;
	v17 =	vtrunc.f32 v17;
	v19 =	vsel vm1, $0x1, v1;
	[tilespmem:v32+s14+$0x0] =	vst.idx.add.s32.msk vm7, v4;
	v4 =	vmovc v23  }
0xdb: {  	vm1 =	vgt.f32 v3, $0.0e+00;
	v20 =	vsel vm3, $0x1, v1;
	[tilespmem:v27+s14+$0x0] =	vst.idx.add.s32.msk vm0, v18;
	vm0 =	vgt.f32 v8, $0.0e+00  }
0xdc: {  	v15 =	vcvt.f32.s32 v15;
	v18 =	vmul.f32 $9.999999040e+00, v6;
	[tilespmem:v10+s14+$0x0] =	vst.idx.add.s32.msk vm5, v13  }
0xdd: {  	v21 =	vcvt.f32.s32 v17;
	v11 =	vadd.s32 v14, v11;
	v10 =	vtrunc.f32 v22;
	[tilespmem:v24+s14+$0x0] =	vst.idx.add.s32.msk vm4, v16  }
0xde: {  	v11 =	vshll.u32 v11, $0x7;
	v15 =	vadd.s32 v20, v15;
	v13 =	vtrunc.f32 v18;
	v14 =	vld [tilespmem:s19+$0x10]  }
0xdf: {  	v17 =	vsel vm6, $0x1, v1;
	v20 =	vor.u32 v2, v11;
	v16 =	vcvt.f32.s32 v13;
	v22 =	vld [tilespmem:s19+$0x30]  }
0xe0: {  	v11 =	vadd.s32 $0x10000, v26;
	v10 =	vcvt.f32.s32 v10;
	v18 =	vtrunc.f32 v25;
	v13 =	vld [tilespmem:s19+$0xFFFFFFD0]  }
.Ltmp1:
0xe1: {  	vm3 =	vgt.f32 v9, $0.0e+00;
	v23 =	vcvt.f32.s32 v18;
	v19 =	vadd.s32 v19, v16;
	v16 =	vld [tilespmem:s19+$0xFFFFFFF0];
	(pc) =	sbr.rel @p0 .LBB2_4-.Ltmp1, $4  }
0xe2: {  	v25 =	vshll.u32 v15, $0x7;
	v24 =	vadd.s32 v28, v10;
	v18 =	vshll.u32 v19, $0x7;
	v19 =	vld [tilespmem:s19+$0x0]  }
0xe3: {  	v26 =	vadd.s32 v17, v23;
	v10 =	vor.u32 v2, v18;
	v18 =	vld [tilespmem:s19+$0xFFFFFFE0];
	v23 =	vadd.s32 $0x10000, v14  }
0xe4: {  	v24 =	vshll.u32 v24, $0x7;
	v17 =	vor.u32 v2, v25;
	[tilespmem:v20+s13+$0x0] =	vst.idx.add.f32.msk vm2, v29;
	v15 =	vadd.s32 $0x10000, v22  }
0xe5: {  	v21 =	vadd.s32 v31, v21;
	v22 =	vshll.u32 v26, $0x7;
	v14 =	vld [tilespmem:s21+$0xFFFFFFC0];
	s21 =	sadd.s32 $0x80, s21  }
0xe6: {  	_ =	sdelay $0x3  }
0xe7: {  	v25 =	vmul.f32 $9.999999040e+00, v14  }
0xe8: {  	v12 =	vshll.u32 v12, $0x7;
	v24 =	vor.u32 v2, v24  }
0xe9: {  	vm4 =	vgt.f32 v7, $0.0e+00;
	v12 =	vor.u32 v2, v12;
	v25 =	vtrunc.f32 v25  }
0xea: {  	vm6 =	vgt.f32 v5, $0.0e+00;
	vm5 =	veq.f32 v14, $9.000000350e-01;
	v25 =	vcvt.f32.s32 v25  }
0xeb: {  	v22 =	vor.u32 v2, v22;
	[tilespmem:v20+s14+$0x0] =	vst.idx.add.s32.msk vm2, v23;
	v26 =	vsel vm5, $0x1, v1;
	vm5 =	vgt.f32 v6, $0.0e+00  }
0xec: {  	[tilespmem:v17+s13+$0x0] =	vst.idx.add.f32.msk vm3, v9;
	v20 =	vadd.s32 v26, v25  }
0xed: {  	[tilespmem:v17+s14+$0x0] =	vst.idx.add.s32.msk vm3, v15;
	vm2 =	vgt.f32 v14, $0.0e+00;
	v9 =	vshll.u32 v20, $0x7  }
0xee: {  	[tilespmem:v12+s13+$0x0] =	vst.idx.add.f32.msk vm0, v8;
	v8 =	vor.u32 v2, v9;
	v9 =	vshll.u32 v21, $0x7  }
0xef: {  	[tilespmem:v24+s13+$0x0] =	vst.idx.add.f32.msk vm4, v7;
	v7 =	vor.u32 v2, v9  }
0xf0: {  	[tilespmem:v22+s13+$0x0] =	vst.idx.add.f32.msk vm6, v5  }
0xf1: {  	[tilespmem:v10+s13+$0x0] =	vst.idx.add.f32.msk vm5, v6;
	v9 =	vadd.s32 $0x10000, v19  }
0xf2: {  	[tilespmem:v22+s14+$0x0] =	vst.idx.add.s32.msk vm6, v9  }
0xf3: {  	[tilespmem:v8+s13+$0x0] =	vst.idx.add.f32.msk vm2, v14  }
0xf4: {  	[tilespmem:v7+s13+$0x0] =	vst.idx.add.f32.msk vm1, v3  }
0xf5: {  	[tilespmem:v8+s14+$0x0] =	vst.idx.add.s32.msk vm2, v4  }
0xf6: {  	v3 =	vadd.s32 $0x10000, v18;
	[tilespmem:v7+s14+$0x0] =	vst.idx.add.s32.msk vm1, v11  }
0xf7: {  	v4 =	vadd.s32 $0x10000, v13;
	[tilespmem:v12+s14+$0x0] =	vst.idx.add.s32.msk vm0, v3  }
0xf8: {  	v3 =	vadd.s32 $0x10000, v16;
	[tilespmem:v10+s14+$0x0] =	vst.idx.add.s32.msk vm5, v4  }
0xf9: {  	[tilespmem:v24+s14+$0x0] =	vst.idx.add.s32.msk vm4, v3  }
0xfa: {  	s19 =	rddreg [dreg:$0xa]  }
0xfb: {  	[tilespmem:s8], [sflag:$0x2] =	stream.linear.gather [hbm4b:s19+s1], $0x4000, $0x38;
	[tilespmem:$0x19000] =	vst v63  }
0xfc: {  	s21 =	rddreg [dreg:$0xb]  }
0xfd: {  	[tilespmem:s9], [sflag:$0x2] =	stream.linear.gather [hbm4b:s21+s1], $0x4000, $0x38;
	[tilespmem:$0x19000] =	vst v63  }
0xfe: {  	_ =	swait.ge [sflag:s16], $0x4000  }
0xff: {  	[sflag:s16] =	ssyncset.done $0x0  }
0x100: {  	[sflag:s16] =	ssyncadd.s32 $0xFFFFC000  }
0x101: {  	_ =	swait.ge [sflag:s16], $0x4000  }
0x102: {  	[sflag:s16] =	ssyncset.done $0x0  }
0x103: {  	s21 =	simm.s32 $0x8040;
	[sflag:s16] =	ssyncadd.s32 $0xFFFFC000  }
0x104: {  	s19 =	simm.s32 $0x14040;
	v8 =	vld [tilespmem:s21+$0xFFFFFFE0]  }
0x105: {  	v4 =	vld [tilespmem:s19+$0xFFFFFFC0]  }
0x106: {  	v5 =	vld [tilespmem:s21+$0x0]  }
0x107: {  	v14 =	vld [tilespmem:s21+$0x10]  }
0x108: {  	v3 =	vld [tilespmem:s21+$0x20]  }
0x109: {  	v9 =	vld [tilespmem:s21+$0x30];
	_ =	sdelay $0x1  }
0x10a: {  	v7 =	vld [tilespmem:s21+$0xFFFFFFF0];
	v6 =	vmul.f32 $9.999999040e+00, v8  }
0x10b: {  	v4 =	vadd.s32 $0x10000, v4;
	vm0 =	veq.f32 v8, $9.000000350e-01;
	v11 =	vmul.f32 $9.999999040e+00, v5  }
0x10c: {  	vm3 =	veq.f32 v5, $9.000000350e-01;
	v12 =	vmul.f32 $9.999999040e+00, v14;
	vm2 =	vgt.f32 v14, $0.0e+00  }
0x10d: {  	vm1 =	veq.f32 v3, $9.000000350e-01;
	v16 =	vmul.f32 $9.999999040e+00, v3;
	v18 =	vmul.f32 $9.999999040e+00, v9  }
0x10e: {  	vm4 =	veq.f32 v9, $9.000000350e-01;
	v13 =	vsel vm0, $0x1, v1;
	vm0 =	veq.f32 v14, $9.000000350e-01  }
0x10f: {  	v21 =	vsel vm1, $0x1, v1;
	vm1 =	veq.f32 v7, $9.000000350e-01;
	v10 =	vtrunc.f32 v6;
	v6 =	vld [tilespmem:s21+$0xFFFFFFD0]  }
0x110: {  	v20 =	vsel vm4, $0x1, v1;
	v15 =	vtrunc.f32 v12;
	v10 =	vcvt.f32.s32 v10  }
0x111: {  	v17 =	vsel vm0, $0x1, v1;
	v16 =	vtrunc.f32 v16;
	v24 =	vtrunc.f32 v11  }
0x112: {  	v25 =	vcvt.f32.s32 v16;
	v12 =	vadd.s32 v13, v10;
	v10 =	vmul.f32 $9.999999040e+00, v7  }
0x113: {  	v22 =	vld [tilespmem:s19+$0x20];
	v19 =	vsel vm1, $0x1, v1;
	v13 =	vcvt.f32.s32 v15;
	v15 =	vtrunc.f32 v18  }
0x114: {  	vm1 =	vgt.f32 v3, $0.0e+00;
	v15 =	vcvt.f32.s32 v15;
	v23 =	vmul.f32 $9.999999040e+00, v6  }
0x115: {  	vm0 =	veq.f32 v6, $9.000000350e-01;
	v10 =	vtrunc.f32 v10;
	v13 =	vadd.s32 v17, v13  }
0x116: {  	v26 =	vld [tilespmem:s19+$0x30];
	v13 =	vshll.u32 v13, $0x7;
	v15 =	vadd.s32 v20, v15;
	v16 =	vtrunc.f32 v23  }
0x117: {  	v17 =	vld [tilespmem:s19+$0x10];
	v10 =	vcvt.f32.s32 v10;
	v20 =	vor.u32 v2, v13;
	v16 =	vcvt.f32.s32 v16  }
0x118: {  	v11 =	vadd.s32 $0x10000, v22;
	v22 =	vcvt.f32.s32 v24;
	v18 =	vsel vm0, $0x1, v1;
	v13 =	vld [tilespmem:s19+$0xFFFFFFD0]  }
0x119: {  	v21 =	vadd.s32 v21, v25;
	v24 =	vadd.s32 v19, v10;
	v19 =	vld [tilespmem:s19+$0x0];
	v18 =	vadd.s32 v18, v16  }
0x11a: {  	vm0 =	vgt.f32 v8, $0.0e+00;
	v23 =	vsel vm3, $0x1, v1;
	v16 =	vld [tilespmem:s19+$0xFFFFFFF0];
	v18 =	vshll.u32 v18, $0x7  }
0x11b: {  	vm3 =	vgt.f32 v9, $0.0e+00;
	v27 =	vshll.u32 v15, $0x7;
	v10 =	vor.u32 v2, v18;
	v18 =	vld [tilespmem:s19+$0xFFFFFFE0]  }
0x11c: {  	v22 =	vadd.s32 v23, v22;
	v23 =	vadd.s32 $0x10000, v17;
	v17 =	vor.u32 v2, v27;
	[tilespmem:v20+s13+$0x0] =	vst.idx.add.f32.msk vm2, v14  }
0x11d: {  	s20 =	simm.s32 $0x0;
	v15 =	vadd.s32 $0x10000, v26;
	v24 =	vshll.u32 v24, $0x7;
	v22 =	vshll.u32 v22, $0x7;
	v14 =	vld [tilespmem:s21+$0xFFFFFFC0];
	s21 =	simm.s32 $0x80C0  }
.LBB2_6:
0x11e: {  	v25 =	vld [tilespmem:s21+$0xFFFFFFF0];
	s20 =	sadd.s32 $0x8, s20;
	s19 =	sadd.s32 $0x80, s19  }
0x11f: {  	v12 =	vshll.u32 v12, $0x7;
	v26 =	vld [tilespmem:s19+$0x20];
	p0 =	slt.u32 s20, $0x3F8  }
0x120: {  	v24 =	vor.u32 v2, v24;
	v27 =	vor.u32 v2, v12;
	[tilespmem:v20+s14+$0x0] =	vst.idx.add.s32.msk vm2, v23  }
0x121: {  	[tilespmem:v17+s13+$0x0] =	vst.idx.add.f32.msk vm3, v9  }
0x122: {  	v12 =	vld [tilespmem:s19+$0xFFFFFFC0];
	v9 =	vmul.f32 $9.999999040e+00, v14;
	vm6 =	veq.f32 v14, $9.000000350e-01  }
0x123: {  	v20 =	vld [tilespmem:s21+$0xFFFFFFD0]  }
0x124: {  	vm4 =	vgt.f32 v7, $0.0e+00;
	v23 =	vld [tilespmem:s21+$0xFFFFFFE0];
	v9 =	vtrunc.f32 v9  }
0x125: {  	vm5 =	vgt.f32 v6, $0.0e+00;
	vm2 =	vgt.f32 v5, $0.0e+00;
	v9 =	vcvt.f32.s32 v9;
	[tilespmem:v27+s13+$0x0] =	vst.idx.add.f32.msk vm0, v8  }
0x126: {  	v16 =	vadd.s32 $0x10000, v16;
	v22 =	vor.u32 v2, v22;
	v8 =	vsel vm6, $0x1, v1;
	v28 =	vld [tilespmem:s21+$0x0]  }
0x127: {  	v13 =	vadd.s32 $0x10000, v13;
	vm7 =	vgt.f32 v14, $0.0e+00;
	v29 =	vld [tilespmem:s21+$0x10];
	v34 =	vadd.s32 v8, v9  }
0x128: {  	v19 =	vadd.s32 $0x10000, v19;
	v18 =	vadd.s32 $0x10000, v18;
	v30 =	vld [tilespmem:s21+$0x20];
	v33 =	vshll.u32 v34, $0x7  }
0x129: {  	v21 =	vshll.u32 v21, $0x7;
	v31 =	vmul.f32 $9.999999040e+00, v23;
	v9 =	vld [tilespmem:s21+$0x30];
	v32 =	vor.u32 v2, v33;
	v8 =	vmovc v23  }
0x12a: {  	v21 =	vor.u32 v2, v21;
	v23 =	vadd.s32 $0x10000, v12;
	vm8 =	veq.f32 v8, $9.000000350e-01;
	[tilespmem:v24+s13+$0x0] =	vst.idx.add.f32.msk vm4, v7;
	v7 =	vmovc v25  }
0x12b: {  	v12 =	vtrunc.f32 v31;
	v25 =	vmul.f32 $9.999999040e+00, v28;
	vm6 =	veq.f32 v28, $9.000000350e-01;
	[tilespmem:v22+s13+$0x0] =	vst.idx.add.f32.msk vm2, v5;
	v5 =	vmovc v28  }
0x12c: {  	v28 =	vsel vm8, $0x1, v1;
	v31 =	vmul.f32 $9.999999040e+00, v29;
	vm8 =	veq.f32 v29, $9.000000350e-01;
	[tilespmem:v22+s14+$0x0] =	vst.idx.add.s32.msk vm2, v19  }
0x12d: {  	v12 =	vcvt.f32.s32 v12;
	vm2 =	vgt.f32 v29, $0.0e+00;
	vm9 =	veq.f32 v30, $9.000000350e-01;
	[tilespmem:v17+s14+$0x0] =	vst.idx.add.s32.msk vm3, v15  }
0x12e: {  	v17 =	vmul.f32 $9.999999040e+00, v30;
	v15 =	vtrunc.f32 v31;
	v31 =	vsel vm9, $0x1, v1;
	[tilespmem:v32+s13+$0x0] =	vst.idx.add.f32.msk vm7, v14  }
0x12f: {  	vm3 =	veq.f32 v7, $9.000000350e-01;
	v14 =	vsel vm8, $0x1, v1;
	v19 =	vmul.f32 $9.999999040e+00, v9;
	[tilespmem:v21+s13+$0x0] =	vst.idx.add.f32.msk vm1, v3;
	v3 =	vmovc v30  }
0x130: {  	v22 =	vmul.f32 $9.999999040e+00, v7;
	v12 =	vadd.s32 v28, v12;
	v28 =	vsel vm3, $0x1, v1;
	[tilespmem:v21+s14+$0x0] =	vst.idx.add.s32.msk vm1, v11  }
0x131: {  	vm1 =	veq.f32 v20, $9.000000350e-01;
	v11 =	vcvt.f32.s32 v15;
	v15 =	vtrunc.f32 v19;
	[tilespmem:v10+s13+$0x0] =	vst.idx.add.f32.msk vm5, v6;
	v6 =	vmovc v20  }
0x132: {  	vm3 =	veq.f32 v9, $9.000000350e-01;
	v17 =	vtrunc.f32 v17;
	v19 =	vsel vm1, $0x1, v1;
	[tilespmem:v32+s14+$0x0] =	vst.idx.add.s32.msk vm7, v4;
	v4 =	vmovc v23  }
0x133: {  	vm1 =	vgt.f32 v3, $0.0e+00;
	v20 =	vsel vm3, $0x1, v1;
	[tilespmem:v27+s14+$0x0] =	vst.idx.add.s32.msk vm0, v18;
	vm0 =	vgt.f32 v8, $0.0e+00  }
0x134: {  	v15 =	vcvt.f32.s32 v15;
	v18 =	vmul.f32 $9.999999040e+00, v6;
	[tilespmem:v10+s14+$0x0] =	vst.idx.add.s32.msk vm5, v13  }
0x135: {  	v21 =	vcvt.f32.s32 v17;
	v11 =	vadd.s32 v14, v11;
	v10 =	vtrunc.f32 v22;
	[tilespmem:v24+s14+$0x0] =	vst.idx.add.s32.msk vm4, v16  }
0x136: {  	v11 =	vshll.u32 v11, $0x7;
	v15 =	vadd.s32 v20, v15;
	v13 =	vtrunc.f32 v18;
	v14 =	vld [tilespmem:s19+$0x10]  }
0x137: {  	v17 =	vsel vm6, $0x1, v1;
	v20 =	vor.u32 v2, v11;
	v16 =	vcvt.f32.s32 v13;
	v22 =	vld [tilespmem:s19+$0x30]  }
0x138: {  	v11 =	vadd.s32 $0x10000, v26;
	v10 =	vcvt.f32.s32 v10;
	v18 =	vtrunc.f32 v25;
	v13 =	vld [tilespmem:s19+$0xFFFFFFD0]  }
.Ltmp2:
0x139: {  	vm3 =	vgt.f32 v9, $0.0e+00;
	v23 =	vcvt.f32.s32 v18;
	v19 =	vadd.s32 v19, v16;
	v16 =	vld [tilespmem:s19+$0xFFFFFFF0];
	(pc) =	sbr.rel @p0 .LBB2_6-.Ltmp2, $4  }
0x13a: {  	v25 =	vshll.u32 v15, $0x7;
	v24 =	vadd.s32 v28, v10;
	v18 =	vshll.u32 v19, $0x7;
	v19 =	vld [tilespmem:s19+$0x0]  }
0x13b: {  	v26 =	vadd.s32 v17, v23;
	v10 =	vor.u32 v2, v18;
	v18 =	vld [tilespmem:s19+$0xFFFFFFE0];
	v23 =	vadd.s32 $0x10000, v14  }
0x13c: {  	v24 =	vshll.u32 v24, $0x7;
	v17 =	vor.u32 v2, v25;
	[tilespmem:v20+s13+$0x0] =	vst.idx.add.f32.msk vm2, v29;
	v15 =	vadd.s32 $0x10000, v22  }
0x13d: {  	v21 =	vadd.s32 v31, v21;
	v22 =	vshll.u32 v26, $0x7;
	v14 =	vld [tilespmem:s21+$0xFFFFFFC0];
	s21 =	sadd.s32 $0x80, s21  }
0x13e: {  	_ =	sdelay $0x3  }
0x13f: {  	v25 =	vmul.f32 $9.999999040e+00, v14  }
0x140: {  	v12 =	vshll.u32 v12, $0x7;
	v24 =	vor.u32 v2, v24  }
0x141: {  	vm4 =	vgt.f32 v7, $0.0e+00;
	v12 =	vor.u32 v2, v12;
	v25 =	vtrunc.f32 v25  }
0x142: {  	vm6 =	vgt.f32 v5, $0.0e+00;
	vm5 =	veq.f32 v14, $9.000000350e-01;
	v25 =	vcvt.f32.s32 v25  }
0x143: {  	v22 =	vor.u32 v2, v22;
	[tilespmem:v20+s14+$0x0] =	vst.idx.add.s32.msk vm2, v23;
	v26 =	vsel vm5, $0x1, v1;
	vm5 =	vgt.f32 v6, $0.0e+00  }
0x144: {  	[tilespmem:v17+s13+$0x0] =	vst.idx.add.f32.msk vm3, v9;
	v20 =	vadd.s32 v26, v25  }
0x145: {  	[tilespmem:v17+s14+$0x0] =	vst.idx.add.s32.msk vm3, v15;
	vm2 =	vgt.f32 v14, $0.0e+00;
	v9 =	vshll.u32 v20, $0x7  }
0x146: {  	[tilespmem:v12+s13+$0x0] =	vst.idx.add.f32.msk vm0, v8;
	v8 =	vor.u32 v2, v9;
	v9 =	vshll.u32 v21, $0x7  }
0x147: {  	[tilespmem:v24+s13+$0x0] =	vst.idx.add.f32.msk vm4, v7;
	v7 =	vor.u32 v2, v9  }
0x148: {  	[tilespmem:v22+s13+$0x0] =	vst.idx.add.f32.msk vm6, v5  }
0x149: {  	[tilespmem:v10+s13+$0x0] =	vst.idx.add.f32.msk vm5, v6;
	v9 =	vadd.s32 $0x10000, v19  }
0x14a: {  	[tilespmem:v22+s14+$0x0] =	vst.idx.add.s32.msk vm6, v9  }
0x14b: {  	[tilespmem:v8+s13+$0x0] =	vst.idx.add.f32.msk vm2, v14  }
0x14c: {  	[tilespmem:v7+s13+$0x0] =	vst.idx.add.f32.msk vm1, v3  }
0x14d: {  	[tilespmem:v8+s14+$0x0] =	vst.idx.add.s32.msk vm2, v4  }
0x14e: {  	v3 =	vadd.s32 $0x10000, v18;
	[tilespmem:v7+s14+$0x0] =	vst.idx.add.s32.msk vm1, v11  }
0x14f: {  	v4 =	vadd.s32 $0x10000, v13;
	[tilespmem:v12+s14+$0x0] =	vst.idx.add.s32.msk vm0, v3  }
0x150: {  	v3 =	vadd.s32 $0x10000, v16;
	[tilespmem:v10+s14+$0x0] =	vst.idx.add.s32.msk vm5, v4  }
0x151: {  	[tilespmem:v24+s14+$0x0] =	vst.idx.add.s32.msk vm4, v3  }
0x152: {  	s19 =	rddreg [dreg:$0xc]  }
0x153: {  	[tilespmem:s10], [sflag:$0x3] =	stream.linear.gather [hbm4b:s19+s1], $0x4000, $0x38;
	[tilespmem:$0x19000] =	vst v63  }
0x154: {  	s21 =	rddreg [dreg:$0xd]  }
0x155: {  	[tilespmem:s11], [sflag:$0x3] =	stream.linear.gather [hbm4b:s21+s1], $0x4000, $0x38;
	[tilespmem:$0x19000] =	vst v63  }
0x156: {  	_ =	swait.ge [sflag:s12], $0x4000  }
0x157: {  	[sflag:s12] =	ssyncset.done $0x0  }
0x158: {  	[sflag:s12] =	ssyncadd.s32 $0xFFFFC000  }
0x159: {  	_ =	swait.ge [sflag:s12], $0x4000  }
0x15a: {  	[sflag:s12] =	ssyncset.done $0x0  }
0x15b: {  	s21 =	simm.s32 $0x40;
	[sflag:s12] =	ssyncadd.s32 $0xFFFFC000  }
0x15c: {  	s19 =	simm.s32 $0xC040;
	v8 =	vld [tilespmem:s21+$0xFFFFFFE0]  }
0x15d: {  	v4 =	vld [tilespmem:s19+$0xFFFFFFC0]  }
0x15e: {  	v5 =	vld [tilespmem:s21+$0x0]  }
0x15f: {  	v14 =	vld [tilespmem:s21+$0x10]  }
0x160: {  	v3 =	vld [tilespmem:s21+$0x20]  }
0x161: {  	v9 =	vld [tilespmem:s21+$0x30];
	_ =	sdelay $0x1  }
0x162: {  	v7 =	vld [tilespmem:s21+$0xFFFFFFF0];
	v6 =	vmul.f32 $9.999999040e+00, v8  }
0x163: {  	v4 =	vadd.s32 $0x10000, v4;
	vm0 =	veq.f32 v8, $9.000000350e-01;
	v11 =	vmul.f32 $9.999999040e+00, v5  }
0x164: {  	vm3 =	veq.f32 v5, $9.000000350e-01;
	v12 =	vmul.f32 $9.999999040e+00, v14;
	vm2 =	vgt.f32 v14, $0.0e+00  }
0x165: {  	vm1 =	veq.f32 v3, $9.000000350e-01;
	v16 =	vmul.f32 $9.999999040e+00, v3;
	v18 =	vmul.f32 $9.999999040e+00, v9  }
0x166: {  	vm4 =	veq.f32 v9, $9.000000350e-01;
	v13 =	vsel vm0, $0x1, v1;
	vm0 =	veq.f32 v14, $9.000000350e-01  }
0x167: {  	v21 =	vsel vm1, $0x1, v1;
	vm1 =	veq.f32 v7, $9.000000350e-01;
	v10 =	vtrunc.f32 v6;
	v6 =	vld [tilespmem:s21+$0xFFFFFFD0]  }
0x168: {  	v20 =	vsel vm4, $0x1, v1;
	v15 =	vtrunc.f32 v12;
	v10 =	vcvt.f32.s32 v10  }
0x169: {  	v17 =	vsel vm0, $0x1, v1;
	v16 =	vtrunc.f32 v16;
	v24 =	vtrunc.f32 v11  }
0x16a: {  	v25 =	vcvt.f32.s32 v16;
	v12 =	vadd.s32 v13, v10;
	v10 =	vmul.f32 $9.999999040e+00, v7  }
0x16b: {  	v22 =	vld [tilespmem:s19+$0x20];
	v19 =	vsel vm1, $0x1, v1;
	v13 =	vcvt.f32.s32 v15;
	v15 =	vtrunc.f32 v18  }
0x16c: {  	vm1 =	vgt.f32 v3, $0.0e+00;
	v15 =	vcvt.f32.s32 v15;
	v23 =	vmul.f32 $9.999999040e+00, v6  }
0x16d: {  	vm0 =	veq.f32 v6, $9.000000350e-01;
	v10 =	vtrunc.f32 v10;
	v13 =	vadd.s32 v17, v13  }
0x16e: {  	v26 =	vld [tilespmem:s19+$0x30];
	v13 =	vshll.u32 v13, $0x7;
	v15 =	vadd.s32 v20, v15;
	v16 =	vtrunc.f32 v23  }
0x16f: {  	v17 =	vld [tilespmem:s19+$0x10];
	v10 =	vcvt.f32.s32 v10;
	v20 =	vor.u32 v2, v13;
	v16 =	vcvt.f32.s32 v16  }
0x170: {  	v11 =	vadd.s32 $0x10000, v22;
	v22 =	vcvt.f32.s32 v24;
	v18 =	vsel vm0, $0x1, v1;
	v13 =	vld [tilespmem:s19+$0xFFFFFFD0]  }
0x171: {  	v21 =	vadd.s32 v21, v25;
	v24 =	vadd.s32 v19, v10;
	v19 =	vld [tilespmem:s19+$0x0];
	v18 =	vadd.s32 v18, v16  }
0x172: {  	vm0 =	vgt.f32 v8, $0.0e+00;
	v23 =	vsel vm3, $0x1, v1;
	v16 =	vld [tilespmem:s19+$0xFFFFFFF0];
	v18 =	vshll.u32 v18, $0x7  }
0x173: {  	vm3 =	vgt.f32 v9, $0.0e+00;
	v27 =	vshll.u32 v15, $0x7;
	v10 =	vor.u32 v2, v18;
	v18 =	vld [tilespmem:s19+$0xFFFFFFE0]  }
0x174: {  	v22 =	vadd.s32 v23, v22;
	v23 =	vadd.s32 $0x10000, v17;
	v17 =	vor.u32 v2, v27;
	[tilespmem:v20+s13+$0x0] =	vst.idx.add.f32.msk vm2, v14  }
0x175: {  	s20 =	simm.s32 $0x0;
	v15 =	vadd.s32 $0x10000, v26;
	v24 =	vshll.u32 v24, $0x7;
	v22 =	vshll.u32 v22, $0x7;
	v14 =	vld [tilespmem:s21+$0xFFFFFFC0];
	s21 =	simm.s32 $0xC0  }
.LBB2_8:
0x176: {  	v25 =	vld [tilespmem:s21+$0xFFFFFFF0];
	s20 =	sadd.s32 $0x8, s20;
	s19 =	sadd.s32 $0x80, s19  }
0x177: {  	v12 =	vshll.u32 v12, $0x7;
	v26 =	vld [tilespmem:s19+$0x20];
	p0 =	slt.u32 s20, $0x3F8  }
0x178: {  	v24 =	vor.u32 v2, v24;
	v27 =	vor.u32 v2, v12;
	[tilespmem:v20+s14+$0x0] =	vst.idx.add.s32.msk vm2, v23  }
0x179: {  	[tilespmem:v17+s13+$0x0] =	vst.idx.add.f32.msk vm3, v9  }
0x17a: {  	v12 =	vld [tilespmem:s19+$0xFFFFFFC0];
	v9 =	vmul.f32 $9.999999040e+00, v14;
	vm6 =	veq.f32 v14, $9.000000350e-01  }
0x17b: {  	v20 =	vld [tilespmem:s21+$0xFFFFFFD0]  }
0x17c: {  	vm4 =	vgt.f32 v7, $0.0e+00;
	v23 =	vld [tilespmem:s21+$0xFFFFFFE0];
	v9 =	vtrunc.f32 v9  }
0x17d: {  	vm5 =	vgt.f32 v6, $0.0e+00;
	vm2 =	vgt.f32 v5, $0.0e+00;
	v9 =	vcvt.f32.s32 v9;
	[tilespmem:v27+s13+$0x0] =	vst.idx.add.f32.msk vm0, v8  }
0x17e: {  	v16 =	vadd.s32 $0x10000, v16;
	v22 =	vor.u32 v2, v22;
	v8 =	vsel vm6, $0x1, v1;
	v28 =	vld [tilespmem:s21+$0x0]  }
0x17f: {  	v13 =	vadd.s32 $0x10000, v13;
	vm7 =	vgt.f32 v14, $0.0e+00;
	v29 =	vld [tilespmem:s21+$0x10];
	v34 =	vadd.s32 v8, v9  }
0x180: {  	v19 =	vadd.s32 $0x10000, v19;
	v18 =	vadd.s32 $0x10000, v18;
	v30 =	vld [tilespmem:s21+$0x20];
	v33 =	vshll.u32 v34, $0x7  }
0x181: {  	v21 =	vshll.u32 v21, $0x7;
	v31 =	vmul.f32 $9.999999040e+00, v23;
	v9 =	vld [tilespmem:s21+$0x30];
	v32 =	vor.u32 v2, v33;
	v8 =	vmovc v23  }
0x182: {  	v21 =	vor.u32 v2, v21;
	v23 =	vadd.s32 $0x10000, v12;
	vm8 =	veq.f32 v8, $9.000000350e-01;
	[tilespmem:v24+s13+$0x0] =	vst.idx.add.f32.msk vm4, v7;
	v7 =	vmovc v25  }
0x183: {  	v12 =	vtrunc.f32 v31;
	v25 =	vmul.f32 $9.999999040e+00, v28;
	vm6 =	veq.f32 v28, $9.000000350e-01;
	[tilespmem:v22+s13+$0x0] =	vst.idx.add.f32.msk vm2, v5;
	v5 =	vmovc v28  }
0x184: {  	v28 =	vsel vm8, $0x1, v1;
	v31 =	vmul.f32 $9.999999040e+00, v29;
	vm8 =	veq.f32 v29, $9.000000350e-01;
	[tilespmem:v22+s14+$0x0] =	vst.idx.add.s32.msk vm2, v19  }
0x185: {  	v12 =	vcvt.f32.s32 v12;
	vm2 =	vgt.f32 v29, $0.0e+00;
	vm9 =	veq.f32 v30, $9.000000350e-01;
	[tilespmem:v17+s14+$0x0] =	vst.idx.add.s32.msk vm3, v15  }
0x186: {  	v17 =	vmul.f32 $9.999999040e+00, v30;
	v15 =	vtrunc.f32 v31;
	v31 =	vsel vm9, $0x1, v1;
	[tilespmem:v32+s13+$0x0] =	vst.idx.add.f32.msk vm7, v14  }
0x187: {  	vm3 =	veq.f32 v7, $9.000000350e-01;
	v14 =	vsel vm8, $0x1, v1;
	v19 =	vmul.f32 $9.999999040e+00, v9;
	[tilespmem:v21+s13+$0x0] =	vst.idx.add.f32.msk vm1, v3;
	v3 =	vmovc v30  }
0x188: {  	v22 =	vmul.f32 $9.999999040e+00, v7;
	v12 =	vadd.s32 v28, v12;
	v28 =	vsel vm3, $0x1, v1;
	[tilespmem:v21+s14+$0x0] =	vst.idx.add.s32.msk vm1, v11  }
0x189: {  	vm1 =	veq.f32 v20, $9.000000350e-01;
	v11 =	vcvt.f32.s32 v15;
	v15 =	vtrunc.f32 v19;
	[tilespmem:v10+s13+$0x0] =	vst.idx.add.f32.msk vm5, v6;
	v6 =	vmovc v20  }
0x18a: {  	vm3 =	veq.f32 v9, $9.000000350e-01;
	v17 =	vtrunc.f32 v17;
	v19 =	vsel vm1, $0x1, v1;
	[tilespmem:v32+s14+$0x0] =	vst.idx.add.s32.msk vm7, v4;
	v4 =	vmovc v23  }
0x18b: {  	vm1 =	vgt.f32 v3, $0.0e+00;
	v20 =	vsel vm3, $0x1, v1;
	[tilespmem:v27+s14+$0x0] =	vst.idx.add.s32.msk vm0, v18;
	vm0 =	vgt.f32 v8, $0.0e+00  }
0x18c: {  	v15 =	vcvt.f32.s32 v15;
	v18 =	vmul.f32 $9.999999040e+00, v6;
	[tilespmem:v10+s14+$0x0] =	vst.idx.add.s32.msk vm5, v13  }
0x18d: {  	v21 =	vcvt.f32.s32 v17;
	v11 =	vadd.s32 v14, v11;
	v10 =	vtrunc.f32 v22;
	[tilespmem:v24+s14+$0x0] =	vst.idx.add.s32.msk vm4, v16  }
0x18e: {  	v11 =	vshll.u32 v11, $0x7;
	v15 =	vadd.s32 v20, v15;
	v13 =	vtrunc.f32 v18;
	v14 =	vld [tilespmem:s19+$0x10]  }
0x18f: {  	v17 =	vsel vm6, $0x1, v1;
	v20 =	vor.u32 v2, v11;
	v16 =	vcvt.f32.s32 v13;
	v22 =	vld [tilespmem:s19+$0x30]  }
0x190: {  	v11 =	vadd.s32 $0x10000, v26;
	v10 =	vcvt.f32.s32 v10;
	v18 =	vtrunc.f32 v25;
	v13 =	vld [tilespmem:s19+$0xFFFFFFD0]  }
.Ltmp3:
0x191: {  	vm3 =	vgt.f32 v9, $0.0e+00;
	v23 =	vcvt.f32.s32 v18;
	v19 =	vadd.s32 v19, v16;
	v16 =	vld [tilespmem:s19+$0xFFFFFFF0];
	(pc) =	sbr.rel @p0 .LBB2_8-.Ltmp3, $4  }
0x192: {  	v25 =	vshll.u32 v15, $0x7;
	v24 =	vadd.s32 v28, v10;
	v18 =	vshll.u32 v19, $0x7;
	v19 =	vld [tilespmem:s19+$0x0]  }
0x193: {  	v26 =	vadd.s32 v17, v23;
	v10 =	vor.u32 v2, v18;
	v18 =	vld [tilespmem:s19+$0xFFFFFFE0];
	v23 =	vadd.s32 $0x10000, v14  }
0x194: {  	v24 =	vshll.u32 v24, $0x7;
	v17 =	vor.u32 v2, v25;
	[tilespmem:v20+s13+$0x0] =	vst.idx.add.f32.msk vm2, v29;
	v15 =	vadd.s32 $0x10000, v22  }
0x195: {  	v21 =	vadd.s32 v31, v21;
	v22 =	vshll.u32 v26, $0x7;
	v14 =	vld [tilespmem:s21+$0xFFFFFFC0];
	s21 =	sadd.s32 $0x80, s21  }
0x196: {  	_ =	sdelay $0x3  }
0x197: {  	v25 =	vmul.f32 $9.999999040e+00, v14  }
0x198: {  	v12 =	vshll.u32 v12, $0x7;
	v24 =	vor.u32 v2, v24  }
0x199: {  	vm4 =	vgt.f32 v7, $0.0e+00;
	v12 =	vor.u32 v2, v12;
	v25 =	vtrunc.f32 v25  }
0x19a: {  	vm6 =	vgt.f32 v5, $0.0e+00;
	vm5 =	veq.f32 v14, $9.000000350e-01;
	v25 =	vcvt.f32.s32 v25  }
0x19b: {  	v22 =	vor.u32 v2, v22;
	[tilespmem:v20+s14+$0x0] =	vst.idx.add.s32.msk vm2, v23;
	v26 =	vsel vm5, $0x1, v1;
	vm5 =	vgt.f32 v6, $0.0e+00  }
0x19c: {  	[tilespmem:v17+s13+$0x0] =	vst.idx.add.f32.msk vm3, v9;
	v20 =	vadd.s32 v26, v25  }
0x19d: {  	[tilespmem:v17+s14+$0x0] =	vst.idx.add.s32.msk vm3, v15;
	vm2 =	vgt.f32 v14, $0.0e+00;
	v9 =	vshll.u32 v20, $0x7  }
0x19e: {  	[tilespmem:v12+s13+$0x0] =	vst.idx.add.f32.msk vm0, v8;
	v8 =	vor.u32 v2, v9;
	v9 =	vshll.u32 v21, $0x7  }
0x19f: {  	[tilespmem:v24+s13+$0x0] =	vst.idx.add.f32.msk vm4, v7;
	v7 =	vor.u32 v2, v9  }
0x1a0: {  	[tilespmem:v22+s13+$0x0] =	vst.idx.add.f32.msk vm6, v5  }
0x1a1: {  	[tilespmem:v10+s13+$0x0] =	vst.idx.add.f32.msk vm5, v6;
	v9 =	vadd.s32 $0x10000, v19  }
0x1a2: {  	[tilespmem:v22+s14+$0x0] =	vst.idx.add.s32.msk vm6, v9  }
0x1a3: {  	[tilespmem:v8+s13+$0x0] =	vst.idx.add.f32.msk vm2, v14  }
0x1a4: {  	[tilespmem:v7+s13+$0x0] =	vst.idx.add.f32.msk vm1, v3  }
0x1a5: {  	[tilespmem:v8+s14+$0x0] =	vst.idx.add.s32.msk vm2, v4  }
0x1a6: {  	v3 =	vadd.s32 $0x10000, v18;
	[tilespmem:v7+s14+$0x0] =	vst.idx.add.s32.msk vm1, v11  }
0x1a7: {  	v4 =	vadd.s32 $0x10000, v13;
	[tilespmem:v12+s14+$0x0] =	vst.idx.add.s32.msk vm0, v3  }
0x1a8: {  	v3 =	vadd.s32 $0x10000, v16;
	[tilespmem:v10+s14+$0x0] =	vst.idx.add.s32.msk vm5, v4  }
0x1a9: {  	[tilespmem:v24+s14+$0x0] =	vst.idx.add.s32.msk vm4, v3  }
0x1aa: {  	s19 =	rddreg [dreg:$0xe]  }
0x1ab: {  	[tilespmem:s1], [sflag:$0x1] =	stream.linear.gather [hbm4b:s19+s1], $0x4000, $0x38;
	[tilespmem:$0x19000] =	vst v63  }
0x1ac: {  	s21 =	rddreg [dreg:$0xf]  }
0x1ad: {  	[tilespmem:s7], [sflag:$0x1] =	stream.linear.gather [hbm4b:s21+s1], $0x4000, $0x38;
	[tilespmem:$0x19000] =	vst v63  }
0x1ae: {  	_ =	swait.ge [sflag:s15], $0x4000  }
0x1af: {  	[sflag:s15] =	ssyncset.done $0x0  }
0x1b0: {  	[sflag:s15] =	ssyncadd.s32 $0xFFFFC000  }
0x1b1: {  	_ =	swait.ge [sflag:s15], $0x4000  }
0x1b2: {  	[sflag:s15] =	ssyncset.done $0x0  }
0x1b3: {  	s21 =	simm.s32 $0x4040;
	[sflag:s15] =	ssyncadd.s32 $0xFFFFC000  }
0x1b4: {  	s19 =	simm.s32 $0x10040;
	v8 =	vld [tilespmem:s21+$0xFFFFFFE0]  }
0x1b5: {  	v4 =	vld [tilespmem:s19+$0xFFFFFFC0]  }
0x1b6: {  	v5 =	vld [tilespmem:s21+$0x0]  }
0x1b7: {  	v14 =	vld [tilespmem:s21+$0x10]  }
0x1b8: {  	v3 =	vld [tilespmem:s21+$0x20]  }
0x1b9: {  	v9 =	vld [tilespmem:s21+$0x30];
	_ =	sdelay $0x1  }
0x1ba: {  	v7 =	vld [tilespmem:s21+$0xFFFFFFF0];
	v6 =	vmul.f32 $9.999999040e+00, v8  }
0x1bb: {  	v4 =	vadd.s32 $0x10000, v4;
	vm0 =	veq.f32 v8, $9.000000350e-01;
	v11 =	vmul.f32 $9.999999040e+00, v5  }
0x1bc: {  	vm3 =	veq.f32 v5, $9.000000350e-01;
	v12 =	vmul.f32 $9.999999040e+00, v14;
	vm2 =	vgt.f32 v14, $0.0e+00  }
0x1bd: {  	vm1 =	veq.f32 v3, $9.000000350e-01;
	v16 =	vmul.f32 $9.999999040e+00, v3;
	v18 =	vmul.f32 $9.999999040e+00, v9  }
0x1be: {  	vm4 =	veq.f32 v9, $9.000000350e-01;
	v13 =	vsel vm0, $0x1, v1;
	vm0 =	veq.f32 v14, $9.000000350e-01  }
0x1bf: {  	v21 =	vsel vm1, $0x1, v1;
	vm1 =	veq.f32 v7, $9.000000350e-01;
	v10 =	vtrunc.f32 v6;
	v6 =	vld [tilespmem:s21+$0xFFFFFFD0]  }
0x1c0: {  	v20 =	vsel vm4, $0x1, v1;
	v15 =	vtrunc.f32 v12;
	v10 =	vcvt.f32.s32 v10  }
0x1c1: {  	v17 =	vsel vm0, $0x1, v1;
	v16 =	vtrunc.f32 v16;
	v24 =	vtrunc.f32 v11  }
0x1c2: {  	v25 =	vcvt.f32.s32 v16;
	v12 =	vadd.s32 v13, v10;
	v10 =	vmul.f32 $9.999999040e+00, v7  }
0x1c3: {  	v22 =	vld [tilespmem:s19+$0x20];
	v19 =	vsel vm1, $0x1, v1;
	v13 =	vcvt.f32.s32 v15;
	v15 =	vtrunc.f32 v18  }
0x1c4: {  	vm1 =	vgt.f32 v3, $0.0e+00;
	v15 =	vcvt.f32.s32 v15;
	v23 =	vmul.f32 $9.999999040e+00, v6  }
0x1c5: {  	vm0 =	veq.f32 v6, $9.000000350e-01;
	v10 =	vtrunc.f32 v10;
	v13 =	vadd.s32 v17, v13  }
0x1c6: {  	v26 =	vld [tilespmem:s19+$0x30];
	v13 =	vshll.u32 v13, $0x7;
	v15 =	vadd.s32 v20, v15;
	v16 =	vtrunc.f32 v23  }
0x1c7: {  	v17 =	vld [tilespmem:s19+$0x10];
	v10 =	vcvt.f32.s32 v10;
	v20 =	vor.u32 v2, v13;
	v16 =	vcvt.f32.s32 v16  }
0x1c8: {  	v11 =	vadd.s32 $0x10000, v22;
	v22 =	vcvt.f32.s32 v24;
	v18 =	vsel vm0, $0x1, v1;
	v13 =	vld [tilespmem:s19+$0xFFFFFFD0]  }
0x1c9: {  	v21 =	vadd.s32 v21, v25;
	v24 =	vadd.s32 v19, v10;
	v19 =	vld [tilespmem:s19+$0x0];
	v18 =	vadd.s32 v18, v16  }
0x1ca: {  	vm0 =	vgt.f32 v8, $0.0e+00;
	v23 =	vsel vm3, $0x1, v1;
	v16 =	vld [tilespmem:s19+$0xFFFFFFF0];
	v18 =	vshll.u32 v18, $0x7  }
0x1cb: {  	vm3 =	vgt.f32 v9, $0.0e+00;
	v27 =	vshll.u32 v15, $0x7;
	v10 =	vor.u32 v2, v18;
	v18 =	vld [tilespmem:s19+$0xFFFFFFE0]  }
0x1cc: {  	v22 =	vadd.s32 v23, v22;
	v23 =	vadd.s32 $0x10000, v17;
	v17 =	vor.u32 v2, v27;
	[tilespmem:v20+s13+$0x0] =	vst.idx.add.f32.msk vm2, v14  }
0x1cd: {  	s20 =	simm.s32 $0x0;
	v15 =	vadd.s32 $0x10000, v26;
	v24 =	vshll.u32 v24, $0x7;
	v22 =	vshll.u32 v22, $0x7;
	v14 =	vld [tilespmem:s21+$0xFFFFFFC0];
	s21 =	simm.s32 $0x40C0  }
.LBB2_10:
0x1ce: {  	v25 =	vld [tilespmem:s21+$0xFFFFFFF0];
	s20 =	sadd.s32 $0x8, s20;
	s19 =	sadd.s32 $0x80, s19  }
0x1cf: {  	v12 =	vshll.u32 v12, $0x7;
	v26 =	vld [tilespmem:s19+$0x20];
	p0 =	slt.u32 s20, $0x3F8  }
0x1d0: {  	v24 =	vor.u32 v2, v24;
	v27 =	vor.u32 v2, v12;
	[tilespmem:v20+s14+$0x0] =	vst.idx.add.s32.msk vm2, v23  }
0x1d1: {  	[tilespmem:v17+s13+$0x0] =	vst.idx.add.f32.msk vm3, v9  }
0x1d2: {  	v12 =	vld [tilespmem:s19+$0xFFFFFFC0];
	v9 =	vmul.f32 $9.999999040e+00, v14;
	vm6 =	veq.f32 v14, $9.000000350e-01  }
0x1d3: {  	v20 =	vld [tilespmem:s21+$0xFFFFFFD0]  }
0x1d4: {  	vm4 =	vgt.f32 v7, $0.0e+00;
	v23 =	vld [tilespmem:s21+$0xFFFFFFE0];
	v9 =	vtrunc.f32 v9  }
0x1d5: {  	vm5 =	vgt.f32 v6, $0.0e+00;
	vm2 =	vgt.f32 v5, $0.0e+00;
	v9 =	vcvt.f32.s32 v9;
	[tilespmem:v27+s13+$0x0] =	vst.idx.add.f32.msk vm0, v8  }
0x1d6: {  	v16 =	vadd.s32 $0x10000, v16;
	v22 =	vor.u32 v2, v22;
	v8 =	vsel vm6, $0x1, v1;
	v28 =	vld [tilespmem:s21+$0x0]  }
0x1d7: {  	v13 =	vadd.s32 $0x10000, v13;
	vm7 =	vgt.f32 v14, $0.0e+00;
	v29 =	vld [tilespmem:s21+$0x10];
	v34 =	vadd.s32 v8, v9  }
0x1d8: {  	v19 =	vadd.s32 $0x10000, v19;
	v18 =	vadd.s32 $0x10000, v18;
	v30 =	vld [tilespmem:s21+$0x20];
	v33 =	vshll.u32 v34, $0x7  }
0x1d9: {  	v21 =	vshll.u32 v21, $0x7;
	v31 =	vmul.f32 $9.999999040e+00, v23;
	v9 =	vld [tilespmem:s21+$0x30];
	v32 =	vor.u32 v2, v33;
	v8 =	vmovc v23  }
0x1da: {  	v21 =	vor.u32 v2, v21;
	v23 =	vadd.s32 $0x10000, v12;
	vm8 =	veq.f32 v8, $9.000000350e-01;
	[tilespmem:v24+s13+$0x0] =	vst.idx.add.f32.msk vm4, v7;
	v7 =	vmovc v25  }
0x1db: {  	v12 =	vtrunc.f32 v31;
	v25 =	vmul.f32 $9.999999040e+00, v28;
	vm6 =	veq.f32 v28, $9.000000350e-01;
	[tilespmem:v22+s13+$0x0] =	vst.idx.add.f32.msk vm2, v5;
	v5 =	vmovc v28  }
0x1dc: {  	v28 =	vsel vm8, $0x1, v1;
	v31 =	vmul.f32 $9.999999040e+00, v29;
	vm8 =	veq.f32 v29, $9.000000350e-01;
	[tilespmem:v22+s14+$0x0] =	vst.idx.add.s32.msk vm2, v19  }
0x1dd: {  	v12 =	vcvt.f32.s32 v12;
	vm2 =	vgt.f32 v29, $0.0e+00;
	vm9 =	veq.f32 v30, $9.000000350e-01;
	[tilespmem:v17+s14+$0x0] =	vst.idx.add.s32.msk vm3, v15  }
0x1de: {  	v17 =	vmul.f32 $9.999999040e+00, v30;
	v15 =	vtrunc.f32 v31;
	v31 =	vsel vm9, $0x1, v1;
	[tilespmem:v32+s13+$0x0] =	vst.idx.add.f32.msk vm7, v14  }
0x1df: {  	vm3 =	veq.f32 v7, $9.000000350e-01;
	v14 =	vsel vm8, $0x1, v1;
	v19 =	vmul.f32 $9.999999040e+00, v9;
	[tilespmem:v21+s13+$0x0] =	vst.idx.add.f32.msk vm1, v3;
	v3 =	vmovc v30  }
0x1e0: {  	v22 =	vmul.f32 $9.999999040e+00, v7;
	v12 =	vadd.s32 v28, v12;
	v28 =	vsel vm3, $0x1, v1;
	[tilespmem:v21+s14+$0x0] =	vst.idx.add.s32.msk vm1, v11  }
0x1e1: {  	vm1 =	veq.f32 v20, $9.000000350e-01;
	v11 =	vcvt.f32.s32 v15;
	v15 =	vtrunc.f32 v19;
	[tilespmem:v10+s13+$0x0] =	vst.idx.add.f32.msk vm5, v6;
	v6 =	vmovc v20  }
0x1e2: {  	vm3 =	veq.f32 v9, $9.000000350e-01;
	v17 =	vtrunc.f32 v17;
	v19 =	vsel vm1, $0x1, v1;
	[tilespmem:v32+s14+$0x0] =	vst.idx.add.s32.msk vm7, v4;
	v4 =	vmovc v23  }
0x1e3: {  	vm1 =	vgt.f32 v3, $0.0e+00;
	v20 =	vsel vm3, $0x1, v1;
	[tilespmem:v27+s14+$0x0] =	vst.idx.add.s32.msk vm0, v18;
	vm0 =	vgt.f32 v8, $0.0e+00  }
0x1e4: {  	v15 =	vcvt.f32.s32 v15;
	v18 =	vmul.f32 $9.999999040e+00, v6;
	[tilespmem:v10+s14+$0x0] =	vst.idx.add.s32.msk vm5, v13  }
0x1e5: {  	v21 =	vcvt.f32.s32 v17;
	v11 =	vadd.s32 v14, v11;
	v10 =	vtrunc.f32 v22;
	[tilespmem:v24+s14+$0x0] =	vst.idx.add.s32.msk vm4, v16  }
0x1e6: {  	v11 =	vshll.u32 v11, $0x7;
	v15 =	vadd.s32 v20, v15;
	v13 =	vtrunc.f32 v18;
	v14 =	vld [tilespmem:s19+$0x10]  }
0x1e7: {  	v17 =	vsel vm6, $0x1, v1;
	v20 =	vor.u32 v2, v11;
	v16 =	vcvt.f32.s32 v13;
	v22 =	vld [tilespmem:s19+$0x30]  }
0x1e8: {  	v11 =	vadd.s32 $0x10000, v26;
	v10 =	vcvt.f32.s32 v10;
	v18 =	vtrunc.f32 v25;
	v13 =	vld [tilespmem:s19+$0xFFFFFFD0]  }
.Ltmp4:
0x1e9: {  	vm3 =	vgt.f32 v9, $0.0e+00;
	v23 =	vcvt.f32.s32 v18;
	v19 =	vadd.s32 v19, v16;
	v16 =	vld [tilespmem:s19+$0xFFFFFFF0];
	(pc) =	sbr.rel @p0 .LBB2_10-.Ltmp4, $4  }
0x1ea: {  	v25 =	vshll.u32 v15, $0x7;
	v24 =	vadd.s32 v28, v10;
	v18 =	vshll.u32 v19, $0x7;
	v19 =	vld [tilespmem:s19+$0x0]  }
0x1eb: {  	v26 =	vadd.s32 v17, v23;
	v10 =	vor.u32 v2, v18;
	v18 =	vld [tilespmem:s19+$0xFFFFFFE0];
	v23 =	vadd.s32 $0x10000, v14  }
0x1ec: {  	v24 =	vshll.u32 v24, $0x7;
	v17 =	vor.u32 v2, v25;
	[tilespmem:v20+s13+$0x0] =	vst.idx.add.f32.msk vm2, v29;
	v15 =	vadd.s32 $0x10000, v22  }
0x1ed: {  	v21 =	vadd.s32 v31, v21;
	v22 =	vshll.u32 v26, $0x7;
	v14 =	vld [tilespmem:s21+$0xFFFFFFC0];
	s21 =	sadd.s32 $0x80, s21  }
0x1ee: {  	_ =	sdelay $0x3  }
0x1ef: {  	v25 =	vmul.f32 $9.999999040e+00, v14  }
0x1f0: {  	v12 =	vshll.u32 v12, $0x7;
	v24 =	vor.u32 v2, v24  }
0x1f1: {  	vm4 =	vgt.f32 v7, $0.0e+00;
	v12 =	vor.u32 v2, v12;
	v25 =	vtrunc.f32 v25  }
0x1f2: {  	vm6 =	vgt.f32 v5, $0.0e+00;
	vm5 =	veq.f32 v14, $9.000000350e-01;
	v25 =	vcvt.f32.s32 v25  }
0x1f3: {  	v22 =	vor.u32 v2, v22;
	[tilespmem:v20+s14+$0x0] =	vst.idx.add.s32.msk vm2, v23;
	v26 =	vsel vm5, $0x1, v1;
	vm5 =	vgt.f32 v6, $0.0e+00  }
0x1f4: {  	[tilespmem:v17+s13+$0x0] =	vst.idx.add.f32.msk vm3, v9;
	v20 =	vadd.s32 v26, v25  }
0x1f5: {  	[tilespmem:v17+s14+$0x0] =	vst.idx.add.s32.msk vm3, v15;
	vm2 =	vgt.f32 v14, $0.0e+00;
	v9 =	vshll.u32 v20, $0x7  }
0x1f6: {  	[tilespmem:v12+s13+$0x0] =	vst.idx.add.f32.msk vm0, v8;
	v8 =	vor.u32 v2, v9;
	v9 =	vshll.u32 v21, $0x7  }
0x1f7: {  	[tilespmem:v24+s13+$0x0] =	vst.idx.add.f32.msk vm4, v7;
	v7 =	vor.u32 v2, v9  }
0x1f8: {  	[tilespmem:v22+s13+$0x0] =	vst.idx.add.f32.msk vm6, v5  }
0x1f9: {  	[tilespmem:v10+s13+$0x0] =	vst.idx.add.f32.msk vm5, v6;
	v9 =	vadd.s32 $0x10000, v19  }
0x1fa: {  	[tilespmem:v22+s14+$0x0] =	vst.idx.add.s32.msk vm6, v9  }
0x1fb: {  	[tilespmem:v8+s13+$0x0] =	vst.idx.add.f32.msk vm2, v14  }
0x1fc: {  	[tilespmem:v7+s13+$0x0] =	vst.idx.add.f32.msk vm1, v3  }
0x1fd: {  	[tilespmem:v8+s14+$0x0] =	vst.idx.add.s32.msk vm2, v4  }
0x1fe: {  	v3 =	vadd.s32 $0x10000, v18;
	[tilespmem:v7+s14+$0x0] =	vst.idx.add.s32.msk vm1, v11  }
0x1ff: {  	v4 =	vadd.s32 $0x10000, v13;
	[tilespmem:v12+s14+$0x0] =	vst.idx.add.s32.msk vm0, v3  }
0x200: {  	v3 =	vadd.s32 $0x10000, v16;
	[tilespmem:v10+s14+$0x0] =	vst.idx.add.s32.msk vm5, v4  }
0x201: {  	[tilespmem:v24+s14+$0x0] =	vst.idx.add.s32.msk vm4, v3  }
0x202: {  	s19 =	rddreg [dreg:$0x10]  }
0x203: {  	[tilespmem:s8], [sflag:$0x2] =	stream.linear.gather [hbm4b:s19+s1], $0x4000, $0x38;
	[tilespmem:$0x19000] =	vst v63  }
0x204: {  	s21 =	rddreg [dreg:$0x11]  }
0x205: {  	[tilespmem:s9], [sflag:$0x2] =	stream.linear.gather [hbm4b:s21+s1], $0x4000, $0x38;
	[tilespmem:$0x19000] =	vst v63  }
0x206: {  	_ =	swait.ge [sflag:s16], $0x4000  }
0x207: {  	[sflag:s16] =	ssyncset.done $0x0  }
0x208: {  	[sflag:s16] =	ssyncadd.s32 $0xFFFFC000  }
0x209: {  	_ =	swait.ge [sflag:s16], $0x4000  }
0x20a: {  	[sflag:s16] =	ssyncset.done $0x0  }
0x20b: {  	s21 =	simm.s32 $0x8040;
	[sflag:s16] =	ssyncadd.s32 $0xFFFFC000  }
0x20c: {  	s19 =	simm.s32 $0x14040;
	v8 =	vld [tilespmem:s21+$0xFFFFFFE0]  }
0x20d: {  	v4 =	vld [tilespmem:s19+$0xFFFFFFC0]  }
0x20e: {  	v5 =	vld [tilespmem:s21+$0x0]  }
0x20f: {  	v14 =	vld [tilespmem:s21+$0x10]  }
0x210: {  	v3 =	vld [tilespmem:s21+$0x20]  }
0x211: {  	v9 =	vld [tilespmem:s21+$0x30];
	_ =	sdelay $0x1  }
0x212: {  	v7 =	vld [tilespmem:s21+$0xFFFFFFF0];
	v6 =	vmul.f32 $9.999999040e+00, v8  }
0x213: {  	v4 =	vadd.s32 $0x10000, v4;
	vm0 =	veq.f32 v8, $9.000000350e-01;
	v11 =	vmul.f32 $9.999999040e+00, v5  }
0x214: {  	vm3 =	veq.f32 v5, $9.000000350e-01;
	v12 =	vmul.f32 $9.999999040e+00, v14;
	vm2 =	vgt.f32 v14, $0.0e+00  }
0x215: {  	vm1 =	veq.f32 v3, $9.000000350e-01;
	v16 =	vmul.f32 $9.999999040e+00, v3;
	v18 =	vmul.f32 $9.999999040e+00, v9  }
0x216: {  	vm4 =	veq.f32 v9, $9.000000350e-01;
	v13 =	vsel vm0, $0x1, v1;
	vm0 =	veq.f32 v14, $9.000000350e-01  }
0x217: {  	v21 =	vsel vm1, $0x1, v1;
	vm1 =	veq.f32 v7, $9.000000350e-01;
	v10 =	vtrunc.f32 v6;
	v6 =	vld [tilespmem:s21+$0xFFFFFFD0]  }
0x218: {  	v20 =	vsel vm4, $0x1, v1;
	v15 =	vtrunc.f32 v12;
	v10 =	vcvt.f32.s32 v10  }
0x219: {  	v17 =	vsel vm0, $0x1, v1;
	v16 =	vtrunc.f32 v16;
	v24 =	vtrunc.f32 v11  }
0x21a: {  	v25 =	vcvt.f32.s32 v16;
	v12 =	vadd.s32 v13, v10;
	v10 =	vmul.f32 $9.999999040e+00, v7  }
0x21b: {  	v22 =	vld [tilespmem:s19+$0x20];
	v19 =	vsel vm1, $0x1, v1;
	v13 =	vcvt.f32.s32 v15;
	v15 =	vtrunc.f32 v18  }
0x21c: {  	vm1 =	vgt.f32 v3, $0.0e+00;
	v15 =	vcvt.f32.s32 v15;
	v23 =	vmul.f32 $9.999999040e+00, v6  }
0x21d: {  	vm0 =	veq.f32 v6, $9.000000350e-01;
	v10 =	vtrunc.f32 v10;
	v13 =	vadd.s32 v17, v13  }
0x21e: {  	v26 =	vld [tilespmem:s19+$0x30];
	v13 =	vshll.u32 v13, $0x7;
	v15 =	vadd.s32 v20, v15;
	v16 =	vtrunc.f32 v23  }
0x21f: {  	v17 =	vld [tilespmem:s19+$0x10];
	v10 =	vcvt.f32.s32 v10;
	v20 =	vor.u32 v2, v13;
	v16 =	vcvt.f32.s32 v16  }
0x220: {  	v11 =	vadd.s32 $0x10000, v22;
	v22 =	vcvt.f32.s32 v24;
	v18 =	vsel vm0, $0x1, v1;
	v13 =	vld [tilespmem:s19+$0xFFFFFFD0]  }
0x221: {  	v21 =	vadd.s32 v21, v25;
	v24 =	vadd.s32 v19, v10;
	v19 =	vld [tilespmem:s19+$0x0];
	v18 =	vadd.s32 v18, v16  }
0x222: {  	vm0 =	vgt.f32 v8, $0.0e+00;
	v23 =	vsel vm3, $0x1, v1;
	v16 =	vld [tilespmem:s19+$0xFFFFFFF0];
	v18 =	vshll.u32 v18, $0x7  }
0x223: {  	vm3 =	vgt.f32 v9, $0.0e+00;
	v27 =	vshll.u32 v15, $0x7;
	v10 =	vor.u32 v2, v18;
	v18 =	vld [tilespmem:s19+$0xFFFFFFE0]  }
0x224: {  	v22 =	vadd.s32 v23, v22;
	v23 =	vadd.s32 $0x10000, v17;
	v17 =	vor.u32 v2, v27;
	[tilespmem:v20+s13+$0x0] =	vst.idx.add.f32.msk vm2, v14  }
0x225: {  	s20 =	simm.s32 $0x0;
	v15 =	vadd.s32 $0x10000, v26;
	v24 =	vshll.u32 v24, $0x7;
	v22 =	vshll.u32 v22, $0x7;
	v14 =	vld [tilespmem:s21+$0xFFFFFFC0];
	s21 =	simm.s32 $0x80C0  }
.LBB2_12:
0x226: {  	v25 =	vld [tilespmem:s21+$0xFFFFFFF0];
	s20 =	sadd.s32 $0x8, s20;
	s19 =	sadd.s32 $0x80, s19  }
0x227: {  	v12 =	vshll.u32 v12, $0x7;
	v26 =	vld [tilespmem:s19+$0x20];
	p0 =	slt.u32 s20, $0x3F8  }
0x228: {  	v24 =	vor.u32 v2, v24;
	v27 =	vor.u32 v2, v12;
	[tilespmem:v20+s14+$0x0] =	vst.idx.add.s32.msk vm2, v23  }
0x229: {  	[tilespmem:v17+s13+$0x0] =	vst.idx.add.f32.msk vm3, v9  }
0x22a: {  	v12 =	vld [tilespmem:s19+$0xFFFFFFC0];
	v9 =	vmul.f32 $9.999999040e+00, v14;
	vm6 =	veq.f32 v14, $9.000000350e-01  }
0x22b: {  	v20 =	vld [tilespmem:s21+$0xFFFFFFD0]  }
0x22c: {  	vm4 =	vgt.f32 v7, $0.0e+00;
	v23 =	vld [tilespmem:s21+$0xFFFFFFE0];
	v9 =	vtrunc.f32 v9  }
0x22d: {  	vm5 =	vgt.f32 v6, $0.0e+00;
	vm2 =	vgt.f32 v5, $0.0e+00;
	v9 =	vcvt.f32.s32 v9;
	[tilespmem:v27+s13+$0x0] =	vst.idx.add.f32.msk vm0, v8  }
0x22e: {  	v16 =	vadd.s32 $0x10000, v16;
	v22 =	vor.u32 v2, v22;
	v8 =	vsel vm6, $0x1, v1;
	v28 =	vld [tilespmem:s21+$0x0]  }
0x22f: {  	v13 =	vadd.s32 $0x10000, v13;
	vm7 =	vgt.f32 v14, $0.0e+00;
	v29 =	vld [tilespmem:s21+$0x10];
	v34 =	vadd.s32 v8, v9  }
0x230: {  	v19 =	vadd.s32 $0x10000, v19;
	v18 =	vadd.s32 $0x10000, v18;
	v30 =	vld [tilespmem:s21+$0x20];
	v33 =	vshll.u32 v34, $0x7  }
0x231: {  	v21 =	vshll.u32 v21, $0x7;
	v31 =	vmul.f32 $9.999999040e+00, v23;
	v9 =	vld [tilespmem:s21+$0x30];
	v32 =	vor.u32 v2, v33;
	v8 =	vmovc v23  }
0x232: {  	v21 =	vor.u32 v2, v21;
	v23 =	vadd.s32 $0x10000, v12;
	vm8 =	veq.f32 v8, $9.000000350e-01;
	[tilespmem:v24+s13+$0x0] =	vst.idx.add.f32.msk vm4, v7;
	v7 =	vmovc v25  }
0x233: {  	v12 =	vtrunc.f32 v31;
	v25 =	vmul.f32 $9.999999040e+00, v28;
	vm6 =	veq.f32 v28, $9.000000350e-01;
	[tilespmem:v22+s13+$0x0] =	vst.idx.add.f32.msk vm2, v5;
	v5 =	vmovc v28  }
0x234: {  	v28 =	vsel vm8, $0x1, v1;
	v31 =	vmul.f32 $9.999999040e+00, v29;
	vm8 =	veq.f32 v29, $9.000000350e-01;
	[tilespmem:v22+s14+$0x0] =	vst.idx.add.s32.msk vm2, v19  }
0x235: {  	v12 =	vcvt.f32.s32 v12;
	vm2 =	vgt.f32 v29, $0.0e+00;
	vm9 =	veq.f32 v30, $9.000000350e-01;
	[tilespmem:v17+s14+$0x0] =	vst.idx.add.s32.msk vm3, v15  }
0x236: {  	v17 =	vmul.f32 $9.999999040e+00, v30;
	v15 =	vtrunc.f32 v31;
	v31 =	vsel vm9, $0x1, v1;
	[tilespmem:v32+s13+$0x0] =	vst.idx.add.f32.msk vm7, v14  }
0x237: {  	vm3 =	veq.f32 v7, $9.000000350e-01;
	v14 =	vsel vm8, $0x1, v1;
	v19 =	vmul.f32 $9.999999040e+00, v9;
	[tilespmem:v21+s13+$0x0] =	vst.idx.add.f32.msk vm1, v3;
	v3 =	vmovc v30  }
0x238: {  	v22 =	vmul.f32 $9.999999040e+00, v7;
	v12 =	vadd.s32 v28, v12;
	v28 =	vsel vm3, $0x1, v1;
	[tilespmem:v21+s14+$0x0] =	vst.idx.add.s32.msk vm1, v11  }
0x239: {  	vm1 =	veq.f32 v20, $9.000000350e-01;
	v11 =	vcvt.f32.s32 v15;
	v15 =	vtrunc.f32 v19;
	[tilespmem:v10+s13+$0x0] =	vst.idx.add.f32.msk vm5, v6;
	v6 =	vmovc v20  }
0x23a: {  	vm3 =	veq.f32 v9, $9.000000350e-01;
	v17 =	vtrunc.f32 v17;
	v19 =	vsel vm1, $0x1, v1;
	[tilespmem:v32+s14+$0x0] =	vst.idx.add.s32.msk vm7, v4;
	v4 =	vmovc v23  }
0x23b: {  	vm1 =	vgt.f32 v3, $0.0e+00;
	v20 =	vsel vm3, $0x1, v1;
	[tilespmem:v27+s14+$0x0] =	vst.idx.add.s32.msk vm0, v18;
	vm0 =	vgt.f32 v8, $0.0e+00  }
0x23c: {  	v15 =	vcvt.f32.s32 v15;
	v18 =	vmul.f32 $9.999999040e+00, v6;
	[tilespmem:v10+s14+$0x0] =	vst.idx.add.s32.msk vm5, v13  }
0x23d: {  	v21 =	vcvt.f32.s32 v17;
	v11 =	vadd.s32 v14, v11;
	v10 =	vtrunc.f32 v22;
	[tilespmem:v24+s14+$0x0] =	vst.idx.add.s32.msk vm4, v16  }
0x23e: {  	v11 =	vshll.u32 v11, $0x7;
	v15 =	vadd.s32 v20, v15;
	v13 =	vtrunc.f32 v18;
	v14 =	vld [tilespmem:s19+$0x10]  }
0x23f: {  	v17 =	vsel vm6, $0x1, v1;
	v20 =	vor.u32 v2, v11;
	v16 =	vcvt.f32.s32 v13;
	v22 =	vld [tilespmem:s19+$0x30]  }
0x240: {  	v11 =	vadd.s32 $0x10000, v26;
	v10 =	vcvt.f32.s32 v10;
	v18 =	vtrunc.f32 v25;
	v13 =	vld [tilespmem:s19+$0xFFFFFFD0]  }
.Ltmp5:
0x241: {  	vm3 =	vgt.f32 v9, $0.0e+00;
	v23 =	vcvt.f32.s32 v18;
	v19 =	vadd.s32 v19, v16;
	v16 =	vld [tilespmem:s19+$0xFFFFFFF0];
	(pc) =	sbr.rel @p0 .LBB2_12-.Ltmp5, $4  }
0x242: {  	v25 =	vshll.u32 v15, $0x7;
	v24 =	vadd.s32 v28, v10;
	v18 =	vshll.u32 v19, $0x7;
	v19 =	vld [tilespmem:s19+$0x0]  }
0x243: {  	v26 =	vadd.s32 v17, v23;
	v10 =	vor.u32 v2, v18;
	v18 =	vld [tilespmem:s19+$0xFFFFFFE0];
	v23 =	vadd.s32 $0x10000, v14  }
0x244: {  	v24 =	vshll.u32 v24, $0x7;
	v17 =	vor.u32 v2, v25;
	[tilespmem:v20+s13+$0x0] =	vst.idx.add.f32.msk vm2, v29;
	v15 =	vadd.s32 $0x10000, v22  }
0x245: {  	v21 =	vadd.s32 v31, v21;
	v22 =	vshll.u32 v26, $0x7;
	v14 =	vld [tilespmem:s21+$0xFFFFFFC0];
	s21 =	sadd.s32 $0x80, s21  }
0x246: {  	_ =	sdelay $0x3  }
0x247: {  	v25 =	vmul.f32 $9.999999040e+00, v14  }
0x248: {  	v12 =	vshll.u32 v12, $0x7;
	v24 =	vor.u32 v2, v24  }
0x249: {  	vm4 =	vgt.f32 v7, $0.0e+00;
	v12 =	vor.u32 v2, v12;
	v25 =	vtrunc.f32 v25  }
0x24a: {  	vm6 =	vgt.f32 v5, $0.0e+00;
	vm5 =	veq.f32 v14, $9.000000350e-01;
	v25 =	vcvt.f32.s32 v25  }
0x24b: {  	v22 =	vor.u32 v2, v22;
	[tilespmem:v20+s14+$0x0] =	vst.idx.add.s32.msk vm2, v23;
	v26 =	vsel vm5, $0x1, v1;
	vm5 =	vgt.f32 v6, $0.0e+00  }
0x24c: {  	[tilespmem:v17+s13+$0x0] =	vst.idx.add.f32.msk vm3, v9;
	v20 =	vadd.s32 v26, v25  }
0x24d: {  	[tilespmem:v17+s14+$0x0] =	vst.idx.add.s32.msk vm3, v15;
	vm2 =	vgt.f32 v14, $0.0e+00;
	v9 =	vshll.u32 v20, $0x7  }
0x24e: {  	[tilespmem:v12+s13+$0x0] =	vst.idx.add.f32.msk vm0, v8;
	v8 =	vor.u32 v2, v9;
	v9 =	vshll.u32 v21, $0x7  }
0x24f: {  	[tilespmem:v24+s13+$0x0] =	vst.idx.add.f32.msk vm4, v7;
	v7 =	vor.u32 v2, v9  }
0x250: {  	[tilespmem:v22+s13+$0x0] =	vst.idx.add.f32.msk vm6, v5  }
0x251: {  	[tilespmem:v10+s13+$0x0] =	vst.idx.add.f32.msk vm5, v6;
	v9 =	vadd.s32 $0x10000, v19  }
0x252: {  	[tilespmem:v22+s14+$0x0] =	vst.idx.add.s32.msk vm6, v9  }
0x253: {  	[tilespmem:v8+s13+$0x0] =	vst.idx.add.f32.msk vm2, v14  }
0x254: {  	[tilespmem:v7+s13+$0x0] =	vst.idx.add.f32.msk vm1, v3  }
0x255: {  	[tilespmem:v8+s14+$0x0] =	vst.idx.add.s32.msk vm2, v4  }
0x256: {  	v3 =	vadd.s32 $0x10000, v18;
	[tilespmem:v7+s14+$0x0] =	vst.idx.add.s32.msk vm1, v11  }
0x257: {  	v4 =	vadd.s32 $0x10000, v13;
	[tilespmem:v12+s14+$0x0] =	vst.idx.add.s32.msk vm0, v3  }
0x258: {  	v3 =	vadd.s32 $0x10000, v16;
	[tilespmem:v10+s14+$0x0] =	vst.idx.add.s32.msk vm5, v4  }
0x259: {  	[tilespmem:v24+s14+$0x0] =	vst.idx.add.s32.msk vm4, v3  }
0x25a: {  	s19 =	rddreg [dreg:$0x12]  }
0x25b: {  	[tilespmem:s10], [sflag:$0x3] =	stream.linear.gather [hbm4b:s19+s1], $0x4000, $0x38;
	[tilespmem:$0x19000] =	vst v63  }
0x25c: {  	s21 =	rddreg [dreg:$0x13]  }
0x25d: {  	[tilespmem:s11], [sflag:$0x3] =	stream.linear.gather [hbm4b:s21+s1], $0x4000, $0x38;
	[tilespmem:$0x19000] =	vst v63  }
0x25e: {  	_ =	swait.ge [sflag:s12], $0x4000  }
0x25f: {  	[sflag:s12] =	ssyncset.done $0x0  }
0x260: {  	[sflag:s12] =	ssyncadd.s32 $0xFFFFC000  }
0x261: {  	_ =	swait.ge [sflag:s12], $0x4000  }
0x262: {  	[sflag:s12] =	ssyncset.done $0x0  }
0x263: {  	s21 =	simm.s32 $0x40;
	[sflag:s12] =	ssyncadd.s32 $0xFFFFC000  }
0x264: {  	s19 =	simm.s32 $0xC040;
	v8 =	vld [tilespmem:s21+$0xFFFFFFE0]  }
0x265: {  	v4 =	vld [tilespmem:s19+$0xFFFFFFC0]  }
0x266: {  	v5 =	vld [tilespmem:s21+$0x0]  }
0x267: {  	v14 =	vld [tilespmem:s21+$0x10]  }
0x268: {  	v3 =	vld [tilespmem:s21+$0x20]  }
0x269: {  	v9 =	vld [tilespmem:s21+$0x30];
	_ =	sdelay $0x1  }
0x26a: {  	v7 =	vld [tilespmem:s21+$0xFFFFFFF0];
	v6 =	vmul.f32 $9.999999040e+00, v8  }
0x26b: {  	v4 =	vadd.s32 $0x10000, v4;
	vm0 =	veq.f32 v8, $9.000000350e-01;
	v11 =	vmul.f32 $9.999999040e+00, v5  }
0x26c: {  	vm3 =	veq.f32 v5, $9.000000350e-01;
	v12 =	vmul.f32 $9.999999040e+00, v14;
	vm2 =	vgt.f32 v14, $0.0e+00  }
0x26d: {  	vm1 =	veq.f32 v3, $9.000000350e-01;
	v16 =	vmul.f32 $9.999999040e+00, v3;
	v18 =	vmul.f32 $9.999999040e+00, v9  }
0x26e: {  	vm4 =	veq.f32 v9, $9.000000350e-01;
	v13 =	vsel vm0, $0x1, v1;
	vm0 =	veq.f32 v14, $9.000000350e-01  }
0x26f: {  	v21 =	vsel vm1, $0x1, v1;
	vm1 =	veq.f32 v7, $9.000000350e-01;
	v10 =	vtrunc.f32 v6;
	v6 =	vld [tilespmem:s21+$0xFFFFFFD0]  }
0x270: {  	v20 =	vsel vm4, $0x1, v1;
	v15 =	vtrunc.f32 v12;
	v10 =	vcvt.f32.s32 v10  }
0x271: {  	v17 =	vsel vm0, $0x1, v1;
	v16 =	vtrunc.f32 v16;
	v24 =	vtrunc.f32 v11  }
0x272: {  	v25 =	vcvt.f32.s32 v16;
	v12 =	vadd.s32 v13, v10;
	v10 =	vmul.f32 $9.999999040e+00, v7  }
0x273: {  	v22 =	vld [tilespmem:s19+$0x20];
	v19 =	vsel vm1, $0x1, v1;
	v13 =	vcvt.f32.s32 v15;
	v15 =	vtrunc.f32 v18  }
0x274: {  	vm1 =	vgt.f32 v3, $0.0e+00;
	v15 =	vcvt.f32.s32 v15;
	v23 =	vmul.f32 $9.999999040e+00, v6  }
0x275: {  	vm0 =	veq.f32 v6, $9.000000350e-01;
	v10 =	vtrunc.f32 v10;
	v13 =	vadd.s32 v17, v13  }
0x276: {  	v26 =	vld [tilespmem:s19+$0x30];
	v13 =	vshll.u32 v13, $0x7;
	v15 =	vadd.s32 v20, v15;
	v16 =	vtrunc.f32 v23  }
0x277: {  	v17 =	vld [tilespmem:s19+$0x10];
	v10 =	vcvt.f32.s32 v10;
	v20 =	vor.u32 v2, v13;
	v16 =	vcvt.f32.s32 v16  }
0x278: {  	v11 =	vadd.s32 $0x10000, v22;
	v22 =	vcvt.f32.s32 v24;
	v18 =	vsel vm0, $0x1, v1;
	v13 =	vld [tilespmem:s19+$0xFFFFFFD0]  }
0x279: {  	v21 =	vadd.s32 v21, v25;
	v24 =	vadd.s32 v19, v10;
	v19 =	vld [tilespmem:s19+$0x0];
	v18 =	vadd.s32 v18, v16  }
0x27a: {  	vm0 =	vgt.f32 v8, $0.0e+00;
	v23 =	vsel vm3, $0x1, v1;
	v16 =	vld [tilespmem:s19+$0xFFFFFFF0];
	v18 =	vshll.u32 v18, $0x7  }
0x27b: {  	vm3 =	vgt.f32 v9, $0.0e+00;
	v27 =	vshll.u32 v15, $0x7;
	v10 =	vor.u32 v2, v18;
	v18 =	vld [tilespmem:s19+$0xFFFFFFE0]  }
0x27c: {  	v22 =	vadd.s32 v23, v22;
	v23 =	vadd.s32 $0x10000, v17;
	v17 =	vor.u32 v2, v27;
	[tilespmem:v20+s13+$0x0] =	vst.idx.add.f32.msk vm2, v14  }
0x27d: {  	s20 =	simm.s32 $0x0;
	v15 =	vadd.s32 $0x10000, v26;
	v24 =	vshll.u32 v24, $0x7;
	v22 =	vshll.u32 v22, $0x7;
	v14 =	vld [tilespmem:s21+$0xFFFFFFC0];
	s21 =	simm.s32 $0xC0  }
.LBB2_14:
0x27e: {  	v25 =	vld [tilespmem:s21+$0xFFFFFFF0];
	s20 =	sadd.s32 $0x8, s20;
	s19 =	sadd.s32 $0x80, s19  }
0x27f: {  	v12 =	vshll.u32 v12, $0x7;
	v26 =	vld [tilespmem:s19+$0x20];
	p0 =	slt.u32 s20, $0x3F8  }
0x280: {  	v24 =	vor.u32 v2, v24;
	v27 =	vor.u32 v2, v12;
	[tilespmem:v20+s14+$0x0] =	vst.idx.add.s32.msk vm2, v23  }
0x281: {  	[tilespmem:v17+s13+$0x0] =	vst.idx.add.f32.msk vm3, v9  }
0x282: {  	v12 =	vld [tilespmem:s19+$0xFFFFFFC0];
	v9 =	vmul.f32 $9.999999040e+00, v14;
	vm6 =	veq.f32 v14, $9.000000350e-01  }
0x283: {  	v20 =	vld [tilespmem:s21+$0xFFFFFFD0]  }
0x284: {  	vm4 =	vgt.f32 v7, $0.0e+00;
	v23 =	vld [tilespmem:s21+$0xFFFFFFE0];
	v9 =	vtrunc.f32 v9  }
0x285: {  	vm5 =	vgt.f32 v6, $0.0e+00;
	vm2 =	vgt.f32 v5, $0.0e+00;
	v9 =	vcvt.f32.s32 v9;
	[tilespmem:v27+s13+$0x0] =	vst.idx.add.f32.msk vm0, v8  }
0x286: {  	v16 =	vadd.s32 $0x10000, v16;
	v22 =	vor.u32 v2, v22;
	v8 =	vsel vm6, $0x1, v1;
	v28 =	vld [tilespmem:s21+$0x0]  }
0x287: {  	v13 =	vadd.s32 $0x10000, v13;
	vm7 =	vgt.f32 v14, $0.0e+00;
	v29 =	vld [tilespmem:s21+$0x10];
	v34 =	vadd.s32 v8, v9  }
0x288: {  	v19 =	vadd.s32 $0x10000, v19;
	v18 =	vadd.s32 $0x10000, v18;
	v30 =	vld [tilespmem:s21+$0x20];
	v33 =	vshll.u32 v34, $0x7  }
0x289: {  	v21 =	vshll.u32 v21, $0x7;
	v31 =	vmul.f32 $9.999999040e+00, v23;
	v9 =	vld [tilespmem:s21+$0x30];
	v32 =	vor.u32 v2, v33;
	v8 =	vmovc v23  }
0x28a: {  	v21 =	vor.u32 v2, v21;
	v23 =	vadd.s32 $0x10000, v12;
	vm8 =	veq.f32 v8, $9.000000350e-01;
	[tilespmem:v24+s13+$0x0] =	vst.idx.add.f32.msk vm4, v7;
	v7 =	vmovc v25  }
0x28b: {  	v12 =	vtrunc.f32 v31;
	v25 =	vmul.f32 $9.999999040e+00, v28;
	vm6 =	veq.f32 v28, $9.000000350e-01;
	[tilespmem:v22+s13+$0x0] =	vst.idx.add.f32.msk vm2, v5;
	v5 =	vmovc v28  }
0x28c: {  	v28 =	vsel vm8, $0x1, v1;
	v31 =	vmul.f32 $9.999999040e+00, v29;
	vm8 =	veq.f32 v29, $9.000000350e-01;
	[tilespmem:v22+s14+$0x0] =	vst.idx.add.s32.msk vm2, v19  }
0x28d: {  	v12 =	vcvt.f32.s32 v12;
	vm2 =	vgt.f32 v29, $0.0e+00;
	vm9 =	veq.f32 v30, $9.000000350e-01;
	[tilespmem:v17+s14+$0x0] =	vst.idx.add.s32.msk vm3, v15  }
0x28e: {  	v17 =	vmul.f32 $9.999999040e+00, v30;
	v15 =	vtrunc.f32 v31;
	v31 =	vsel vm9, $0x1, v1;
	[tilespmem:v32+s13+$0x0] =	vst.idx.add.f32.msk vm7, v14  }
0x28f: {  	vm3 =	veq.f32 v7, $9.000000350e-01;
	v14 =	vsel vm8, $0x1, v1;
	v19 =	vmul.f32 $9.999999040e+00, v9;
	[tilespmem:v21+s13+$0x0] =	vst.idx.add.f32.msk vm1, v3;
	v3 =	vmovc v30  }
0x290: {  	v22 =	vmul.f32 $9.999999040e+00, v7;
	v12 =	vadd.s32 v28, v12;
	v28 =	vsel vm3, $0x1, v1;
	[tilespmem:v21+s14+$0x0] =	vst.idx.add.s32.msk vm1, v11  }
0x291: {  	vm1 =	veq.f32 v20, $9.000000350e-01;
	v11 =	vcvt.f32.s32 v15;
	v15 =	vtrunc.f32 v19;
	[tilespmem:v10+s13+$0x0] =	vst.idx.add.f32.msk vm5, v6;
	v6 =	vmovc v20  }
0x292: {  	vm3 =	veq.f32 v9, $9.000000350e-01;
	v17 =	vtrunc.f32 v17;
	v19 =	vsel vm1, $0x1, v1;
	[tilespmem:v32+s14+$0x0] =	vst.idx.add.s32.msk vm7, v4;
	v4 =	vmovc v23  }
0x293: {  	vm1 =	vgt.f32 v3, $0.0e+00;
	v20 =	vsel vm3, $0x1, v1;
	[tilespmem:v27+s14+$0x0] =	vst.idx.add.s32.msk vm0, v18;
	vm0 =	vgt.f32 v8, $0.0e+00  }
0x294: {  	v15 =	vcvt.f32.s32 v15;
	v18 =	vmul.f32 $9.999999040e+00, v6;
	[tilespmem:v10+s14+$0x0] =	vst.idx.add.s32.msk vm5, v13  }
0x295: {  	v21 =	vcvt.f32.s32 v17;
	v11 =	vadd.s32 v14, v11;
	v10 =	vtrunc.f32 v22;
	[tilespmem:v24+s14+$0x0] =	vst.idx.add.s32.msk vm4, v16  }
0x296: {  	v11 =	vshll.u32 v11, $0x7;
	v15 =	vadd.s32 v20, v15;
	v13 =	vtrunc.f32 v18;
	v14 =	vld [tilespmem:s19+$0x10]  }
0x297: {  	v17 =	vsel vm6, $0x1, v1;
	v20 =	vor.u32 v2, v11;
	v16 =	vcvt.f32.s32 v13;
	v22 =	vld [tilespmem:s19+$0x30]  }
0x298: {  	v11 =	vadd.s32 $0x10000, v26;
	v10 =	vcvt.f32.s32 v10;
	v18 =	vtrunc.f32 v25;
	v13 =	vld [tilespmem:s19+$0xFFFFFFD0]  }
.Ltmp6:
0x299: {  	vm3 =	vgt.f32 v9, $0.0e+00;
	v23 =	vcvt.f32.s32 v18;
	v19 =	vadd.s32 v19, v16;
	v16 =	vld [tilespmem:s19+$0xFFFFFFF0];
	(pc) =	sbr.rel @p0 .LBB2_14-.Ltmp6, $4  }
0x29a: {  	v25 =	vshll.u32 v15, $0x7;
	v24 =	vadd.s32 v28, v10;
	v18 =	vshll.u32 v19, $0x7;
	v19 =	vld [tilespmem:s19+$0x0]  }
0x29b: {  	v26 =	vadd.s32 v17, v23;
	v10 =	vor.u32 v2, v18;
	v18 =	vld [tilespmem:s19+$0xFFFFFFE0];
	v23 =	vadd.s32 $0x10000, v14  }
0x29c: {  	v24 =	vshll.u32 v24, $0x7;
	v17 =	vor.u32 v2, v25;
	[tilespmem:v20+s13+$0x0] =	vst.idx.add.f32.msk vm2, v29;
	v15 =	vadd.s32 $0x10000, v22  }
0x29d: {  	v21 =	vadd.s32 v31, v21;
	v22 =	vshll.u32 v26, $0x7;
	v14 =	vld [tilespmem:s21+$0xFFFFFFC0];
	s21 =	sadd.s32 $0x80, s21  }
0x29e: {  	_ =	sdelay $0x3  }
0x29f: {  	v25 =	vmul.f32 $9.999999040e+00, v14  }
0x2a0: {  	v12 =	vshll.u32 v12, $0x7;
	v24 =	vor.u32 v2, v24  }
0x2a1: {  	vm4 =	vgt.f32 v7, $0.0e+00;
	v12 =	vor.u32 v2, v12;
	v25 =	vtrunc.f32 v25  }
0x2a2: {  	vm6 =	vgt.f32 v5, $0.0e+00;
	vm5 =	veq.f32 v14, $9.000000350e-01;
	v25 =	vcvt.f32.s32 v25  }
0x2a3: {  	v22 =	vor.u32 v2, v22;
	[tilespmem:v20+s14+$0x0] =	vst.idx.add.s32.msk vm2, v23;
	v26 =	vsel vm5, $0x1, v1;
	vm5 =	vgt.f32 v6, $0.0e+00  }
0x2a4: {  	[tilespmem:v17+s13+$0x0] =	vst.idx.add.f32.msk vm3, v9;
	v20 =	vadd.s32 v26, v25  }
0x2a5: {  	[tilespmem:v17+s14+$0x0] =	vst.idx.add.s32.msk vm3, v15;
	vm2 =	vgt.f32 v14, $0.0e+00;
	v9 =	vshll.u32 v20, $0x7  }
0x2a6: {  	[tilespmem:v12+s13+$0x0] =	vst.idx.add.f32.msk vm0, v8;
	v8 =	vor.u32 v2, v9;
	v9 =	vshll.u32 v21, $0x7  }
0x2a7: {  	[tilespmem:v24+s13+$0x0] =	vst.idx.add.f32.msk vm4, v7;
	v7 =	vor.u32 v2, v9  }
0x2a8: {  	[tilespmem:v22+s13+$0x0] =	vst.idx.add.f32.msk vm6, v5  }
0x2a9: {  	[tilespmem:v10+s13+$0x0] =	vst.idx.add.f32.msk vm5, v6;
	v9 =	vadd.s32 $0x10000, v19  }
0x2aa: {  	[tilespmem:v22+s14+$0x0] =	vst.idx.add.s32.msk vm6, v9  }
0x2ab: {  	[tilespmem:v8+s13+$0x0] =	vst.idx.add.f32.msk vm2, v14  }
0x2ac: {  	[tilespmem:v7+s13+$0x0] =	vst.idx.add.f32.msk vm1, v3  }
0x2ad: {  	[tilespmem:v8+s14+$0x0] =	vst.idx.add.s32.msk vm2, v4  }
0x2ae: {  	v3 =	vadd.s32 $0x10000, v18;
	[tilespmem:v7+s14+$0x0] =	vst.idx.add.s32.msk vm1, v11  }
0x2af: {  	v4 =	vadd.s32 $0x10000, v13;
	[tilespmem:v12+s14+$0x0] =	vst.idx.add.s32.msk vm0, v3  }
0x2b0: {  	v3 =	vadd.s32 $0x10000, v16;
	[tilespmem:v10+s14+$0x0] =	vst.idx.add.s32.msk vm5, v4  }
0x2b1: {  	[tilespmem:v24+s14+$0x0] =	vst.idx.add.s32.msk vm4, v3  }
0x2b2: {  	s19 =	rddreg [dreg:$0x14]  }
0x2b3: {  	[tilespmem:s1], [sflag:$0x1] =	stream.linear.gather [hbm4b:s19+s1], $0x4000, $0x38;
	[tilespmem:$0x19000] =	vst v63  }
0x2b4: {  	s21 =	rddreg [dreg:$0x15]  }
0x2b5: {  	[tilespmem:s7], [sflag:$0x1] =	stream.linear.gather [hbm4b:s21+s1], $0x4000, $0x38;
	[tilespmem:$0x19000] =	vst v63  }
0x2b6: {  	_ =	swait.ge [sflag:s15], $0x4000  }
0x2b7: {  	[sflag:s15] =	ssyncset.done $0x0  }
0x2b8: {  	[sflag:s15] =	ssyncadd.s32 $0xFFFFC000  }
0x2b9: {  	_ =	swait.ge [sflag:s15], $0x4000  }
0x2ba: {  	[sflag:s15] =	ssyncset.done $0x0  }
0x2bb: {  	s21 =	simm.s32 $0x4040;
	[sflag:s15] =	ssyncadd.s32 $0xFFFFC000  }
0x2bc: {  	s19 =	simm.s32 $0x10040;
	v8 =	vld [tilespmem:s21+$0xFFFFFFE0]  }
0x2bd: {  	v4 =	vld [tilespmem:s19+$0xFFFFFFC0]  }
0x2be: {  	v5 =	vld [tilespmem:s21+$0x0]  }
0x2bf: {  	v14 =	vld [tilespmem:s21+$0x10]  }
0x2c0: {  	v3 =	vld [tilespmem:s21+$0x20]  }
0x2c1: {  	v9 =	vld [tilespmem:s21+$0x30];
	_ =	sdelay $0x1  }
0x2c2: {  	v7 =	vld [tilespmem:s21+$0xFFFFFFF0];
	v6 =	vmul.f32 $9.999999040e+00, v8  }
0x2c3: {  	v4 =	vadd.s32 $0x10000, v4;
	vm0 =	veq.f32 v8, $9.000000350e-01;
	v11 =	vmul.f32 $9.999999040e+00, v5  }
0x2c4: {  	vm3 =	veq.f32 v5, $9.000000350e-01;
	v12 =	vmul.f32 $9.999999040e+00, v14;
	vm2 =	vgt.f32 v14, $0.0e+00  }
0x2c5: {  	vm1 =	veq.f32 v3, $9.000000350e-01;
	v16 =	vmul.f32 $9.999999040e+00, v3;
	v18 =	vmul.f32 $9.999999040e+00, v9  }
0x2c6: {  	vm4 =	veq.f32 v9, $9.000000350e-01;
	v13 =	vsel vm0, $0x1, v1;
	vm0 =	veq.f32 v14, $9.000000350e-01  }
0x2c7: {  	v21 =	vsel vm1, $0x1, v1;
	vm1 =	veq.f32 v7, $9.000000350e-01;
	v10 =	vtrunc.f32 v6;
	v6 =	vld [tilespmem:s21+$0xFFFFFFD0]  }
0x2c8: {  	v20 =	vsel vm4, $0x1, v1;
	v15 =	vtrunc.f32 v12;
	v10 =	vcvt.f32.s32 v10  }
0x2c9: {  	v17 =	vsel vm0, $0x1, v1;
	v16 =	vtrunc.f32 v16;
	v24 =	vtrunc.f32 v11  }
0x2ca: {  	v25 =	vcvt.f32.s32 v16;
	v12 =	vadd.s32 v13, v10;
	v10 =	vmul.f32 $9.999999040e+00, v7  }
0x2cb: {  	v22 =	vld [tilespmem:s19+$0x20];
	v19 =	vsel vm1, $0x1, v1;
	v13 =	vcvt.f32.s32 v15;
	v15 =	vtrunc.f32 v18  }
0x2cc: {  	vm1 =	vgt.f32 v3, $0.0e+00;
	v15 =	vcvt.f32.s32 v15;
	v23 =	vmul.f32 $9.999999040e+00, v6  }
0x2cd: {  	vm0 =	veq.f32 v6, $9.000000350e-01;
	v10 =	vtrunc.f32 v10;
	v13 =	vadd.s32 v17, v13  }
0x2ce: {  	v26 =	vld [tilespmem:s19+$0x30];
	v13 =	vshll.u32 v13, $0x7;
	v15 =	vadd.s32 v20, v15;
	v16 =	vtrunc.f32 v23  }
0x2cf: {  	v17 =	vld [tilespmem:s19+$0x10];
	v10 =	vcvt.f32.s32 v10;
	v20 =	vor.u32 v2, v13;
	v16 =	vcvt.f32.s32 v16  }
0x2d0: {  	v11 =	vadd.s32 $0x10000, v22;
	v22 =	vcvt.f32.s32 v24;
	v18 =	vsel vm0, $0x1, v1;
	v13 =	vld [tilespmem:s19+$0xFFFFFFD0]  }
0x2d1: {  	v21 =	vadd.s32 v21, v25;
	v24 =	vadd.s32 v19, v10;
	v19 =	vld [tilespmem:s19+$0x0];
	v18 =	vadd.s32 v18, v16  }
0x2d2: {  	vm0 =	vgt.f32 v8, $0.0e+00;
	v23 =	vsel vm3, $0x1, v1;
	v16 =	vld [tilespmem:s19+$0xFFFFFFF0];
	v18 =	vshll.u32 v18, $0x7  }
0x2d3: {  	vm3 =	vgt.f32 v9, $0.0e+00;
	v27 =	vshll.u32 v15, $0x7;
	v10 =	vor.u32 v2, v18;
	v18 =	vld [tilespmem:s19+$0xFFFFFFE0]  }
0x2d4: {  	v22 =	vadd.s32 v23, v22;
	v23 =	vadd.s32 $0x10000, v17;
	v17 =	vor.u32 v2, v27;
	[tilespmem:v20+s13+$0x0] =	vst.idx.add.f32.msk vm2, v14  }
0x2d5: {  	s20 =	simm.s32 $0x0;
	v15 =	vadd.s32 $0x10000, v26;
	v24 =	vshll.u32 v24, $0x7;
	v22 =	vshll.u32 v22, $0x7;
	v14 =	vld [tilespmem:s21+$0xFFFFFFC0];
	s21 =	simm.s32 $0x40C0  }
.LBB2_16:
0x2d6: {  	v25 =	vld [tilespmem:s21+$0xFFFFFFF0];
	s20 =	sadd.s32 $0x8, s20;
	s19 =	sadd.s32 $0x80, s19  }
0x2d7: {  	v12 =	vshll.u32 v12, $0x7;
	v26 =	vld [tilespmem:s19+$0x20];
	p0 =	slt.u32 s20, $0x3F8  }
0x2d8: {  	v24 =	vor.u32 v2, v24;
	v27 =	vor.u32 v2, v12;
	[tilespmem:v20+s14+$0x0] =	vst.idx.add.s32.msk vm2, v23  }
0x2d9: {  	[tilespmem:v17+s13+$0x0] =	vst.idx.add.f32.msk vm3, v9  }
0x2da: {  	v12 =	vld [tilespmem:s19+$0xFFFFFFC0];
	v9 =	vmul.f32 $9.999999040e+00, v14;
	vm6 =	veq.f32 v14, $9.000000350e-01  }
0x2db: {  	v20 =	vld [tilespmem:s21+$0xFFFFFFD0]  }
0x2dc: {  	vm4 =	vgt.f32 v7, $0.0e+00;
	v23 =	vld [tilespmem:s21+$0xFFFFFFE0];
	v9 =	vtrunc.f32 v9  }
0x2dd: {  	vm5 =	vgt.f32 v6, $0.0e+00;
	vm2 =	vgt.f32 v5, $0.0e+00;
	v9 =	vcvt.f32.s32 v9;
	[tilespmem:v27+s13+$0x0] =	vst.idx.add.f32.msk vm0, v8  }
0x2de: {  	v16 =	vadd.s32 $0x10000, v16;
	v22 =	vor.u32 v2, v22;
	v8 =	vsel vm6, $0x1, v1;
	v28 =	vld [tilespmem:s21+$0x0]  }
0x2df: {  	v13 =	vadd.s32 $0x10000, v13;
	vm7 =	vgt.f32 v14, $0.0e+00;
	v29 =	vld [tilespmem:s21+$0x10];
	v34 =	vadd.s32 v8, v9  }
0x2e0: {  	v19 =	vadd.s32 $0x10000, v19;
	v18 =	vadd.s32 $0x10000, v18;
	v30 =	vld [tilespmem:s21+$0x20];
	v33 =	vshll.u32 v34, $0x7  }
0x2e1: {  	v21 =	vshll.u32 v21, $0x7;
	v31 =	vmul.f32 $9.999999040e+00, v23;
	v9 =	vld [tilespmem:s21+$0x30];
	v32 =	vor.u32 v2, v33;
	v8 =	vmovc v23  }
0x2e2: {  	v21 =	vor.u32 v2, v21;
	v23 =	vadd.s32 $0x10000, v12;
	vm8 =	veq.f32 v8, $9.000000350e-01;
	[tilespmem:v24+s13+$0x0] =	vst.idx.add.f32.msk vm4, v7;
	v7 =	vmovc v25  }
0x2e3: {  	v12 =	vtrunc.f32 v31;
	v25 =	vmul.f32 $9.999999040e+00, v28;
	vm6 =	veq.f32 v28, $9.000000350e-01;
	[tilespmem:v22+s13+$0x0] =	vst.idx.add.f32.msk vm2, v5;
	v5 =	vmovc v28  }
0x2e4: {  	v28 =	vsel vm8, $0x1, v1;
	v31 =	vmul.f32 $9.999999040e+00, v29;
	vm8 =	veq.f32 v29, $9.000000350e-01;
	[tilespmem:v22+s14+$0x0] =	vst.idx.add.s32.msk vm2, v19  }
0x2e5: {  	v12 =	vcvt.f32.s32 v12;
	vm2 =	vgt.f32 v29, $0.0e+00;
	vm9 =	veq.f32 v30, $9.000000350e-01;
	[tilespmem:v17+s14+$0x0] =	vst.idx.add.s32.msk vm3, v15  }
0x2e6: {  	v17 =	vmul.f32 $9.999999040e+00, v30;
	v15 =	vtrunc.f32 v31;
	v31 =	vsel vm9, $0x1, v1;
	[tilespmem:v32+s13+$0x0] =	vst.idx.add.f32.msk vm7, v14  }
0x2e7: {  	vm3 =	veq.f32 v7, $9.000000350e-01;
	v14 =	vsel vm8, $0x1, v1;
	v19 =	vmul.f32 $9.999999040e+00, v9;
	[tilespmem:v21+s13+$0x0] =	vst.idx.add.f32.msk vm1, v3;
	v3 =	vmovc v30  }
0x2e8: {  	v22 =	vmul.f32 $9.999999040e+00, v7;
	v12 =	vadd.s32 v28, v12;
	v28 =	vsel vm3, $0x1, v1;
	[tilespmem:v21+s14+$0x0] =	vst.idx.add.s32.msk vm1, v11  }
0x2e9: {  	vm1 =	veq.f32 v20, $9.000000350e-01;
	v11 =	vcvt.f32.s32 v15;
	v15 =	vtrunc.f32 v19;
	[tilespmem:v10+s13+$0x0] =	vst.idx.add.f32.msk vm5, v6;
	v6 =	vmovc v20  }
0x2ea: {  	vm3 =	veq.f32 v9, $9.000000350e-01;
	v17 =	vtrunc.f32 v17;
	v19 =	vsel vm1, $0x1, v1;
	[tilespmem:v32+s14+$0x0] =	vst.idx.add.s32.msk vm7, v4;
	v4 =	vmovc v23  }
0x2eb: {  	vm1 =	vgt.f32 v3, $0.0e+00;
	v20 =	vsel vm3, $0x1, v1;
	[tilespmem:v27+s14+$0x0] =	vst.idx.add.s32.msk vm0, v18;
	vm0 =	vgt.f32 v8, $0.0e+00  }
0x2ec: {  	v15 =	vcvt.f32.s32 v15;
	v18 =	vmul.f32 $9.999999040e+00, v6;
	[tilespmem:v10+s14+$0x0] =	vst.idx.add.s32.msk vm5, v13  }
0x2ed: {  	v21 =	vcvt.f32.s32 v17;
	v11 =	vadd.s32 v14, v11;
	v10 =	vtrunc.f32 v22;
	[tilespmem:v24+s14+$0x0] =	vst.idx.add.s32.msk vm4, v16  }
0x2ee: {  	v11 =	vshll.u32 v11, $0x7;
	v15 =	vadd.s32 v20, v15;
	v13 =	vtrunc.f32 v18;
	v14 =	vld [tilespmem:s19+$0x10]  }
0x2ef: {  	v17 =	vsel vm6, $0x1, v1;
	v20 =	vor.u32 v2, v11;
	v16 =	vcvt.f32.s32 v13;
	v22 =	vld [tilespmem:s19+$0x30]  }
0x2f0: {  	v11 =	vadd.s32 $0x10000, v26;
	v10 =	vcvt.f32.s32 v10;
	v18 =	vtrunc.f32 v25;
	v13 =	vld [tilespmem:s19+$0xFFFFFFD0]  }
.Ltmp7:
0x2f1: {  	vm3 =	vgt.f32 v9, $0.0e+00;
	v23 =	vcvt.f32.s32 v18;
	v19 =	vadd.s32 v19, v16;
	v16 =	vld [tilespmem:s19+$0xFFFFFFF0];
	(pc) =	sbr.rel @p0 .LBB2_16-.Ltmp7, $4  }
0x2f2: {  	v25 =	vshll.u32 v15, $0x7;
	v24 =	vadd.s32 v28, v10;
	v18 =	vshll.u32 v19, $0x7;
	v19 =	vld [tilespmem:s19+$0x0]  }
0x2f3: {  	v26 =	vadd.s32 v17, v23;
	v10 =	vor.u32 v2, v18;
	v18 =	vld [tilespmem:s19+$0xFFFFFFE0];
	v23 =	vadd.s32 $0x10000, v14  }
0x2f4: {  	v24 =	vshll.u32 v24, $0x7;
	v17 =	vor.u32 v2, v25;
	[tilespmem:v20+s13+$0x0] =	vst.idx.add.f32.msk vm2, v29;
	v15 =	vadd.s32 $0x10000, v22  }
0x2f5: {  	v21 =	vadd.s32 v31, v21;
	v22 =	vshll.u32 v26, $0x7;
	v14 =	vld [tilespmem:s21+$0xFFFFFFC0];
	s21 =	sadd.s32 $0x80, s21  }
0x2f6: {  	_ =	sdelay $0x3  }
0x2f7: {  	v25 =	vmul.f32 $9.999999040e+00, v14  }
0x2f8: {  	v12 =	vshll.u32 v12, $0x7;
	v24 =	vor.u32 v2, v24  }
0x2f9: {  	vm4 =	vgt.f32 v7, $0.0e+00;
	v12 =	vor.u32 v2, v12;
	v25 =	vtrunc.f32 v25  }
0x2fa: {  	vm6 =	vgt.f32 v5, $0.0e+00;
	vm5 =	veq.f32 v14, $9.000000350e-01;
	v25 =	vcvt.f32.s32 v25  }
0x2fb: {  	v22 =	vor.u32 v2, v22;
	[tilespmem:v20+s14+$0x0] =	vst.idx.add.s32.msk vm2, v23;
	v26 =	vsel vm5, $0x1, v1;
	vm5 =	vgt.f32 v6, $0.0e+00  }
0x2fc: {  	[tilespmem:v17+s13+$0x0] =	vst.idx.add.f32.msk vm3, v9;
	v20 =	vadd.s32 v26, v25  }
0x2fd: {  	[tilespmem:v17+s14+$0x0] =	vst.idx.add.s32.msk vm3, v15;
	vm2 =	vgt.f32 v14, $0.0e+00;
	v9 =	vshll.u32 v20, $0x7  }
0x2fe: {  	[tilespmem:v12+s13+$0x0] =	vst.idx.add.f32.msk vm0, v8;
	v8 =	vor.u32 v2, v9;
	v9 =	vshll.u32 v21, $0x7  }
0x2ff: {  	[tilespmem:v24+s13+$0x0] =	vst.idx.add.f32.msk vm4, v7;
	v7 =	vor.u32 v2, v9  }
0x300: {  	[tilespmem:v22+s13+$0x0] =	vst.idx.add.f32.msk vm6, v5  }
0x301: {  	[tilespmem:v10+s13+$0x0] =	vst.idx.add.f32.msk vm5, v6;
	v9 =	vadd.s32 $0x10000, v19  }
0x302: {  	[tilespmem:v22+s14+$0x0] =	vst.idx.add.s32.msk vm6, v9  }
0x303: {  	[tilespmem:v8+s13+$0x0] =	vst.idx.add.f32.msk vm2, v14  }
0x304: {  	[tilespmem:v7+s13+$0x0] =	vst.idx.add.f32.msk vm1, v3  }
0x305: {  	[tilespmem:v8+s14+$0x0] =	vst.idx.add.s32.msk vm2, v4  }
0x306: {  	v3 =	vadd.s32 $0x10000, v18;
	[tilespmem:v7+s14+$0x0] =	vst.idx.add.s32.msk vm1, v11  }
0x307: {  	v4 =	vadd.s32 $0x10000, v13;
	[tilespmem:v12+s14+$0x0] =	vst.idx.add.s32.msk vm0, v3  }
0x308: {  	v3 =	vadd.s32 $0x10000, v16;
	[tilespmem:v10+s14+$0x0] =	vst.idx.add.s32.msk vm5, v4  }
0x309: {  	[tilespmem:v24+s14+$0x0] =	vst.idx.add.s32.msk vm4, v3  }
0x30a: {  	s19 =	rddreg [dreg:$0x16]  }
0x30b: {  	[tilespmem:s8], [sflag:$0x2] =	stream.linear.gather [hbm4b:s19+s1], $0x4000, $0x38;
	[tilespmem:$0x19000] =	vst v63  }
0x30c: {  	s21 =	rddreg [dreg:$0x17]  }
0x30d: {  	[tilespmem:s9], [sflag:$0x2] =	stream.linear.gather [hbm4b:s21+s1], $0x4000, $0x38;
	[tilespmem:$0x19000] =	vst v63  }
0x30e: {  	_ =	swait.ge [sflag:s16], $0x4000  }
0x30f: {  	[sflag:s16] =	ssyncset.done $0x0  }
0x310: {  	[sflag:s16] =	ssyncadd.s32 $0xFFFFC000  }
0x311: {  	_ =	swait.ge [sflag:s16], $0x4000  }
0x312: {  	[sflag:s16] =	ssyncset.done $0x0  }
0x313: {  	s21 =	simm.s32 $0x8040;
	[sflag:s16] =	ssyncadd.s32 $0xFFFFC000  }
0x314: {  	s19 =	simm.s32 $0x14040;
	v8 =	vld [tilespmem:s21+$0xFFFFFFE0]  }
0x315: {  	v4 =	vld [tilespmem:s19+$0xFFFFFFC0]  }
0x316: {  	v5 =	vld [tilespmem:s21+$0x0]  }
0x317: {  	v14 =	vld [tilespmem:s21+$0x10]  }
0x318: {  	v3 =	vld [tilespmem:s21+$0x20]  }
0x319: {  	v9 =	vld [tilespmem:s21+$0x30];
	_ =	sdelay $0x1  }
0x31a: {  	v7 =	vld [tilespmem:s21+$0xFFFFFFF0];
	v6 =	vmul.f32 $9.999999040e+00, v8  }
0x31b: {  	v4 =	vadd.s32 $0x10000, v4;
	vm0 =	veq.f32 v8, $9.000000350e-01;
	v11 =	vmul.f32 $9.999999040e+00, v5  }
0x31c: {  	vm3 =	veq.f32 v5, $9.000000350e-01;
	v12 =	vmul.f32 $9.999999040e+00, v14;
	vm2 =	vgt.f32 v14, $0.0e+00  }
0x31d: {  	vm1 =	veq.f32 v3, $9.000000350e-01;
	v16 =	vmul.f32 $9.999999040e+00, v3;
	v18 =	vmul.f32 $9.999999040e+00, v9  }
0x31e: {  	vm4 =	veq.f32 v9, $9.000000350e-01;
	v13 =	vsel vm0, $0x1, v1;
	vm0 =	veq.f32 v14, $9.000000350e-01  }
0x31f: {  	v21 =	vsel vm1, $0x1, v1;
	vm1 =	veq.f32 v7, $9.000000350e-01;
	v10 =	vtrunc.f32 v6;
	v6 =	vld [tilespmem:s21+$0xFFFFFFD0]  }
0x320: {  	v20 =	vsel vm4, $0x1, v1;
	v15 =	vtrunc.f32 v12;
	v10 =	vcvt.f32.s32 v10  }
0x321: {  	v17 =	vsel vm0, $0x1, v1;
	v16 =	vtrunc.f32 v16;
	v24 =	vtrunc.f32 v11  }
0x322: {  	v25 =	vcvt.f32.s32 v16;
	v12 =	vadd.s32 v13, v10;
	v10 =	vmul.f32 $9.999999040e+00, v7  }
0x323: {  	v22 =	vld [tilespmem:s19+$0x20];
	v19 =	vsel vm1, $0x1, v1;
	v13 =	vcvt.f32.s32 v15;
	v15 =	vtrunc.f32 v18  }
0x324: {  	vm1 =	vgt.f32 v3, $0.0e+00;
	v15 =	vcvt.f32.s32 v15;
	v23 =	vmul.f32 $9.999999040e+00, v6  }
0x325: {  	vm0 =	veq.f32 v6, $9.000000350e-01;
	v10 =	vtrunc.f32 v10;
	v13 =	vadd.s32 v17, v13  }
0x326: {  	v26 =	vld [tilespmem:s19+$0x30];
	v13 =	vshll.u32 v13, $0x7;
	v15 =	vadd.s32 v20, v15;
	v16 =	vtrunc.f32 v23  }
0x327: {  	v17 =	vld [tilespmem:s19+$0x10];
	v10 =	vcvt.f32.s32 v10;
	v20 =	vor.u32 v2, v13;
	v16 =	vcvt.f32.s32 v16  }
0x328: {  	v11 =	vadd.s32 $0x10000, v22;
	v22 =	vcvt.f32.s32 v24;
	v18 =	vsel vm0, $0x1, v1;
	v13 =	vld [tilespmem:s19+$0xFFFFFFD0]  }
0x329: {  	v21 =	vadd.s32 v21, v25;
	v24 =	vadd.s32 v19, v10;
	v19 =	vld [tilespmem:s19+$0x0];
	v18 =	vadd.s32 v18, v16  }
0x32a: {  	vm0 =	vgt.f32 v8, $0.0e+00;
	v23 =	vsel vm3, $0x1, v1;
	v16 =	vld [tilespmem:s19+$0xFFFFFFF0];
	v18 =	vshll.u32 v18, $0x7  }
0x32b: {  	vm3 =	vgt.f32 v9, $0.0e+00;
	v27 =	vshll.u32 v15, $0x7;
	v10 =	vor.u32 v2, v18;
	v18 =	vld [tilespmem:s19+$0xFFFFFFE0]  }
0x32c: {  	v22 =	vadd.s32 v23, v22;
	v23 =	vadd.s32 $0x10000, v17;
	v17 =	vor.u32 v2, v27;
	[tilespmem:v20+s13+$0x0] =	vst.idx.add.f32.msk vm2, v14  }
0x32d: {  	s20 =	simm.s32 $0x0;
	v15 =	vadd.s32 $0x10000, v26;
	v24 =	vshll.u32 v24, $0x7;
	v22 =	vshll.u32 v22, $0x7;
	v14 =	vld [tilespmem:s21+$0xFFFFFFC0];
	s21 =	simm.s32 $0x80C0  }
.LBB2_18:
0x32e: {  	v25 =	vld [tilespmem:s21+$0xFFFFFFF0];
	s20 =	sadd.s32 $0x8, s20;
	s19 =	sadd.s32 $0x80, s19  }
0x32f: {  	v12 =	vshll.u32 v12, $0x7;
	v26 =	vld [tilespmem:s19+$0x20];
	p0 =	slt.u32 s20, $0x3F8  }
0x330: {  	v24 =	vor.u32 v2, v24;
	v27 =	vor.u32 v2, v12;
	[tilespmem:v20+s14+$0x0] =	vst.idx.add.s32.msk vm2, v23  }
0x331: {  	[tilespmem:v17+s13+$0x0] =	vst.idx.add.f32.msk vm3, v9  }
0x332: {  	v12 =	vld [tilespmem:s19+$0xFFFFFFC0];
	v9 =	vmul.f32 $9.999999040e+00, v14;
	vm6 =	veq.f32 v14, $9.000000350e-01  }
0x333: {  	v20 =	vld [tilespmem:s21+$0xFFFFFFD0]  }
0x334: {  	vm4 =	vgt.f32 v7, $0.0e+00;
	v23 =	vld [tilespmem:s21+$0xFFFFFFE0];
	v9 =	vtrunc.f32 v9  }
0x335: {  	vm5 =	vgt.f32 v6, $0.0e+00;
	vm2 =	vgt.f32 v5, $0.0e+00;
	v9 =	vcvt.f32.s32 v9;
	[tilespmem:v27+s13+$0x0] =	vst.idx.add.f32.msk vm0, v8  }
0x336: {  	v16 =	vadd.s32 $0x10000, v16;
	v22 =	vor.u32 v2, v22;
	v8 =	vsel vm6, $0x1, v1;
	v28 =	vld [tilespmem:s21+$0x0]  }
0x337: {  	v13 =	vadd.s32 $0x10000, v13;
	vm7 =	vgt.f32 v14, $0.0e+00;
	v29 =	vld [tilespmem:s21+$0x10];
	v34 =	vadd.s32 v8, v9  }
0x338: {  	v19 =	vadd.s32 $0x10000, v19;
	v18 =	vadd.s32 $0x10000, v18;
	v30 =	vld [tilespmem:s21+$0x20];
	v33 =	vshll.u32 v34, $0x7  }
0x339: {  	v21 =	vshll.u32 v21, $0x7;
	v31 =	vmul.f32 $9.999999040e+00, v23;
	v9 =	vld [tilespmem:s21+$0x30];
	v32 =	vor.u32 v2, v33;
	v8 =	vmovc v23  }
0x33a: {  	v21 =	vor.u32 v2, v21;
	v23 =	vadd.s32 $0x10000, v12;
	vm8 =	veq.f32 v8, $9.000000350e-01;
	[tilespmem:v24+s13+$0x0] =	vst.idx.add.f32.msk vm4, v7;
	v7 =	vmovc v25  }
0x33b: {  	v12 =	vtrunc.f32 v31;
	v25 =	vmul.f32 $9.999999040e+00, v28;
	vm6 =	veq.f32 v28, $9.000000350e-01;
	[tilespmem:v22+s13+$0x0] =	vst.idx.add.f32.msk vm2, v5;
	v5 =	vmovc v28  }
0x33c: {  	v28 =	vsel vm8, $0x1, v1;
	v31 =	vmul.f32 $9.999999040e+00, v29;
	vm8 =	veq.f32 v29, $9.000000350e-01;
	[tilespmem:v22+s14+$0x0] =	vst.idx.add.s32.msk vm2, v19  }
0x33d: {  	v12 =	vcvt.f32.s32 v12;
	vm2 =	vgt.f32 v29, $0.0e+00;
	vm9 =	veq.f32 v30, $9.000000350e-01;
	[tilespmem:v17+s14+$0x0] =	vst.idx.add.s32.msk vm3, v15  }
0x33e: {  	v17 =	vmul.f32 $9.999999040e+00, v30;
	v15 =	vtrunc.f32 v31;
	v31 =	vsel vm9, $0x1, v1;
	[tilespmem:v32+s13+$0x0] =	vst.idx.add.f32.msk vm7, v14  }
0x33f: {  	vm3 =	veq.f32 v7, $9.000000350e-01;
	v14 =	vsel vm8, $0x1, v1;
	v19 =	vmul.f32 $9.999999040e+00, v9;
	[tilespmem:v21+s13+$0x0] =	vst.idx.add.f32.msk vm1, v3;
	v3 =	vmovc v30  }
0x340: {  	v22 =	vmul.f32 $9.999999040e+00, v7;
	v12 =	vadd.s32 v28, v12;
	v28 =	vsel vm3, $0x1, v1;
	[tilespmem:v21+s14+$0x0] =	vst.idx.add.s32.msk vm1, v11  }
0x341: {  	vm1 =	veq.f32 v20, $9.000000350e-01;
	v11 =	vcvt.f32.s32 v15;
	v15 =	vtrunc.f32 v19;
	[tilespmem:v10+s13+$0x0] =	vst.idx.add.f32.msk vm5, v6;
	v6 =	vmovc v20  }
0x342: {  	vm3 =	veq.f32 v9, $9.000000350e-01;
	v17 =	vtrunc.f32 v17;
	v19 =	vsel vm1, $0x1, v1;
	[tilespmem:v32+s14+$0x0] =	vst.idx.add.s32.msk vm7, v4;
	v4 =	vmovc v23  }
0x343: {  	vm1 =	vgt.f32 v3, $0.0e+00;
	v20 =	vsel vm3, $0x1, v1;
	[tilespmem:v27+s14+$0x0] =	vst.idx.add.s32.msk vm0, v18;
	vm0 =	vgt.f32 v8, $0.0e+00  }
0x344: {  	v15 =	vcvt.f32.s32 v15;
	v18 =	vmul.f32 $9.999999040e+00, v6;
	[tilespmem:v10+s14+$0x0] =	vst.idx.add.s32.msk vm5, v13  }
0x345: {  	v21 =	vcvt.f32.s32 v17;
	v11 =	vadd.s32 v14, v11;
	v10 =	vtrunc.f32 v22;
	[tilespmem:v24+s14+$0x0] =	vst.idx.add.s32.msk vm4, v16  }
0x346: {  	v11 =	vshll.u32 v11, $0x7;
	v15 =	vadd.s32 v20, v15;
	v13 =	vtrunc.f32 v18;
	v14 =	vld [tilespmem:s19+$0x10]  }
0x347: {  	v17 =	vsel vm6, $0x1, v1;
	v20 =	vor.u32 v2, v11;
	v16 =	vcvt.f32.s32 v13;
	v22 =	vld [tilespmem:s19+$0x30]  }
0x348: {  	v11 =	vadd.s32 $0x10000, v26;
	v10 =	vcvt.f32.s32 v10;
	v18 =	vtrunc.f32 v25;
	v13 =	vld [tilespmem:s19+$0xFFFFFFD0]  }
.Ltmp8:
0x349: {  	vm3 =	vgt.f32 v9, $0.0e+00;
	v23 =	vcvt.f32.s32 v18;
	v19 =	vadd.s32 v19, v16;
	v16 =	vld [tilespmem:s19+$0xFFFFFFF0];
	(pc) =	sbr.rel @p0 .LBB2_18-.Ltmp8, $4  }
0x34a: {  	v25 =	vshll.u32 v15, $0x7;
	v24 =	vadd.s32 v28, v10;
	v18 =	vshll.u32 v19, $0x7;
	v19 =	vld [tilespmem:s19+$0x0]  }
0x34b: {  	v26 =	vadd.s32 v17, v23;
	v10 =	vor.u32 v2, v18;
	v18 =	vld [tilespmem:s19+$0xFFFFFFE0];
	v23 =	vadd.s32 $0x10000, v14  }
0x34c: {  	v24 =	vshll.u32 v24, $0x7;
	v17 =	vor.u32 v2, v25;
	[tilespmem:v20+s13+$0x0] =	vst.idx.add.f32.msk vm2, v29;
	v15 =	vadd.s32 $0x10000, v22  }
0x34d: {  	v21 =	vadd.s32 v31, v21;
	v22 =	vshll.u32 v26, $0x7;
	v14 =	vld [tilespmem:s21+$0xFFFFFFC0];
	s21 =	sadd.s32 $0x80, s21  }
0x34e: {  	_ =	sdelay $0x3  }
0x34f: {  	v25 =	vmul.f32 $9.999999040e+00, v14  }
0x350: {  	v12 =	vshll.u32 v12, $0x7;
	v24 =	vor.u32 v2, v24  }
0x351: {  	vm4 =	vgt.f32 v7, $0.0e+00;
	v12 =	vor.u32 v2, v12;
	v25 =	vtrunc.f32 v25  }
0x352: {  	vm6 =	vgt.f32 v5, $0.0e+00;
	vm5 =	veq.f32 v14, $9.000000350e-01;
	v25 =	vcvt.f32.s32 v25  }
0x353: {  	v22 =	vor.u32 v2, v22;
	[tilespmem:v20+s14+$0x0] =	vst.idx.add.s32.msk vm2, v23;
	v26 =	vsel vm5, $0x1, v1;
	vm5 =	vgt.f32 v6, $0.0e+00  }
0x354: {  	[tilespmem:v17+s13+$0x0] =	vst.idx.add.f32.msk vm3, v9;
	v20 =	vadd.s32 v26, v25  }
0x355: {  	[tilespmem:v17+s14+$0x0] =	vst.idx.add.s32.msk vm3, v15;
	vm2 =	vgt.f32 v14, $0.0e+00;
	v9 =	vshll.u32 v20, $0x7  }
0x356: {  	[tilespmem:v12+s13+$0x0] =	vst.idx.add.f32.msk vm0, v8;
	v8 =	vor.u32 v2, v9;
	v9 =	vshll.u32 v21, $0x7  }
0x357: {  	[tilespmem:v24+s13+$0x0] =	vst.idx.add.f32.msk vm4, v7;
	v7 =	vor.u32 v2, v9  }
0x358: {  	[tilespmem:v22+s13+$0x0] =	vst.idx.add.f32.msk vm6, v5  }
0x359: {  	[tilespmem:v10+s13+$0x0] =	vst.idx.add.f32.msk vm5, v6;
	v9 =	vadd.s32 $0x10000, v19  }
0x35a: {  	[tilespmem:v22+s14+$0x0] =	vst.idx.add.s32.msk vm6, v9  }
0x35b: {  	[tilespmem:v8+s13+$0x0] =	vst.idx.add.f32.msk vm2, v14  }
0x35c: {  	[tilespmem:v7+s13+$0x0] =	vst.idx.add.f32.msk vm1, v3  }
0x35d: {  	[tilespmem:v8+s14+$0x0] =	vst.idx.add.s32.msk vm2, v4  }
0x35e: {  	v3 =	vadd.s32 $0x10000, v18;
	[tilespmem:v7+s14+$0x0] =	vst.idx.add.s32.msk vm1, v11  }
0x35f: {  	v4 =	vadd.s32 $0x10000, v13;
	[tilespmem:v12+s14+$0x0] =	vst.idx.add.s32.msk vm0, v3  }
0x360: {  	v3 =	vadd.s32 $0x10000, v16;
	[tilespmem:v10+s14+$0x0] =	vst.idx.add.s32.msk vm5, v4  }
0x361: {  	[tilespmem:v24+s14+$0x0] =	vst.idx.add.s32.msk vm4, v3  }
0x362: {  	[tilespmem:s10], [sflag:$0x3] =	stream.linear.gather [hbm4b:s22+s1], $0x4000, $0x38;
	[tilespmem:$0x19000] =	vst v63  }
0x363: {  	_ = 	snop  }
0x364: {  	[tilespmem:s11], [sflag:$0x3] =	stream.linear.gather [hbm4b:s23+s1], $0x4000, $0x38;
	[tilespmem:$0x19000] =	vst v63  }
0x365: {  	_ =	swait.ge [sflag:s12], $0x4000  }
0x366: {  	[sflag:s12] =	ssyncset.done $0x0  }
0x367: {  	[sflag:s12] =	ssyncadd.s32 $0xFFFFC000  }
0x368: {  	_ =	swait.ge [sflag:s12], $0x4000  }
0x369: {  	[sflag:s12] =	ssyncset.done $0x0  }
0x36a: {  	s21 =	simm.s32 $0x40;
	[sflag:s12] =	ssyncadd.s32 $0xFFFFC000  }
0x36b: {  	s19 =	simm.s32 $0xC040;
	v8 =	vld [tilespmem:s21+$0xFFFFFFE0]  }
0x36c: {  	v4 =	vld [tilespmem:s19+$0xFFFFFFC0]  }
0x36d: {  	v5 =	vld [tilespmem:s21+$0x0]  }
0x36e: {  	v14 =	vld [tilespmem:s21+$0x10]  }
0x36f: {  	v3 =	vld [tilespmem:s21+$0x20]  }
0x370: {  	v9 =	vld [tilespmem:s21+$0x30];
	_ =	sdelay $0x1  }
0x371: {  	v7 =	vld [tilespmem:s21+$0xFFFFFFF0];
	v6 =	vmul.f32 $9.999999040e+00, v8  }
0x372: {  	v4 =	vadd.s32 $0x10000, v4;
	vm0 =	veq.f32 v8, $9.000000350e-01;
	v11 =	vmul.f32 $9.999999040e+00, v5  }
0x373: {  	vm3 =	veq.f32 v5, $9.000000350e-01;
	v12 =	vmul.f32 $9.999999040e+00, v14;
	vm2 =	vgt.f32 v14, $0.0e+00  }
0x374: {  	vm1 =	veq.f32 v3, $9.000000350e-01;
	v16 =	vmul.f32 $9.999999040e+00, v3;
	v18 =	vmul.f32 $9.999999040e+00, v9  }
0x375: {  	vm4 =	veq.f32 v9, $9.000000350e-01;
	v13 =	vsel vm0, $0x1, v1;
	vm0 =	veq.f32 v14, $9.000000350e-01  }
0x376: {  	v21 =	vsel vm1, $0x1, v1;
	vm1 =	veq.f32 v7, $9.000000350e-01;
	v10 =	vtrunc.f32 v6;
	v6 =	vld [tilespmem:s21+$0xFFFFFFD0]  }
0x377: {  	v20 =	vsel vm4, $0x1, v1;
	v15 =	vtrunc.f32 v12;
	v10 =	vcvt.f32.s32 v10  }
0x378: {  	v17 =	vsel vm0, $0x1, v1;
	v16 =	vtrunc.f32 v16;
	v24 =	vtrunc.f32 v11  }
0x379: {  	v25 =	vcvt.f32.s32 v16;
	v12 =	vadd.s32 v13, v10;
	v10 =	vmul.f32 $9.999999040e+00, v7  }
0x37a: {  	v22 =	vld [tilespmem:s19+$0x20];
	v19 =	vsel vm1, $0x1, v1;
	v13 =	vcvt.f32.s32 v15;
	v15 =	vtrunc.f32 v18  }
0x37b: {  	vm1 =	vgt.f32 v3, $0.0e+00;
	v15 =	vcvt.f32.s32 v15;
	v23 =	vmul.f32 $9.999999040e+00, v6  }
0x37c: {  	vm0 =	veq.f32 v6, $9.000000350e-01;
	v10 =	vtrunc.f32 v10;
	v13 =	vadd.s32 v17, v13  }
0x37d: {  	v26 =	vld [tilespmem:s19+$0x30];
	v13 =	vshll.u32 v13, $0x7;
	v15 =	vadd.s32 v20, v15;
	v16 =	vtrunc.f32 v23  }
0x37e: {  	v17 =	vld [tilespmem:s19+$0x10];
	v10 =	vcvt.f32.s32 v10;
	v20 =	vor.u32 v2, v13;
	v16 =	vcvt.f32.s32 v16  }
0x37f: {  	v11 =	vadd.s32 $0x10000, v22;
	v22 =	vcvt.f32.s32 v24;
	v18 =	vsel vm0, $0x1, v1;
	v13 =	vld [tilespmem:s19+$0xFFFFFFD0]  }
0x380: {  	v21 =	vadd.s32 v21, v25;
	v24 =	vadd.s32 v19, v10;
	v19 =	vld [tilespmem:s19+$0x0];
	v18 =	vadd.s32 v18, v16  }
0x381: {  	vm0 =	vgt.f32 v8, $0.0e+00;
	v23 =	vsel vm3, $0x1, v1;
	v16 =	vld [tilespmem:s19+$0xFFFFFFF0];
	v18 =	vshll.u32 v18, $0x7  }
0x382: {  	vm3 =	vgt.f32 v9, $0.0e+00;
	v27 =	vshll.u32 v15, $0x7;
	v10 =	vor.u32 v2, v18;
	v18 =	vld [tilespmem:s19+$0xFFFFFFE0]  }
0x383: {  	v22 =	vadd.s32 v23, v22;
	v23 =	vadd.s32 $0x10000, v17;
	v17 =	vor.u32 v2, v27;
	[tilespmem:v20+s13+$0x0] =	vst.idx.add.f32.msk vm2, v14  }
0x384: {  	s20 =	simm.s32 $0x0;
	v15 =	vadd.s32 $0x10000, v26;
	v24 =	vshll.u32 v24, $0x7;
	v22 =	vshll.u32 v22, $0x7;
	v14 =	vld [tilespmem:s21+$0xFFFFFFC0];
	s21 =	simm.s32 $0xC0  }
.LBB2_20:
0x385: {  	v25 =	vld [tilespmem:s21+$0xFFFFFFF0];
	s20 =	sadd.s32 $0x8, s20;
	s19 =	sadd.s32 $0x80, s19  }
0x386: {  	v12 =	vshll.u32 v12, $0x7;
	v26 =	vld [tilespmem:s19+$0x20];
	p0 =	slt.u32 s20, $0x3F8  }
0x387: {  	v24 =	vor.u32 v2, v24;
	v27 =	vor.u32 v2, v12;
	[tilespmem:v20+s14+$0x0] =	vst.idx.add.s32.msk vm2, v23  }
0x388: {  	[tilespmem:v17+s13+$0x0] =	vst.idx.add.f32.msk vm3, v9  }
0x389: {  	v12 =	vld [tilespmem:s19+$0xFFFFFFC0];
	v9 =	vmul.f32 $9.999999040e+00, v14;
	vm6 =	veq.f32 v14, $9.000000350e-01  }
0x38a: {  	v20 =	vld [tilespmem:s21+$0xFFFFFFD0]  }
0x38b: {  	vm4 =	vgt.f32 v7, $0.0e+00;
	v23 =	vld [tilespmem:s21+$0xFFFFFFE0];
	v9 =	vtrunc.f32 v9  }
0x38c: {  	vm5 =	vgt.f32 v6, $0.0e+00;
	vm2 =	vgt.f32 v5, $0.0e+00;
	v9 =	vcvt.f32.s32 v9;
	[tilespmem:v27+s13+$0x0] =	vst.idx.add.f32.msk vm0, v8  }
0x38d: {  	v16 =	vadd.s32 $0x10000, v16;
	v22 =	vor.u32 v2, v22;
	v8 =	vsel vm6, $0x1, v1;
	v28 =	vld [tilespmem:s21+$0x0]  }
0x38e: {  	v13 =	vadd.s32 $0x10000, v13;
	vm7 =	vgt.f32 v14, $0.0e+00;
	v29 =	vld [tilespmem:s21+$0x10];
	v34 =	vadd.s32 v8, v9  }
0x38f: {  	v19 =	vadd.s32 $0x10000, v19;
	v18 =	vadd.s32 $0x10000, v18;
	v30 =	vld [tilespmem:s21+$0x20];
	v33 =	vshll.u32 v34, $0x7  }
0x390: {  	v21 =	vshll.u32 v21, $0x7;
	v31 =	vmul.f32 $9.999999040e+00, v23;
	v9 =	vld [tilespmem:s21+$0x30];
	v32 =	vor.u32 v2, v33;
	v8 =	vmovc v23  }
0x391: {  	v21 =	vor.u32 v2, v21;
	v23 =	vadd.s32 $0x10000, v12;
	vm8 =	veq.f32 v8, $9.000000350e-01;
	[tilespmem:v24+s13+$0x0] =	vst.idx.add.f32.msk vm4, v7;
	v7 =	vmovc v25  }
0x392: {  	v12 =	vtrunc.f32 v31;
	v25 =	vmul.f32 $9.999999040e+00, v28;
	vm6 =	veq.f32 v28, $9.000000350e-01;
	[tilespmem:v22+s13+$0x0] =	vst.idx.add.f32.msk vm2, v5;
	v5 =	vmovc v28  }
0x393: {  	v28 =	vsel vm8, $0x1, v1;
	v31 =	vmul.f32 $9.999999040e+00, v29;
	vm8 =	veq.f32 v29, $9.000000350e-01;
	[tilespmem:v22+s14+$0x0] =	vst.idx.add.s32.msk vm2, v19  }
0x394: {  	v12 =	vcvt.f32.s32 v12;
	vm2 =	vgt.f32 v29, $0.0e+00;
	vm9 =	veq.f32 v30, $9.000000350e-01;
	[tilespmem:v17+s14+$0x0] =	vst.idx.add.s32.msk vm3, v15  }
0x395: {  	v17 =	vmul.f32 $9.999999040e+00, v30;
	v15 =	vtrunc.f32 v31;
	v31 =	vsel vm9, $0x1, v1;
	[tilespmem:v32+s13+$0x0] =	vst.idx.add.f32.msk vm7, v14  }
0x396: {  	vm3 =	veq.f32 v7, $9.000000350e-01;
	v14 =	vsel vm8, $0x1, v1;
	v19 =	vmul.f32 $9.999999040e+00, v9;
	[tilespmem:v21+s13+$0x0] =	vst.idx.add.f32.msk vm1, v3;
	v3 =	vmovc v30  }
0x397: {  	v22 =	vmul.f32 $9.999999040e+00, v7;
	v12 =	vadd.s32 v28, v12;
	v28 =	vsel vm3, $0x1, v1;
	[tilespmem:v21+s14+$0x0] =	vst.idx.add.s32.msk vm1, v11  }
0x398: {  	vm1 =	veq.f32 v20, $9.000000350e-01;
	v11 =	vcvt.f32.s32 v15;
	v15 =	vtrunc.f32 v19;
	[tilespmem:v10+s13+$0x0] =	vst.idx.add.f32.msk vm5, v6;
	v6 =	vmovc v20  }
0x399: {  	vm3 =	veq.f32 v9, $9.000000350e-01;
	v17 =	vtrunc.f32 v17;
	v19 =	vsel vm1, $0x1, v1;
	[tilespmem:v32+s14+$0x0] =	vst.idx.add.s32.msk vm7, v4;
	v4 =	vmovc v23  }
0x39a: {  	vm1 =	vgt.f32 v3, $0.0e+00;
	v20 =	vsel vm3, $0x1, v1;
	[tilespmem:v27+s14+$0x0] =	vst.idx.add.s32.msk vm0, v18;
	vm0 =	vgt.f32 v8, $0.0e+00  }
0x39b: {  	v15 =	vcvt.f32.s32 v15;
	v18 =	vmul.f32 $9.999999040e+00, v6;
	[tilespmem:v10+s14+$0x0] =	vst.idx.add.s32.msk vm5, v13  }
0x39c: {  	v21 =	vcvt.f32.s32 v17;
	v11 =	vadd.s32 v14, v11;
	v10 =	vtrunc.f32 v22;
	[tilespmem:v24+s14+$0x0] =	vst.idx.add.s32.msk vm4, v16  }
0x39d: {  	v11 =	vshll.u32 v11, $0x7;
	v15 =	vadd.s32 v20, v15;
	v13 =	vtrunc.f32 v18;
	v14 =	vld [tilespmem:s19+$0x10]  }
0x39e: {  	v17 =	vsel vm6, $0x1, v1;
	v20 =	vor.u32 v2, v11;
	v16 =	vcvt.f32.s32 v13;
	v22 =	vld [tilespmem:s19+$0x30]  }
0x39f: {  	v11 =	vadd.s32 $0x10000, v26;
	v10 =	vcvt.f32.s32 v10;
	v18 =	vtrunc.f32 v25;
	v13 =	vld [tilespmem:s19+$0xFFFFFFD0]  }
.Ltmp9:
0x3a0: {  	vm3 =	vgt.f32 v9, $0.0e+00;
	v23 =	vcvt.f32.s32 v18;
	v19 =	vadd.s32 v19, v16;
	v16 =	vld [tilespmem:s19+$0xFFFFFFF0];
	(pc) =	sbr.rel @p0 .LBB2_20-.Ltmp9, $4  }
0x3a1: {  	v25 =	vshll.u32 v15, $0x7;
	v24 =	vadd.s32 v28, v10;
	v18 =	vshll.u32 v19, $0x7;
	v19 =	vld [tilespmem:s19+$0x0]  }
0x3a2: {  	v26 =	vadd.s32 v17, v23;
	v10 =	vor.u32 v2, v18;
	v18 =	vld [tilespmem:s19+$0xFFFFFFE0];
	v23 =	vadd.s32 $0x10000, v14  }
0x3a3: {  	v24 =	vshll.u32 v24, $0x7;
	v17 =	vor.u32 v2, v25;
	[tilespmem:v20+s13+$0x0] =	vst.idx.add.f32.msk vm2, v29;
	v15 =	vadd.s32 $0x10000, v22  }
0x3a4: {  	v21 =	vadd.s32 v31, v21;
	v22 =	vshll.u32 v26, $0x7;
	v14 =	vld [tilespmem:s21+$0xFFFFFFC0];
	s21 =	sadd.s32 $0x80, s21  }
0x3a5: {  	_ =	sdelay $0x3  }
0x3a6: {  	v25 =	vmul.f32 $9.999999040e+00, v14  }
0x3a7: {  	v12 =	vshll.u32 v12, $0x7;
	v24 =	vor.u32 v2, v24  }
0x3a8: {  	vm4 =	vgt.f32 v7, $0.0e+00;
	v12 =	vor.u32 v2, v12;
	v25 =	vtrunc.f32 v25  }
0x3a9: {  	vm6 =	vgt.f32 v5, $0.0e+00;
	vm5 =	veq.f32 v14, $9.000000350e-01;
	v25 =	vcvt.f32.s32 v25  }
0x3aa: {  	v22 =	vor.u32 v2, v22;
	[tilespmem:v20+s14+$0x0] =	vst.idx.add.s32.msk vm2, v23;
	v26 =	vsel vm5, $0x1, v1;
	vm5 =	vgt.f32 v6, $0.0e+00  }
0x3ab: {  	[tilespmem:v17+s13+$0x0] =	vst.idx.add.f32.msk vm3, v9;
	v20 =	vadd.s32 v26, v25  }
0x3ac: {  	[tilespmem:v17+s14+$0x0] =	vst.idx.add.s32.msk vm3, v15;
	vm2 =	vgt.f32 v14, $0.0e+00;
	v9 =	vshll.u32 v20, $0x7  }
0x3ad: {  	[tilespmem:v12+s13+$0x0] =	vst.idx.add.f32.msk vm0, v8;
	v8 =	vor.u32 v2, v9;
	v9 =	vshll.u32 v21, $0x7  }
0x3ae: {  	[tilespmem:v24+s13+$0x0] =	vst.idx.add.f32.msk vm4, v7;
	v7 =	vor.u32 v2, v9  }
0x3af: {  	[tilespmem:v22+s13+$0x0] =	vst.idx.add.f32.msk vm6, v5  }
0x3b0: {  	[tilespmem:v10+s13+$0x0] =	vst.idx.add.f32.msk vm5, v6;
	v9 =	vadd.s32 $0x10000, v19  }
0x3b1: {  	[tilespmem:v22+s14+$0x0] =	vst.idx.add.s32.msk vm6, v9  }
0x3b2: {  	[tilespmem:v8+s13+$0x0] =	vst.idx.add.f32.msk vm2, v14  }
0x3b3: {  	[tilespmem:v7+s13+$0x0] =	vst.idx.add.f32.msk vm1, v3  }
0x3b4: {  	[tilespmem:v8+s14+$0x0] =	vst.idx.add.s32.msk vm2, v4  }
0x3b5: {  	v3 =	vadd.s32 $0x10000, v18;
	[tilespmem:v7+s14+$0x0] =	vst.idx.add.s32.msk vm1, v11  }
0x3b6: {  	v4 =	vadd.s32 $0x10000, v13;
	[tilespmem:v12+s14+$0x0] =	vst.idx.add.s32.msk vm0, v3  }
0x3b7: {  	v3 =	vadd.s32 $0x10000, v16;
	[tilespmem:v10+s14+$0x0] =	vst.idx.add.s32.msk vm5, v4  }
0x3b8: {  	[tilespmem:v24+s14+$0x0] =	vst.idx.add.s32.msk vm4, v3  }
0x3b9: {  	[tilespmem:s1], [sflag:$0x1] =	stream.linear.gather [hbm4b:s24+s1], $0x4000, $0x38;
	[tilespmem:$0x19000] =	vst v63  }
0x3ba: {  	_ = 	snop  }
0x3bb: {  	[tilespmem:s7], [sflag:$0x1] =	stream.linear.gather [hbm4b:s25+s1], $0x4000, $0x38;
	[tilespmem:$0x19000] =	vst v63  }
0x3bc: {  	_ =	swait.ge [sflag:s15], $0x4000  }
0x3bd: {  	[sflag:s15] =	ssyncset.done $0x0  }
0x3be: {  	[sflag:s15] =	ssyncadd.s32 $0xFFFFC000  }
0x3bf: {  	_ =	swait.ge [sflag:s15], $0x4000  }
0x3c0: {  	[sflag:s15] =	ssyncset.done $0x0  }
0x3c1: {  	s21 =	simm.s32 $0x4040;
	[sflag:s15] =	ssyncadd.s32 $0xFFFFC000  }
0x3c2: {  	s19 =	simm.s32 $0x10040;
	v8 =	vld [tilespmem:s21+$0xFFFFFFE0]  }
0x3c3: {  	v4 =	vld [tilespmem:s19+$0xFFFFFFC0]  }
0x3c4: {  	v5 =	vld [tilespmem:s21+$0x0]  }
0x3c5: {  	v14 =	vld [tilespmem:s21+$0x10]  }
0x3c6: {  	v3 =	vld [tilespmem:s21+$0x20]  }
0x3c7: {  	v9 =	vld [tilespmem:s21+$0x30];
	_ =	sdelay $0x1  }
0x3c8: {  	v7 =	vld [tilespmem:s21+$0xFFFFFFF0];
	v6 =	vmul.f32 $9.999999040e+00, v8  }
0x3c9: {  	v4 =	vadd.s32 $0x10000, v4;
	vm0 =	veq.f32 v8, $9.000000350e-01;
	v11 =	vmul.f32 $9.999999040e+00, v5  }
0x3ca: {  	vm3 =	veq.f32 v5, $9.000000350e-01;
	v12 =	vmul.f32 $9.999999040e+00, v14;
	vm2 =	vgt.f32 v14, $0.0e+00  }
0x3cb: {  	vm1 =	veq.f32 v3, $9.000000350e-01;
	v16 =	vmul.f32 $9.999999040e+00, v3;
	v18 =	vmul.f32 $9.999999040e+00, v9  }
0x3cc: {  	vm4 =	veq.f32 v9, $9.000000350e-01;
	v13 =	vsel vm0, $0x1, v1;
	vm0 =	veq.f32 v14, $9.000000350e-01  }
0x3cd: {  	v21 =	vsel vm1, $0x1, v1;
	vm1 =	veq.f32 v7, $9.000000350e-01;
	v10 =	vtrunc.f32 v6;
	v6 =	vld [tilespmem:s21+$0xFFFFFFD0]  }
0x3ce: {  	v20 =	vsel vm4, $0x1, v1;
	v15 =	vtrunc.f32 v12;
	v10 =	vcvt.f32.s32 v10  }
0x3cf: {  	v17 =	vsel vm0, $0x1, v1;
	v16 =	vtrunc.f32 v16;
	v24 =	vtrunc.f32 v11  }
0x3d0: {  	v25 =	vcvt.f32.s32 v16;
	v12 =	vadd.s32 v13, v10;
	v10 =	vmul.f32 $9.999999040e+00, v7  }
0x3d1: {  	v22 =	vld [tilespmem:s19+$0x20];
	v19 =	vsel vm1, $0x1, v1;
	v13 =	vcvt.f32.s32 v15;
	v15 =	vtrunc.f32 v18  }
0x3d2: {  	vm1 =	vgt.f32 v3, $0.0e+00;
	v15 =	vcvt.f32.s32 v15;
	v23 =	vmul.f32 $9.999999040e+00, v6  }
0x3d3: {  	vm0 =	veq.f32 v6, $9.000000350e-01;
	v10 =	vtrunc.f32 v10;
	v13 =	vadd.s32 v17, v13  }
0x3d4: {  	v26 =	vld [tilespmem:s19+$0x30];
	v13 =	vshll.u32 v13, $0x7;
	v15 =	vadd.s32 v20, v15;
	v16 =	vtrunc.f32 v23  }
0x3d5: {  	v17 =	vld [tilespmem:s19+$0x10];
	v10 =	vcvt.f32.s32 v10;
	v20 =	vor.u32 v2, v13;
	v16 =	vcvt.f32.s32 v16  }
0x3d6: {  	v11 =	vadd.s32 $0x10000, v22;
	v22 =	vcvt.f32.s32 v24;
	v18 =	vsel vm0, $0x1, v1;
	v13 =	vld [tilespmem:s19+$0xFFFFFFD0]  }
0x3d7: {  	v21 =	vadd.s32 v21, v25;
	v24 =	vadd.s32 v19, v10;
	v19 =	vld [tilespmem:s19+$0x0];
	v18 =	vadd.s32 v18, v16  }
0x3d8: {  	vm0 =	vgt.f32 v8, $0.0e+00;
	v23 =	vsel vm3, $0x1, v1;
	v16 =	vld [tilespmem:s19+$0xFFFFFFF0];
	v18 =	vshll.u32 v18, $0x7  }
0x3d9: {  	vm3 =	vgt.f32 v9, $0.0e+00;
	v27 =	vshll.u32 v15, $0x7;
	v10 =	vor.u32 v2, v18;
	v18 =	vld [tilespmem:s19+$0xFFFFFFE0]  }
0x3da: {  	v22 =	vadd.s32 v23, v22;
	v23 =	vadd.s32 $0x10000, v17;
	v17 =	vor.u32 v2, v27;
	[tilespmem:v20+s13+$0x0] =	vst.idx.add.f32.msk vm2, v14  }
0x3db: {  	s20 =	simm.s32 $0x0;
	v15 =	vadd.s32 $0x10000, v26;
	v24 =	vshll.u32 v24, $0x7;
	v22 =	vshll.u32 v22, $0x7;
	v14 =	vld [tilespmem:s21+$0xFFFFFFC0];
	s21 =	simm.s32 $0x40C0  }
.LBB2_22:
0x3dc: {  	v25 =	vld [tilespmem:s21+$0xFFFFFFF0];
	s20 =	sadd.s32 $0x8, s20;
	s19 =	sadd.s32 $0x80, s19  }
0x3dd: {  	v12 =	vshll.u32 v12, $0x7;
	v26 =	vld [tilespmem:s19+$0x20];
	p0 =	slt.u32 s20, $0x3F8  }
0x3de: {  	v24 =	vor.u32 v2, v24;
	v27 =	vor.u32 v2, v12;
	[tilespmem:v20+s14+$0x0] =	vst.idx.add.s32.msk vm2, v23  }
0x3df: {  	[tilespmem:v17+s13+$0x0] =	vst.idx.add.f32.msk vm3, v9  }
0x3e0: {  	v12 =	vld [tilespmem:s19+$0xFFFFFFC0];
	v9 =	vmul.f32 $9.999999040e+00, v14;
	vm6 =	veq.f32 v14, $9.000000350e-01  }
0x3e1: {  	v20 =	vld [tilespmem:s21+$0xFFFFFFD0]  }
0x3e2: {  	vm4 =	vgt.f32 v7, $0.0e+00;
	v23 =	vld [tilespmem:s21+$0xFFFFFFE0];
	v9 =	vtrunc.f32 v9  }
0x3e3: {  	vm5 =	vgt.f32 v6, $0.0e+00;
	vm2 =	vgt.f32 v5, $0.0e+00;
	v9 =	vcvt.f32.s32 v9;
	[tilespmem:v27+s13+$0x0] =	vst.idx.add.f32.msk vm0, v8  }
0x3e4: {  	v16 =	vadd.s32 $0x10000, v16;
	v22 =	vor.u32 v2, v22;
	v8 =	vsel vm6, $0x1, v1;
	v28 =	vld [tilespmem:s21+$0x0]  }
0x3e5: {  	v13 =	vadd.s32 $0x10000, v13;
	vm7 =	vgt.f32 v14, $0.0e+00;
	v29 =	vld [tilespmem:s21+$0x10];
	v34 =	vadd.s32 v8, v9  }
0x3e6: {  	v19 =	vadd.s32 $0x10000, v19;
	v18 =	vadd.s32 $0x10000, v18;
	v30 =	vld [tilespmem:s21+$0x20];
	v33 =	vshll.u32 v34, $0x7  }
0x3e7: {  	v21 =	vshll.u32 v21, $0x7;
	v31 =	vmul.f32 $9.999999040e+00, v23;
	v9 =	vld [tilespmem:s21+$0x30];
	v32 =	vor.u32 v2, v33;
	v8 =	vmovc v23  }
0x3e8: {  	v21 =	vor.u32 v2, v21;
	v23 =	vadd.s32 $0x10000, v12;
	vm8 =	veq.f32 v8, $9.000000350e-01;
	[tilespmem:v24+s13+$0x0] =	vst.idx.add.f32.msk vm4, v7;
	v7 =	vmovc v25  }
0x3e9: {  	v12 =	vtrunc.f32 v31;
	v25 =	vmul.f32 $9.999999040e+00, v28;
	vm6 =	veq.f32 v28, $9.000000350e-01;
	[tilespmem:v22+s13+$0x0] =	vst.idx.add.f32.msk vm2, v5;
	v5 =	vmovc v28  }
0x3ea: {  	v28 =	vsel vm8, $0x1, v1;
	v31 =	vmul.f32 $9.999999040e+00, v29;
	vm8 =	veq.f32 v29, $9.000000350e-01;
	[tilespmem:v22+s14+$0x0] =	vst.idx.add.s32.msk vm2, v19  }
0x3eb: {  	v12 =	vcvt.f32.s32 v12;
	vm2 =	vgt.f32 v29, $0.0e+00;
	vm9 =	veq.f32 v30, $9.000000350e-01;
	[tilespmem:v17+s14+$0x0] =	vst.idx.add.s32.msk vm3, v15  }
0x3ec: {  	v17 =	vmul.f32 $9.999999040e+00, v30;
	v15 =	vtrunc.f32 v31;
	v31 =	vsel vm9, $0x1, v1;
	[tilespmem:v32+s13+$0x0] =	vst.idx.add.f32.msk vm7, v14  }
0x3ed: {  	vm3 =	veq.f32 v7, $9.000000350e-01;
	v14 =	vsel vm8, $0x1, v1;
	v19 =	vmul.f32 $9.999999040e+00, v9;
	[tilespmem:v21+s13+$0x0] =	vst.idx.add.f32.msk vm1, v3;
	v3 =	vmovc v30  }
0x3ee: {  	v22 =	vmul.f32 $9.999999040e+00, v7;
	v12 =	vadd.s32 v28, v12;
	v28 =	vsel vm3, $0x1, v1;
	[tilespmem:v21+s14+$0x0] =	vst.idx.add.s32.msk vm1, v11  }
0x3ef: {  	vm1 =	veq.f32 v20, $9.000000350e-01;
	v11 =	vcvt.f32.s32 v15;
	v15 =	vtrunc.f32 v19;
	[tilespmem:v10+s13+$0x0] =	vst.idx.add.f32.msk vm5, v6;
	v6 =	vmovc v20  }
0x3f0: {  	vm3 =	veq.f32 v9, $9.000000350e-01;
	v17 =	vtrunc.f32 v17;
	v19 =	vsel vm1, $0x1, v1;
	[tilespmem:v32+s14+$0x0] =	vst.idx.add.s32.msk vm7, v4;
	v4 =	vmovc v23  }
0x3f1: {  	vm1 =	vgt.f32 v3, $0.0e+00;
	v20 =	vsel vm3, $0x1, v1;
	[tilespmem:v27+s14+$0x0] =	vst.idx.add.s32.msk vm0, v18;
	vm0 =	vgt.f32 v8, $0.0e+00  }
0x3f2: {  	v15 =	vcvt.f32.s32 v15;
	v18 =	vmul.f32 $9.999999040e+00, v6;
	[tilespmem:v10+s14+$0x0] =	vst.idx.add.s32.msk vm5, v13  }
0x3f3: {  	v21 =	vcvt.f32.s32 v17;
	v11 =	vadd.s32 v14, v11;
	v10 =	vtrunc.f32 v22;
	[tilespmem:v24+s14+$0x0] =	vst.idx.add.s32.msk vm4, v16  }
0x3f4: {  	v11 =	vshll.u32 v11, $0x7;
	v15 =	vadd.s32 v20, v15;
	v13 =	vtrunc.f32 v18;
	v14 =	vld [tilespmem:s19+$0x10]  }
0x3f5: {  	v17 =	vsel vm6, $0x1, v1;
	v20 =	vor.u32 v2, v11;
	v16 =	vcvt.f32.s32 v13;
	v22 =	vld [tilespmem:s19+$0x30]  }
0x3f6: {  	v11 =	vadd.s32 $0x10000, v26;
	v10 =	vcvt.f32.s32 v10;
	v18 =	vtrunc.f32 v25;
	v13 =	vld [tilespmem:s19+$0xFFFFFFD0]  }
.Ltmp10:
0x3f7: {  	vm3 =	vgt.f32 v9, $0.0e+00;
	v23 =	vcvt.f32.s32 v18;
	v19 =	vadd.s32 v19, v16;
	v16 =	vld [tilespmem:s19+$0xFFFFFFF0];
	(pc) =	sbr.rel @p0 .LBB2_22-.Ltmp10, $4  }
0x3f8: {  	v25 =	vshll.u32 v15, $0x7;
	v24 =	vadd.s32 v28, v10;
	v18 =	vshll.u32 v19, $0x7;
	v19 =	vld [tilespmem:s19+$0x0]  }
0x3f9: {  	v26 =	vadd.s32 v17, v23;
	v10 =	vor.u32 v2, v18;
	v18 =	vld [tilespmem:s19+$0xFFFFFFE0];
	v23 =	vadd.s32 $0x10000, v14  }
0x3fa: {  	v24 =	vshll.u32 v24, $0x7;
	v17 =	vor.u32 v2, v25;
	[tilespmem:v20+s13+$0x0] =	vst.idx.add.f32.msk vm2, v29;
	v15 =	vadd.s32 $0x10000, v22  }
0x3fb: {  	v21 =	vadd.s32 v31, v21;
	v22 =	vshll.u32 v26, $0x7;
	v14 =	vld [tilespmem:s21+$0xFFFFFFC0];
	s21 =	sadd.s32 $0x80, s21  }
0x3fc: {  	_ =	sdelay $0x3  }
0x3fd: {  	v25 =	vmul.f32 $9.999999040e+00, v14  }
0x3fe: {  	v12 =	vshll.u32 v12, $0x7;
	v24 =	vor.u32 v2, v24  }
0x3ff: {  	vm4 =	vgt.f32 v7, $0.0e+00;
	v12 =	vor.u32 v2, v12;
	v25 =	vtrunc.f32 v25  }
0x400: {  	vm6 =	vgt.f32 v5, $0.0e+00;
	vm5 =	veq.f32 v14, $9.000000350e-01;
	v25 =	vcvt.f32.s32 v25  }
0x401: {  	v22 =	vor.u32 v2, v22;
	[tilespmem:v20+s14+$0x0] =	vst.idx.add.s32.msk vm2, v23;
	v26 =	vsel vm5, $0x1, v1;
	vm5 =	vgt.f32 v6, $0.0e+00  }
0x402: {  	[tilespmem:v17+s13+$0x0] =	vst.idx.add.f32.msk vm3, v9;
	v20 =	vadd.s32 v26, v25  }
0x403: {  	[tilespmem:v17+s14+$0x0] =	vst.idx.add.s32.msk vm3, v15;
	vm2 =	vgt.f32 v14, $0.0e+00;
	v9 =	vshll.u32 v20, $0x7  }
0x404: {  	[tilespmem:v12+s13+$0x0] =	vst.idx.add.f32.msk vm0, v8;
	v8 =	vor.u32 v2, v9;
	v9 =	vshll.u32 v21, $0x7  }
0x405: {  	[tilespmem:v24+s13+$0x0] =	vst.idx.add.f32.msk vm4, v7;
	v7 =	vor.u32 v2, v9  }
0x406: {  	[tilespmem:v22+s13+$0x0] =	vst.idx.add.f32.msk vm6, v5  }
0x407: {  	[tilespmem:v10+s13+$0x0] =	vst.idx.add.f32.msk vm5, v6;
	v9 =	vadd.s32 $0x10000, v19  }
0x408: {  	[tilespmem:v22+s14+$0x0] =	vst.idx.add.s32.msk vm6, v9  }
0x409: {  	[tilespmem:v8+s13+$0x0] =	vst.idx.add.f32.msk vm2, v14  }
0x40a: {  	[tilespmem:v7+s13+$0x0] =	vst.idx.add.f32.msk vm1, v3  }
0x40b: {  	[tilespmem:v8+s14+$0x0] =	vst.idx.add.s32.msk vm2, v4  }
0x40c: {  	v3 =	vadd.s32 $0x10000, v18;
	[tilespmem:v7+s14+$0x0] =	vst.idx.add.s32.msk vm1, v11  }
0x40d: {  	v4 =	vadd.s32 $0x10000, v13;
	[tilespmem:v12+s14+$0x0] =	vst.idx.add.s32.msk vm0, v3  }
0x40e: {  	v3 =	vadd.s32 $0x10000, v16;
	[tilespmem:v10+s14+$0x0] =	vst.idx.add.s32.msk vm5, v4  }
0x40f: {  	[tilespmem:v24+s14+$0x0] =	vst.idx.add.s32.msk vm4, v3  }
0x410: {  	[tilespmem:s8], [sflag:$0x2] =	stream.linear.gather [hbm4b:s26+s1], $0x4000, $0x38;
	[tilespmem:$0x19000] =	vst v63  }
0x411: {  	_ = 	snop  }
0x412: {  	[tilespmem:s9], [sflag:$0x2] =	stream.linear.gather [hbm4b:s28+s1], $0x4000, $0x38;
	[tilespmem:$0x19000] =	vst v63  }
0x413: {  	_ =	swait.ge [sflag:s16], $0x4000  }
0x414: {  	[sflag:s16] =	ssyncset.done $0x0  }
0x415: {  	[sflag:s16] =	ssyncadd.s32 $0xFFFFC000  }
0x416: {  	_ =	swait.ge [sflag:s16], $0x4000  }
0x417: {  	[sflag:s16] =	ssyncset.done $0x0  }
0x418: {  	s21 =	simm.s32 $0x8040;
	[sflag:s16] =	ssyncadd.s32 $0xFFFFC000  }
0x419: {  	s19 =	simm.s32 $0x14040;
	v8 =	vld [tilespmem:s21+$0xFFFFFFE0]  }
0x41a: {  	v4 =	vld [tilespmem:s19+$0xFFFFFFC0]  }
0x41b: {  	v5 =	vld [tilespmem:s21+$0x0]  }
0x41c: {  	v14 =	vld [tilespmem:s21+$0x10]  }
0x41d: {  	v3 =	vld [tilespmem:s21+$0x20]  }
0x41e: {  	v9 =	vld [tilespmem:s21+$0x30];
	_ =	sdelay $0x1  }
0x41f: {  	v7 =	vld [tilespmem:s21+$0xFFFFFFF0];
	v6 =	vmul.f32 $9.999999040e+00, v8  }
0x420: {  	v4 =	vadd.s32 $0x10000, v4;
	vm0 =	veq.f32 v8, $9.000000350e-01;
	v11 =	vmul.f32 $9.999999040e+00, v5  }
0x421: {  	vm3 =	veq.f32 v5, $9.000000350e-01;
	v12 =	vmul.f32 $9.999999040e+00, v14;
	vm2 =	vgt.f32 v14, $0.0e+00  }
0x422: {  	vm1 =	veq.f32 v3, $9.000000350e-01;
	v16 =	vmul.f32 $9.999999040e+00, v3;
	v18 =	vmul.f32 $9.999999040e+00, v9  }
0x423: {  	vm4 =	veq.f32 v9, $9.000000350e-01;
	v13 =	vsel vm0, $0x1, v1;
	vm0 =	veq.f32 v14, $9.000000350e-01  }
0x424: {  	v21 =	vsel vm1, $0x1, v1;
	vm1 =	veq.f32 v7, $9.000000350e-01;
	v10 =	vtrunc.f32 v6;
	v6 =	vld [tilespmem:s21+$0xFFFFFFD0]  }
0x425: {  	v20 =	vsel vm4, $0x1, v1;
	v15 =	vtrunc.f32 v12;
	v10 =	vcvt.f32.s32 v10  }
0x426: {  	v17 =	vsel vm0, $0x1, v1;
	v16 =	vtrunc.f32 v16;
	v24 =	vtrunc.f32 v11  }
0x427: {  	v25 =	vcvt.f32.s32 v16;
	v12 =	vadd.s32 v13, v10;
	v10 =	vmul.f32 $9.999999040e+00, v7  }
0x428: {  	v22 =	vld [tilespmem:s19+$0x20];
	v19 =	vsel vm1, $0x1, v1;
	v13 =	vcvt.f32.s32 v15;
	v15 =	vtrunc.f32 v18  }
0x429: {  	vm1 =	vgt.f32 v3, $0.0e+00;
	v15 =	vcvt.f32.s32 v15;
	v23 =	vmul.f32 $9.999999040e+00, v6  }
0x42a: {  	vm0 =	veq.f32 v6, $9.000000350e-01;
	v10 =	vtrunc.f32 v10;
	v13 =	vadd.s32 v17, v13  }
0x42b: {  	v26 =	vld [tilespmem:s19+$0x30];
	v13 =	vshll.u32 v13, $0x7;
	v15 =	vadd.s32 v20, v15;
	v16 =	vtrunc.f32 v23  }
0x42c: {  	v17 =	vld [tilespmem:s19+$0x10];
	v10 =	vcvt.f32.s32 v10;
	v20 =	vor.u32 v2, v13;
	v16 =	vcvt.f32.s32 v16  }
0x42d: {  	v11 =	vadd.s32 $0x10000, v22;
	v22 =	vcvt.f32.s32 v24;
	v18 =	vsel vm0, $0x1, v1;
	v13 =	vld [tilespmem:s19+$0xFFFFFFD0]  }
0x42e: {  	v21 =	vadd.s32 v21, v25;
	v24 =	vadd.s32 v19, v10;
	v19 =	vld [tilespmem:s19+$0x0];
	v18 =	vadd.s32 v18, v16  }
0x42f: {  	vm0 =	vgt.f32 v8, $0.0e+00;
	v23 =	vsel vm3, $0x1, v1;
	v16 =	vld [tilespmem:s19+$0xFFFFFFF0];
	v18 =	vshll.u32 v18, $0x7  }
0x430: {  	vm3 =	vgt.f32 v9, $0.0e+00;
	v27 =	vshll.u32 v15, $0x7;
	v10 =	vor.u32 v2, v18;
	v18 =	vld [tilespmem:s19+$0xFFFFFFE0]  }
0x431: {  	v22 =	vadd.s32 v23, v22;
	v23 =	vadd.s32 $0x10000, v17;
	v17 =	vor.u32 v2, v27;
	[tilespmem:v20+s13+$0x0] =	vst.idx.add.f32.msk vm2, v14  }
0x432: {  	s20 =	simm.s32 $0x0;
	v15 =	vadd.s32 $0x10000, v26;
	v24 =	vshll.u32 v24, $0x7;
	v22 =	vshll.u32 v22, $0x7;
	v14 =	vld [tilespmem:s21+$0xFFFFFFC0];
	s21 =	simm.s32 $0x80C0  }
.LBB2_24:
0x433: {  	v25 =	vld [tilespmem:s21+$0xFFFFFFF0];
	s20 =	sadd.s32 $0x8, s20;
	s19 =	sadd.s32 $0x80, s19  }
0x434: {  	v12 =	vshll.u32 v12, $0x7;
	v26 =	vld [tilespmem:s19+$0x20];
	p0 =	slt.u32 s20, $0x3F8  }
0x435: {  	v24 =	vor.u32 v2, v24;
	v27 =	vor.u32 v2, v12;
	[tilespmem:v20+s14+$0x0] =	vst.idx.add.s32.msk vm2, v23  }
0x436: {  	[tilespmem:v17+s13+$0x0] =	vst.idx.add.f32.msk vm3, v9  }
0x437: {  	v12 =	vld [tilespmem:s19+$0xFFFFFFC0];
	v9 =	vmul.f32 $9.999999040e+00, v14;
	vm6 =	veq.f32 v14, $9.000000350e-01  }
0x438: {  	v20 =	vld [tilespmem:s21+$0xFFFFFFD0]  }
0x439: {  	vm4 =	vgt.f32 v7, $0.0e+00;
	v23 =	vld [tilespmem:s21+$0xFFFFFFE0];
	v9 =	vtrunc.f32 v9  }
0x43a: {  	vm5 =	vgt.f32 v6, $0.0e+00;
	vm2 =	vgt.f32 v5, $0.0e+00;
	v9 =	vcvt.f32.s32 v9;
	[tilespmem:v27+s13+$0x0] =	vst.idx.add.f32.msk vm0, v8  }
0x43b: {  	v16 =	vadd.s32 $0x10000, v16;
	v22 =	vor.u32 v2, v22;
	v8 =	vsel vm6, $0x1, v1;
	v28 =	vld [tilespmem:s21+$0x0]  }
0x43c: {  	v13 =	vadd.s32 $0x10000, v13;
	vm7 =	vgt.f32 v14, $0.0e+00;
	v29 =	vld [tilespmem:s21+$0x10];
	v34 =	vadd.s32 v8, v9  }
0x43d: {  	v19 =	vadd.s32 $0x10000, v19;
	v18 =	vadd.s32 $0x10000, v18;
	v30 =	vld [tilespmem:s21+$0x20];
	v33 =	vshll.u32 v34, $0x7  }
0x43e: {  	v21 =	vshll.u32 v21, $0x7;
	v31 =	vmul.f32 $9.999999040e+00, v23;
	v9 =	vld [tilespmem:s21+$0x30];
	v32 =	vor.u32 v2, v33;
	v8 =	vmovc v23  }
0x43f: {  	v21 =	vor.u32 v2, v21;
	v23 =	vadd.s32 $0x10000, v12;
	vm8 =	veq.f32 v8, $9.000000350e-01;
	[tilespmem:v24+s13+$0x0] =	vst.idx.add.f32.msk vm4, v7;
	v7 =	vmovc v25  }
0x440: {  	v12 =	vtrunc.f32 v31;
	v25 =	vmul.f32 $9.999999040e+00, v28;
	vm6 =	veq.f32 v28, $9.000000350e-01;
	[tilespmem:v22+s13+$0x0] =	vst.idx.add.f32.msk vm2, v5;
	v5 =	vmovc v28  }
0x441: {  	v28 =	vsel vm8, $0x1, v1;
	v31 =	vmul.f32 $9.999999040e+00, v29;
	vm8 =	veq.f32 v29, $9.000000350e-01;
	[tilespmem:v22+s14+$0x0] =	vst.idx.add.s32.msk vm2, v19  }
0x442: {  	v12 =	vcvt.f32.s32 v12;
	vm2 =	vgt.f32 v29, $0.0e+00;
	vm9 =	veq.f32 v30, $9.000000350e-01;
	[tilespmem:v17+s14+$0x0] =	vst.idx.add.s32.msk vm3, v15  }
0x443: {  	v17 =	vmul.f32 $9.999999040e+00, v30;
	v15 =	vtrunc.f32 v31;
	v31 =	vsel vm9, $0x1, v1;
	[tilespmem:v32+s13+$0x0] =	vst.idx.add.f32.msk vm7, v14  }
0x444: {  	vm3 =	veq.f32 v7, $9.000000350e-01;
	v14 =	vsel vm8, $0x1, v1;
	v19 =	vmul.f32 $9.999999040e+00, v9;
	[tilespmem:v21+s13+$0x0] =	vst.idx.add.f32.msk vm1, v3;
	v3 =	vmovc v30  }
0x445: {  	v22 =	vmul.f32 $9.999999040e+00, v7;
	v12 =	vadd.s32 v28, v12;
	v28 =	vsel vm3, $0x1, v1;
	[tilespmem:v21+s14+$0x0] =	vst.idx.add.s32.msk vm1, v11  }
0x446: {  	vm1 =	veq.f32 v20, $9.000000350e-01;
	v11 =	vcvt.f32.s32 v15;
	v15 =	vtrunc.f32 v19;
	[tilespmem:v10+s13+$0x0] =	vst.idx.add.f32.msk vm5, v6;
	v6 =	vmovc v20  }
0x447: {  	vm3 =	veq.f32 v9, $9.000000350e-01;
	v17 =	vtrunc.f32 v17;
	v19 =	vsel vm1, $0x1, v1;
	[tilespmem:v32+s14+$0x0] =	vst.idx.add.s32.msk vm7, v4;
	v4 =	vmovc v23  }
0x448: {  	vm1 =	vgt.f32 v3, $0.0e+00;
	v20 =	vsel vm3, $0x1, v1;
	[tilespmem:v27+s14+$0x0] =	vst.idx.add.s32.msk vm0, v18;
	vm0 =	vgt.f32 v8, $0.0e+00  }
0x449: {  	v15 =	vcvt.f32.s32 v15;
	v18 =	vmul.f32 $9.999999040e+00, v6;
	[tilespmem:v10+s14+$0x0] =	vst.idx.add.s32.msk vm5, v13  }
0x44a: {  	v21 =	vcvt.f32.s32 v17;
	v11 =	vadd.s32 v14, v11;
	v10 =	vtrunc.f32 v22;
	[tilespmem:v24+s14+$0x0] =	vst.idx.add.s32.msk vm4, v16  }
0x44b: {  	v11 =	vshll.u32 v11, $0x7;
	v15 =	vadd.s32 v20, v15;
	v13 =	vtrunc.f32 v18;
	v14 =	vld [tilespmem:s19+$0x10]  }
0x44c: {  	v17 =	vsel vm6, $0x1, v1;
	v20 =	vor.u32 v2, v11;
	v16 =	vcvt.f32.s32 v13;
	v22 =	vld [tilespmem:s19+$0x30]  }
0x44d: {  	v11 =	vadd.s32 $0x10000, v26;
	v10 =	vcvt.f32.s32 v10;
	v18 =	vtrunc.f32 v25;
	v13 =	vld [tilespmem:s19+$0xFFFFFFD0]  }
.Ltmp11:
0x44e: {  	vm3 =	vgt.f32 v9, $0.0e+00;
	v23 =	vcvt.f32.s32 v18;
	v19 =	vadd.s32 v19, v16;
	v16 =	vld [tilespmem:s19+$0xFFFFFFF0];
	(pc) =	sbr.rel @p0 .LBB2_24-.Ltmp11, $4  }
0x44f: {  	v25 =	vshll.u32 v15, $0x7;
	v24 =	vadd.s32 v28, v10;
	v18 =	vshll.u32 v19, $0x7;
	v19 =	vld [tilespmem:s19+$0x0]  }
0x450: {  	v26 =	vadd.s32 v17, v23;
	v10 =	vor.u32 v2, v18;
	v18 =	vld [tilespmem:s19+$0xFFFFFFE0];
	v23 =	vadd.s32 $0x10000, v14  }
0x451: {  	v24 =	vshll.u32 v24, $0x7;
	v17 =	vor.u32 v2, v25;
	[tilespmem:v20+s13+$0x0] =	vst.idx.add.f32.msk vm2, v29;
	v15 =	vadd.s32 $0x10000, v22  }
0x452: {  	v21 =	vadd.s32 v31, v21;
	v22 =	vshll.u32 v26, $0x7;
	v14 =	vld [tilespmem:s21+$0xFFFFFFC0];
	s21 =	sadd.s32 $0x80, s21  }
0x453: {  	_ =	sdelay $0x3  }
0x454: {  	v25 =	vmul.f32 $9.999999040e+00, v14  }
0x455: {  	v12 =	vshll.u32 v12, $0x7;
	v24 =	vor.u32 v2, v24  }
0x456: {  	vm4 =	vgt.f32 v7, $0.0e+00;
	v12 =	vor.u32 v2, v12;
	v25 =	vtrunc.f32 v25  }
0x457: {  	vm6 =	vgt.f32 v5, $0.0e+00;
	vm5 =	veq.f32 v14, $9.000000350e-01;
	v25 =	vcvt.f32.s32 v25  }
0x458: {  	v22 =	vor.u32 v2, v22;
	[tilespmem:v20+s14+$0x0] =	vst.idx.add.s32.msk vm2, v23;
	v26 =	vsel vm5, $0x1, v1;
	vm5 =	vgt.f32 v6, $0.0e+00  }
0x459: {  	[tilespmem:v17+s13+$0x0] =	vst.idx.add.f32.msk vm3, v9;
	v20 =	vadd.s32 v26, v25  }
0x45a: {  	[tilespmem:v17+s14+$0x0] =	vst.idx.add.s32.msk vm3, v15;
	vm2 =	vgt.f32 v14, $0.0e+00;
	v9 =	vshll.u32 v20, $0x7  }
0x45b: {  	[tilespmem:v12+s13+$0x0] =	vst.idx.add.f32.msk vm0, v8;
	v8 =	vor.u32 v2, v9;
	v9 =	vshll.u32 v21, $0x7  }
0x45c: {  	[tilespmem:v24+s13+$0x0] =	vst.idx.add.f32.msk vm4, v7;
	v7 =	vor.u32 v2, v9  }
0x45d: {  	[tilespmem:v22+s13+$0x0] =	vst.idx.add.f32.msk vm6, v5  }
0x45e: {  	[tilespmem:v10+s13+$0x0] =	vst.idx.add.f32.msk vm5, v6;
	v9 =	vadd.s32 $0x10000, v19  }
0x45f: {  	[tilespmem:v22+s14+$0x0] =	vst.idx.add.s32.msk vm6, v9  }
0x460: {  	[tilespmem:v8+s13+$0x0] =	vst.idx.add.f32.msk vm2, v14  }
0x461: {  	[tilespmem:v7+s13+$0x0] =	vst.idx.add.f32.msk vm1, v3  }
0x462: {  	[tilespmem:v8+s14+$0x0] =	vst.idx.add.s32.msk vm2, v4  }
0x463: {  	v3 =	vadd.s32 $0x10000, v18;
	[tilespmem:v7+s14+$0x0] =	vst.idx.add.s32.msk vm1, v11  }
0x464: {  	v4 =	vadd.s32 $0x10000, v13;
	[tilespmem:v12+s14+$0x0] =	vst.idx.add.s32.msk vm0, v3  }
0x465: {  	v3 =	vadd.s32 $0x10000, v16;
	[tilespmem:v10+s14+$0x0] =	vst.idx.add.s32.msk vm5, v4  }
0x466: {  	[tilespmem:v24+s14+$0x0] =	vst.idx.add.s32.msk vm4, v3  }
0x467: {  	[tilespmem:s10], [sflag:$0x3] =	stream.linear.gather [hbm4b:s30+s1], $0x4000, $0x38;
	[tilespmem:$0x19000] =	vst v63  }
0x468: {  	_ = 	snop  }
0x469: {  	[tilespmem:s11], [sflag:$0x3] =	stream.linear.gather [hbm4b:s31+s1], $0x4000, $0x38;
	[tilespmem:$0x19000] =	vst v63  }
0x46a: {  	_ =	swait.ge [sflag:s12], $0x4000  }
0x46b: {  	[sflag:s12] =	ssyncset.done $0x0  }
0x46c: {  	[sflag:s12] =	ssyncadd.s32 $0xFFFFC000  }
0x46d: {  	_ =	swait.ge [sflag:s12], $0x4000  }
0x46e: {  	[sflag:s12] =	ssyncset.done $0x0  }
0x46f: {  	s21 =	simm.s32 $0x40;
	[sflag:s12] =	ssyncadd.s32 $0xFFFFC000  }
0x470: {  	s19 =	simm.s32 $0xC040;
	v8 =	vld [tilespmem:s21+$0xFFFFFFE0]  }
0x471: {  	v4 =	vld [tilespmem:s19+$0xFFFFFFC0]  }
0x472: {  	v5 =	vld [tilespmem:s21+$0x0]  }
0x473: {  	v14 =	vld [tilespmem:s21+$0x10]  }
0x474: {  	v3 =	vld [tilespmem:s21+$0x20]  }
0x475: {  	v9 =	vld [tilespmem:s21+$0x30];
	_ =	sdelay $0x1  }
0x476: {  	v7 =	vld [tilespmem:s21+$0xFFFFFFF0];
	v6 =	vmul.f32 $9.999999040e+00, v8  }
0x477: {  	v4 =	vadd.s32 $0x10000, v4;
	vm0 =	veq.f32 v8, $9.000000350e-01;
	v11 =	vmul.f32 $9.999999040e+00, v5  }
0x478: {  	vm3 =	veq.f32 v5, $9.000000350e-01;
	v12 =	vmul.f32 $9.999999040e+00, v14;
	vm2 =	vgt.f32 v14, $0.0e+00  }
0x479: {  	vm1 =	veq.f32 v3, $9.000000350e-01;
	v16 =	vmul.f32 $9.999999040e+00, v3;
	v18 =	vmul.f32 $9.999999040e+00, v9  }
0x47a: {  	vm4 =	veq.f32 v9, $9.000000350e-01;
	v13 =	vsel vm0, $0x1, v1;
	vm0 =	veq.f32 v14, $9.000000350e-01  }
0x47b: {  	v21 =	vsel vm1, $0x1, v1;
	vm1 =	veq.f32 v7, $9.000000350e-01;
	v10 =	vtrunc.f32 v6;
	v6 =	vld [tilespmem:s21+$0xFFFFFFD0]  }
0x47c: {  	v20 =	vsel vm4, $0x1, v1;
	v15 =	vtrunc.f32 v12;
	v10 =	vcvt.f32.s32 v10  }
0x47d: {  	v17 =	vsel vm0, $0x1, v1;
	v16 =	vtrunc.f32 v16;
	v24 =	vtrunc.f32 v11  }
0x47e: {  	v25 =	vcvt.f32.s32 v16;
	v12 =	vadd.s32 v13, v10;
	v10 =	vmul.f32 $9.999999040e+00, v7  }
0x47f: {  	v22 =	vld [tilespmem:s19+$0x20];
	v19 =	vsel vm1, $0x1, v1;
	v13 =	vcvt.f32.s32 v15;
	v15 =	vtrunc.f32 v18  }
0x480: {  	vm1 =	vgt.f32 v3, $0.0e+00;
	v15 =	vcvt.f32.s32 v15;
	v23 =	vmul.f32 $9.999999040e+00, v6  }
0x481: {  	vm0 =	veq.f32 v6, $9.000000350e-01;
	v10 =	vtrunc.f32 v10;
	v13 =	vadd.s32 v17, v13  }
0x482: {  	v26 =	vld [tilespmem:s19+$0x30];
	v13 =	vshll.u32 v13, $0x7;
	v15 =	vadd.s32 v20, v15;
	v16 =	vtrunc.f32 v23  }
0x483: {  	v17 =	vld [tilespmem:s19+$0x10];
	v10 =	vcvt.f32.s32 v10;
	v20 =	vor.u32 v2, v13;
	v16 =	vcvt.f32.s32 v16  }
0x484: {  	v11 =	vadd.s32 $0x10000, v22;
	v22 =	vcvt.f32.s32 v24;
	v18 =	vsel vm0, $0x1, v1;
	v13 =	vld [tilespmem:s19+$0xFFFFFFD0]  }
0x485: {  	v21 =	vadd.s32 v21, v25;
	v24 =	vadd.s32 v19, v10;
	v19 =	vld [tilespmem:s19+$0x0];
	v18 =	vadd.s32 v18, v16  }
0x486: {  	vm0 =	vgt.f32 v8, $0.0e+00;
	v23 =	vsel vm3, $0x1, v1;
	v16 =	vld [tilespmem:s19+$0xFFFFFFF0];
	v18 =	vshll.u32 v18, $0x7  }
0x487: {  	vm3 =	vgt.f32 v9, $0.0e+00;
	v27 =	vshll.u32 v15, $0x7;
	v10 =	vor.u32 v2, v18;
	v18 =	vld [tilespmem:s19+$0xFFFFFFE0]  }
0x488: {  	v22 =	vadd.s32 v23, v22;
	v23 =	vadd.s32 $0x10000, v17;
	v17 =	vor.u32 v2, v27;
	[tilespmem:v20+s13+$0x0] =	vst.idx.add.f32.msk vm2, v14  }
0x489: {  	s20 =	simm.s32 $0x0;
	v15 =	vadd.s32 $0x10000, v26;
	v24 =	vshll.u32 v24, $0x7;
	v22 =	vshll.u32 v22, $0x7;
	v14 =	vld [tilespmem:s21+$0xFFFFFFC0];
	s21 =	simm.s32 $0xC0  }
.LBB2_26:
0x48a: {  	v25 =	vld [tilespmem:s21+$0xFFFFFFF0];
	s20 =	sadd.s32 $0x8, s20;
	s19 =	sadd.s32 $0x80, s19  }
0x48b: {  	v12 =	vshll.u32 v12, $0x7;
	v26 =	vld [tilespmem:s19+$0x20];
	p0 =	slt.u32 s20, $0x3F8  }
0x48c: {  	v24 =	vor.u32 v2, v24;
	v27 =	vor.u32 v2, v12;
	[tilespmem:v20+s14+$0x0] =	vst.idx.add.s32.msk vm2, v23  }
0x48d: {  	[tilespmem:v17+s13+$0x0] =	vst.idx.add.f32.msk vm3, v9  }
0x48e: {  	v12 =	vld [tilespmem:s19+$0xFFFFFFC0];
	v9 =	vmul.f32 $9.999999040e+00, v14;
	vm6 =	veq.f32 v14, $9.000000350e-01  }
0x48f: {  	v20 =	vld [tilespmem:s21+$0xFFFFFFD0]  }
0x490: {  	vm4 =	vgt.f32 v7, $0.0e+00;
	v23 =	vld [tilespmem:s21+$0xFFFFFFE0];
	v9 =	vtrunc.f32 v9  }
0x491: {  	vm5 =	vgt.f32 v6, $0.0e+00;
	vm2 =	vgt.f32 v5, $0.0e+00;
	v9 =	vcvt.f32.s32 v9;
	[tilespmem:v27+s13+$0x0] =	vst.idx.add.f32.msk vm0, v8  }
0x492: {  	v16 =	vadd.s32 $0x10000, v16;
	v22 =	vor.u32 v2, v22;
	v8 =	vsel vm6, $0x1, v1;
	v28 =	vld [tilespmem:s21+$0x0]  }
0x493: {  	v13 =	vadd.s32 $0x10000, v13;
	vm7 =	vgt.f32 v14, $0.0e+00;
	v29 =	vld [tilespmem:s21+$0x10];
	v34 =	vadd.s32 v8, v9  }
0x494: {  	v19 =	vadd.s32 $0x10000, v19;
	v18 =	vadd.s32 $0x10000, v18;
	v30 =	vld [tilespmem:s21+$0x20];
	v33 =	vshll.u32 v34, $0x7  }
0x495: {  	v21 =	vshll.u32 v21, $0x7;
	v31 =	vmul.f32 $9.999999040e+00, v23;
	v9 =	vld [tilespmem:s21+$0x30];
	v32 =	vor.u32 v2, v33;
	v8 =	vmovc v23  }
0x496: {  	v21 =	vor.u32 v2, v21;
	v23 =	vadd.s32 $0x10000, v12;
	vm8 =	veq.f32 v8, $9.000000350e-01;
	[tilespmem:v24+s13+$0x0] =	vst.idx.add.f32.msk vm4, v7;
	v7 =	vmovc v25  }
0x497: {  	v12 =	vtrunc.f32 v31;
	v25 =	vmul.f32 $9.999999040e+00, v28;
	vm6 =	veq.f32 v28, $9.000000350e-01;
	[tilespmem:v22+s13+$0x0] =	vst.idx.add.f32.msk vm2, v5;
	v5 =	vmovc v28  }
0x498: {  	v28 =	vsel vm8, $0x1, v1;
	v31 =	vmul.f32 $9.999999040e+00, v29;
	vm8 =	veq.f32 v29, $9.000000350e-01;
	[tilespmem:v22+s14+$0x0] =	vst.idx.add.s32.msk vm2, v19  }
0x499: {  	v12 =	vcvt.f32.s32 v12;
	vm2 =	vgt.f32 v29, $0.0e+00;
	vm9 =	veq.f32 v30, $9.000000350e-01;
	[tilespmem:v17+s14+$0x0] =	vst.idx.add.s32.msk vm3, v15  }
0x49a: {  	v17 =	vmul.f32 $9.999999040e+00, v30;
	v15 =	vtrunc.f32 v31;
	v31 =	vsel vm9, $0x1, v1;
	[tilespmem:v32+s13+$0x0] =	vst.idx.add.f32.msk vm7, v14  }
0x49b: {  	vm3 =	veq.f32 v7, $9.000000350e-01;
	v14 =	vsel vm8, $0x1, v1;
	v19 =	vmul.f32 $9.999999040e+00, v9;
	[tilespmem:v21+s13+$0x0] =	vst.idx.add.f32.msk vm1, v3;
	v3 =	vmovc v30  }
0x49c: {  	v22 =	vmul.f32 $9.999999040e+00, v7;
	v12 =	vadd.s32 v28, v12;
	v28 =	vsel vm3, $0x1, v1;
	[tilespmem:v21+s14+$0x0] =	vst.idx.add.s32.msk vm1, v11  }
0x49d: {  	vm1 =	veq.f32 v20, $9.000000350e-01;
	v11 =	vcvt.f32.s32 v15;
	v15 =	vtrunc.f32 v19;
	[tilespmem:v10+s13+$0x0] =	vst.idx.add.f32.msk vm5, v6;
	v6 =	vmovc v20  }
0x49e: {  	vm3 =	veq.f32 v9, $9.000000350e-01;
	v17 =	vtrunc.f32 v17;
	v19 =	vsel vm1, $0x1, v1;
	[tilespmem:v32+s14+$0x0] =	vst.idx.add.s32.msk vm7, v4;
	v4 =	vmovc v23  }
0x49f: {  	vm1 =	vgt.f32 v3, $0.0e+00;
	v20 =	vsel vm3, $0x1, v1;
	[tilespmem:v27+s14+$0x0] =	vst.idx.add.s32.msk vm0, v18;
	vm0 =	vgt.f32 v8, $0.0e+00  }
0x4a0: {  	v15 =	vcvt.f32.s32 v15;
	v18 =	vmul.f32 $9.999999040e+00, v6;
	[tilespmem:v10+s14+$0x0] =	vst.idx.add.s32.msk vm5, v13  }
0x4a1: {  	v21 =	vcvt.f32.s32 v17;
	v11 =	vadd.s32 v14, v11;
	v10 =	vtrunc.f32 v22;
	[tilespmem:v24+s14+$0x0] =	vst.idx.add.s32.msk vm4, v16  }
0x4a2: {  	v11 =	vshll.u32 v11, $0x7;
	v15 =	vadd.s32 v20, v15;
	v13 =	vtrunc.f32 v18;
	v14 =	vld [tilespmem:s19+$0x10]  }
0x4a3: {  	v17 =	vsel vm6, $0x1, v1;
	v20 =	vor.u32 v2, v11;
	v16 =	vcvt.f32.s32 v13;
	v22 =	vld [tilespmem:s19+$0x30]  }
0x4a4: {  	v11 =	vadd.s32 $0x10000, v26;
	v10 =	vcvt.f32.s32 v10;
	v18 =	vtrunc.f32 v25;
	v13 =	vld [tilespmem:s19+$0xFFFFFFD0]  }
.Ltmp12:
0x4a5: {  	vm3 =	vgt.f32 v9, $0.0e+00;
	v23 =	vcvt.f32.s32 v18;
	v19 =	vadd.s32 v19, v16;
	v16 =	vld [tilespmem:s19+$0xFFFFFFF0];
	(pc) =	sbr.rel @p0 .LBB2_26-.Ltmp12, $4  }
0x4a6: {  	v25 =	vshll.u32 v15, $0x7;
	v24 =	vadd.s32 v28, v10;
	v18 =	vshll.u32 v19, $0x7;
	v19 =	vld [tilespmem:s19+$0x0]  }
0x4a7: {  	v26 =	vadd.s32 v17, v23;
	v10 =	vor.u32 v2, v18;
	v18 =	vld [tilespmem:s19+$0xFFFFFFE0];
	v23 =	vadd.s32 $0x10000, v14  }
0x4a8: {  	v24 =	vshll.u32 v24, $0x7;
	v17 =	vor.u32 v2, v25;
	[tilespmem:v20+s13+$0x0] =	vst.idx.add.f32.msk vm2, v29;
	v15 =	vadd.s32 $0x10000, v22  }
0x4a9: {  	v21 =	vadd.s32 v31, v21;
	v22 =	vshll.u32 v26, $0x7;
	v14 =	vld [tilespmem:s21+$0xFFFFFFC0];
	s21 =	sadd.s32 $0x80, s21  }
0x4aa: {  	_ =	sdelay $0x3  }
0x4ab: {  	v25 =	vmul.f32 $9.999999040e+00, v14  }
0x4ac: {  	v12 =	vshll.u32 v12, $0x7;
	v24 =	vor.u32 v2, v24  }
0x4ad: {  	vm4 =	vgt.f32 v7, $0.0e+00;
	v12 =	vor.u32 v2, v12;
	v25 =	vtrunc.f32 v25  }
0x4ae: {  	vm6 =	vgt.f32 v5, $0.0e+00;
	vm5 =	veq.f32 v14, $9.000000350e-01;
	v25 =	vcvt.f32.s32 v25  }
0x4af: {  	v22 =	vor.u32 v2, v22;
	[tilespmem:v20+s14+$0x0] =	vst.idx.add.s32.msk vm2, v23;
	v26 =	vsel vm5, $0x1, v1;
	vm5 =	vgt.f32 v6, $0.0e+00  }
0x4b0: {  	[tilespmem:v17+s13+$0x0] =	vst.idx.add.f32.msk vm3, v9;
	v20 =	vadd.s32 v26, v25  }
0x4b1: {  	[tilespmem:v17+s14+$0x0] =	vst.idx.add.s32.msk vm3, v15;
	vm2 =	vgt.f32 v14, $0.0e+00;
	v9 =	vshll.u32 v20, $0x7  }
0x4b2: {  	[tilespmem:v12+s13+$0x0] =	vst.idx.add.f32.msk vm0, v8;
	v8 =	vor.u32 v2, v9;
	v9 =	vshll.u32 v21, $0x7  }
0x4b3: {  	[tilespmem:v24+s13+$0x0] =	vst.idx.add.f32.msk vm4, v7;
	v7 =	vor.u32 v2, v9  }
0x4b4: {  	[tilespmem:v22+s13+$0x0] =	vst.idx.add.f32.msk vm6, v5  }
0x4b5: {  	[tilespmem:v10+s13+$0x0] =	vst.idx.add.f32.msk vm5, v6;
	v9 =	vadd.s32 $0x10000, v19  }
0x4b6: {  	[tilespmem:v22+s14+$0x0] =	vst.idx.add.s32.msk vm6, v9  }
0x4b7: {  	[tilespmem:v8+s13+$0x0] =	vst.idx.add.f32.msk vm2, v14  }
0x4b8: {  	[tilespmem:v7+s13+$0x0] =	vst.idx.add.f32.msk vm1, v3  }
0x4b9: {  	[tilespmem:v8+s14+$0x0] =	vst.idx.add.s32.msk vm2, v4  }
0x4ba: {  	v3 =	vadd.s32 $0x10000, v18;
	[tilespmem:v7+s14+$0x0] =	vst.idx.add.s32.msk vm1, v11  }
0x4bb: {  	v4 =	vadd.s32 $0x10000, v13;
	[tilespmem:v12+s14+$0x0] =	vst.idx.add.s32.msk vm0, v3  }
0x4bc: {  	v3 =	vadd.s32 $0x10000, v16;
	[tilespmem:v10+s14+$0x0] =	vst.idx.add.s32.msk vm5, v4  }
0x4bd: {  	[tilespmem:v24+s14+$0x0] =	vst.idx.add.s32.msk vm4, v3  }
0x4be: {  	[tilespmem:s1], [sflag:$0x1] =	stream.linear.gather [hbm4b:s2+s1], $0x4000, $0x38;
	[tilespmem:$0x19000] =	vst v63  }
0x4bf: {  	_ = 	snop  }
0x4c0: {  	[tilespmem:s7], [sflag:$0x1] =	stream.linear.gather [hbm4b:s3+s1], $0x4000, $0x38;
	[tilespmem:$0x19000] =	vst v63  }
0x4c1: {  	_ =	swait.ge [sflag:s15], $0x4000  }
0x4c2: {  	[sflag:s15] =	ssyncset.done $0x0  }
0x4c3: {  	[sflag:s15] =	ssyncadd.s32 $0xFFFFC000  }
0x4c4: {  	_ =	swait.ge [sflag:s15], $0x4000  }
0x4c5: {  	[sflag:s15] =	ssyncset.done $0x0  }
0x4c6: {  	s21 =	simm.s32 $0x4040;
	[sflag:s15] =	ssyncadd.s32 $0xFFFFC000  }
0x4c7: {  	s19 =	simm.s32 $0x10040;
	v8 =	vld [tilespmem:s21+$0xFFFFFFE0]  }
0x4c8: {  	v4 =	vld [tilespmem:s19+$0xFFFFFFC0]  }
0x4c9: {  	v5 =	vld [tilespmem:s21+$0x0]  }
0x4ca: {  	v14 =	vld [tilespmem:s21+$0x10]  }
0x4cb: {  	v3 =	vld [tilespmem:s21+$0x20]  }
0x4cc: {  	v9 =	vld [tilespmem:s21+$0x30];
	_ =	sdelay $0x1  }
0x4cd: {  	v7 =	vld [tilespmem:s21+$0xFFFFFFF0];
	v6 =	vmul.f32 $9.999999040e+00, v8  }
0x4ce: {  	v4 =	vadd.s32 $0x10000, v4;
	vm0 =	veq.f32 v8, $9.000000350e-01;
	v11 =	vmul.f32 $9.999999040e+00, v5  }
0x4cf: {  	vm3 =	veq.f32 v5, $9.000000350e-01;
	v12 =	vmul.f32 $9.999999040e+00, v14;
	vm2 =	vgt.f32 v14, $0.0e+00  }
0x4d0: {  	vm1 =	veq.f32 v3, $9.000000350e-01;
	v16 =	vmul.f32 $9.999999040e+00, v3;
	v18 =	vmul.f32 $9.999999040e+00, v9  }
0x4d1: {  	vm4 =	veq.f32 v9, $9.000000350e-01;
	v13 =	vsel vm0, $0x1, v1;
	vm0 =	veq.f32 v14, $9.000000350e-01  }
0x4d2: {  	v21 =	vsel vm1, $0x1, v1;
	vm1 =	veq.f32 v7, $9.000000350e-01;
	v10 =	vtrunc.f32 v6;
	v6 =	vld [tilespmem:s21+$0xFFFFFFD0]  }
0x4d3: {  	v20 =	vsel vm4, $0x1, v1;
	v15 =	vtrunc.f32 v12;
	v10 =	vcvt.f32.s32 v10  }
0x4d4: {  	v17 =	vsel vm0, $0x1, v1;
	v16 =	vtrunc.f32 v16;
	v24 =	vtrunc.f32 v11  }
0x4d5: {  	v25 =	vcvt.f32.s32 v16;
	v12 =	vadd.s32 v13, v10;
	v10 =	vmul.f32 $9.999999040e+00, v7  }
0x4d6: {  	v22 =	vld [tilespmem:s19+$0x20];
	v19 =	vsel vm1, $0x1, v1;
	v13 =	vcvt.f32.s32 v15;
	v15 =	vtrunc.f32 v18  }
0x4d7: {  	vm1 =	vgt.f32 v3, $0.0e+00;
	v15 =	vcvt.f32.s32 v15;
	v23 =	vmul.f32 $9.999999040e+00, v6  }
0x4d8: {  	vm0 =	veq.f32 v6, $9.000000350e-01;
	v10 =	vtrunc.f32 v10;
	v13 =	vadd.s32 v17, v13  }
0x4d9: {  	v26 =	vld [tilespmem:s19+$0x30];
	v13 =	vshll.u32 v13, $0x7;
	v15 =	vadd.s32 v20, v15;
	v16 =	vtrunc.f32 v23  }
0x4da: {  	v17 =	vld [tilespmem:s19+$0x10];
	v10 =	vcvt.f32.s32 v10;
	v20 =	vor.u32 v2, v13;
	v16 =	vcvt.f32.s32 v16  }
0x4db: {  	v11 =	vadd.s32 $0x10000, v22;
	v22 =	vcvt.f32.s32 v24;
	v18 =	vsel vm0, $0x1, v1;
	v13 =	vld [tilespmem:s19+$0xFFFFFFD0]  }
0x4dc: {  	v21 =	vadd.s32 v21, v25;
	v24 =	vadd.s32 v19, v10;
	v19 =	vld [tilespmem:s19+$0x0];
	v18 =	vadd.s32 v18, v16  }
0x4dd: {  	vm0 =	vgt.f32 v8, $0.0e+00;
	v23 =	vsel vm3, $0x1, v1;
	v16 =	vld [tilespmem:s19+$0xFFFFFFF0];
	v18 =	vshll.u32 v18, $0x7  }
0x4de: {  	vm3 =	vgt.f32 v9, $0.0e+00;
	v27 =	vshll.u32 v15, $0x7;
	v10 =	vor.u32 v2, v18;
	v18 =	vld [tilespmem:s19+$0xFFFFFFE0]  }
0x4df: {  	v22 =	vadd.s32 v23, v22;
	v23 =	vadd.s32 $0x10000, v17;
	v17 =	vor.u32 v2, v27;
	[tilespmem:v20+s13+$0x0] =	vst.idx.add.f32.msk vm2, v14  }
0x4e0: {  	s20 =	simm.s32 $0x0;
	v15 =	vadd.s32 $0x10000, v26;
	v24 =	vshll.u32 v24, $0x7;
	v22 =	vshll.u32 v22, $0x7;
	v14 =	vld [tilespmem:s21+$0xFFFFFFC0];
	s21 =	simm.s32 $0x40C0  }
.LBB2_28:
0x4e1: {  	v25 =	vld [tilespmem:s21+$0xFFFFFFF0];
	s20 =	sadd.s32 $0x8, s20;
	s19 =	sadd.s32 $0x80, s19  }
0x4e2: {  	v12 =	vshll.u32 v12, $0x7;
	v26 =	vld [tilespmem:s19+$0x20];
	p0 =	slt.u32 s20, $0x3F8  }
0x4e3: {  	v24 =	vor.u32 v2, v24;
	v27 =	vor.u32 v2, v12;
	[tilespmem:v20+s14+$0x0] =	vst.idx.add.s32.msk vm2, v23  }
0x4e4: {  	[tilespmem:v17+s13+$0x0] =	vst.idx.add.f32.msk vm3, v9  }
0x4e5: {  	v12 =	vld [tilespmem:s19+$0xFFFFFFC0];
	v9 =	vmul.f32 $9.999999040e+00, v14;
	vm6 =	veq.f32 v14, $9.000000350e-01  }
0x4e6: {  	v20 =	vld [tilespmem:s21+$0xFFFFFFD0]  }
0x4e7: {  	vm4 =	vgt.f32 v7, $0.0e+00;
	v23 =	vld [tilespmem:s21+$0xFFFFFFE0];
	v9 =	vtrunc.f32 v9  }
0x4e8: {  	vm5 =	vgt.f32 v6, $0.0e+00;
	vm2 =	vgt.f32 v5, $0.0e+00;
	v9 =	vcvt.f32.s32 v9;
	[tilespmem:v27+s13+$0x0] =	vst.idx.add.f32.msk vm0, v8  }
0x4e9: {  	v16 =	vadd.s32 $0x10000, v16;
	v22 =	vor.u32 v2, v22;
	v8 =	vsel vm6, $0x1, v1;
	v28 =	vld [tilespmem:s21+$0x0]  }
0x4ea: {  	v13 =	vadd.s32 $0x10000, v13;
	vm7 =	vgt.f32 v14, $0.0e+00;
	v29 =	vld [tilespmem:s21+$0x10];
	v34 =	vadd.s32 v8, v9  }
0x4eb: {  	v19 =	vadd.s32 $0x10000, v19;
	v18 =	vadd.s32 $0x10000, v18;
	v30 =	vld [tilespmem:s21+$0x20];
	v33 =	vshll.u32 v34, $0x7  }
0x4ec: {  	v21 =	vshll.u32 v21, $0x7;
	v31 =	vmul.f32 $9.999999040e+00, v23;
	v9 =	vld [tilespmem:s21+$0x30];
	v32 =	vor.u32 v2, v33;
	v8 =	vmovc v23  }
0x4ed: {  	v21 =	vor.u32 v2, v21;
	v23 =	vadd.s32 $0x10000, v12;
	vm8 =	veq.f32 v8, $9.000000350e-01;
	[tilespmem:v24+s13+$0x0] =	vst.idx.add.f32.msk vm4, v7;
	v7 =	vmovc v25  }
0x4ee: {  	v12 =	vtrunc.f32 v31;
	v25 =	vmul.f32 $9.999999040e+00, v28;
	vm6 =	veq.f32 v28, $9.000000350e-01;
	[tilespmem:v22+s13+$0x0] =	vst.idx.add.f32.msk vm2, v5;
	v5 =	vmovc v28  }
0x4ef: {  	v28 =	vsel vm8, $0x1, v1;
	v31 =	vmul.f32 $9.999999040e+00, v29;
	vm8 =	veq.f32 v29, $9.000000350e-01;
	[tilespmem:v22+s14+$0x0] =	vst.idx.add.s32.msk vm2, v19  }
0x4f0: {  	v12 =	vcvt.f32.s32 v12;
	vm2 =	vgt.f32 v29, $0.0e+00;
	vm9 =	veq.f32 v30, $9.000000350e-01;
	[tilespmem:v17+s14+$0x0] =	vst.idx.add.s32.msk vm3, v15  }
0x4f1: {  	v17 =	vmul.f32 $9.999999040e+00, v30;
	v15 =	vtrunc.f32 v31;
	v31 =	vsel vm9, $0x1, v1;
	[tilespmem:v32+s13+$0x0] =	vst.idx.add.f32.msk vm7, v14  }
0x4f2: {  	vm3 =	veq.f32 v7, $9.000000350e-01;
	v14 =	vsel vm8, $0x1, v1;
	v19 =	vmul.f32 $9.999999040e+00, v9;
	[tilespmem:v21+s13+$0x0] =	vst.idx.add.f32.msk vm1, v3;
	v3 =	vmovc v30  }
0x4f3: {  	v22 =	vmul.f32 $9.999999040e+00, v7;
	v12 =	vadd.s32 v28, v12;
	v28 =	vsel vm3, $0x1, v1;
	[tilespmem:v21+s14+$0x0] =	vst.idx.add.s32.msk vm1, v11  }
0x4f4: {  	vm1 =	veq.f32 v20, $9.000000350e-01;
	v11 =	vcvt.f32.s32 v15;
	v15 =	vtrunc.f32 v19;
	[tilespmem:v10+s13+$0x0] =	vst.idx.add.f32.msk vm5, v6;
	v6 =	vmovc v20  }
0x4f5: {  	vm3 =	veq.f32 v9, $9.000000350e-01;
	v17 =	vtrunc.f32 v17;
	v19 =	vsel vm1, $0x1, v1;
	[tilespmem:v32+s14+$0x0] =	vst.idx.add.s32.msk vm7, v4;
	v4 =	vmovc v23  }
0x4f6: {  	vm1 =	vgt.f32 v3, $0.0e+00;
	v20 =	vsel vm3, $0x1, v1;
	[tilespmem:v27+s14+$0x0] =	vst.idx.add.s32.msk vm0, v18;
	vm0 =	vgt.f32 v8, $0.0e+00  }
0x4f7: {  	v15 =	vcvt.f32.s32 v15;
	v18 =	vmul.f32 $9.999999040e+00, v6;
	[tilespmem:v10+s14+$0x0] =	vst.idx.add.s32.msk vm5, v13  }
0x4f8: {  	v21 =	vcvt.f32.s32 v17;
	v11 =	vadd.s32 v14, v11;
	v10 =	vtrunc.f32 v22;
	[tilespmem:v24+s14+$0x0] =	vst.idx.add.s32.msk vm4, v16  }
0x4f9: {  	v11 =	vshll.u32 v11, $0x7;
	v15 =	vadd.s32 v20, v15;
	v13 =	vtrunc.f32 v18;
	v14 =	vld [tilespmem:s19+$0x10]  }
0x4fa: {  	v17 =	vsel vm6, $0x1, v1;
	v20 =	vor.u32 v2, v11;
	v16 =	vcvt.f32.s32 v13;
	v22 =	vld [tilespmem:s19+$0x30]  }
0x4fb: {  	v11 =	vadd.s32 $0x10000, v26;
	v10 =	vcvt.f32.s32 v10;
	v18 =	vtrunc.f32 v25;
	v13 =	vld [tilespmem:s19+$0xFFFFFFD0]  }
.Ltmp13:
0x4fc: {  	vm3 =	vgt.f32 v9, $0.0e+00;
	v23 =	vcvt.f32.s32 v18;
	v19 =	vadd.s32 v19, v16;
	v16 =	vld [tilespmem:s19+$0xFFFFFFF0];
	(pc) =	sbr.rel @p0 .LBB2_28-.Ltmp13, $4  }
0x4fd: {  	v25 =	vshll.u32 v15, $0x7;
	v24 =	vadd.s32 v28, v10;
	v18 =	vshll.u32 v19, $0x7;
	v19 =	vld [tilespmem:s19+$0x0]  }
0x4fe: {  	v26 =	vadd.s32 v17, v23;
	v10 =	vor.u32 v2, v18;
	v18 =	vld [tilespmem:s19+$0xFFFFFFE0];
	v23 =	vadd.s32 $0x10000, v14  }
0x4ff: {  	v24 =	vshll.u32 v24, $0x7;
	v17 =	vor.u32 v2, v25;
	[tilespmem:v20+s13+$0x0] =	vst.idx.add.f32.msk vm2, v29;
	v15 =	vadd.s32 $0x10000, v22  }
0x500: {  	v21 =	vadd.s32 v31, v21;
	v22 =	vshll.u32 v26, $0x7;
	v14 =	vld [tilespmem:s21+$0xFFFFFFC0];
	s21 =	sadd.s32 $0x80, s21  }
0x501: {  	_ =	sdelay $0x3  }
0x502: {  	v25 =	vmul.f32 $9.999999040e+00, v14  }
0x503: {  	v12 =	vshll.u32 v12, $0x7;
	v24 =	vor.u32 v2, v24  }
0x504: {  	vm4 =	vgt.f32 v7, $0.0e+00;
	v12 =	vor.u32 v2, v12;
	v25 =	vtrunc.f32 v25  }
0x505: {  	vm6 =	vgt.f32 v5, $0.0e+00;
	vm5 =	veq.f32 v14, $9.000000350e-01;
	v25 =	vcvt.f32.s32 v25  }
0x506: {  	v22 =	vor.u32 v2, v22;
	[tilespmem:v20+s14+$0x0] =	vst.idx.add.s32.msk vm2, v23;
	v26 =	vsel vm5, $0x1, v1;
	vm5 =	vgt.f32 v6, $0.0e+00  }
0x507: {  	[tilespmem:v17+s13+$0x0] =	vst.idx.add.f32.msk vm3, v9;
	v20 =	vadd.s32 v26, v25  }
0x508: {  	[tilespmem:v17+s14+$0x0] =	vst.idx.add.s32.msk vm3, v15;
	vm2 =	vgt.f32 v14, $0.0e+00;
	v9 =	vshll.u32 v20, $0x7  }
0x509: {  	[tilespmem:v12+s13+$0x0] =	vst.idx.add.f32.msk vm0, v8;
	v8 =	vor.u32 v2, v9;
	v9 =	vshll.u32 v21, $0x7  }
0x50a: {  	[tilespmem:v24+s13+$0x0] =	vst.idx.add.f32.msk vm4, v7;
	v7 =	vor.u32 v2, v9  }
0x50b: {  	[tilespmem:v22+s13+$0x0] =	vst.idx.add.f32.msk vm6, v5  }
0x50c: {  	[tilespmem:v10+s13+$0x0] =	vst.idx.add.f32.msk vm5, v6;
	v9 =	vadd.s32 $0x10000, v19  }
0x50d: {  	[tilespmem:v22+s14+$0x0] =	vst.idx.add.s32.msk vm6, v9  }
0x50e: {  	[tilespmem:v8+s13+$0x0] =	vst.idx.add.f32.msk vm2, v14  }
0x50f: {  	[tilespmem:v7+s13+$0x0] =	vst.idx.add.f32.msk vm1, v3  }
0x510: {  	[tilespmem:v8+s14+$0x0] =	vst.idx.add.s32.msk vm2, v4  }
0x511: {  	v3 =	vadd.s32 $0x10000, v18;
	[tilespmem:v7+s14+$0x0] =	vst.idx.add.s32.msk vm1, v11  }
0x512: {  	v4 =	vadd.s32 $0x10000, v13;
	[tilespmem:v12+s14+$0x0] =	vst.idx.add.s32.msk vm0, v3  }
0x513: {  	v3 =	vadd.s32 $0x10000, v16;
	[tilespmem:v10+s14+$0x0] =	vst.idx.add.s32.msk vm5, v4  }
0x514: {  	[tilespmem:v24+s14+$0x0] =	vst.idx.add.s32.msk vm4, v3  }
0x515: {  	_ =	swait.ge [sflag:s16], $0x4000  }
0x516: {  	[sflag:s16] =	ssyncset.done $0x0  }
0x517: {  	[sflag:s16] =	ssyncadd.s32 $0xFFFFC000  }
0x518: {  	_ =	swait.ge [sflag:s16], $0x4000  }
0x519: {  	[sflag:s16] =	ssyncset.done $0x0  }
0x51a: {  	s21 =	simm.s32 $0x8040;
	[sflag:s16] =	ssyncadd.s32 $0xFFFFC000  }
0x51b: {  	s19 =	simm.s32 $0x14040;
	v8 =	vld [tilespmem:s21+$0xFFFFFFE0]  }
0x51c: {  	v4 =	vld [tilespmem:s19+$0xFFFFFFC0]  }
0x51d: {  	v5 =	vld [tilespmem:s21+$0x0]  }
0x51e: {  	v14 =	vld [tilespmem:s21+$0x10]  }
0x51f: {  	v3 =	vld [tilespmem:s21+$0x20]  }
0x520: {  	v9 =	vld [tilespmem:s21+$0x30];
	_ =	sdelay $0x1  }
0x521: {  	v7 =	vld [tilespmem:s21+$0xFFFFFFF0];
	v6 =	vmul.f32 $9.999999040e+00, v8  }
0x522: {  	v4 =	vadd.s32 $0x10000, v4;
	vm0 =	veq.f32 v8, $9.000000350e-01;
	v11 =	vmul.f32 $9.999999040e+00, v5  }
0x523: {  	vm3 =	veq.f32 v5, $9.000000350e-01;
	v12 =	vmul.f32 $9.999999040e+00, v14;
	vm2 =	vgt.f32 v14, $0.0e+00  }
0x524: {  	vm1 =	veq.f32 v3, $9.000000350e-01;
	v16 =	vmul.f32 $9.999999040e+00, v3;
	v18 =	vmul.f32 $9.999999040e+00, v9  }
0x525: {  	vm4 =	veq.f32 v9, $9.000000350e-01;
	v13 =	vsel vm0, $0x1, v1;
	vm0 =	veq.f32 v14, $9.000000350e-01  }
0x526: {  	v21 =	vsel vm1, $0x1, v1;
	vm1 =	veq.f32 v7, $9.000000350e-01;
	v10 =	vtrunc.f32 v6;
	v6 =	vld [tilespmem:s21+$0xFFFFFFD0]  }
0x527: {  	v20 =	vsel vm4, $0x1, v1;
	v15 =	vtrunc.f32 v12;
	v10 =	vcvt.f32.s32 v10  }
0x528: {  	v17 =	vsel vm0, $0x1, v1;
	v16 =	vtrunc.f32 v16;
	v24 =	vtrunc.f32 v11  }
0x529: {  	v25 =	vcvt.f32.s32 v16;
	v12 =	vadd.s32 v13, v10;
	v10 =	vmul.f32 $9.999999040e+00, v7  }
0x52a: {  	v22 =	vld [tilespmem:s19+$0x20];
	v19 =	vsel vm1, $0x1, v1;
	v13 =	vcvt.f32.s32 v15;
	v15 =	vtrunc.f32 v18  }
0x52b: {  	vm1 =	vgt.f32 v3, $0.0e+00;
	v15 =	vcvt.f32.s32 v15;
	v23 =	vmul.f32 $9.999999040e+00, v6  }
0x52c: {  	vm0 =	veq.f32 v6, $9.000000350e-01;
	v10 =	vtrunc.f32 v10;
	v13 =	vadd.s32 v17, v13  }
0x52d: {  	v26 =	vld [tilespmem:s19+$0x30];
	v13 =	vshll.u32 v13, $0x7;
	v15 =	vadd.s32 v20, v15;
	v16 =	vtrunc.f32 v23  }
0x52e: {  	v17 =	vld [tilespmem:s19+$0x10];
	v10 =	vcvt.f32.s32 v10;
	v20 =	vor.u32 v2, v13;
	v16 =	vcvt.f32.s32 v16  }
0x52f: {  	v11 =	vadd.s32 $0x10000, v22;
	v22 =	vcvt.f32.s32 v24;
	v18 =	vsel vm0, $0x1, v1;
	v13 =	vld [tilespmem:s19+$0xFFFFFFD0]  }
0x530: {  	v21 =	vadd.s32 v21, v25;
	v24 =	vadd.s32 v19, v10;
	v19 =	vld [tilespmem:s19+$0x0];
	v18 =	vadd.s32 v18, v16  }
0x531: {  	vm0 =	vgt.f32 v8, $0.0e+00;
	v23 =	vsel vm3, $0x1, v1;
	v16 =	vld [tilespmem:s19+$0xFFFFFFF0];
	v18 =	vshll.u32 v18, $0x7  }
0x532: {  	vm3 =	vgt.f32 v9, $0.0e+00;
	v27 =	vshll.u32 v15, $0x7;
	v10 =	vor.u32 v2, v18;
	v18 =	vld [tilespmem:s19+$0xFFFFFFE0]  }
0x533: {  	v22 =	vadd.s32 v23, v22;
	v23 =	vadd.s32 $0x10000, v17;
	v17 =	vor.u32 v2, v27;
	[tilespmem:v20+s13+$0x0] =	vst.idx.add.f32.msk vm2, v14  }
0x534: {  	s20 =	simm.s32 $0x0;
	v15 =	vadd.s32 $0x10000, v26;
	v24 =	vshll.u32 v24, $0x7;
	v22 =	vshll.u32 v22, $0x7;
	v14 =	vld [tilespmem:s21+$0xFFFFFFC0];
	s21 =	simm.s32 $0x80C0  }
.LBB2_30:
0x535: {  	v25 =	vld [tilespmem:s21+$0xFFFFFFF0];
	s20 =	sadd.s32 $0x8, s20;
	s19 =	sadd.s32 $0x80, s19  }
0x536: {  	v12 =	vshll.u32 v12, $0x7;
	v26 =	vld [tilespmem:s19+$0x20];
	p0 =	slt.u32 s20, $0x3F8  }
0x537: {  	v24 =	vor.u32 v2, v24;
	v27 =	vor.u32 v2, v12;
	[tilespmem:v20+s14+$0x0] =	vst.idx.add.s32.msk vm2, v23  }
0x538: {  	[tilespmem:v17+s13+$0x0] =	vst.idx.add.f32.msk vm3, v9  }
0x539: {  	v12 =	vld [tilespmem:s19+$0xFFFFFFC0];
	v9 =	vmul.f32 $9.999999040e+00, v14;
	vm6 =	veq.f32 v14, $9.000000350e-01  }
0x53a: {  	v20 =	vld [tilespmem:s21+$0xFFFFFFD0]  }
0x53b: {  	vm4 =	vgt.f32 v7, $0.0e+00;
	v23 =	vld [tilespmem:s21+$0xFFFFFFE0];
	v9 =	vtrunc.f32 v9  }
0x53c: {  	vm5 =	vgt.f32 v6, $0.0e+00;
	vm2 =	vgt.f32 v5, $0.0e+00;
	v9 =	vcvt.f32.s32 v9;
	[tilespmem:v27+s13+$0x0] =	vst.idx.add.f32.msk vm0, v8  }
0x53d: {  	v16 =	vadd.s32 $0x10000, v16;
	v22 =	vor.u32 v2, v22;
	v8 =	vsel vm6, $0x1, v1;
	v28 =	vld [tilespmem:s21+$0x0]  }
0x53e: {  	v13 =	vadd.s32 $0x10000, v13;
	vm7 =	vgt.f32 v14, $0.0e+00;
	v29 =	vld [tilespmem:s21+$0x10];
	v34 =	vadd.s32 v8, v9  }
0x53f: {  	v19 =	vadd.s32 $0x10000, v19;
	v18 =	vadd.s32 $0x10000, v18;
	v30 =	vld [tilespmem:s21+$0x20];
	v33 =	vshll.u32 v34, $0x7  }
0x540: {  	v21 =	vshll.u32 v21, $0x7;
	v31 =	vmul.f32 $9.999999040e+00, v23;
	v9 =	vld [tilespmem:s21+$0x30];
	v32 =	vor.u32 v2, v33;
	v8 =	vmovc v23  }
0x541: {  	v21 =	vor.u32 v2, v21;
	v23 =	vadd.s32 $0x10000, v12;
	vm8 =	veq.f32 v8, $9.000000350e-01;
	[tilespmem:v24+s13+$0x0] =	vst.idx.add.f32.msk vm4, v7;
	v7 =	vmovc v25  }
0x542: {  	v12 =	vtrunc.f32 v31;
	v25 =	vmul.f32 $9.999999040e+00, v28;
	vm6 =	veq.f32 v28, $9.000000350e-01;
	[tilespmem:v22+s13+$0x0] =	vst.idx.add.f32.msk vm2, v5;
	v5 =	vmovc v28  }
0x543: {  	v28 =	vsel vm8, $0x1, v1;
	v31 =	vmul.f32 $9.999999040e+00, v29;
	vm8 =	veq.f32 v29, $9.000000350e-01;
	[tilespmem:v22+s14+$0x0] =	vst.idx.add.s32.msk vm2, v19  }
0x544: {  	v12 =	vcvt.f32.s32 v12;
	vm2 =	vgt.f32 v29, $0.0e+00;
	vm9 =	veq.f32 v30, $9.000000350e-01;
	[tilespmem:v17+s14+$0x0] =	vst.idx.add.s32.msk vm3, v15  }
0x545: {  	v17 =	vmul.f32 $9.999999040e+00, v30;
	v15 =	vtrunc.f32 v31;
	v31 =	vsel vm9, $0x1, v1;
	[tilespmem:v32+s13+$0x0] =	vst.idx.add.f32.msk vm7, v14  }
0x546: {  	vm3 =	veq.f32 v7, $9.000000350e-01;
	v14 =	vsel vm8, $0x1, v1;
	v19 =	vmul.f32 $9.999999040e+00, v9;
	[tilespmem:v21+s13+$0x0] =	vst.idx.add.f32.msk vm1, v3;
	v3 =	vmovc v30  }
0x547: {  	v22 =	vmul.f32 $9.999999040e+00, v7;
	v12 =	vadd.s32 v28, v12;
	v28 =	vsel vm3, $0x1, v1;
	[tilespmem:v21+s14+$0x0] =	vst.idx.add.s32.msk vm1, v11  }
0x548: {  	vm1 =	veq.f32 v20, $9.000000350e-01;
	v11 =	vcvt.f32.s32 v15;
	v15 =	vtrunc.f32 v19;
	[tilespmem:v10+s13+$0x0] =	vst.idx.add.f32.msk vm5, v6;
	v6 =	vmovc v20  }
0x549: {  	vm3 =	veq.f32 v9, $9.000000350e-01;
	v17 =	vtrunc.f32 v17;
	v19 =	vsel vm1, $0x1, v1;
	[tilespmem:v32+s14+$0x0] =	vst.idx.add.s32.msk vm7, v4;
	v4 =	vmovc v23  }
0x54a: {  	vm1 =	vgt.f32 v3, $0.0e+00;
	v20 =	vsel vm3, $0x1, v1;
	[tilespmem:v27+s14+$0x0] =	vst.idx.add.s32.msk vm0, v18;
	vm0 =	vgt.f32 v8, $0.0e+00  }
0x54b: {  	v15 =	vcvt.f32.s32 v15;
	v18 =	vmul.f32 $9.999999040e+00, v6;
	[tilespmem:v10+s14+$0x0] =	vst.idx.add.s32.msk vm5, v13  }
0x54c: {  	v21 =	vcvt.f32.s32 v17;
	v11 =	vadd.s32 v14, v11;
	v10 =	vtrunc.f32 v22;
	[tilespmem:v24+s14+$0x0] =	vst.idx.add.s32.msk vm4, v16  }
0x54d: {  	v11 =	vshll.u32 v11, $0x7;
	v15 =	vadd.s32 v20, v15;
	v13 =	vtrunc.f32 v18;
	v14 =	vld [tilespmem:s19+$0x10]  }
0x54e: {  	v17 =	vsel vm6, $0x1, v1;
	v20 =	vor.u32 v2, v11;
	v16 =	vcvt.f32.s32 v13;
	v22 =	vld [tilespmem:s19+$0x30]  }
0x54f: {  	v11 =	vadd.s32 $0x10000, v26;
	v10 =	vcvt.f32.s32 v10;
	v18 =	vtrunc.f32 v25;
	v13 =	vld [tilespmem:s19+$0xFFFFFFD0]  }
.Ltmp14:
0x550: {  	vm3 =	vgt.f32 v9, $0.0e+00;
	v23 =	vcvt.f32.s32 v18;
	v19 =	vadd.s32 v19, v16;
	v16 =	vld [tilespmem:s19+$0xFFFFFFF0];
	(pc) =	sbr.rel @p0 .LBB2_30-.Ltmp14, $4  }
0x551: {  	v25 =	vshll.u32 v15, $0x7;
	v24 =	vadd.s32 v28, v10;
	v18 =	vshll.u32 v19, $0x7;
	v19 =	vld [tilespmem:s19+$0x0]  }
0x552: {  	v26 =	vadd.s32 v17, v23;
	v10 =	vor.u32 v2, v18;
	v18 =	vld [tilespmem:s19+$0xFFFFFFE0];
	v23 =	vadd.s32 $0x10000, v14  }
0x553: {  	v24 =	vshll.u32 v24, $0x7;
	v17 =	vor.u32 v2, v25;
	[tilespmem:v20+s13+$0x0] =	vst.idx.add.f32.msk vm2, v29;
	v15 =	vadd.s32 $0x10000, v22  }
0x554: {  	v21 =	vadd.s32 v31, v21;
	v22 =	vshll.u32 v26, $0x7;
	v14 =	vld [tilespmem:s21+$0xFFFFFFC0];
	s21 =	sadd.s32 $0x80, s21  }
0x555: {  	_ =	sdelay $0x3  }
0x556: {  	v25 =	vmul.f32 $9.999999040e+00, v14  }
0x557: {  	v12 =	vshll.u32 v12, $0x7;
	v24 =	vor.u32 v2, v24  }
0x558: {  	vm4 =	vgt.f32 v7, $0.0e+00;
	v12 =	vor.u32 v2, v12;
	v25 =	vtrunc.f32 v25  }
0x559: {  	vm6 =	vgt.f32 v5, $0.0e+00;
	vm5 =	veq.f32 v14, $9.000000350e-01;
	v25 =	vcvt.f32.s32 v25  }
0x55a: {  	v22 =	vor.u32 v2, v22;
	[tilespmem:v20+s14+$0x0] =	vst.idx.add.s32.msk vm2, v23;
	v26 =	vsel vm5, $0x1, v1;
	vm5 =	vgt.f32 v6, $0.0e+00  }
0x55b: {  	[tilespmem:v17+s13+$0x0] =	vst.idx.add.f32.msk vm3, v9;
	v20 =	vadd.s32 v26, v25  }
0x55c: {  	[tilespmem:v17+s14+$0x0] =	vst.idx.add.s32.msk vm3, v15;
	vm2 =	vgt.f32 v14, $0.0e+00;
	v9 =	vshll.u32 v20, $0x7  }
0x55d: {  	[tilespmem:v12+s13+$0x0] =	vst.idx.add.f32.msk vm0, v8;
	v8 =	vor.u32 v2, v9;
	v9 =	vshll.u32 v21, $0x7  }
0x55e: {  	[tilespmem:v24+s13+$0x0] =	vst.idx.add.f32.msk vm4, v7;
	v7 =	vor.u32 v2, v9  }
0x55f: {  	[tilespmem:v22+s13+$0x0] =	vst.idx.add.f32.msk vm6, v5  }
0x560: {  	[tilespmem:v10+s13+$0x0] =	vst.idx.add.f32.msk vm5, v6;
	v9 =	vadd.s32 $0x10000, v19  }
0x561: {  	[tilespmem:v22+s14+$0x0] =	vst.idx.add.s32.msk vm6, v9  }
0x562: {  	[tilespmem:v8+s13+$0x0] =	vst.idx.add.f32.msk vm2, v14  }
0x563: {  	[tilespmem:v7+s13+$0x0] =	vst.idx.add.f32.msk vm1, v3  }
0x564: {  	[tilespmem:v8+s14+$0x0] =	vst.idx.add.s32.msk vm2, v4  }
0x565: {  	v3 =	vadd.s32 $0x10000, v18;
	[tilespmem:v7+s14+$0x0] =	vst.idx.add.s32.msk vm1, v11  }
0x566: {  	v4 =	vadd.s32 $0x10000, v13;
	[tilespmem:v12+s14+$0x0] =	vst.idx.add.s32.msk vm0, v3  }
0x567: {  	v3 =	vadd.s32 $0x10000, v16;
	[tilespmem:v10+s14+$0x0] =	vst.idx.add.s32.msk vm5, v4  }
0x568: {  	[tilespmem:v24+s14+$0x0] =	vst.idx.add.s32.msk vm4, v3  }
0x569: {  	_ =	swait.ge [sflag:s12], $0x4000  }
0x56a: {  	[sflag:s12] =	ssyncset.done $0x0  }
0x56b: {  	[sflag:s12] =	ssyncadd.s32 $0xFFFFC000  }
0x56c: {  	_ =	swait.ge [sflag:s12], $0x4000  }
0x56d: {  	[sflag:s12] =	ssyncset.done $0x0  }
0x56e: {  	s21 =	simm.s32 $0x40;
	[sflag:s12] =	ssyncadd.s32 $0xFFFFC000  }
0x56f: {  	s19 =	simm.s32 $0xC040;
	v8 =	vld [tilespmem:s21+$0xFFFFFFE0]  }
0x570: {  	v4 =	vld [tilespmem:s19+$0xFFFFFFC0]  }
0x571: {  	v5 =	vld [tilespmem:s21+$0x0]  }
0x572: {  	v14 =	vld [tilespmem:s21+$0x10]  }
0x573: {  	v3 =	vld [tilespmem:s21+$0x20]  }
0x574: {  	v9 =	vld [tilespmem:s21+$0x30];
	_ =	sdelay $0x1  }
0x575: {  	v7 =	vld [tilespmem:s21+$0xFFFFFFF0];
	v6 =	vmul.f32 $9.999999040e+00, v8  }
0x576: {  	v4 =	vadd.s32 $0x10000, v4;
	vm0 =	veq.f32 v8, $9.000000350e-01;
	v11 =	vmul.f32 $9.999999040e+00, v5  }
0x577: {  	vm3 =	veq.f32 v5, $9.000000350e-01;
	v12 =	vmul.f32 $9.999999040e+00, v14;
	vm2 =	vgt.f32 v14, $0.0e+00  }
0x578: {  	vm1 =	veq.f32 v3, $9.000000350e-01;
	v16 =	vmul.f32 $9.999999040e+00, v3;
	v18 =	vmul.f32 $9.999999040e+00, v9  }
0x579: {  	vm4 =	veq.f32 v9, $9.000000350e-01;
	v13 =	vsel vm0, $0x1, v1;
	vm0 =	veq.f32 v14, $9.000000350e-01  }
0x57a: {  	v21 =	vsel vm1, $0x1, v1;
	vm1 =	veq.f32 v7, $9.000000350e-01;
	v10 =	vtrunc.f32 v6;
	v6 =	vld [tilespmem:s21+$0xFFFFFFD0]  }
0x57b: {  	v20 =	vsel vm4, $0x1, v1;
	v15 =	vtrunc.f32 v12;
	v10 =	vcvt.f32.s32 v10  }
0x57c: {  	v17 =	vsel vm0, $0x1, v1;
	v16 =	vtrunc.f32 v16;
	v24 =	vtrunc.f32 v11  }
0x57d: {  	v25 =	vcvt.f32.s32 v16;
	v12 =	vadd.s32 v13, v10;
	v10 =	vmul.f32 $9.999999040e+00, v7  }
0x57e: {  	v22 =	vld [tilespmem:s19+$0x20];
	v19 =	vsel vm1, $0x1, v1;
	v13 =	vcvt.f32.s32 v15;
	v15 =	vtrunc.f32 v18  }
0x57f: {  	vm1 =	vgt.f32 v3, $0.0e+00;
	v15 =	vcvt.f32.s32 v15;
	v23 =	vmul.f32 $9.999999040e+00, v6  }
0x580: {  	vm0 =	veq.f32 v6, $9.000000350e-01;
	v10 =	vtrunc.f32 v10;
	v13 =	vadd.s32 v17, v13  }
0x581: {  	v26 =	vld [tilespmem:s19+$0x30];
	v13 =	vshll.u32 v13, $0x7;
	v15 =	vadd.s32 v20, v15;
	v16 =	vtrunc.f32 v23  }
0x582: {  	v17 =	vld [tilespmem:s19+$0x10];
	v10 =	vcvt.f32.s32 v10;
	v20 =	vor.u32 v2, v13;
	v16 =	vcvt.f32.s32 v16  }
0x583: {  	v11 =	vadd.s32 $0x10000, v22;
	v22 =	vcvt.f32.s32 v24;
	v18 =	vsel vm0, $0x1, v1;
	v13 =	vld [tilespmem:s19+$0xFFFFFFD0]  }
0x584: {  	v21 =	vadd.s32 v21, v25;
	v24 =	vadd.s32 v19, v10;
	v19 =	vld [tilespmem:s19+$0x0];
	v18 =	vadd.s32 v18, v16  }
0x585: {  	vm0 =	vgt.f32 v8, $0.0e+00;
	v23 =	vsel vm3, $0x1, v1;
	v16 =	vld [tilespmem:s19+$0xFFFFFFF0];
	v18 =	vshll.u32 v18, $0x7  }
0x586: {  	vm3 =	vgt.f32 v9, $0.0e+00;
	v27 =	vshll.u32 v15, $0x7;
	v10 =	vor.u32 v2, v18;
	v18 =	vld [tilespmem:s19+$0xFFFFFFE0]  }
0x587: {  	v22 =	vadd.s32 v23, v22;
	v23 =	vadd.s32 $0x10000, v17;
	v17 =	vor.u32 v2, v27;
	[tilespmem:v20+s13+$0x0] =	vst.idx.add.f32.msk vm2, v14  }
0x588: {  	s20 =	simm.s32 $0x0;
	v15 =	vadd.s32 $0x10000, v26;
	v24 =	vshll.u32 v24, $0x7;
	v22 =	vshll.u32 v22, $0x7;
	v14 =	vld [tilespmem:s21+$0xFFFFFFC0];
	s21 =	simm.s32 $0xC0  }
.LBB2_32:
0x589: {  	v25 =	vld [tilespmem:s21+$0xFFFFFFF0];
	s20 =	sadd.s32 $0x8, s20;
	s19 =	sadd.s32 $0x80, s19  }
0x58a: {  	v12 =	vshll.u32 v12, $0x7;
	v26 =	vld [tilespmem:s19+$0x20];
	p0 =	slt.u32 s20, $0x3F8  }
0x58b: {  	v24 =	vor.u32 v2, v24;
	v27 =	vor.u32 v2, v12;
	[tilespmem:v20+s14+$0x0] =	vst.idx.add.s32.msk vm2, v23  }
0x58c: {  	[tilespmem:v17+s13+$0x0] =	vst.idx.add.f32.msk vm3, v9  }
0x58d: {  	v12 =	vld [tilespmem:s19+$0xFFFFFFC0];
	v9 =	vmul.f32 $9.999999040e+00, v14;
	vm6 =	veq.f32 v14, $9.000000350e-01  }
0x58e: {  	v20 =	vld [tilespmem:s21+$0xFFFFFFD0]  }
0x58f: {  	vm4 =	vgt.f32 v7, $0.0e+00;
	v23 =	vld [tilespmem:s21+$0xFFFFFFE0];
	v9 =	vtrunc.f32 v9  }
0x590: {  	vm5 =	vgt.f32 v6, $0.0e+00;
	vm2 =	vgt.f32 v5, $0.0e+00;
	v9 =	vcvt.f32.s32 v9;
	[tilespmem:v27+s13+$0x0] =	vst.idx.add.f32.msk vm0, v8  }
0x591: {  	v16 =	vadd.s32 $0x10000, v16;
	v22 =	vor.u32 v2, v22;
	v8 =	vsel vm6, $0x1, v1;
	v28 =	vld [tilespmem:s21+$0x0]  }
0x592: {  	v13 =	vadd.s32 $0x10000, v13;
	vm7 =	vgt.f32 v14, $0.0e+00;
	v29 =	vld [tilespmem:s21+$0x10];
	v34 =	vadd.s32 v8, v9  }
0x593: {  	v19 =	vadd.s32 $0x10000, v19;
	v18 =	vadd.s32 $0x10000, v18;
	v30 =	vld [tilespmem:s21+$0x20];
	v33 =	vshll.u32 v34, $0x7  }
0x594: {  	v21 =	vshll.u32 v21, $0x7;
	v31 =	vmul.f32 $9.999999040e+00, v23;
	v9 =	vld [tilespmem:s21+$0x30];
	v32 =	vor.u32 v2, v33;
	v8 =	vmovc v23  }
0x595: {  	v21 =	vor.u32 v2, v21;
	v23 =	vadd.s32 $0x10000, v12;
	vm8 =	veq.f32 v8, $9.000000350e-01;
	[tilespmem:v24+s13+$0x0] =	vst.idx.add.f32.msk vm4, v7;
	v7 =	vmovc v25  }
0x596: {  	v12 =	vtrunc.f32 v31;
	v25 =	vmul.f32 $9.999999040e+00, v28;
	vm6 =	veq.f32 v28, $9.000000350e-01;
	[tilespmem:v22+s13+$0x0] =	vst.idx.add.f32.msk vm2, v5;
	v5 =	vmovc v28  }
0x597: {  	v28 =	vsel vm8, $0x1, v1;
	v31 =	vmul.f32 $9.999999040e+00, v29;
	vm8 =	veq.f32 v29, $9.000000350e-01;
	[tilespmem:v22+s14+$0x0] =	vst.idx.add.s32.msk vm2, v19  }
0x598: {  	v12 =	vcvt.f32.s32 v12;
	vm2 =	vgt.f32 v29, $0.0e+00;
	vm9 =	veq.f32 v30, $9.000000350e-01;
	[tilespmem:v17+s14+$0x0] =	vst.idx.add.s32.msk vm3, v15  }
0x599: {  	v17 =	vmul.f32 $9.999999040e+00, v30;
	v15 =	vtrunc.f32 v31;
	v31 =	vsel vm9, $0x1, v1;
	[tilespmem:v32+s13+$0x0] =	vst.idx.add.f32.msk vm7, v14  }
0x59a: {  	vm3 =	veq.f32 v7, $9.000000350e-01;
	v14 =	vsel vm8, $0x1, v1;
	v19 =	vmul.f32 $9.999999040e+00, v9;
	[tilespmem:v21+s13+$0x0] =	vst.idx.add.f32.msk vm1, v3;
	v3 =	vmovc v30  }
0x59b: {  	v22 =	vmul.f32 $9.999999040e+00, v7;
	v12 =	vadd.s32 v28, v12;
	v28 =	vsel vm3, $0x1, v1;
	[tilespmem:v21+s14+$0x0] =	vst.idx.add.s32.msk vm1, v11  }
0x59c: {  	vm1 =	veq.f32 v20, $9.000000350e-01;
	v11 =	vcvt.f32.s32 v15;
	v15 =	vtrunc.f32 v19;
	[tilespmem:v10+s13+$0x0] =	vst.idx.add.f32.msk vm5, v6;
	v6 =	vmovc v20  }
0x59d: {  	vm3 =	veq.f32 v9, $9.000000350e-01;
	v17 =	vtrunc.f32 v17;
	v19 =	vsel vm1, $0x1, v1;
	[tilespmem:v32+s14+$0x0] =	vst.idx.add.s32.msk vm7, v4;
	v4 =	vmovc v23  }
0x59e: {  	vm1 =	vgt.f32 v3, $0.0e+00;
	v20 =	vsel vm3, $0x1, v1;
	[tilespmem:v27+s14+$0x0] =	vst.idx.add.s32.msk vm0, v18;
	vm0 =	vgt.f32 v8, $0.0e+00  }
0x59f: {  	v15 =	vcvt.f32.s32 v15;
	v18 =	vmul.f32 $9.999999040e+00, v6;
	[tilespmem:v10+s14+$0x0] =	vst.idx.add.s32.msk vm5, v13  }
0x5a0: {  	v21 =	vcvt.f32.s32 v17;
	v11 =	vadd.s32 v14, v11;
	v10 =	vtrunc.f32 v22;
	[tilespmem:v24+s14+$0x0] =	vst.idx.add.s32.msk vm4, v16  }
0x5a1: {  	v11 =	vshll.u32 v11, $0x7;
	v15 =	vadd.s32 v20, v15;
	v13 =	vtrunc.f32 v18;
	v14 =	vld [tilespmem:s19+$0x10]  }
0x5a2: {  	v17 =	vsel vm6, $0x1, v1;
	v20 =	vor.u32 v2, v11;
	v16 =	vcvt.f32.s32 v13;
	v22 =	vld [tilespmem:s19+$0x30]  }
0x5a3: {  	v11 =	vadd.s32 $0x10000, v26;
	v10 =	vcvt.f32.s32 v10;
	v18 =	vtrunc.f32 v25;
	v13 =	vld [tilespmem:s19+$0xFFFFFFD0]  }
.Ltmp15:
0x5a4: {  	vm3 =	vgt.f32 v9, $0.0e+00;
	v23 =	vcvt.f32.s32 v18;
	v19 =	vadd.s32 v19, v16;
	v16 =	vld [tilespmem:s19+$0xFFFFFFF0];
	(pc) =	sbr.rel @p0 .LBB2_32-.Ltmp15, $4  }
0x5a5: {  	v25 =	vshll.u32 v15, $0x7;
	v24 =	vadd.s32 v28, v10;
	v18 =	vshll.u32 v19, $0x7;
	v19 =	vld [tilespmem:s19+$0x0]  }
0x5a6: {  	v26 =	vadd.s32 v17, v23;
	v10 =	vor.u32 v2, v18;
	v18 =	vld [tilespmem:s19+$0xFFFFFFE0];
	v23 =	vadd.s32 $0x10000, v14  }
0x5a7: {  	v24 =	vshll.u32 v24, $0x7;
	v17 =	vor.u32 v2, v25;
	[tilespmem:v20+s13+$0x0] =	vst.idx.add.f32.msk vm2, v29;
	v15 =	vadd.s32 $0x10000, v22  }
0x5a8: {  	v21 =	vadd.s32 v31, v21;
	v22 =	vshll.u32 v26, $0x7;
	v14 =	vld [tilespmem:s21+$0xFFFFFFC0];
	s21 =	sadd.s32 $0x80, s21  }
0x5a9: {  	_ =	sdelay $0x1  }
0x5aa: {  	v12 =	vshll.u32 v12, $0x7  }
0x5ab: {  	vm4 =	vgt.f32 v7, $0.0e+00;
	v12 =	vor.u32 v2, v12  }
0x5ac: {  	v24 =	vor.u32 v2, v24;
	vm6 =	vgt.f32 v5, $0.0e+00  }
0x5ad: {  	v22 =	vor.u32 v2, v22;
	[tilespmem:v20+s14+$0x0] =	vst.idx.add.s32.msk vm2, v23;
	v60 =	vshll.u32 v21, $0x7  }
0x5ae: {  	[tilespmem:v17+s13+$0x0] =	vst.idx.add.f32.msk vm3, v9;
	vm15 =	vgt.f32 v6, $0.0e+00;
	v61 =	vor.u32 v2, v60;
	v25 =	vmul.f32 $9.999999040e+00, v14  }
0x5af: {  	[tilespmem:v17+s14+$0x0] =	vst.idx.add.s32.msk vm3, v15  }
0x5b0: {  	v25 =	vtrunc.f32 v25;
	[tilespmem:v12+s13+$0x0] =	vst.idx.add.f32.msk vm0, v8  }
0x5b1: {  	vm5 =	veq.f32 v14, $9.000000350e-01;
	[tilespmem:v24+s13+$0x0] =	vst.idx.add.f32.msk vm4, v7;
	v25 =	vcvt.f32.s32 v25  }
0x5b2: {  	v26 =	vsel vm5, $0x1, v1;
	[tilespmem:v22+s13+$0x0] =	vst.idx.add.f32.msk vm6, v5  }
0x5b3: {  	[tilespmem:v61+s13+$0x0] =	vst.idx.add.f32.msk vm1, v3;
	v57 =	vadd.s32 v26, v25  }
0x5b4: {  	v62 =	vadd.s32 $0x10000, v19;
	vm14 =	vgt.f32 v14, $0.0e+00;
	[tilespmem:v10+s13+$0x0] =	vst.idx.add.f32.msk vm15, v6;
	v58 =	vshll.u32 v57, $0x7  }
0x5b5: {  	[tilespmem:v22+s14+$0x0] =	vst.idx.add.s32.msk vm6, v62;
	v59 =	vor.u32 v2, v58  }
0x5b6: {  	v3 =	vadd.s32 $0x10000, v18;
	[tilespmem:v61+s14+$0x0] =	vst.idx.add.s32.msk vm1, v11  }
0x5b7: {  	v63 =	vadd.s32 $0x10000, v13;
	[tilespmem:v12+s14+$0x0] =	vst.idx.add.s32.msk vm0, v3  }
0x5b8: {  	v3 =	vadd.s32 $0x10000, v16;
	[tilespmem:v10+s14+$0x0] =	vst.idx.add.s32.msk vm15, v63  }
0x5b9: {  	[tilespmem:v24+s14+$0x0] =	vst.idx.add.s32.msk vm4, v3  }
0x5ba: {  	[tilespmem:v59+s13+$0x0] =	vst.idx.add.f32.msk vm14, v14  }
0x5bb: {  	[tilespmem:v59+s14+$0x0] =	vst.idx.add.s32.msk vm14, v4  }
0x5bc: {  	[hbm4b:s4+s1] =	stream.linear.scatter [tilespmem:s13], [sflag:$0x4], $0x800, $0x38;
	[tilespmem:$0x19000] =	vst v63  }
0x5bd: {  	s18 =	sadd.s32 $0x1, s18;
	_ =	swait.ge [sflag:s17], $0x800  }
0x5be: {  	p0 =	sne.s32 s18, s6;
	[sflag:s17] =	ssyncset.done $0x0  }
.Ltmp16:
0x5bf: {  	[sflag:s17] =	ssyncadd.s32 $0xFFFFF800;
	(pc) =	sbr.rel @p0 .LBB2_1-.Ltmp16, $4  }
0x5c0: {  	[hbm4b:s5+s1] =	stream.linear.scatter [tilespmem:s14], [sflag:$0x4], $0x800, $0x38;
	[tilespmem:$0x19000] =	vst v63  }
0x5c1: {  	_ =	swait.ge [sflag:s17], $0x800  }
0x5c2: {  	[sflag:s17] =	ssyncset.done $0x0  }
0x5c3: {  	[sflag:s17] =	ssyncadd.s32 $0xFFFFF800  }
0x5c4: {  	_ =	sfence.sel $0x180000  }
0x5c5: {  	[bflag:$0x0] =	sbarrier.arrive $0xFFFF  }
0x5c6: {  	_ =	strace $0x90000047  }
0x5c7: {  	s0 =	stileid.u32;
	[bflag:$0x2] =	sbarrier.arrive $0xFFFF  }
0x5c8: {  	p0 =	sne.s32 s0, $0x0;
	s0 =	rddreg [dreg:$0x3]  }
0x5c9: {  	s0 =	sadd.s32 @!p0 $0x100000, s0  }
0x5ca: {  	[sflag:s0] =	ssyncadd.tile.s32 @!p0 $0x1;
	_ =	shalt  }
.Lfunc_end2:
_tile_overlayer_lowered:
.L_overlay_start_2:
0x5cb: {  	(tag) =	ssettag $0x2  }
0x5cc: {  	s0 =	rddreg [dreg:$0x0];
	s2 =	stileid.u32  }
0x5cd: {  	s1 =	rddreg [dreg:$0x1];
	p0 =	sne.s32 s2, $0x0  }
0x5ce: {  	s3 =	rddreg [dreg:$0x2];
	[bflag:$0x3] =	sbarrier.arrive $0xFFFF;
	s2 =	simm.s32 @!p0 $0x1C04  }
0x5cf: {  	[timem:s3], [sflag:s2] =	dma.local @!p0 [hbm:s0], s1  }
0x5d0: {  	s0 =	simm.s32 @!p0 $0x4  }
0x5d1: {  	_ =	swait.ge @!p0 [sflag:s0], s1  }
0x5d2: {  	s1 =	ssub.s32 @!p0 $0x0, s1;
	[sflag:s0] =	ssyncset.done @!p0 $0x0  }
0x5d3: {  	[sflag:s0] =	ssyncadd.s32 @!p0 s1  }
0x5d4: {  	[bflag:$0x3] =	sbarrier.arrive $0xFFFF  }
0x5d5: {  	_ =	shalt  }

</sc_bundles>
